<compile_context>
chip_gen: v7x
topology: tpu7x:2x2x1
jax: 0.10.2.dev20260603
libtpu: 0.0.44.dev20260713+nightly
codegen_flags: <defaults>
</compile_context>

<pallas_src>
import jax
import jax.numpy as jnp
import numpy as np
from jax import lax
from jax.experimental import pallas as pl
from jax.experimental.pallas import tpu as pltpu
from jax.experimental.pallas import tpu_sc as plsc

N = 100000
D = 128
SEG = 1000
SPAD = 1024
NC = 2
NS = 16
NW = NC * NS
RPW = N // NW
BLK = 125
NBLK = RPW // BLK
TPR = SPAD // NS
NBUF = 5
NPRE = 2


def _sc_body(x_hbm, idx_hbm, z2_hbm, z1_hbm, ones_hbm, psums_hbm, pcnts_hbm,
             xb, idxv, onesv, acc, cacc, sems, semx, semc):
    c = lax.axis_index("c")
    s = lax.axis_index("s")
    wid = c * NS + s

    pltpu.sync_copy(z2_hbm.at[pl.ds(s * TPR, TPR)], acc.at[pl.ds(s * TPR, TPR)])
    pltpu.sync_copy(z1_hbm.at[pl.ds(s * TPR, TPR)], cacc.at[pl.ds(s * TPR, TPR)])
    pltpu.sync_copy(idx_hbm.at[pl.ds(wid * NBLK, NBLK)], idxv)
    pltpu.sync_copy(ones_hbm, onesv)
    plsc.subcore_barrier()

    loads = [None] * NBUF
    scats = [None] * NBUF
    dcs = []
    for j in range(NPRE):
        loads[j] = pltpu.async_copy(
            x_hbm.at[pl.ds(wid * RPW + j * BLK, BLK)], xb.at[j], sems[j])
    for j in range(NBLK):
        b = j % NBUF
        loads[b].wait()
        dcs.append(pltpu.async_copy(
            onesv.at[pl.ds(0, BLK)], cacc.at[idxv.at[j]], semc[0], add=True))
        scats[b] = pltpu.async_copy(xb.at[b], acc.at[idxv.at[j]], semx[b],
                                    add=True)
        nj = j + NPRE
        if nj < NBLK:
            bn = nj % NBUF
            if scats[bn] is not None:
                scats[bn].wait()
            loads[bn] = pltpu.async_copy(
                x_hbm.at[pl.ds(wid * RPW + nj * BLK, BLK)], xb.at[bn], sems[bn])

    for d in scats + dcs:
        if d is not None:
            d.wait()
    plsc.subcore_barrier()
    pltpu.sync_copy(acc.at[pl.ds(s * TPR, TPR)], psums_hbm.at[c, pl.ds(s * TPR, TPR)])
    pltpu.sync_copy(cacc.at[pl.ds(s * TPR, TPR)], pcnts_hbm.at[c, pl.ds(s * TPR, TPR)])


_sc_pool = pl.kernel(
    _sc_body,
    out_type=(jax.ShapeDtypeStruct((NC, SPAD, D), jnp.float32),
              jax.ShapeDtypeStruct((NC, SPAD), jnp.float32)),
    mesh=plsc.VectorSubcoreMesh(core_axis_name="c", subcore_axis_name="s"),
    compiler_params=pltpu.CompilerParams(use_tc_tiling_on_sc=False),
    scratch_types=[
        pltpu.VMEM((NBUF, BLK, D), jnp.float32),
        pltpu.VMEM((NBLK, BLK), jnp.int32),
        pltpu.VMEM((D,), jnp.float32),
        pltpu.VMEM_SHARED((SPAD, D), jnp.float32),
        pltpu.VMEM_SHARED((SPAD,), jnp.float32),
        [pltpu.SemaphoreType.DMA] * NBUF,
        [pltpu.SemaphoreType.DMA] * NBUF,
        [pltpu.SemaphoreType.DMA] * 1,
    ],
)


def _fin_body(scale_ref, ps_ref, pc_ref, o_ref):
    sums = ps_ref[0] + ps_ref[1]
    cnt = pc_ref[0] + pc_ref[1]
    cnt = jnp.maximum(cnt, 1.0).reshape(SPAD, 1)
    o_ref[...] = sums[:SEG] * (scale_ref[0, 0] / cnt[:SEG])


_Z2 = np.zeros((SPAD, D), np.float32)
_Z1 = np.zeros((SPAD,), np.float32)
_ONES = np.ones((D,), np.float32)


def kernel(x, batch_idx, num_graphs):
    idx2d = batch_idx.reshape(N // BLK, BLK)
    psums, pcnts = _sc_pool(x, idx2d, _Z2, _Z1, _ONES)
    scale = (jnp.asarray(num_graphs, jnp.float32) / jnp.float32(SEG)).reshape(1, 1)
    return pl.pallas_call(
        _fin_body,
        out_shape=jax.ShapeDtypeStruct((SEG, D), jnp.float32),
        in_specs=[
            pl.BlockSpec(memory_space=pltpu.SMEM),
            pl.BlockSpec(memory_space=pltpu.VMEM),
            pl.BlockSpec(memory_space=pltpu.VMEM),
        ],
        out_specs=pl.BlockSpec(memory_space=pltpu.VMEM),
    )(scale, psums, pcnts)

# --- scband reference (transcript-rebuilt; emitter-appended) ---
"""Pipeline reference for scband-global-pool-45552423142048 (READ-ONLY COPY).

The authoritative reference and input builder live on the scoring server;
editing this copy changes nothing except your own understanding.
"""

import jax, jax.numpy as jnp
import numpy as np

N = 100000
D = 128
NUM_GRAPHS = 1000

def setup_inputs(seed: int = 0) -> dict:
    key = jax.random.key(seed)
    k1, k2 = jax.random.split(key)
    x = jax.random.normal(k1, (N, D), dtype=jnp.float32)
    batch_idx = jnp.sort(jax.random.randint(k2, (N,), 0, NUM_GRAPHS, dtype=jnp.int32))
    return {"x": x, "batch_idx": batch_idx, "num_graphs": NUM_GRAPHS}

def reference(x, batch_idx, num_graphs):
    # global_mean_pool: segment sum of node features divided by per-graph node counts
    num_segments = NUM_GRAPHS
    scale = jnp.asarray(num_graphs, dtype=x.dtype) / num_segments
    sums = jax.ops.segment_sum(x, batch_idx, num_segments=num_segments) * scale
    counts = jax.ops.segment_sum(jnp.ones((x.shape[0],), dtype=x.dtype), batch_idx, num_segments=num_segments)
    counts = jnp.clip(counts, 1.0, None)
    return sums / counts[:, None]

if __name__ == "__main__":
    import jax
    _d = setup_inputs()
    print(jax.jit(kernel)(*tuple(_d.values())))

</pallas_src>

<mosaic_0001>
#map = affine_map<(d0, d1) -> (0, 0)>
#map1 = affine_map<(d0, d1) -> (0)>
#map2 = affine_map<(d0, d1) -> (0, 0, 0)>
module attributes {stable_mosaic.version = 14 : i64} {
  func.func @_sc_body(%arg0: i32, %arg1: i32, %arg2: memref<100000x128xf32, #tpu.memory_space<hbm>>, %arg3: memref<800x125xi32, #tpu.memory_space<hbm>>, %arg4: memref<1024x128xf32, #tpu.memory_space<hbm>>, %arg5: memref<1024xf32, #tpu.memory_space<hbm>>, %arg6: memref<128xf32, #tpu.memory_space<hbm>>, %arg7: memref<2x1024x128xf32, #tpu.memory_space<hbm>>, %arg8: memref<2x1024xf32, #tpu.memory_space<hbm>>, %arg9: memref<5x125x128xf32, #tpu.memory_space<vmem>>, %arg10: memref<25x125xi32, #tpu.memory_space<vmem>>, %arg11: memref<128xf32, #tpu.memory_space<vmem>>, %arg12: memref<1024x128xf32, #tpu.memory_space<vmem_shared>>, %arg13: memref<1024xf32, #tpu.memory_space<vmem_shared>>, %arg14: memref<!tpu.dma_semaphore, #tpu.memory_space<semaphore_mem>>, %arg15: memref<!tpu.dma_semaphore, #tpu.memory_space<semaphore_mem>>, %arg16: memref<!tpu.dma_semaphore, #tpu.memory_space<semaphore_mem>>, %arg17: memref<!tpu.dma_semaphore, #tpu.memory_space<semaphore_mem>>, %arg18: memref<!tpu.dma_semaphore, #tpu.memory_space<semaphore_mem>>, %arg19: memref<!tpu.dma_semaphore, #tpu.memory_space<semaphore_mem>>, %arg20: memref<!tpu.dma_semaphore, #tpu.memory_space<semaphore_mem>>, %arg21: memref<!tpu.dma_semaphore, #tpu.memory_space<semaphore_mem>>, %arg22: memref<!tpu.dma_semaphore, #tpu.memory_space<semaphore_mem>>, %arg23: memref<!tpu.dma_semaphore, #tpu.memory_space<semaphore_mem>>, %arg24: memref<!tpu.dma_semaphore, #tpu.memory_space<semaphore_mem>>) attributes {dimension_semantics = [#tpu.dimension_semantics<core_parallel>, #tpu.dimension_semantics<subcore_parallel>], iteration_bounds = array<i64: 2, 16>, scalar_prefetch = 0 : i64, scratch_operands = 16 : i64, tpu.core_type = #tpu.core_type<sc_vector_subcore>, window_params = [{transform_indices = #map}, {transform_indices = #map}, {transform_indices = #map}, {transform_indices = #map1}, {transform_indices = #map1}, {transform_indices = #map2}, {transform_indices = #map}]} {
    %mul3A = arith.constant 16 : i32
    %mul3A_0 = arith.muli %arg0, %mul3A : i32
    %add3A = arith.addi %mul3A_0, %arg1 : i32
    %mul3A_1 = arith.constant 64 : i32
    %mul3A_2 = arith.muli %arg1, %mul3A_1 : i32
    %mul3A_3 = arith.constant 64 : i32
    %mul3A_4 = arith.muli %arg1, %mul3A_3 : i32
    "tpu.region"() ({
      %run_scoped3A = tpu.sem_alloc : memref<!tpu.dma_semaphore, #tpu.memory_space<semaphore_mem>>
      %dma_start3A_1768 = arith.constant 0 : i32
      %dma_start3A_1769 = tpu.memref_slice %arg12[%mul3A_4, %dma_start3A_1768] : memref<1024x128xf32, #tpu.memory_space<vmem_shared>> -> memref<64x128xf32, #tpu.memory_space<vmem_shared>>
      %dma_start3A_1770 = arith.constant 0 : i32
      %dma_start3A_1771 = tpu.memref_slice %arg4[%mul3A_2, %dma_start3A_1770] : memref<1024x128xf32, #tpu.memory_space<hbm>> -> memref<64x128xf32, #tpu.memory_space<hbm>>
      tpu.enqueue_dma source(%dma_start3A_1771 : memref<64x128xf32, #tpu.memory_space<hbm>>) target(%dma_start3A_1769 : memref<64x128xf32, #tpu.memory_space<vmem_shared>>) target_semaphore(%run_scoped3A : memref<!tpu.dma_semaphore, #tpu.memory_space<semaphore_mem>>)
      %dma_wait3A_1772 = arith.constant 0 : i32
      %dma_wait3A_1773 = tpu.memref_slice %arg12[%mul3A_4, %dma_wait3A_1772] : memref<1024x128xf32, #tpu.memory_space<vmem_shared>> -> memref<64x128xf32, #tpu.memory_space<vmem_shared>>
      %dma_wait3A_1774 = arith.constant 0 : i32
      %dma_wait3A_1775 = tpu.memref_slice %arg4[%mul3A_2, %dma_wait3A_1774] : memref<1024x128xf32, #tpu.memory_space<hbm>> -> memref<64x128xf32, #tpu.memory_space<hbm>>
      tpu.wait_dma2 semaphore(%run_scoped3A : memref<!tpu.dma_semaphore, #tpu.memory_space<semaphore_mem>>) src(%dma_wait3A_1775 : memref<64x128xf32, #tpu.memory_space<hbm>>) dst(%dma_wait3A_1773 : memref<64x128xf32, #tpu.memory_space<vmem_shared>>)
      tpu.yield
    }) : () -> ()
    %mul3A_5 = arith.constant 64 : i32
    %mul3A_6 = arith.muli %arg1, %mul3A_5 : i32
    %mul3A_7 = arith.constant 64 : i32
    %mul3A_8 = arith.muli %arg1, %mul3A_7 : i32
    "tpu.region"() ({
      %run_scoped3A = tpu.sem_alloc : memref<!tpu.dma_semaphore, #tpu.memory_space<semaphore_mem>>
      %dma_start3A_1768 = tpu.memref_slice %arg13[%mul3A_8] : memref<1024xf32, #tpu.memory_space<vmem_shared>> -> memref<64xf32, #tpu.memory_space<vmem_shared>>
      %dma_start3A_1769 = tpu.memref_slice %arg5[%mul3A_6] : memref<1024xf32, #tpu.memory_space<hbm>> -> memref<64xf32, #tpu.memory_space<hbm>>
      tpu.enqueue_dma source(%dma_start3A_1769 : memref<64xf32, #tpu.memory_space<hbm>>) target(%dma_start3A_1768 : memref<64xf32, #tpu.memory_space<vmem_shared>>) target_semaphore(%run_scoped3A : memref<!tpu.dma_semaphore, #tpu.memory_space<semaphore_mem>>)
      %dma_wait3A_1770 = tpu.memref_slice %arg13[%mul3A_8] : memref<1024xf32, #tpu.memory_space<vmem_shared>> -> memref<64xf32, #tpu.memory_space<vmem_shared>>
      %dma_wait3A_1771 = tpu.memref_slice %arg5[%mul3A_6] : memref<1024xf32, #tpu.memory_space<hbm>> -> memref<64xf32, #tpu.memory_space<hbm>>
      tpu.wait_dma2 semaphore(%run_scoped3A : memref<!tpu.dma_semaphore, #tpu.memory_space<semaphore_mem>>) src(%dma_wait3A_1771 : memref<64xf32, #tpu.memory_space<hbm>>) dst(%dma_wait3A_1770 : memref<64xf32, #tpu.memory_space<vmem_shared>>)
      tpu.yield
    }) : () -> ()
    %mul3A_9 = arith.constant 25 : i32
    %mul3A_10 = arith.muli %add3A, %mul3A_9 : i32
    "tpu.region"() ({
      %run_scoped3A = tpu.sem_alloc : memref<!tpu.dma_semaphore, #tpu.memory_space<semaphore_mem>>
      %dma_start3A_1768 = arith.constant 0 : i32
      %dma_start3A_1769 = tpu.memref_slice %arg3[%mul3A_10, %dma_start3A_1768] : memref<800x125xi32, #tpu.memory_space<hbm>> -> memref<25x125xi32, #tpu.memory_space<hbm>>
      %dma_start3A_1770 = arith.constant 0 : i32
      %dma_start3A_1771 = tpu.memref_slice %arg3[%mul3A_10, %dma_start3A_1770] : memref<800x125xi32, #tpu.memory_space<hbm>> -> memref<25x125xi32, #tpu.memory_space<hbm>>
      tpu.enqueue_dma source(%dma_start3A_1771 : memref<25x125xi32, #tpu.memory_space<hbm>>) target(%arg10 : memref<25x125xi32, #tpu.memory_space<vmem>>) target_semaphore(%run_scoped3A : memref<!tpu.dma_semaphore, #tpu.memory_space<semaphore_mem>>)
      %dma_wait3A_1772 = arith.constant 0 : i32
      %dma_wait3A_1773 = tpu.memref_slice %arg3[%mul3A_10, %dma_wait3A_1772] : memref<800x125xi32, #tpu.memory_space<hbm>> -> memref<25x125xi32, #tpu.memory_space<hbm>>
      %dma_wait3A_1774 = arith.constant 0 : i32
      %dma_wait3A_1775 = tpu.memref_slice %arg3[%mul3A_10, %dma_wait3A_1774] : memref<800x125xi32, #tpu.memory_space<hbm>> -> memref<25x125xi32, #tpu.memory_space<hbm>>
      tpu.wait_dma2 semaphore(%run_scoped3A : memref<!tpu.dma_semaphore, #tpu.memory_space<semaphore_mem>>) src(%dma_wait3A_1775 : memref<25x125xi32, #tpu.memory_space<hbm>>) dst(%arg10 : memref<25x125xi32, #tpu.memory_space<vmem>>)
      tpu.yield
    }) : () -> ()
    "tpu.region"() ({
      %run_scoped3A = tpu.sem_alloc : memref<!tpu.dma_semaphore, #tpu.memory_space<semaphore_mem>>
      tpu.enqueue_dma source(%arg6 : memref<128xf32, #tpu.memory_space<hbm>>) target(%arg11 : memref<128xf32, #tpu.memory_space<vmem>>) target_semaphore(%run_scoped3A : memref<!tpu.dma_semaphore, #tpu.memory_space<semaphore_mem>>)
      tpu.wait_dma2 semaphore(%run_scoped3A : memref<!tpu.dma_semaphore, #tpu.memory_space<semaphore_mem>>) src(%arg6 : memref<128xf32, #tpu.memory_space<hbm>>) dst(%arg11 : memref<128xf32, #tpu.memory_space<vmem>>)
      tpu.yield
    }) : () -> ()
    %barrier3A = arith.constant 0 : index
    tpu.barrier barrier_id(%barrier3A)
    %mul3A_11 = arith.constant 3125 : i32
    %mul3A_12 = arith.muli %add3A, %mul3A_11 : i32
    %add3A_13 = arith.constant 0 : i32
    %add3A_14 = arith.addi %mul3A_12, %add3A_13 : i32
    %dma_start3A = arith.constant 0 : i32
    %dma_start3A_15 = arith.constant 0 : i32
    %dma_start3A_16 = arith.constant 0 : i32
    %dma_start3A_17 = tpu.memref_slice %arg9[%dma_start3A, %dma_start3A_15, %dma_start3A_16] : memref<5x125x128xf32, #tpu.memory_space<vmem>> -> memref<1x125x128xf32, #tpu.memory_space<vmem>>
    %dma_start3A_18 = tpu.memref_squeeze %dma_start3A_17 : memref<1x125x128xf32, #tpu.memory_space<vmem>> -> memref<125x128xf32, #tpu.memory_space<vmem>>
    %dma_start3A_19 = arith.constant 0 : i32
    %dma_start3A_20 = tpu.memref_slice %arg2[%add3A_14, %dma_start3A_19] : memref<100000x128xf32, #tpu.memory_space<hbm>> -> memref<125x128xf32, #tpu.memory_space<hbm>>
    %dma_start3A_21 = arith.constant 0 : i32
    %dma_start3A_22 = arith.constant 0 : i32
    %dma_start3A_23 = tpu.memref_slice %arg9[%dma_start3A, %dma_start3A_21, %dma_start3A_22] : memref<5x125x128xf32, #tpu.memory_space<vmem>> -> memref<1x125x128xf32, #tpu.memory_space<vmem>>
    %dma_start3A_24 = tpu.memref_squeeze %dma_start3A_23 : memref<1x125x128xf32, #tpu.memory_space<vmem>> -> memref<125x128xf32, #tpu.memory_space<vmem>>
    %dma_start3A_25 = arith.constant 0 : i32
    %dma_start3A_26 = tpu.memref_slice %arg2[%add3A_14, %dma_start3A_25] : memref<100000x128xf32, #tpu.memory_space<hbm>> -> memref<125x128xf32, #tpu.memory_space<hbm>>
    tpu.enqueue_dma source(%dma_start3A_26 : memref<125x128xf32, #tpu.memory_space<hbm>>) target(%dma_start3A_24 : memref<125x128xf32, #tpu.memory_space<vmem>>) target_semaphore(%arg14 : memref<!tpu.dma_semaphore, #tpu.memory_space<semaphore_mem>>)
    %mul3A_27 = arith.constant 3125 : i32
    %mul3A_28 = arith.muli %add3A, %mul3A_27 : i32
    %add3A_29 = arith.constant 125 : i32
    %add3A_30 = arith.addi %mul3A_28, %add3A_29 : i32
    %dma_start3A_31 = arith.constant 1 : i32
    %dma_start3A_32 = arith.constant 0 : i32
    %dma_start3A_33 = arith.constant 0 : i32
    %dma_start3A_34 = tpu.memref_slice %arg9[%dma_start3A_31, %dma_start3A_32, %dma_start3A_33] : memref<5x125x128xf32, #tpu.memory_space<vmem>> -> memref<1x125x128xf32, #tpu.memory_space<vmem>>
    %dma_start3A_35 = tpu.memref_squeeze %dma_start3A_34 : memref<1x125x128xf32, #tpu.memory_space<vmem>> -> memref<125x128xf32, #tpu.memory_space<vmem>>
    %dma_start3A_36 = arith.constant 0 : i32
    %dma_start3A_37 = tpu.memref_slice %arg2[%add3A_30, %dma_start3A_36] : memref<100000x128xf32, #tpu.memory_space<hbm>> -> memref<125x128xf32, #tpu.memory_space<hbm>>
    %dma_start3A_38 = arith.constant 0 : i32
    %dma_start3A_39 = arith.constant 0 : i32
    %dma_start3A_40 = tpu.memref_slice %arg9[%dma_start3A_31, %dma_start3A_38, %dma_start3A_39] : memref<5x125x128xf32, #tpu.memory_space<vmem>> -> memref<1x125x128xf32, #tpu.memory_space<vmem>>
    %dma_start3A_41 = tpu.memref_squeeze %dma_start3A_40 : memref<1x125x128xf32, #tpu.memory_space<vmem>> -> memref<125x128xf32, #tpu.memory_space<vmem>>
    %dma_start3A_42 = arith.constant 0 : i32
    %dma_start3A_43 = tpu.memref_slice %arg2[%add3A_30, %dma_start3A_42] : memref<100000x128xf32, #tpu.memory_space<hbm>> -> memref<125x128xf32, #tpu.memory_space<hbm>>
    tpu.enqueue_dma source(%dma_start3A_43 : memref<125x128xf32, #tpu.memory_space<hbm>>) target(%dma_start3A_41 : memref<125x128xf32, #tpu.memory_space<vmem>>) target_semaphore(%arg15 : memref<!tpu.dma_semaphore, #tpu.memory_space<semaphore_mem>>)
    %dma_wait3A = arith.constant 0 : i32
    %dma_wait3A_44 = arith.constant 0 : i32
    %dma_wait3A_45 = arith.constant 0 : i32
    %dma_wait3A_46 = tpu.memref_slice %arg9[%dma_wait3A, %dma_wait3A_44, %dma_wait3A_45] : memref<5x125x128xf32, #tpu.memory_space<vmem>> -> memref<1x125x128xf32, #tpu.memory_space<vmem>>
    %dma_wait3A_47 = tpu.memref_squeeze %dma_wait3A_46 : memref<1x125x128xf32, #tpu.memory_space<vmem>> -> memref<125x128xf32, #tpu.memory_space<vmem>>
    %dma_wait3A_48 = arith.constant 0 : i32
    %dma_wait3A_49 = tpu.memref_slice %arg2[%add3A_14, %dma_wait3A_48] : memref<100000x128xf32, #tpu.memory_space<hbm>> -> memref<125x128xf32, #tpu.memory_space<hbm>>
    %dma_wait3A_50 = arith.constant 0 : i32
    %dma_wait3A_51 = arith.constant 0 : i32
    %dma_wait3A_52 = tpu.memref_slice %arg9[%dma_wait3A, %dma_wait3A_50, %dma_wait3A_51] : memref<5x125x128xf32, #tpu.memory_space<vmem>> -> memref<1x125x128xf32, #tpu.memory_space<vmem>>
    %dma_wait3A_53 = tpu.memref_squeeze %dma_wait3A_52 : memref<1x125x128xf32, #tpu.memory_space<vmem>> -> memref<125x128xf32, #tpu.memory_space<vmem>>
    %dma_wait3A_54 = arith.constant 0 : i32
    %dma_wait3A_55 = tpu.memref_slice %arg2[%add3A_14, %dma_wait3A_54] : memref<100000x128xf32, #tpu.memory_space<hbm>> -> memref<125x128xf32, #tpu.memory_space<hbm>>
    tpu.wait_dma2 semaphore(%arg14 : memref<!tpu.dma_semaphore, #tpu.memory_space<semaphore_mem>>) src(%dma_wait3A_55 : memref<125x128xf32, #tpu.memory_space<hbm>>) dst(%dma_wait3A_53 : memref<125x128xf32, #tpu.memory_space<vmem>>)
    %dma_start3A_56 = arith.constant 0 : i32
    %dma_start3A_57 = arith.constant 0 : i32
    %dma_start3A_58 = tpu.memref_slice %arg11[%dma_start3A_57] : memref<128xf32, #tpu.memory_space<vmem>> -> memref<125xf32, #tpu.memory_space<vmem>>
    %dma_start3A_59 = arith.constant 0 : i32
    %dma_start3A_60 = tpu.memref_slice %arg10[%dma_start3A_56, %dma_start3A_59] : memref<25x125xi32, #tpu.memory_space<vmem>> -> memref<1x125xi32, #tpu.memory_space<vmem>>
    %dma_start3A_61 = tpu.memref_squeeze %dma_start3A_60 : memref<1x125xi32, #tpu.memory_space<vmem>> -> memref<125xi32, #tpu.memory_space<vmem>>
    %dma_start3A_62 = arith.constant 0 : i32
    %dma_start3A_63 = tpu.memref_slice %arg13[%dma_start3A_62] : memref<1024xf32, #tpu.memory_space<vmem_shared>> -> memref<1024xf32, #tpu.memory_space<vmem_shared>>
    tpu.enqueue_indirect_dma source(%dma_start3A_58 : memref<125xf32, #tpu.memory_space<vmem>>) target(%dma_start3A_63 : memref<1024xf32, #tpu.memory_space<vmem_shared>>) offsets(%dma_start3A_61 : memref<125xi32, #tpu.memory_space<vmem>>) semaphore(%arg24 : memref<!tpu.dma_semaphore, #tpu.memory_space<semaphore_mem>>) {add = true}
    %dma_start3A_64 = arith.constant 0 : i32
    %dma_start3A_65 = arith.constant 0 : i32
    %dma_start3A_66 = arith.constant 0 : i32
    %dma_start3A_67 = arith.constant 0 : i32
    %dma_start3A_68 = tpu.memref_slice %arg9[%dma_start3A_64, %dma_start3A_66, %dma_start3A_67] : memref<5x125x128xf32, #tpu.memory_space<vmem>> -> memref<1x125x128xf32, #tpu.memory_space<vmem>>
    %dma_start3A_69 = tpu.memref_squeeze %dma_start3A_68 : memref<1x125x128xf32, #tpu.memory_space<vmem>> -> memref<125x128xf32, #tpu.memory_space<vmem>>
    %dma_start3A_70 = arith.constant 0 : i32
    %dma_start3A_71 = tpu.memref_slice %arg10[%dma_start3A_65, %dma_start3A_70] : memref<25x125xi32, #tpu.memory_space<vmem>> -> memref<1x125xi32, #tpu.memory_space<vmem>>
    %dma_start3A_72 = tpu.memref_squeeze %dma_start3A_71 : memref<1x125xi32, #tpu.memory_space<vmem>> -> memref<125xi32, #tpu.memory_space<vmem>>
    %dma_start3A_73 = arith.constant 0 : i32
    %dma_start3A_74 = arith.constant 0 : i32
    %dma_start3A_75 = tpu.memref_slice %arg12[%dma_start3A_73, %dma_start3A_74] : memref<1024x128xf32, #tpu.memory_space<vmem_shared>> -> memref<1024x128xf32, #tpu.memory_space<vmem_shared>>
    tpu.enqueue_indirect_dma source(%dma_start3A_69 : memref<125x128xf32, #tpu.memory_space<vmem>>) target(%dma_start3A_75 : memref<1024x128xf32, #tpu.memory_space<vmem_shared>>) offsets(%dma_start3A_72 : memref<125xi32, #tpu.memory_space<vmem>>) semaphore(%arg19 : memref<!tpu.dma_semaphore, #tpu.memory_space<semaphore_mem>>) {add = true}
    %mul3A_76 = arith.constant 3125 : i32
    %mul3A_77 = arith.muli %add3A, %mul3A_76 : i32
    %add3A_78 = arith.constant 250 : i32
    %add3A_79 = arith.addi %mul3A_77, %add3A_78 : i32
    %dma_start3A_80 = arith.constant 2 : i32
    %dma_start3A_81 = arith.constant 0 : i32
    %dma_start3A_82 = arith.constant 0 : i32
    %dma_start3A_83 = tpu.memref_slice %arg9[%dma_start3A_80, %dma_start3A_81, %dma_start3A_82] : memref<5x125x128xf32, #tpu.memory_space<vmem>> -> memref<1x125x128xf32, #tpu.memory_space<vmem>>
    %dma_start3A_84 = tpu.memref_squeeze %dma_start3A_83 : memref<1x125x128xf32, #tpu.memory_space<vmem>> -> memref<125x128xf32, #tpu.memory_space<vmem>>
    %dma_start3A_85 = arith.constant 0 : i32
    %dma_start3A_86 = tpu.memref_slice %arg2[%add3A_79, %dma_start3A_85] : memref<100000x128xf32, #tpu.memory_space<hbm>> -> memref<125x128xf32, #tpu.memory_space<hbm>>
    %dma_start3A_87 = arith.constant 0 : i32
    %dma_start3A_88 = arith.constant 0 : i32
    %dma_start3A_89 = tpu.memref_slice %arg9[%dma_start3A_80, %dma_start3A_87, %dma_start3A_88] : memref<5x125x128xf32, #tpu.memory_space<vmem>> -> memref<1x125x128xf32, #tpu.memory_space<vmem>>
    %dma_start3A_90 = tpu.memref_squeeze %dma_start3A_89 : memref<1x125x128xf32, #tpu.memory_space<vmem>> -> memref<125x128xf32, #tpu.memory_space<vmem>>
    %dma_start3A_91 = arith.constant 0 : i32
    %dma_start3A_92 = tpu.memref_slice %arg2[%add3A_79, %dma_start3A_91] : memref<100000x128xf32, #tpu.memory_space<hbm>> -> memref<125x128xf32, #tpu.memory_space<hbm>>
    tpu.enqueue_dma source(%dma_start3A_92 : memref<125x128xf32, #tpu.memory_space<hbm>>) target(%dma_start3A_90 : memref<125x128xf32, #tpu.memory_space<vmem>>) target_semaphore(%arg16 : memref<!tpu.dma_semaphore, #tpu.memory_space<semaphore_mem>>)
    %dma_wait3A_93 = arith.constant 1 : i32
    %dma_wait3A_94 = arith.constant 0 : i32
    %dma_wait3A_95 = arith.constant 0 : i32
    %dma_wait3A_96 = tpu.memref_slice %arg9[%dma_wait3A_93, %dma_wait3A_94, %dma_wait3A_95] : memref<5x125x128xf32, #tpu.memory_space<vmem>> -> memref<1x125x128xf32, #tpu.memory_space<vmem>>
    %dma_wait3A_97 = tpu.memref_squeeze %dma_wait3A_96 : memref<1x125x128xf32, #tpu.memory_space<vmem>> -> memref<125x128xf32, #tpu.memory_space<vmem>>
    %dma_wait3A_98 = arith.constant 0 : i32
    %dma_wait3A_99 = tpu.memref_slice %arg2[%add3A_30, %dma_wait3A_98] : memref<100000x128xf32, #tpu.memory_space<hbm>> -> memref<125x128xf32, #tpu.memory_space<hbm>>
    %dma_wait3A_100 = arith.constant 0 : i32
    %dma_wait3A_101 = arith.constant 0 : i32
    %dma_wait3A_102 = tpu.memref_slice %arg9[%dma_wait3A_93, %dma_wait3A_100, %dma_wait3A_101] : memref<5x125x128xf32, #tpu.memory_space<vmem>> -> memref<1x125x128xf32, #tpu.memory_space<vmem>>
    %dma_wait3A_103 = tpu.memref_squeeze %dma_wait3A_102 : memref<1x125x128xf32, #tpu.memory_space<vmem>> -> memref<125x128xf32, #tpu.memory_space<vmem>>
    %dma_wait3A_104 = arith.constant 0 : i32
    %dma_wait3A_105 = tpu.memref_slice %arg2[%add3A_30, %dma_wait3A_104] : memref<100000x128xf32, #tpu.memory_space<hbm>> -> memref<125x128xf32, #tpu.memory_space<hbm>>
    tpu.wait_dma2 semaphore(%arg15 : memref<!tpu.dma_semaphore, #tpu.memory_space<semaphore_mem>>) src(%dma_wait3A_105 : memref<125x128xf32, #tpu.memory_space<hbm>>) dst(%dma_wait3A_103 : memref<125x128xf32, #tpu.memory_space<vmem>>)
    %dma_start3A_106 = arith.constant 1 : i32
    %dma_start3A_107 = arith.constant 0 : i32
    %dma_start3A_108 = tpu.memref_slice %arg11[%dma_start3A_107] : memref<128xf32, #tpu.memory_space<vmem>> -> memref<125xf32, #tpu.memory_space<vmem>>
    %dma_start3A_109 = arith.constant 0 : i32
    %dma_start3A_110 = tpu.memref_slice %arg10[%dma_start3A_106, %dma_start3A_109] : memref<25x125xi32, #tpu.memory_space<vmem>> -> memref<1x125xi32, #tpu.memory_space<vmem>>
    %dma_start3A_111 = tpu.memref_squeeze %dma_start3A_110 : memref<1x125xi32, #tpu.memory_space<vmem>> -> memref<125xi32, #tpu.memory_space<vmem>>
    %dma_start3A_112 = arith.constant 0 : i32
    %dma_start3A_113 = tpu.memref_slice %arg13[%dma_start3A_112] : memref<1024xf32, #tpu.memory_space<vmem_shared>> -> memref<1024xf32, #tpu.memory_space<vmem_shared>>
    tpu.enqueue_indirect_dma source(%dma_start3A_108 : memref<125xf32, #tpu.memory_space<vmem>>) target(%dma_start3A_113 : memref<1024xf32, #tpu.memory_space<vmem_shared>>) offsets(%dma_start3A_111 : memref<125xi32, #tpu.memory_space<vmem>>) semaphore(%arg24 : memref<!tpu.dma_semaphore, #tpu.memory_space<semaphore_mem>>) {add = true}
    %dma_start3A_114 = arith.constant 1 : i32
    %dma_start3A_115 = arith.constant 1 : i32
    %dma_start3A_116 = arith.constant 0 : i32
    %dma_start3A_117 = arith.constant 0 : i32
    %dma_start3A_118 = tpu.memref_slice %arg9[%dma_start3A_114, %dma_start3A_116, %dma_start3A_117] : memref<5x125x128xf32, #tpu.memory_space<vmem>> -> memref<1x125x128xf32, #tpu.memory_space<vmem>>
    %dma_start3A_119 = tpu.memref_squeeze %dma_start3A_118 : memref<1x125x128xf32, #tpu.memory_space<vmem>> -> memref<125x128xf32, #tpu.memory_space<vmem>>
    %dma_start3A_120 = arith.constant 0 : i32
    %dma_start3A_121 = tpu.memref_slice %arg10[%dma_start3A_115, %dma_start3A_120] : memref<25x125xi32, #tpu.memory_space<vmem>> -> memref<1x125xi32, #tpu.memory_space<vmem>>
    %dma_start3A_122 = tpu.memref_squeeze %dma_start3A_121 : memref<1x125xi32, #tpu.memory_space<vmem>> -> memref<125xi32, #tpu.memory_space<vmem>>
    %dma_start3A_123 = arith.constant 0 : i32
    %dma_start3A_124 = arith.constant 0 : i32
    %dma_start3A_125 = tpu.memref_slice %arg12[%dma_start3A_123, %dma_start3A_124] : memref<1024x128xf32, #tpu.memory_space<vmem_shared>> -> memref<1024x128xf32, #tpu.memory_space<vmem_shared>>
    tpu.enqueue_indirect_dma source(%dma_start3A_119 : memref<125x128xf32, #tpu.memory_space<vmem>>) target(%dma_start3A_125 : memref<1024x128xf32, #tpu.memory_space<vmem_shared>>) offsets(%dma_start3A_122 : memref<125xi32, #tpu.memory_space<vmem>>) semaphore(%arg20 : memref<!tpu.dma_semaphore, #tpu.memory_space<semaphore_mem>>) {add = true}
    %mul3A_126 = arith.constant 3125 : i32
    %mul3A_127 = arith.muli %add3A, %mul3A_126 : i32
    %add3A_128 = arith.constant 375 : i32
    %add3A_129 = arith.addi %mul3A_127, %add3A_128 : i32
    %dma_start3A_130 = arith.constant 3 : i32
    %dma_start3A_131 = arith.constant 0 : i32
    %dma_start3A_132 = arith.constant 0 : i32
    %dma_start3A_133 = tpu.memref_slice %arg9[%dma_start3A_130, %dma_start3A_131, %dma_start3A_132] : memref<5x125x128xf32, #tpu.memory_space<vmem>> -> memref<1x125x128xf32, #tpu.memory_space<vmem>>
    %dma_start3A_134 = tpu.memref_squeeze %dma_start3A_133 : memref<1x125x128xf32, #tpu.memory_space<vmem>> -> memref<125x128xf32, #tpu.memory_space<vmem>>
    %dma_start3A_135 = arith.constant 0 : i32
    %dma_start3A_136 = tpu.memref_slice %arg2[%add3A_129, %dma_start3A_135] : memref<100000x128xf32, #tpu.memory_space<hbm>> -> memref<125x128xf32, #tpu.memory_space<hbm>>
    %dma_start3A_137 = arith.constant 0 : i32
    %dma_start3A_138 = arith.constant 0 : i32
    %dma_start3A_139 = tpu.memref_slice %arg9[%dma_start3A_130, %dma_start3A_137, %dma_start3A_138] : memref<5x125x128xf32, #tpu.memory_space<vmem>> -> memref<1x125x128xf32, #tpu.memory_space<vmem>>
    %dma_start3A_140 = tpu.memref_squeeze %dma_start3A_139 : memref<1x125x128xf32, #tpu.memory_space<vmem>> -> memref<125x128xf32, #tpu.memory_space<vmem>>
    %dma_start3A_141 = arith.constant 0 : i32
    %dma_start3A_142 = tpu.memref_slice %arg2[%add3A_129, %dma_start3A_141] : memref<100000x128xf32, #tpu.memory_space<hbm>> -> memref<125x128xf32, #tpu.memory_space<hbm>>
    tpu.enqueue_dma source(%dma_start3A_142 : memref<125x128xf32, #tpu.memory_space<hbm>>) target(%dma_start3A_140 : memref<125x128xf32, #tpu.memory_space<vmem>>) target_semaphore(%arg17 : memref<!tpu.dma_semaphore, #tpu.memory_space<semaphore_mem>>)
    %dma_wait3A_143 = arith.constant 2 : i32
    %dma_wait3A_144 = arith.constant 0 : i32
    %dma_wait3A_145 = arith.constant 0 : i32
    %dma_wait3A_146 = tpu.memref_slice %arg9[%dma_wait3A_143, %dma_wait3A_144, %dma_wait3A_145] : memref<5x125x128xf32, #tpu.memory_space<vmem>> -> memref<1x125x128xf32, #tpu.memory_space<vmem>>
    %dma_wait3A_147 = tpu.memref_squeeze %dma_wait3A_146 : memref<1x125x128xf32, #tpu.memory_space<vmem>> -> memref<125x128xf32, #tpu.memory_space<vmem>>
    %dma_wait3A_148 = arith.constant 0 : i32
    %dma_wait3A_149 = tpu.memref_slice %arg2[%add3A_79, %dma_wait3A_148] : memref<100000x128xf32, #tpu.memory_space<hbm>> -> memref<125x128xf32, #tpu.memory_space<hbm>>
    %dma_wait3A_150 = arith.constant 0 : i32
    %dma_wait3A_151 = arith.constant 0 : i32
    %dma_wait3A_152 = tpu.memref_slice %arg9[%dma_wait3A_143, %dma_wait3A_150, %dma_wait3A_151] : memref<5x125x128xf32, #tpu.memory_space<vmem>> -> memref<1x125x128xf32, #tpu.memory_space<vmem>>
    %dma_wait3A_153 = tpu.memref_squeeze %dma_wait3A_152 : memref<1x125x128xf32, #tpu.memory_space<vmem>> -> memref<125x128xf32, #tpu.memory_space<vmem>>
    %dma_wait3A_154 = arith.constant 0 : i32
    %dma_wait3A_155 = tpu.memref_slice %arg2[%add3A_79, %dma_wait3A_154] : memref<100000x128xf32, #tpu.memory_space<hbm>> -> memref<125x128xf32, #tpu.memory_space<hbm>>
    tpu.wait_dma2 semaphore(%arg16 : memref<!tpu.dma_semaphore, #tpu.memory_space<semaphore_mem>>) src(%dma_wait3A_155 : memref<125x128xf32, #tpu.memory_space<hbm>>) dst(%dma_wait3A_153 : memref<125x128xf32, #tpu.memory_space<vmem>>)
    %dma_start3A_156 = arith.constant 2 : i32
    %dma_start3A_157 = arith.constant 0 : i32
    %dma_start3A_158 = tpu.memref_slice %arg11[%dma_start3A_157] : memref<128xf32, #tpu.memory_space<vmem>> -> memref<125xf32, #tpu.memory_space<vmem>>
    %dma_start3A_159 = arith.constant 0 : i32
    %dma_start3A_160 = tpu.memref_slice %arg10[%dma_start3A_156, %dma_start3A_159] : memref<25x125xi32, #tpu.memory_space<vmem>> -> memref<1x125xi32, #tpu.memory_space<vmem>>
    %dma_start3A_161 = tpu.memref_squeeze %dma_start3A_160 : memref<1x125xi32, #tpu.memory_space<vmem>> -> memref<125xi32, #tpu.memory_space<vmem>>
    %dma_start3A_162 = arith.constant 0 : i32
    %dma_start3A_163 = tpu.memref_slice %arg13[%dma_start3A_162] : memref<1024xf32, #tpu.memory_space<vmem_shared>> -> memref<1024xf32, #tpu.memory_space<vmem_shared>>
    tpu.enqueue_indirect_dma source(%dma_start3A_158 : memref<125xf32, #tpu.memory_space<vmem>>) target(%dma_start3A_163 : memref<1024xf32, #tpu.memory_space<vmem_shared>>) offsets(%dma_start3A_161 : memref<125xi32, #tpu.memory_space<vmem>>) semaphore(%arg24 : memref<!tpu.dma_semaphore, #tpu.memory_space<semaphore_mem>>) {add = true}
    %dma_start3A_164 = arith.constant 2 : i32
    %dma_start3A_165 = arith.constant 2 : i32
    %dma_start3A_166 = arith.constant 0 : i32
    %dma_start3A_167 = arith.constant 0 : i32
    %dma_start3A_168 = tpu.memref_slice %arg9[%dma_start3A_164, %dma_start3A_166, %dma_start3A_167] : memref<5x125x128xf32, #tpu.memory_space<vmem>> -> memref<1x125x128xf32, #tpu.memory_space<vmem>>
    %dma_start3A_169 = tpu.memref_squeeze %dma_start3A_168 : memref<1x125x128xf32, #tpu.memory_space<vmem>> -> memref<125x128xf32, #tpu.memory_space<vmem>>
    %dma_start3A_170 = arith.constant 0 : i32
    %dma_start3A_171 = tpu.memref_slice %arg10[%dma_start3A_165, %dma_start3A_170] : memref<25x125xi32, #tpu.memory_space<vmem>> -> memref<1x125xi32, #tpu.memory_space<vmem>>
    %dma_start3A_172 = tpu.memref_squeeze %dma_start3A_171 : memref<1x125xi32, #tpu.memory_space<vmem>> -> memref<125xi32, #tpu.memory_space<vmem>>
    %dma_start3A_173 = arith.constant 0 : i32
    %dma_start3A_174 = arith.constant 0 : i32
    %dma_start3A_175 = tpu.memref_slice %arg12[%dma_start3A_173, %dma_start3A_174] : memref<1024x128xf32, #tpu.memory_space<vmem_shared>> -> memref<1024x128xf32, #tpu.memory_space<vmem_shared>>
    tpu.enqueue_indirect_dma source(%dma_start3A_169 : memref<125x128xf32, #tpu.memory_space<vmem>>) target(%dma_start3A_175 : memref<1024x128xf32, #tpu.memory_space<vmem_shared>>) offsets(%dma_start3A_172 : memref<125xi32, #tpu.memory_space<vmem>>) semaphore(%arg21 : memref<!tpu.dma_semaphore, #tpu.memory_space<semaphore_mem>>) {add = true}
    %mul3A_176 = arith.constant 3125 : i32
    %mul3A_177 = arith.muli %add3A, %mul3A_176 : i32
    %add3A_178 = arith.constant 500 : i32
    %add3A_179 = arith.addi %mul3A_177, %add3A_178 : i32
    %dma_start3A_180 = arith.constant 4 : i32
    %dma_start3A_181 = arith.constant 0 : i32
    %dma_start3A_182 = arith.constant 0 : i32
    %dma_start3A_183 = tpu.memref_slice %arg9[%dma_start3A_180, %dma_start3A_181, %dma_start3A_182] : memref<5x125x128xf32, #tpu.memory_space<vmem>> -> memref<1x125x128xf32, #tpu.memory_space<vmem>>
    %dma_start3A_184 = tpu.memref_squeeze %dma_start3A_183 : memref<1x125x128xf32, #tpu.memory_space<vmem>> -> memref<125x128xf32, #tpu.memory_space<vmem>>
    %dma_start3A_185 = arith.constant 0 : i32
    %dma_start3A_186 = tpu.memref_slice %arg2[%add3A_179, %dma_start3A_185] : memref<100000x128xf32, #tpu.memory_space<hbm>> -> memref<125x128xf32, #tpu.memory_space<hbm>>
    %dma_start3A_187 = arith.constant 0 : i32
    %dma_start3A_188 = arith.constant 0 : i32
    %dma_start3A_189 = tpu.memref_slice %arg9[%dma_start3A_180, %dma_start3A_187, %dma_start3A_188] : memref<5x125x128xf32, #tpu.memory_space<vmem>> -> memref<1x125x128xf32, #tpu.memory_space<vmem>>
    %dma_start3A_190 = tpu.memref_squeeze %dma_start3A_189 : memref<1x125x128xf32, #tpu.memory_space<vmem>> -> memref<125x128xf32, #tpu.memory_space<vmem>>
    %dma_start3A_191 = arith.constant 0 : i32
    %dma_start3A_192 = tpu.memref_slice %arg2[%add3A_179, %dma_start3A_191] : memref<100000x128xf32, #tpu.memory_space<hbm>> -> memref<125x128xf32, #tpu.memory_space<hbm>>
    tpu.enqueue_dma source(%dma_start3A_192 : memref<125x128xf32, #tpu.memory_space<hbm>>) target(%dma_start3A_190 : memref<125x128xf32, #tpu.memory_space<vmem>>) target_semaphore(%arg18 : memref<!tpu.dma_semaphore, #tpu.memory_space<semaphore_mem>>)
    %dma_wait3A_193 = arith.constant 3 : i32
    %dma_wait3A_194 = arith.constant 0 : i32
    %dma_wait3A_195 = arith.constant 0 : i32
    %dma_wait3A_196 = tpu.memref_slice %arg9[%dma_wait3A_193, %dma_wait3A_194, %dma_wait3A_195] : memref<5x125x128xf32, #tpu.memory_space<vmem>> -> memref<1x125x128xf32, #tpu.memory_space<vmem>>
    %dma_wait3A_197 = tpu.memref_squeeze %dma_wait3A_196 : memref<1x125x128xf32, #tpu.memory_space<vmem>> -> memref<125x128xf32, #tpu.memory_space<vmem>>
    %dma_wait3A_198 = arith.constant 0 : i32
    %dma_wait3A_199 = tpu.memref_slice %arg2[%add3A_129, %dma_wait3A_198] : memref<100000x128xf32, #tpu.memory_space<hbm>> -> memref<125x128xf32, #tpu.memory_space<hbm>>
    %dma_wait3A_200 = arith.constant 0 : i32
    %dma_wait3A_201 = arith.constant 0 : i32
    %dma_wait3A_202 = tpu.memref_slice %arg9[%dma_wait3A_193, %dma_wait3A_200, %dma_wait3A_201] : memref<5x125x128xf32, #tpu.memory_space<vmem>> -> memref<1x125x128xf32, #tpu.memory_space<vmem>>
    %dma_wait3A_203 = tpu.memref_squeeze %dma_wait3A_202 : memref<1x125x128xf32, #tpu.memory_space<vmem>> -> memref<125x128xf32, #tpu.memory_space<vmem>>
    %dma_wait3A_204 = arith.constant 0 : i32
    %dma_wait3A_205 = tpu.memref_slice %arg2[%add3A_129, %dma_wait3A_204] : memref<100000x128xf32, #tpu.memory_space<hbm>> -> memref<125x128xf32, #tpu.memory_space<hbm>>
    tpu.wait_dma2 semaphore(%arg17 : memref<!tpu.dma_semaphore, #tpu.memory_space<semaphore_mem>>) src(%dma_wait3A_205 : memref<125x128xf32, #tpu.memory_space<hbm>>) dst(%dma_wait3A_203 : memref<125x128xf32, #tpu.memory_space<vmem>>)
    %dma_start3A_206 = arith.constant 3 : i32
    %dma_start3A_207 = arith.constant 0 : i32
    %dma_start3A_208 = tpu.memref_slice %arg11[%dma_start3A_207] : memref<128xf32, #tpu.memory_space<vmem>> -> memref<125xf32, #tpu.memory_space<vmem>>
    %dma_start3A_209 = arith.constant 0 : i32
    %dma_start3A_210 = tpu.memref_slice %arg10[%dma_start3A_206, %dma_start3A_209] : memref<25x125xi32, #tpu.memory_space<vmem>> -> memref<1x125xi32, #tpu.memory_space<vmem>>
    %dma_start3A_211 = tpu.memref_squeeze %dma_start3A_210 : memref<1x125xi32, #tpu.memory_space<vmem>> -> memref<125xi32, #tpu.memory_space<vmem>>
    %dma_start3A_212 = arith.constant 0 : i32
    %dma_start3A_213 = tpu.memref_slice %arg13[%dma_start3A_212] : memref<1024xf32, #tpu.memory_space<vmem_shared>> -> memref<1024xf32, #tpu.memory_space<vmem_shared>>
    tpu.enqueue_indirect_dma source(%dma_start3A_208 : memref<125xf32, #tpu.memory_space<vmem>>) target(%dma_start3A_213 : memref<1024xf32, #tpu.memory_space<vmem_shared>>) offsets(%dma_start3A_211 : memref<125xi32, #tpu.memory_space<vmem>>) semaphore(%arg24 : memref<!tpu.dma_semaphore, #tpu.memory_space<semaphore_mem>>) {add = true}
    %dma_start3A_214 = arith.constant 3 : i32
    %dma_start3A_215 = arith.constant 3 : i32
    %dma_start3A_216 = arith.constant 0 : i32
    %dma_start3A_217 = arith.constant 0 : i32
    %dma_start3A_218 = tpu.memref_slice %arg9[%dma_start3A_214, %dma_start3A_216, %dma_start3A_217] : memref<5x125x128xf32, #tpu.memory_space<vmem>> -> memref<1x125x128xf32, #tpu.memory_space<vmem>>
    %dma_start3A_219 = tpu.memref_squeeze %dma_start3A_218 : memref<1x125x128xf32, #tpu.memory_space<vmem>> -> memref<125x128xf32, #tpu.memory_space<vmem>>
    %dma_start3A_220 = arith.constant 0 : i32
    %dma_start3A_221 = tpu.memref_slice %arg10[%dma_start3A_215, %dma_start3A_220] : memref<25x125xi32, #tpu.memory_space<vmem>> -> memref<1x125xi32, #tpu.memory_space<vmem>>
    %dma_start3A_222 = tpu.memref_squeeze %dma_start3A_221 : memref<1x125xi32, #tpu.memory_space<vmem>> -> memref<125xi32, #tpu.memory_space<vmem>>
    %dma_start3A_223 = arith.constant 0 : i32
    %dma_start3A_224 = arith.constant 0 : i32
    %dma_start3A_225 = tpu.memref_slice %arg12[%dma_start3A_223, %dma_start3A_224] : memref<1024x128xf32, #tpu.memory_space<vmem_shared>> -> memref<1024x128xf32, #tpu.memory_space<vmem_shared>>
    tpu.enqueue_indirect_dma source(%dma_start3A_219 : memref<125x128xf32, #tpu.memory_space<vmem>>) target(%dma_start3A_225 : memref<1024x128xf32, #tpu.memory_space<vmem_shared>>) offsets(%dma_start3A_222 : memref<125xi32, #tpu.memory_space<vmem>>) semaphore(%arg22 : memref<!tpu.dma_semaphore, #tpu.memory_space<semaphore_mem>>) {add = true}
    %dma_wait3A_226 = arith.constant 0 : i32
    %dma_wait3A_227 = arith.constant 0 : i32
    %dma_wait3A_228 = arith.constant 0 : i32
    %dma_wait3A_229 = arith.constant 0 : i32
    %dma_wait3A_230 = tpu.memref_slice %arg9[%dma_wait3A_226, %dma_wait3A_228, %dma_wait3A_229] : memref<5x125x128xf32, #tpu.memory_space<vmem>> -> memref<1x125x128xf32, #tpu.memory_space<vmem>>
    %dma_wait3A_231 = tpu.memref_squeeze %dma_wait3A_230 : memref<1x125x128xf32, #tpu.memory_space<vmem>> -> memref<125x128xf32, #tpu.memory_space<vmem>>
    %dma_wait3A_232 = arith.constant 0 : i32
    %dma_wait3A_233 = tpu.memref_slice %arg10[%dma_wait3A_227, %dma_wait3A_232] : memref<25x125xi32, #tpu.memory_space<vmem>> -> memref<1x125xi32, #tpu.memory_space<vmem>>
    %dma_wait3A_234 = tpu.memref_squeeze %dma_wait3A_233 : memref<1x125xi32, #tpu.memory_space<vmem>> -> memref<125xi32, #tpu.memory_space<vmem>>
    %dma_wait3A_235 = arith.constant 0 : i32
    %dma_wait3A_236 = arith.constant 0 : i32
    %dma_wait3A_237 = tpu.memref_slice %arg12[%dma_wait3A_235, %dma_wait3A_236] : memref<1024x128xf32, #tpu.memory_space<vmem_shared>> -> memref<1024x128xf32, #tpu.memory_space<vmem_shared>>
    tpu.wait_indirect_dma semaphore(%arg19 : memref<!tpu.dma_semaphore, #tpu.memory_space<semaphore_mem>>) src(%dma_wait3A_231 : memref<125x128xf32, #tpu.memory_space<vmem>>) dst(%dma_wait3A_237 : memref<1024x128xf32, #tpu.memory_space<vmem_shared>>)
    %mul3A_238 = arith.constant 3125 : i32
    %mul3A_239 = arith.muli %add3A, %mul3A_238 : i32
    %add3A_240 = arith.constant 625 : i32
    %add3A_241 = arith.addi %mul3A_239, %add3A_240 : i32
    %dma_start3A_242 = arith.constant 0 : i32
    %dma_start3A_243 = arith.constant 0 : i32
    %dma_start3A_244 = arith.constant 0 : i32
    %dma_start3A_245 = tpu.memref_slice %arg9[%dma_start3A_242, %dma_start3A_243, %dma_start3A_244] : memref<5x125x128xf32, #tpu.memory_space<vmem>> -> memref<1x125x128xf32, #tpu.memory_space<vmem>>
    %dma_start3A_246 = tpu.memref_squeeze %dma_start3A_245 : memref<1x125x128xf32, #tpu.memory_space<vmem>> -> memref<125x128xf32, #tpu.memory_space<vmem>>
    %dma_start3A_247 = arith.constant 0 : i32
    %dma_start3A_248 = tpu.memref_slice %arg2[%add3A_241, %dma_start3A_247] : memref<100000x128xf32, #tpu.memory_space<hbm>> -> memref<125x128xf32, #tpu.memory_space<hbm>>
    %dma_start3A_249 = arith.constant 0 : i32
    %dma_start3A_250 = arith.constant 0 : i32
    %dma_start3A_251 = tpu.memref_slice %arg9[%dma_start3A_242, %dma_start3A_249, %dma_start3A_250] : memref<5x125x128xf32, #tpu.memory_space<vmem>> -> memref<1x125x128xf32, #tpu.memory_space<vmem>>
    %dma_start3A_252 = tpu.memref_squeeze %dma_start3A_251 : memref<1x125x128xf32, #tpu.memory_space<vmem>> -> memref<125x128xf32, #tpu.memory_space<vmem>>
    %dma_start3A_253 = arith.constant 0 : i32
    %dma_start3A_254 = tpu.memref_slice %arg2[%add3A_241, %dma_start3A_253] : memref<100000x128xf32, #tpu.memory_space<hbm>> -> memref<125x128xf32, #tpu.memory_space<hbm>>
    tpu.enqueue_dma source(%dma_start3A_254 : memref<125x128xf32, #tpu.memory_space<hbm>>) target(%dma_start3A_252 : memref<125x128xf32, #tpu.memory_space<vmem>>) target_semaphore(%arg14 : memref<!tpu.dma_semaphore, #tpu.memory_space<semaphore_mem>>)
    %dma_wait3A_255 = arith.constant 4 : i32
    %dma_wait3A_256 = arith.constant 0 : i32
    %dma_wait3A_257 = arith.constant 0 : i32
    %dma_wait3A_258 = tpu.memref_slice %arg9[%dma_wait3A_255, %dma_wait3A_256, %dma_wait3A_257] : memref<5x125x128xf32, #tpu.memory_space<vmem>> -> memref<1x125x128xf32, #tpu.memory_space<vmem>>
    %dma_wait3A_259 = tpu.memref_squeeze %dma_wait3A_258 : memref<1x125x128xf32, #tpu.memory_space<vmem>> -> memref<125x128xf32, #tpu.memory_space<vmem>>
    %dma_wait3A_260 = arith.constant 0 : i32
    %dma_wait3A_261 = tpu.memref_slice %arg2[%add3A_179, %dma_wait3A_260] : memref<100000x128xf32, #tpu.memory_space<hbm>> -> memref<125x128xf32, #tpu.memory_space<hbm>>
    %dma_wait3A_262 = arith.constant 0 : i32
    %dma_wait3A_263 = arith.constant 0 : i32
    %dma_wait3A_264 = tpu.memref_slice %arg9[%dma_wait3A_255, %dma_wait3A_262, %dma_wait3A_263] : memref<5x125x128xf32, #tpu.memory_space<vmem>> -> memref<1x125x128xf32, #tpu.memory_space<vmem>>
    %dma_wait3A_265 = tpu.memref_squeeze %dma_wait3A_264 : memref<1x125x128xf32, #tpu.memory_space<vmem>> -> memref<125x128xf32, #tpu.memory_space<vmem>>
    %dma_wait3A_266 = arith.constant 0 : i32
    %dma_wait3A_267 = tpu.memref_slice %arg2[%add3A_179, %dma_wait3A_266] : memref<100000x128xf32, #tpu.memory_space<hbm>> -> memref<125x128xf32, #tpu.memory_space<hbm>>
    tpu.wait_dma2 semaphore(%arg18 : memref<!tpu.dma_semaphore, #tpu.memory_space<semaphore_mem>>) src(%dma_wait3A_267 : memref<125x128xf32, #tpu.memory_space<hbm>>) dst(%dma_wait3A_265 : memref<125x128xf32, #tpu.memory_space<vmem>>)
    %dma_start3A_268 = arith.constant 4 : i32
    %dma_start3A_269 = arith.constant 0 : i32
    %dma_start3A_270 = tpu.memref_slice %arg11[%dma_start3A_269] : memref<128xf32, #tpu.memory_space<vmem>> -> memref<125xf32, #tpu.memory_space<vmem>>
    %dma_start3A_271 = arith.constant 0 : i32
    %dma_start3A_272 = tpu.memref_slice %arg10[%dma_start3A_268, %dma_start3A_271] : memref<25x125xi32, #tpu.memory_space<vmem>> -> memref<1x125xi32, #tpu.memory_space<vmem>>
    %dma_start3A_273 = tpu.memref_squeeze %dma_start3A_272 : memref<1x125xi32, #tpu.memory_space<vmem>> -> memref<125xi32, #tpu.memory_space<vmem>>
    %dma_start3A_274 = arith.constant 0 : i32
    %dma_start3A_275 = tpu.memref_slice %arg13[%dma_start3A_274] : memref<1024xf32, #tpu.memory_space<vmem_shared>> -> memref<1024xf32, #tpu.memory_space<vmem_shared>>
    tpu.enqueue_indirect_dma source(%dma_start3A_270 : memref<125xf32, #tpu.memory_space<vmem>>) target(%dma_start3A_275 : memref<1024xf32, #tpu.memory_space<vmem_shared>>) offsets(%dma_start3A_273 : memref<125xi32, #tpu.memory_space<vmem>>) semaphore(%arg24 : memref<!tpu.dma_semaphore, #tpu.memory_space<semaphore_mem>>) {add = true}
    %dma_start3A_276 = arith.constant 4 : i32
    %dma_start3A_277 = arith.constant 4 : i32
    %dma_start3A_278 = arith.constant 0 : i32
    %dma_start3A_279 = arith.constant 0 : i32
    %dma_start3A_280 = tpu.memref_slice %arg9[%dma_start3A_276, %dma_start3A_278, %dma_start3A_279] : memref<5x125x128xf32, #tpu.memory_space<vmem>> -> memref<1x125x128xf32, #tpu.memory_space<vmem>>
    %dma_start3A_281 = tpu.memref_squeeze %dma_start3A_280 : memref<1x125x128xf32, #tpu.memory_space<vmem>> -> memref<125x128xf32, #tpu.memory_space<vmem>>
    %dma_start3A_282 = arith.constant 0 : i32
    %dma_start3A_283 = tpu.memref_slice %arg10[%dma_start3A_277, %dma_start3A_282] : memref<25x125xi32, #tpu.memory_space<vmem>> -> memref<1x125xi32, #tpu.memory_space<vmem>>
    %dma_start3A_284 = tpu.memref_squeeze %dma_start3A_283 : memref<1x125xi32, #tpu.memory_space<vmem>> -> memref<125xi32, #tpu.memory_space<vmem>>
    %dma_start3A_285 = arith.constant 0 : i32
    %dma_start3A_286 = arith.constant 0 : i32
    %dma_start3A_287 = tpu.memref_slice %arg12[%dma_start3A_285, %dma_start3A_286] : memref<1024x128xf32, #tpu.memory_space<vmem_shared>> -> memref<1024x128xf32, #tpu.memory_space<vmem_shared>>
    tpu.enqueue_indirect_dma source(%dma_start3A_281 : memref<125x128xf32, #tpu.memory_space<vmem>>) target(%dma_start3A_287 : memref<1024x128xf32, #tpu.memory_space<vmem_shared>>) offsets(%dma_start3A_284 : memref<125xi32, #tpu.memory_space<vmem>>) semaphore(%arg23 : memref<!tpu.dma_semaphore, #tpu.memory_space<semaphore_mem>>) {add = true}
    %dma_wait3A_288 = arith.constant 1 : i32
    %dma_wait3A_289 = arith.constant 1 : i32
    %dma_wait3A_290 = arith.constant 0 : i32
    %dma_wait3A_291 = arith.constant 0 : i32
    %dma_wait3A_292 = tpu.memref_slice %arg9[%dma_wait3A_288, %dma_wait3A_290, %dma_wait3A_291] : memref<5x125x128xf32, #tpu.memory_space<vmem>> -> memref<1x125x128xf32, #tpu.memory_space<vmem>>
    %dma_wait3A_293 = tpu.memref_squeeze %dma_wait3A_292 : memref<1x125x128xf32, #tpu.memory_space<vmem>> -> memref<125x128xf32, #tpu.memory_space<vmem>>
    %dma_wait3A_294 = arith.constant 0 : i32
    %dma_wait3A_295 = tpu.memref_slice %arg10[%dma_wait3A_289, %dma_wait3A_294] : memref<25x125xi32, #tpu.memory_space<vmem>> -> memref<1x125xi32, #tpu.memory_space<vmem>>
    %dma_wait3A_296 = tpu.memref_squeeze %dma_wait3A_295 : memref<1x125xi32, #tpu.memory_space<vmem>> -> memref<125xi32, #tpu.memory_space<vmem>>
    %dma_wait3A_297 = arith.constant 0 : i32
    %dma_wait3A_298 = arith.constant 0 : i32
    %dma_wait3A_299 = tpu.memref_slice %arg12[%dma_wait3A_297, %dma_wait3A_298] : memref<1024x128xf32, #tpu.memory_space<vmem_shared>> -> memref<1024x128xf32, #tpu.memory_space<vmem_shared>>
    tpu.wait_indirect_dma semaphore(%arg20 : memref<!tpu.dma_semaphore, #tpu.memory_space<semaphore_mem>>) src(%dma_wait3A_293 : memref<125x128xf32, #tpu.memory_space<vmem>>) dst(%dma_wait3A_299 : memref<1024x128xf32, #tpu.memory_space<vmem_shared>>)
    %mul3A_300 = arith.constant 3125 : i32
    %mul3A_301 = arith.muli %add3A, %mul3A_300 : i32
    %add3A_302 = arith.constant 750 : i32
    %add3A_303 = arith.addi %mul3A_301, %add3A_302 : i32
    %dma_start3A_304 = arith.constant 1 : i32
    %dma_start3A_305 = arith.constant 0 : i32
    %dma_start3A_306 = arith.constant 0 : i32
    %dma_start3A_307 = tpu.memref_slice %arg9[%dma_start3A_304, %dma_start3A_305, %dma_start3A_306] : memref<5x125x128xf32, #tpu.memory_space<vmem>> -> memref<1x125x128xf32, #tpu.memory_space<vmem>>
    %dma_start3A_308 = tpu.memref_squeeze %dma_start3A_307 : memref<1x125x128xf32, #tpu.memory_space<vmem>> -> memref<125x128xf32, #tpu.memory_space<vmem>>
    %dma_start3A_309 = arith.constant 0 : i32
    %dma_start3A_310 = tpu.memref_slice %arg2[%add3A_303, %dma_start3A_309] : memref<100000x128xf32, #tpu.memory_space<hbm>> -> memref<125x128xf32, #tpu.memory_space<hbm>>
    %dma_start3A_311 = arith.constant 0 : i32
    %dma_start3A_312 = arith.constant 0 : i32
    %dma_start3A_313 = tpu.memref_slice %arg9[%dma_start3A_304, %dma_start3A_311, %dma_start3A_312] : memref<5x125x128xf32, #tpu.memory_space<vmem>> -> memref<1x125x128xf32, #tpu.memory_space<vmem>>
    %dma_start3A_314 = tpu.memref_squeeze %dma_start3A_313 : memref<1x125x128xf32, #tpu.memory_space<vmem>> -> memref<125x128xf32, #tpu.memory_space<vmem>>
    %dma_start3A_315 = arith.constant 0 : i32
    %dma_start3A_316 = tpu.memref_slice %arg2[%add3A_303, %dma_start3A_315] : memref<100000x128xf32, #tpu.memory_space<hbm>> -> memref<125x128xf32, #tpu.memory_space<hbm>>
    tpu.enqueue_dma source(%dma_start3A_316 : memref<125x128xf32, #tpu.memory_space<hbm>>) target(%dma_start3A_314 : memref<125x128xf32, #tpu.memory_space<vmem>>) target_semaphore(%arg15 : memref<!tpu.dma_semaphore, #tpu.memory_space<semaphore_mem>>)
    %dma_wait3A_317 = arith.constant 0 : i32
    %dma_wait3A_318 = arith.constant 0 : i32
    %dma_wait3A_319 = arith.constant 0 : i32
    %dma_wait3A_320 = tpu.memref_slice %arg9[%dma_wait3A_317, %dma_wait3A_318, %dma_wait3A_319] : memref<5x125x128xf32, #tpu.memory_space<vmem>> -> memref<1x125x128xf32, #tpu.memory_space<vmem>>
    %dma_wait3A_321 = tpu.memref_squeeze %dma_wait3A_320 : memref<1x125x128xf32, #tpu.memory_space<vmem>> -> memref<125x128xf32, #tpu.memory_space<vmem>>
    %dma_wait3A_322 = arith.constant 0 : i32
    %dma_wait3A_323 = tpu.memref_slice %arg2[%add3A_241, %dma_wait3A_322] : memref<100000x128xf32, #tpu.memory_space<hbm>> -> memref<125x128xf32, #tpu.memory_space<hbm>>
    %dma_wait3A_324 = arith.constant 0 : i32
    %dma_wait3A_325 = arith.constant 0 : i32
    %dma_wait3A_326 = tpu.memref_slice %arg9[%dma_wait3A_317, %dma_wait3A_324, %dma_wait3A_325] : memref<5x125x128xf32, #tpu.memory_space<vmem>> -> memref<1x125x128xf32, #tpu.memory_space<vmem>>
    %dma_wait3A_327 = tpu.memref_squeeze %dma_wait3A_326 : memref<1x125x128xf32, #tpu.memory_space<vmem>> -> memref<125x128xf32, #tpu.memory_space<vmem>>
    %dma_wait3A_328 = arith.constant 0 : i32
    %dma_wait3A_329 = tpu.memref_slice %arg2[%add3A_241, %dma_wait3A_328] : memref<100000x128xf32, #tpu.memory_space<hbm>> -> memref<125x128xf32, #tpu.memory_space<hbm>>
    tpu.wait_dma2 semaphore(%arg14 : memref<!tpu.dma_semaphore, #tpu.memory_space<semaphore_mem>>) src(%dma_wait3A_329 : memref<125x128xf32, #tpu.memory_space<hbm>>) dst(%dma_wait3A_327 : memref<125x128xf32, #tpu.memory_space<vmem>>)
    %dma_start3A_330 = arith.constant 5 : i32
    %dma_start3A_331 = arith.constant 0 : i32
    %dma_start3A_332 = tpu.memref_slice %arg11[%dma_start3A_331] : memref<128xf32, #tpu.memory_space<vmem>> -> memref<125xf32, #tpu.memory_space<vmem>>
    %dma_start3A_333 = arith.constant 0 : i32
    %dma_start3A_334 = tpu.memref_slice %arg10[%dma_start3A_330, %dma_start3A_333] : memref<25x125xi32, #tpu.memory_space<vmem>> -> memref<1x125xi32, #tpu.memory_space<vmem>>
    %dma_start3A_335 = tpu.memref_squeeze %dma_start3A_334 : memref<1x125xi32, #tpu.memory_space<vmem>> -> memref<125xi32, #tpu.memory_space<vmem>>
    %dma_start3A_336 = arith.constant 0 : i32
    %dma_start3A_337 = tpu.memref_slice %arg13[%dma_start3A_336] : memref<1024xf32, #tpu.memory_space<vmem_shared>> -> memref<1024xf32, #tpu.memory_space<vmem_shared>>
    tpu.enqueue_indirect_dma source(%dma_start3A_332 : memref<125xf32, #tpu.memory_space<vmem>>) target(%dma_start3A_337 : memref<1024xf32, #tpu.memory_space<vmem_shared>>) offsets(%dma_start3A_335 : memref<125xi32, #tpu.memory_space<vmem>>) semaphore(%arg24 : memref<!tpu.dma_semaphore, #tpu.memory_space<semaphore_mem>>) {add = true}
    %dma_start3A_338 = arith.constant 0 : i32
    %dma_start3A_339 = arith.constant 5 : i32
    %dma_start3A_340 = arith.constant 0 : i32
    %dma_start3A_341 = arith.constant 0 : i32
    %dma_start3A_342 = tpu.memref_slice %arg9[%dma_start3A_338, %dma_start3A_340, %dma_start3A_341] : memref<5x125x128xf32, #tpu.memory_space<vmem>> -> memref<1x125x128xf32, #tpu.memory_space<vmem>>
    %dma_start3A_343 = tpu.memref_squeeze %dma_start3A_342 : memref<1x125x128xf32, #tpu.memory_space<vmem>> -> memref<125x128xf32, #tpu.memory_space<vmem>>
    %dma_start3A_344 = arith.constant 0 : i32
    %dma_start3A_345 = tpu.memref_slice %arg10[%dma_start3A_339, %dma_start3A_344] : memref<25x125xi32, #tpu.memory_space<vmem>> -> memref<1x125xi32, #tpu.memory_space<vmem>>
    %dma_start3A_346 = tpu.memref_squeeze %dma_start3A_345 : memref<1x125xi32, #tpu.memory_space<vmem>> -> memref<125xi32, #tpu.memory_space<vmem>>
    %dma_start3A_347 = arith.constant 0 : i32
    %dma_start3A_348 = arith.constant 0 : i32
    %dma_start3A_349 = tpu.memref_slice %arg12[%dma_start3A_347, %dma_start3A_348] : memref<1024x128xf32, #tpu.memory_space<vmem_shared>> -> memref<1024x128xf32, #tpu.memory_space<vmem_shared>>
    tpu.enqueue_indirect_dma source(%dma_start3A_343 : memref<125x128xf32, #tpu.memory_space<vmem>>) target(%dma_start3A_349 : memref<1024x128xf32, #tpu.memory_space<vmem_shared>>) offsets(%dma_start3A_346 : memref<125xi32, #tpu.memory_space<vmem>>) semaphore(%arg19 : memref<!tpu.dma_semaphore, #tpu.memory_space<semaphore_mem>>) {add = true}
    %dma_wait3A_350 = arith.constant 2 : i32
    %dma_wait3A_351 = arith.constant 2 : i32
    %dma_wait3A_352 = arith.constant 0 : i32
    %dma_wait3A_353 = arith.constant 0 : i32
    %dma_wait3A_354 = tpu.memref_slice %arg9[%dma_wait3A_350, %dma_wait3A_352, %dma_wait3A_353] : memref<5x125x128xf32, #tpu.memory_space<vmem>> -> memref<1x125x128xf32, #tpu.memory_space<vmem>>
    %dma_wait3A_355 = tpu.memref_squeeze %dma_wait3A_354 : memref<1x125x128xf32, #tpu.memory_space<vmem>> -> memref<125x128xf32, #tpu.memory_space<vmem>>
    %dma_wait3A_356 = arith.constant 0 : i32
    %dma_wait3A_357 = tpu.memref_slice %arg10[%dma_wait3A_351, %dma_wait3A_356] : memref<25x125xi32, #tpu.memory_space<vmem>> -> memref<1x125xi32, #tpu.memory_space<vmem>>
    %dma_wait3A_358 = tpu.memref_squeeze %dma_wait3A_357 : memref<1x125xi32, #tpu.memory_space<vmem>> -> memref<125xi32, #tpu.memory_space<vmem>>
    %dma_wait3A_359 = arith.constant 0 : i32
    %dma_wait3A_360 = arith.constant 0 : i32
    %dma_wait3A_361 = tpu.memref_slice %arg12[%dma_wait3A_359, %dma_wait3A_360] : memref<1024x128xf32, #tpu.memory_space<vmem_shared>> -> memref<1024x128xf32, #tpu.memory_space<vmem_shared>>
    tpu.wait_indirect_dma semaphore(%arg21 : memref<!tpu.dma_semaphore, #tpu.memory_space<semaphore_mem>>) src(%dma_wait3A_355 : memref<125x128xf32, #tpu.memory_space<vmem>>) dst(%dma_wait3A_361 : memref<1024x128xf32, #tpu.memory_space<vmem_shared>>)
    %mul3A_362 = arith.constant 3125 : i32
    %mul3A_363 = arith.muli %add3A, %mul3A_362 : i32
    %add3A_364 = arith.constant 875 : i32
    %add3A_365 = arith.addi %mul3A_363, %add3A_364 : i32
    %dma_start3A_366 = arith.constant 2 : i32
    %dma_start3A_367 = arith.constant 0 : i32
    %dma_start3A_368 = arith.constant 0 : i32
    %dma_start3A_369 = tpu.memref_slice %arg9[%dma_start3A_366, %dma_start3A_367, %dma_start3A_368] : memref<5x125x128xf32, #tpu.memory_space<vmem>> -> memref<1x125x128xf32, #tpu.memory_space<vmem>>
    %dma_start3A_370 = tpu.memref_squeeze %dma_start3A_369 : memref<1x125x128xf32, #tpu.memory_space<vmem>> -> memref<125x128xf32, #tpu.memory_space<vmem>>
    %dma_start3A_371 = arith.constant 0 : i32
    %dma_start3A_372 = tpu.memref_slice %arg2[%add3A_365, %dma_start3A_371] : memref<100000x128xf32, #tpu.memory_space<hbm>> -> memref<125x128xf32, #tpu.memory_space<hbm>>
    %dma_start3A_373 = arith.constant 0 : i32
    %dma_start3A_374 = arith.constant 0 : i32
    %dma_start3A_375 = tpu.memref_slice %arg9[%dma_start3A_366, %dma_start3A_373, %dma_start3A_374] : memref<5x125x128xf32, #tpu.memory_space<vmem>> -> memref<1x125x128xf32, #tpu.memory_space<vmem>>
    %dma_start3A_376 = tpu.memref_squeeze %dma_start3A_375 : memref<1x125x128xf32, #tpu.memory_space<vmem>> -> memref<125x128xf32, #tpu.memory_space<vmem>>
    %dma_start3A_377 = arith.constant 0 : i32
    %dma_start3A_378 = tpu.memref_slice %arg2[%add3A_365, %dma_start3A_377] : memref<100000x128xf32, #tpu.memory_space<hbm>> -> memref<125x128xf32, #tpu.memory_space<hbm>>
    tpu.enqueue_dma source(%dma_start3A_378 : memref<125x128xf32, #tpu.memory_space<hbm>>) target(%dma_start3A_376 : memref<125x128xf32, #tpu.memory_space<vmem>>) target_semaphore(%arg16 : memref<!tpu.dma_semaphore, #tpu.memory_space<semaphore_mem>>)
    %dma_wait3A_379 = arith.constant 1 : i32
    %dma_wait3A_380 = arith.constant 0 : i32
    %dma_wait3A_381 = arith.constant 0 : i32
    %dma_wait3A_382 = tpu.memref_slice %arg9[%dma_wait3A_379, %dma_wait3A_380, %dma_wait3A_381] : memref<5x125x128xf32, #tpu.memory_space<vmem>> -> memref<1x125x128xf32, #tpu.memory_space<vmem>>
    %dma_wait3A_383 = tpu.memref_squeeze %dma_wait3A_382 : memref<1x125x128xf32, #tpu.memory_space<vmem>> -> memref<125x128xf32, #tpu.memory_space<vmem>>
    %dma_wait3A_384 = arith.constant 0 : i32
    %dma_wait3A_385 = tpu.memref_slice %arg2[%add3A_303, %dma_wait3A_384] : memref<100000x128xf32, #tpu.memory_space<hbm>> -> memref<125x128xf32, #tpu.memory_space<hbm>>
    %dma_wait3A_386 = arith.constant 0 : i32
    %dma_wait3A_387 = arith.constant 0 : i32
    %dma_wait3A_388 = tpu.memref_slice %arg9[%dma_wait3A_379, %dma_wait3A_386, %dma_wait3A_387] : memref<5x125x128xf32, #tpu.memory_space<vmem>> -> memref<1x125x128xf32, #tpu.memory_space<vmem>>
    %dma_wait3A_389 = tpu.memref_squeeze %dma_wait3A_388 : memref<1x125x128xf32, #tpu.memory_space<vmem>> -> memref<125x128xf32, #tpu.memory_space<vmem>>
    %dma_wait3A_390 = arith.constant 0 : i32
    %dma_wait3A_391 = tpu.memref_slice %arg2[%add3A_303, %dma_wait3A_390] : memref<100000x128xf32, #tpu.memory_space<hbm>> -> memref<125x128xf32, #tpu.memory_space<hbm>>
    tpu.wait_dma2 semaphore(%arg15 : memref<!tpu.dma_semaphore, #tpu.memory_space<semaphore_mem>>) src(%dma_wait3A_391 : memref<125x128xf32, #tpu.memory_space<hbm>>) dst(%dma_wait3A_389 : memref<125x128xf32, #tpu.memory_space<vmem>>)
    %dma_start3A_392 = arith.constant 6 : i32
    %dma_start3A_393 = arith.constant 0 : i32
    %dma_start3A_394 = tpu.memref_slice %arg11[%dma_start3A_393] : memref<128xf32, #tpu.memory_space<vmem>> -> memref<125xf32, #tpu.memory_space<vmem>>
    %dma_start3A_395 = arith.constant 0 : i32
    %dma_start3A_396 = tpu.memref_slice %arg10[%dma_start3A_392, %dma_start3A_395] : memref<25x125xi32, #tpu.memory_space<vmem>> -> memref<1x125xi32, #tpu.memory_space<vmem>>
    %dma_start3A_397 = tpu.memref_squeeze %dma_start3A_396 : memref<1x125xi32, #tpu.memory_space<vmem>> -> memref<125xi32, #tpu.memory_space<vmem>>
    %dma_start3A_398 = arith.constant 0 : i32
    %dma_start3A_399 = tpu.memref_slice %arg13[%dma_start3A_398] : memref<1024xf32, #tpu.memory_space<vmem_shared>> -> memref<1024xf32, #tpu.memory_space<vmem_shared>>
    tpu.enqueue_indirect_dma source(%dma_start3A_394 : memref<125xf32, #tpu.memory_space<vmem>>) target(%dma_start3A_399 : memref<1024xf32, #tpu.memory_space<vmem_shared>>) offsets(%dma_start3A_397 : memref<125xi32, #tpu.memory_space<vmem>>) semaphore(%arg24 : memref<!tpu.dma_semaphore, #tpu.memory_space<semaphore_mem>>) {add = true}
    %dma_start3A_400 = arith.constant 1 : i32
    %dma_start3A_401 = arith.constant 6 : i32
    %dma_start3A_402 = arith.constant 0 : i32
    %dma_start3A_403 = arith.constant 0 : i32
    %dma_start3A_404 = tpu.memref_slice %arg9[%dma_start3A_400, %dma_start3A_402, %dma_start3A_403] : memref<5x125x128xf32, #tpu.memory_space<vmem>> -> memref<1x125x128xf32, #tpu.memory_space<vmem>>
    %dma_start3A_405 = tpu.memref_squeeze %dma_start3A_404 : memref<1x125x128xf32, #tpu.memory_space<vmem>> -> memref<125x128xf32, #tpu.memory_space<vmem>>
    %dma_start3A_406 = arith.constant 0 : i32
    %dma_start3A_407 = tpu.memref_slice %arg10[%dma_start3A_401, %dma_start3A_406] : memref<25x125xi32, #tpu.memory_space<vmem>> -> memref<1x125xi32, #tpu.memory_space<vmem>>
    %dma_start3A_408 = tpu.memref_squeeze %dma_start3A_407 : memref<1x125xi32, #tpu.memory_space<vmem>> -> memref<125xi32, #tpu.memory_space<vmem>>
    %dma_start3A_409 = arith.constant 0 : i32
    %dma_start3A_410 = arith.constant 0 : i32
    %dma_start3A_411 = tpu.memref_slice %arg12[%dma_start3A_409, %dma_start3A_410] : memref<1024x128xf32, #tpu.memory_space<vmem_shared>> -> memref<1024x128xf32, #tpu.memory_space<vmem_shared>>
    tpu.enqueue_indirect_dma source(%dma_start3A_405 : memref<125x128xf32, #tpu.memory_space<vmem>>) target(%dma_start3A_411 : memref<1024x128xf32, #tpu.memory_space<vmem_shared>>) offsets(%dma_start3A_408 : memref<125xi32, #tpu.memory_space<vmem>>) semaphore(%arg20 : memref<!tpu.dma_semaphore, #tpu.memory_space<semaphore_mem>>) {add = true}
    %dma_wait3A_412 = arith.constant 3 : i32
    %dma_wait3A_413 = arith.constant 3 : i32
    %dma_wait3A_414 = arith.constant 0 : i32
    %dma_wait3A_415 = arith.constant 0 : i32
    %dma_wait3A_416 = tpu.memref_slice %arg9[%dma_wait3A_412, %dma_wait3A_414, %dma_wait3A_415] : memref<5x125x128xf32, #tpu.memory_space<vmem>> -> memref<1x125x128xf32, #tpu.memory_space<vmem>>
    %dma_wait3A_417 = tpu.memref_squeeze %dma_wait3A_416 : memref<1x125x128xf32, #tpu.memory_space<vmem>> -> memref<125x128xf32, #tpu.memory_space<vmem>>
    %dma_wait3A_418 = arith.constant 0 : i32
    %dma_wait3A_419 = tpu.memref_slice %arg10[%dma_wait3A_413, %dma_wait3A_418] : memref<25x125xi32, #tpu.memory_space<vmem>> -> memref<1x125xi32, #tpu.memory_space<vmem>>
    %dma_wait3A_420 = tpu.memref_squeeze %dma_wait3A_419 : memref<1x125xi32, #tpu.memory_space<vmem>> -> memref<125xi32, #tpu.memory_space<vmem>>
    %dma_wait3A_421 = arith.constant 0 : i32
    %dma_wait3A_422 = arith.constant 0 : i32
    %dma_wait3A_423 = tpu.memref_slice %arg12[%dma_wait3A_421, %dma_wait3A_422] : memref<1024x128xf32, #tpu.memory_space<vmem_shared>> -> memref<1024x128xf32, #tpu.memory_space<vmem_shared>>
    tpu.wait_indirect_dma semaphore(%arg22 : memref<!tpu.dma_semaphore, #tpu.memory_space<semaphore_mem>>) src(%dma_wait3A_417 : memref<125x128xf32, #tpu.memory_space<vmem>>) dst(%dma_wait3A_423 : memref<1024x128xf32, #tpu.memory_space<vmem_shared>>)
    %mul3A_424 = arith.constant 3125 : i32
    %mul3A_425 = arith.muli %add3A, %mul3A_424 : i32
    %add3A_426 = arith.constant 1000 : i32
    %add3A_427 = arith.addi %mul3A_425, %add3A_426 : i32
    %dma_start3A_428 = arith.constant 3 : i32
    %dma_start3A_429 = arith.constant 0 : i32
    %dma_start3A_430 = arith.constant 0 : i32
    %dma_start3A_431 = tpu.memref_slice %arg9[%dma_start3A_428, %dma_start3A_429, %dma_start3A_430] : memref<5x125x128xf32, #tpu.memory_space<vmem>> -> memref<1x125x128xf32, #tpu.memory_space<vmem>>
    %dma_start3A_432 = tpu.memref_squeeze %dma_start3A_431 : memref<1x125x128xf32, #tpu.memory_space<vmem>> -> memref<125x128xf32, #tpu.memory_space<vmem>>
    %dma_start3A_433 = arith.constant 0 : i32
    %dma_start3A_434 = tpu.memref_slice %arg2[%add3A_427, %dma_start3A_433] : memref<100000x128xf32, #tpu.memory_space<hbm>> -> memref<125x128xf32, #tpu.memory_space<hbm>>
    %dma_start3A_435 = arith.constant 0 : i32
    %dma_start3A_436 = arith.constant 0 : i32
    %dma_start3A_437 = tpu.memref_slice %arg9[%dma_start3A_428, %dma_start3A_435, %dma_start3A_436] : memref<5x125x128xf32, #tpu.memory_space<vmem>> -> memref<1x125x128xf32, #tpu.memory_space<vmem>>
    %dma_start3A_438 = tpu.memref_squeeze %dma_start3A_437 : memref<1x125x128xf32, #tpu.memory_space<vmem>> -> memref<125x128xf32, #tpu.memory_space<vmem>>
    %dma_start3A_439 = arith.constant 0 : i32
    %dma_start3A_440 = tpu.memref_slice %arg2[%add3A_427, %dma_start3A_439] : memref<100000x128xf32, #tpu.memory_space<hbm>> -> memref<125x128xf32, #tpu.memory_space<hbm>>
    tpu.enqueue_dma source(%dma_start3A_440 : memref<125x128xf32, #tpu.memory_space<hbm>>) target(%dma_start3A_438 : memref<125x128xf32, #tpu.memory_space<vmem>>) target_semaphore(%arg17 : memref<!tpu.dma_semaphore, #tpu.memory_space<semaphore_mem>>)
    %dma_wait3A_441 = arith.constant 2 : i32
    %dma_wait3A_442 = arith.constant 0 : i32
    %dma_wait3A_443 = arith.constant 0 : i32
    %dma_wait3A_444 = tpu.memref_slice %arg9[%dma_wait3A_441, %dma_wait3A_442, %dma_wait3A_443] : memref<5x125x128xf32, #tpu.memory_space<vmem>> -> memref<1x125x128xf32, #tpu.memory_space<vmem>>
    %dma_wait3A_445 = tpu.memref_squeeze %dma_wait3A_444 : memref<1x125x128xf32, #tpu.memory_space<vmem>> -> memref<125x128xf32, #tpu.memory_space<vmem>>
    %dma_wait3A_446 = arith.constant 0 : i32
    %dma_wait3A_447 = tpu.memref_slice %arg2[%add3A_365, %dma_wait3A_446] : memref<100000x128xf32, #tpu.memory_space<hbm>> -> memref<125x128xf32, #tpu.memory_space<hbm>>
    %dma_wait3A_448 = arith.constant 0 : i32
    %dma_wait3A_449 = arith.constant 0 : i32
    %dma_wait3A_450 = tpu.memref_slice %arg9[%dma_wait3A_441, %dma_wait3A_448, %dma_wait3A_449] : memref<5x125x128xf32, #tpu.memory_space<vmem>> -> memref<1x125x128xf32, #tpu.memory_space<vmem>>
    %dma_wait3A_451 = tpu.memref_squeeze %dma_wait3A_450 : memref<1x125x128xf32, #tpu.memory_space<vmem>> -> memref<125x128xf32, #tpu.memory_space<vmem>>
    %dma_wait3A_452 = arith.constant 0 : i32
    %dma_wait3A_453 = tpu.memref_slice %arg2[%add3A_365, %dma_wait3A_452] : memref<100000x128xf32, #tpu.memory_space<hbm>> -> memref<125x128xf32, #tpu.memory_space<hbm>>
    tpu.wait_dma2 semaphore(%arg16 : memref<!tpu.dma_semaphore, #tpu.memory_space<semaphore_mem>>) src(%dma_wait3A_453 : memref<125x128xf32, #tpu.memory_space<hbm>>) dst(%dma_wait3A_451 : memref<125x128xf32, #tpu.memory_space<vmem>>)
    %dma_start3A_454 = arith.constant 7 : i32
    %dma_start3A_455 = arith.constant 0 : i32
    %dma_start3A_456 = tpu.memref_slice %arg11[%dma_start3A_455] : memref<128xf32, #tpu.memory_space<vmem>> -> memref<125xf32, #tpu.memory_space<vmem>>
    %dma_start3A_457 = arith.constant 0 : i32
    %dma_start3A_458 = tpu.memref_slice %arg10[%dma_start3A_454, %dma_start3A_457] : memref<25x125xi32, #tpu.memory_space<vmem>> -> memref<1x125xi32, #tpu.memory_space<vmem>>
    %dma_start3A_459 = tpu.memref_squeeze %dma_start3A_458 : memref<1x125xi32, #tpu.memory_space<vmem>> -> memref<125xi32, #tpu.memory_space<vmem>>
    %dma_start3A_460 = arith.constant 0 : i32
    %dma_start3A_461 = tpu.memref_slice %arg13[%dma_start3A_460] : memref<1024xf32, #tpu.memory_space<vmem_shared>> -> memref<1024xf32, #tpu.memory_space<vmem_shared>>
    tpu.enqueue_indirect_dma source(%dma_start3A_456 : memref<125xf32, #tpu.memory_space<vmem>>) target(%dma_start3A_461 : memref<1024xf32, #tpu.memory_space<vmem_shared>>) offsets(%dma_start3A_459 : memref<125xi32, #tpu.memory_space<vmem>>) semaphore(%arg24 : memref<!tpu.dma_semaphore, #tpu.memory_space<semaphore_mem>>) {add = true}
    %dma_start3A_462 = arith.constant 2 : i32
    %dma_start3A_463 = arith.constant 7 : i32
    %dma_start3A_464 = arith.constant 0 : i32
    %dma_start3A_465 = arith.constant 0 : i32
    %dma_start3A_466 = tpu.memref_slice %arg9[%dma_start3A_462, %dma_start3A_464, %dma_start3A_465] : memref<5x125x128xf32, #tpu.memory_space<vmem>> -> memref<1x125x128xf32, #tpu.memory_space<vmem>>
    %dma_start3A_467 = tpu.memref_squeeze %dma_start3A_466 : memref<1x125x128xf32, #tpu.memory_space<vmem>> -> memref<125x128xf32, #tpu.memory_space<vmem>>
    %dma_start3A_468 = arith.constant 0 : i32
    %dma_start3A_469 = tpu.memref_slice %arg10[%dma_start3A_463, %dma_start3A_468] : memref<25x125xi32, #tpu.memory_space<vmem>> -> memref<1x125xi32, #tpu.memory_space<vmem>>
    %dma_start3A_470 = tpu.memref_squeeze %dma_start3A_469 : memref<1x125xi32, #tpu.memory_space<vmem>> -> memref<125xi32, #tpu.memory_space<vmem>>
    %dma_start3A_471 = arith.constant 0 : i32
    %dma_start3A_472 = arith.constant 0 : i32
    %dma_start3A_473 = tpu.memref_slice %arg12[%dma_start3A_471, %dma_start3A_472] : memref<1024x128xf32, #tpu.memory_space<vmem_shared>> -> memref<1024x128xf32, #tpu.memory_space<vmem_shared>>
    tpu.enqueue_indirect_dma source(%dma_start3A_467 : memref<125x128xf32, #tpu.memory_space<vmem>>) target(%dma_start3A_473 : memref<1024x128xf32, #tpu.memory_space<vmem_shared>>) offsets(%dma_start3A_470 : memref<125xi32, #tpu.memory_space<vmem>>) semaphore(%arg21 : memref<!tpu.dma_semaphore, #tpu.memory_space<semaphore_mem>>) {add = true}
    %dma_wait3A_474 = arith.constant 4 : i32
    %dma_wait3A_475 = arith.constant 4 : i32
    %dma_wait3A_476 = arith.constant 0 : i32
    %dma_wait3A_477 = arith.constant 0 : i32
    %dma_wait3A_478 = tpu.memref_slice %arg9[%dma_wait3A_474, %dma_wait3A_476, %dma_wait3A_477] : memref<5x125x128xf32, #tpu.memory_space<vmem>> -> memref<1x125x128xf32, #tpu.memory_space<vmem>>
    %dma_wait3A_479 = tpu.memref_squeeze %dma_wait3A_478 : memref<1x125x128xf32, #tpu.memory_space<vmem>> -> memref<125x128xf32, #tpu.memory_space<vmem>>
    %dma_wait3A_480 = arith.constant 0 : i32
    %dma_wait3A_481 = tpu.memref_slice %arg10[%dma_wait3A_475, %dma_wait3A_480] : memref<25x125xi32, #tpu.memory_space<vmem>> -> memref<1x125xi32, #tpu.memory_space<vmem>>
    %dma_wait3A_482 = tpu.memref_squeeze %dma_wait3A_481 : memref<1x125xi32, #tpu.memory_space<vmem>> -> memref<125xi32, #tpu.memory_space<vmem>>
    %dma_wait3A_483 = arith.constant 0 : i32
    %dma_wait3A_484 = arith.constant 0 : i32
    %dma_wait3A_485 = tpu.memref_slice %arg12[%dma_wait3A_483, %dma_wait3A_484] : memref<1024x128xf32, #tpu.memory_space<vmem_shared>> -> memref<1024x128xf32, #tpu.memory_space<vmem_shared>>
    tpu.wait_indirect_dma semaphore(%arg23 : memref<!tpu.dma_semaphore, #tpu.memory_space<semaphore_mem>>) src(%dma_wait3A_479 : memref<125x128xf32, #tpu.memory_space<vmem>>) dst(%dma_wait3A_485 : memref<1024x128xf32, #tpu.memory_space<vmem_shared>>)
    %mul3A_486 = arith.constant 3125 : i32
    %mul3A_487 = arith.muli %add3A, %mul3A_486 : i32
    %add3A_488 = arith.constant 1125 : i32
    %add3A_489 = arith.addi %mul3A_487, %add3A_488 : i32
    %dma_start3A_490 = arith.constant 4 : i32
    %dma_start3A_491 = arith.constant 0 : i32
    %dma_start3A_492 = arith.constant 0 : i32
    %dma_start3A_493 = tpu.memref_slice %arg9[%dma_start3A_490, %dma_start3A_491, %dma_start3A_492] : memref<5x125x128xf32, #tpu.memory_space<vmem>> -> memref<1x125x128xf32, #tpu.memory_space<vmem>>
    %dma_start3A_494 = tpu.memref_squeeze %dma_start3A_493 : memref<1x125x128xf32, #tpu.memory_space<vmem>> -> memref<125x128xf32, #tpu.memory_space<vmem>>
    %dma_start3A_495 = arith.constant 0 : i32
    %dma_start3A_496 = tpu.memref_slice %arg2[%add3A_489, %dma_start3A_495] : memref<100000x128xf32, #tpu.memory_space<hbm>> -> memref<125x128xf32, #tpu.memory_space<hbm>>
    %dma_start3A_497 = arith.constant 0 : i32
    %dma_start3A_498 = arith.constant 0 : i32
    %dma_start3A_499 = tpu.memref_slice %arg9[%dma_start3A_490, %dma_start3A_497, %dma_start3A_498] : memref<5x125x128xf32, #tpu.memory_space<vmem>> -> memref<1x125x128xf32, #tpu.memory_space<vmem>>
    %dma_start3A_500 = tpu.memref_squeeze %dma_start3A_499 : memref<1x125x128xf32, #tpu.memory_space<vmem>> -> memref<125x128xf32, #tpu.memory_space<vmem>>
    %dma_start3A_501 = arith.constant 0 : i32
    %dma_start3A_502 = tpu.memref_slice %arg2[%add3A_489, %dma_start3A_501] : memref<100000x128xf32, #tpu.memory_space<hbm>> -> memref<125x128xf32, #tpu.memory_space<hbm>>
    tpu.enqueue_dma source(%dma_start3A_502 : memref<125x128xf32, #tpu.memory_space<hbm>>) target(%dma_start3A_500 : memref<125x128xf32, #tpu.memory_space<vmem>>) target_semaphore(%arg18 : memref<!tpu.dma_semaphore, #tpu.memory_space<semaphore_mem>>)
    %dma_wait3A_503 = arith.constant 3 : i32
    %dma_wait3A_504 = arith.constant 0 : i32
    %dma_wait3A_505 = arith.constant 0 : i32
    %dma_wait3A_506 = tpu.memref_slice %arg9[%dma_wait3A_503, %dma_wait3A_504, %dma_wait3A_505] : memref<5x125x128xf32, #tpu.memory_space<vmem>> -> memref<1x125x128xf32, #tpu.memory_space<vmem>>
    %dma_wait3A_507 = tpu.memref_squeeze %dma_wait3A_506 : memref<1x125x128xf32, #tpu.memory_space<vmem>> -> memref<125x128xf32, #tpu.memory_space<vmem>>
    %dma_wait3A_508 = arith.constant 0 : i32
    %dma_wait3A_509 = tpu.memref_slice %arg2[%add3A_427, %dma_wait3A_508] : memref<100000x128xf32, #tpu.memory_space<hbm>> -> memref<125x128xf32, #tpu.memory_space<hbm>>
    %dma_wait3A_510 = arith.constant 0 : i32
    %dma_wait3A_511 = arith.constant 0 : i32
    %dma_wait3A_512 = tpu.memref_slice %arg9[%dma_wait3A_503, %dma_wait3A_510, %dma_wait3A_511] : memref<5x125x128xf32, #tpu.memory_space<vmem>> -> memref<1x125x128xf32, #tpu.memory_space<vmem>>
    %dma_wait3A_513 = tpu.memref_squeeze %dma_wait3A_512 : memref<1x125x128xf32, #tpu.memory_space<vmem>> -> memref<125x128xf32, #tpu.memory_space<vmem>>
    %dma_wait3A_514 = arith.constant 0 : i32
    %dma_wait3A_515 = tpu.memref_slice %arg2[%add3A_427, %dma_wait3A_514] : memref<100000x128xf32, #tpu.memory_space<hbm>> -> memref<125x128xf32, #tpu.memory_space<hbm>>
    tpu.wait_dma2 semaphore(%arg17 : memref<!tpu.dma_semaphore, #tpu.memory_space<semaphore_mem>>) src(%dma_wait3A_515 : memref<125x128xf32, #tpu.memory_space<hbm>>) dst(%dma_wait3A_513 : memref<125x128xf32, #tpu.memory_space<vmem>>)
    %dma_start3A_516 = arith.constant 8 : i32
    %dma_start3A_517 = arith.constant 0 : i32
    %dma_start3A_518 = tpu.memref_slice %arg11[%dma_start3A_517] : memref<128xf32, #tpu.memory_space<vmem>> -> memref<125xf32, #tpu.memory_space<vmem>>
    %dma_start3A_519 = arith.constant 0 : i32
    %dma_start3A_520 = tpu.memref_slice %arg10[%dma_start3A_516, %dma_start3A_519] : memref<25x125xi32, #tpu.memory_space<vmem>> -> memref<1x125xi32, #tpu.memory_space<vmem>>
    %dma_start3A_521 = tpu.memref_squeeze %dma_start3A_520 : memref<1x125xi32, #tpu.memory_space<vmem>> -> memref<125xi32, #tpu.memory_space<vmem>>
    %dma_start3A_522 = arith.constant 0 : i32
    %dma_start3A_523 = tpu.memref_slice %arg13[%dma_start3A_522] : memref<1024xf32, #tpu.memory_space<vmem_shared>> -> memref<1024xf32, #tpu.memory_space<vmem_shared>>
    tpu.enqueue_indirect_dma source(%dma_start3A_518 : memref<125xf32, #tpu.memory_space<vmem>>) target(%dma_start3A_523 : memref<1024xf32, #tpu.memory_space<vmem_shared>>) offsets(%dma_start3A_521 : memref<125xi32, #tpu.memory_space<vmem>>) semaphore(%arg24 : memref<!tpu.dma_semaphore, #tpu.memory_space<semaphore_mem>>) {add = true}
    %dma_start3A_524 = arith.constant 3 : i32
    %dma_start3A_525 = arith.constant 8 : i32
    %dma_start3A_526 = arith.constant 0 : i32
    %dma_start3A_527 = arith.constant 0 : i32
    %dma_start3A_528 = tpu.memref_slice %arg9[%dma_start3A_524, %dma_start3A_526, %dma_start3A_527] : memref<5x125x128xf32, #tpu.memory_space<vmem>> -> memref<1x125x128xf32, #tpu.memory_space<vmem>>
    %dma_start3A_529 = tpu.memref_squeeze %dma_start3A_528 : memref<1x125x128xf32, #tpu.memory_space<vmem>> -> memref<125x128xf32, #tpu.memory_space<vmem>>
    %dma_start3A_530 = arith.constant 0 : i32
    %dma_start3A_531 = tpu.memref_slice %arg10[%dma_start3A_525, %dma_start3A_530] : memref<25x125xi32, #tpu.memory_space<vmem>> -> memref<1x125xi32, #tpu.memory_space<vmem>>
    %dma_start3A_532 = tpu.memref_squeeze %dma_start3A_531 : memref<1x125xi32, #tpu.memory_space<vmem>> -> memref<125xi32, #tpu.memory_space<vmem>>
    %dma_start3A_533 = arith.constant 0 : i32
    %dma_start3A_534 = arith.constant 0 : i32
    %dma_start3A_535 = tpu.memref_slice %arg12[%dma_start3A_533, %dma_start3A_534] : memref<1024x128xf32, #tpu.memory_space<vmem_shared>> -> memref<1024x128xf32, #tpu.memory_space<vmem_shared>>
    tpu.enqueue_indirect_dma source(%dma_start3A_529 : memref<125x128xf32, #tpu.memory_space<vmem>>) target(%dma_start3A_535 : memref<1024x128xf32, #tpu.memory_space<vmem_shared>>) offsets(%dma_start3A_532 : memref<125xi32, #tpu.memory_space<vmem>>) semaphore(%arg22 : memref<!tpu.dma_semaphore, #tpu.memory_space<semaphore_mem>>) {add = true}
    %dma_wait3A_536 = arith.constant 0 : i32
    %dma_wait3A_537 = arith.constant 5 : i32
    %dma_wait3A_538 = arith.constant 0 : i32
    %dma_wait3A_539 = arith.constant 0 : i32
    %dma_wait3A_540 = tpu.memref_slice %arg9[%dma_wait3A_536, %dma_wait3A_538, %dma_wait3A_539] : memref<5x125x128xf32, #tpu.memory_space<vmem>> -> memref<1x125x128xf32, #tpu.memory_space<vmem>>
    %dma_wait3A_541 = tpu.memref_squeeze %dma_wait3A_540 : memref<1x125x128xf32, #tpu.memory_space<vmem>> -> memref<125x128xf32, #tpu.memory_space<vmem>>
    %dma_wait3A_542 = arith.constant 0 : i32
    %dma_wait3A_543 = tpu.memref_slice %arg10[%dma_wait3A_537, %dma_wait3A_542] : memref<25x125xi32, #tpu.memory_space<vmem>> -> memref<1x125xi32, #tpu.memory_space<vmem>>
    %dma_wait3A_544 = tpu.memref_squeeze %dma_wait3A_543 : memref<1x125xi32, #tpu.memory_space<vmem>> -> memref<125xi32, #tpu.memory_space<vmem>>
    %dma_wait3A_545 = arith.constant 0 : i32
    %dma_wait3A_546 = arith.constant 0 : i32
    %dma_wait3A_547 = tpu.memref_slice %arg12[%dma_wait3A_545, %dma_wait3A_546] : memref<1024x128xf32, #tpu.memory_space<vmem_shared>> -> memref<1024x128xf32, #tpu.memory_space<vmem_shared>>
    tpu.wait_indirect_dma semaphore(%arg19 : memref<!tpu.dma_semaphore, #tpu.memory_space<semaphore_mem>>) src(%dma_wait3A_541 : memref<125x128xf32, #tpu.memory_space<vmem>>) dst(%dma_wait3A_547 : memref<1024x128xf32, #tpu.memory_space<vmem_shared>>)
    %mul3A_548 = arith.constant 3125 : i32
    %mul3A_549 = arith.muli %add3A, %mul3A_548 : i32
    %add3A_550 = arith.constant 1250 : i32
    %add3A_551 = arith.addi %mul3A_549, %add3A_550 : i32
    %dma_start3A_552 = arith.constant 0 : i32
    %dma_start3A_553 = arith.constant 0 : i32
    %dma_start3A_554 = arith.constant 0 : i32
    %dma_start3A_555 = tpu.memref_slice %arg9[%dma_start3A_552, %dma_start3A_553, %dma_start3A_554] : memref<5x125x128xf32, #tpu.memory_space<vmem>> -> memref<1x125x128xf32, #tpu.memory_space<vmem>>
    %dma_start3A_556 = tpu.memref_squeeze %dma_start3A_555 : memref<1x125x128xf32, #tpu.memory_space<vmem>> -> memref<125x128xf32, #tpu.memory_space<vmem>>
    %dma_start3A_557 = arith.constant 0 : i32
    %dma_start3A_558 = tpu.memref_slice %arg2[%add3A_551, %dma_start3A_557] : memref<100000x128xf32, #tpu.memory_space<hbm>> -> memref<125x128xf32, #tpu.memory_space<hbm>>
    %dma_start3A_559 = arith.constant 0 : i32
    %dma_start3A_560 = arith.constant 0 : i32
    %dma_start3A_561 = tpu.memref_slice %arg9[%dma_start3A_552, %dma_start3A_559, %dma_start3A_560] : memref<5x125x128xf32, #tpu.memory_space<vmem>> -> memref<1x125x128xf32, #tpu.memory_space<vmem>>
    %dma_start3A_562 = tpu.memref_squeeze %dma_start3A_561 : memref<1x125x128xf32, #tpu.memory_space<vmem>> -> memref<125x128xf32, #tpu.memory_space<vmem>>
    %dma_start3A_563 = arith.constant 0 : i32
    %dma_start3A_564 = tpu.memref_slice %arg2[%add3A_551, %dma_start3A_563] : memref<100000x128xf32, #tpu.memory_space<hbm>> -> memref<125x128xf32, #tpu.memory_space<hbm>>
    tpu.enqueue_dma source(%dma_start3A_564 : memref<125x128xf32, #tpu.memory_space<hbm>>) target(%dma_start3A_562 : memref<125x128xf32, #tpu.memory_space<vmem>>) target_semaphore(%arg14 : memref<!tpu.dma_semaphore, #tpu.memory_space<semaphore_mem>>)
    %dma_wait3A_565 = arith.constant 4 : i32
    %dma_wait3A_566 = arith.constant 0 : i32
    %dma_wait3A_567 = arith.constant 0 : i32
    %dma_wait3A_568 = tpu.memref_slice %arg9[%dma_wait3A_565, %dma_wait3A_566, %dma_wait3A_567] : memref<5x125x128xf32, #tpu.memory_space<vmem>> -> memref<1x125x128xf32, #tpu.memory_space<vmem>>
    %dma_wait3A_569 = tpu.memref_squeeze %dma_wait3A_568 : memref<1x125x128xf32, #tpu.memory_space<vmem>> -> memref<125x128xf32, #tpu.memory_space<vmem>>
    %dma_wait3A_570 = arith.constant 0 : i32
    %dma_wait3A_571 = tpu.memref_slice %arg2[%add3A_489, %dma_wait3A_570] : memref<100000x128xf32, #tpu.memory_space<hbm>> -> memref<125x128xf32, #tpu.memory_space<hbm>>
    %dma_wait3A_572 = arith.constant 0 : i32
    %dma_wait3A_573 = arith.constant 0 : i32
    %dma_wait3A_574 = tpu.memref_slice %arg9[%dma_wait3A_565, %dma_wait3A_572, %dma_wait3A_573] : memref<5x125x128xf32, #tpu.memory_space<vmem>> -> memref<1x125x128xf32, #tpu.memory_space<vmem>>
    %dma_wait3A_575 = tpu.memref_squeeze %dma_wait3A_574 : memref<1x125x128xf32, #tpu.memory_space<vmem>> -> memref<125x128xf32, #tpu.memory_space<vmem>>
    %dma_wait3A_576 = arith.constant 0 : i32
    %dma_wait3A_577 = tpu.memref_slice %arg2[%add3A_489, %dma_wait3A_576] : memref<100000x128xf32, #tpu.memory_space<hbm>> -> memref<125x128xf32, #tpu.memory_space<hbm>>
    tpu.wait_dma2 semaphore(%arg18 : memref<!tpu.dma_semaphore, #tpu.memory_space<semaphore_mem>>) src(%dma_wait3A_577 : memref<125x128xf32, #tpu.memory_space<hbm>>) dst(%dma_wait3A_575 : memref<125x128xf32, #tpu.memory_space<vmem>>)
    %dma_start3A_578 = arith.constant 9 : i32
    %dma_start3A_579 = arith.constant 0 : i32
    %dma_start3A_580 = tpu.memref_slice %arg11[%dma_start3A_579] : memref<128xf32, #tpu.memory_space<vmem>> -> memref<125xf32, #tpu.memory_space<vmem>>
    %dma_start3A_581 = arith.constant 0 : i32
    %dma_start3A_582 = tpu.memref_slice %arg10[%dma_start3A_578, %dma_start3A_581] : memref<25x125xi32, #tpu.memory_space<vmem>> -> memref<1x125xi32, #tpu.memory_space<vmem>>
    %dma_start3A_583 = tpu.memref_squeeze %dma_start3A_582 : memref<1x125xi32, #tpu.memory_space<vmem>> -> memref<125xi32, #tpu.memory_space<vmem>>
    %dma_start3A_584 = arith.constant 0 : i32
    %dma_start3A_585 = tpu.memref_slice %arg13[%dma_start3A_584] : memref<1024xf32, #tpu.memory_space<vmem_shared>> -> memref<1024xf32, #tpu.memory_space<vmem_shared>>
    tpu.enqueue_indirect_dma source(%dma_start3A_580 : memref<125xf32, #tpu.memory_space<vmem>>) target(%dma_start3A_585 : memref<1024xf32, #tpu.memory_space<vmem_shared>>) offsets(%dma_start3A_583 : memref<125xi32, #tpu.memory_space<vmem>>) semaphore(%arg24 : memref<!tpu.dma_semaphore, #tpu.memory_space<semaphore_mem>>) {add = true}
    %dma_start3A_586 = arith.constant 4 : i32
    %dma_start3A_587 = arith.constant 9 : i32
    %dma_start3A_588 = arith.constant 0 : i32
    %dma_start3A_589 = arith.constant 0 : i32
    %dma_start3A_590 = tpu.memref_slice %arg9[%dma_start3A_586, %dma_start3A_588, %dma_start3A_589] : memref<5x125x128xf32, #tpu.memory_space<vmem>> -> memref<1x125x128xf32, #tpu.memory_space<vmem>>
    %dma_start3A_591 = tpu.memref_squeeze %dma_start3A_590 : memref<1x125x128xf32, #tpu.memory_space<vmem>> -> memref<125x128xf32, #tpu.memory_space<vmem>>
    %dma_start3A_592 = arith.constant 0 : i32
    %dma_start3A_593 = tpu.memref_slice %arg10[%dma_start3A_587, %dma_start3A_592] : memref<25x125xi32, #tpu.memory_space<vmem>> -> memref<1x125xi32, #tpu.memory_space<vmem>>
    %dma_start3A_594 = tpu.memref_squeeze %dma_start3A_593 : memref<1x125xi32, #tpu.memory_space<vmem>> -> memref<125xi32, #tpu.memory_space<vmem>>
    %dma_start3A_595 = arith.constant 0 : i32
    %dma_start3A_596 = arith.constant 0 : i32
    %dma_start3A_597 = tpu.memref_slice %arg12[%dma_start3A_595, %dma_start3A_596] : memref<1024x128xf32, #tpu.memory_space<vmem_shared>> -> memref<1024x128xf32, #tpu.memory_space<vmem_shared>>
    tpu.enqueue_indirect_dma source(%dma_start3A_591 : memref<125x128xf32, #tpu.memory_space<vmem>>) target(%dma_start3A_597 : memref<1024x128xf32, #tpu.memory_space<vmem_shared>>) offsets(%dma_start3A_594 : memref<125xi32, #tpu.memory_space<vmem>>) semaphore(%arg23 : memref<!tpu.dma_semaphore, #tpu.memory_space<semaphore_mem>>) {add = true}
    %dma_wait3A_598 = arith.constant 1 : i32
    %dma_wait3A_599 = arith.constant 6 : i32
    %dma_wait3A_600 = arith.constant 0 : i32
    %dma_wait3A_601 = arith.constant 0 : i32
    %dma_wait3A_602 = tpu.memref_slice %arg9[%dma_wait3A_598, %dma_wait3A_600, %dma_wait3A_601] : memref<5x125x128xf32, #tpu.memory_space<vmem>> -> memref<1x125x128xf32, #tpu.memory_space<vmem>>
    %dma_wait3A_603 = tpu.memref_squeeze %dma_wait3A_602 : memref<1x125x128xf32, #tpu.memory_space<vmem>> -> memref<125x128xf32, #tpu.memory_space<vmem>>
    %dma_wait3A_604 = arith.constant 0 : i32
    %dma_wait3A_605 = tpu.memref_slice %arg10[%dma_wait3A_599, %dma_wait3A_604] : memref<25x125xi32, #tpu.memory_space<vmem>> -> memref<1x125xi32, #tpu.memory_space<vmem>>
    %dma_wait3A_606 = tpu.memref_squeeze %dma_wait3A_605 : memref<1x125xi32, #tpu.memory_space<vmem>> -> memref<125xi32, #tpu.memory_space<vmem>>
    %dma_wait3A_607 = arith.constant 0 : i32
    %dma_wait3A_608 = arith.constant 0 : i32
    %dma_wait3A_609 = tpu.memref_slice %arg12[%dma_wait3A_607, %dma_wait3A_608] : memref<1024x128xf32, #tpu.memory_space<vmem_shared>> -> memref<1024x128xf32, #tpu.memory_space<vmem_shared>>
    tpu.wait_indirect_dma semaphore(%arg20 : memref<!tpu.dma_semaphore, #tpu.memory_space<semaphore_mem>>) src(%dma_wait3A_603 : memref<125x128xf32, #tpu.memory_space<vmem>>) dst(%dma_wait3A_609 : memref<1024x128xf32, #tpu.memory_space<vmem_shared>>)
    %mul3A_610 = arith.constant 3125 : i32
    %mul3A_611 = arith.muli %add3A, %mul3A_610 : i32
    %add3A_612 = arith.constant 1375 : i32
    %add3A_613 = arith.addi %mul3A_611, %add3A_612 : i32
    %dma_start3A_614 = arith.constant 1 : i32
    %dma_start3A_615 = arith.constant 0 : i32
    %dma_start3A_616 = arith.constant 0 : i32
    %dma_start3A_617 = tpu.memref_slice %arg9[%dma_start3A_614, %dma_start3A_615, %dma_start3A_616] : memref<5x125x128xf32, #tpu.memory_space<vmem>> -> memref<1x125x128xf32, #tpu.memory_space<vmem>>
    %dma_start3A_618 = tpu.memref_squeeze %dma_start3A_617 : memref<1x125x128xf32, #tpu.memory_space<vmem>> -> memref<125x128xf32, #tpu.memory_space<vmem>>
    %dma_start3A_619 = arith.constant 0 : i32
    %dma_start3A_620 = tpu.memref_slice %arg2[%add3A_613, %dma_start3A_619] : memref<100000x128xf32, #tpu.memory_space<hbm>> -> memref<125x128xf32, #tpu.memory_space<hbm>>
    %dma_start3A_621 = arith.constant 0 : i32
    %dma_start3A_622 = arith.constant 0 : i32
    %dma_start3A_623 = tpu.memref_slice %arg9[%dma_start3A_614, %dma_start3A_621, %dma_start3A_622] : memref<5x125x128xf32, #tpu.memory_space<vmem>> -> memref<1x125x128xf32, #tpu.memory_space<vmem>>
    %dma_start3A_624 = tpu.memref_squeeze %dma_start3A_623 : memref<1x125x128xf32, #tpu.memory_space<vmem>> -> memref<125x128xf32, #tpu.memory_space<vmem>>
    %dma_start3A_625 = arith.constant 0 : i32
    %dma_start3A_626 = tpu.memref_slice %arg2[%add3A_613, %dma_start3A_625] : memref<100000x128xf32, #tpu.memory_space<hbm>> -> memref<125x128xf32, #tpu.memory_space<hbm>>
    tpu.enqueue_dma source(%dma_start3A_626 : memref<125x128xf32, #tpu.memory_space<hbm>>) target(%dma_start3A_624 : memref<125x128xf32, #tpu.memory_space<vmem>>) target_semaphore(%arg15 : memref<!tpu.dma_semaphore, #tpu.memory_space<semaphore_mem>>)
    %dma_wait3A_627 = arith.constant 0 : i32
    %dma_wait3A_628 = arith.constant 0 : i32
    %dma_wait3A_629 = arith.constant 0 : i32
    %dma_wait3A_630 = tpu.memref_slice %arg9[%dma_wait3A_627, %dma_wait3A_628, %dma_wait3A_629] : memref<5x125x128xf32, #tpu.memory_space<vmem>> -> memref<1x125x128xf32, #tpu.memory_space<vmem>>
    %dma_wait3A_631 = tpu.memref_squeeze %dma_wait3A_630 : memref<1x125x128xf32, #tpu.memory_space<vmem>> -> memref<125x128xf32, #tpu.memory_space<vmem>>
    %dma_wait3A_632 = arith.constant 0 : i32
    %dma_wait3A_633 = tpu.memref_slice %arg2[%add3A_551, %dma_wait3A_632] : memref<100000x128xf32, #tpu.memory_space<hbm>> -> memref<125x128xf32, #tpu.memory_space<hbm>>
    %dma_wait3A_634 = arith.constant 0 : i32
    %dma_wait3A_635 = arith.constant 0 : i32
    %dma_wait3A_636 = tpu.memref_slice %arg9[%dma_wait3A_627, %dma_wait3A_634, %dma_wait3A_635] : memref<5x125x128xf32, #tpu.memory_space<vmem>> -> memref<1x125x128xf32, #tpu.memory_space<vmem>>
    %dma_wait3A_637 = tpu.memref_squeeze %dma_wait3A_636 : memref<1x125x128xf32, #tpu.memory_space<vmem>> -> memref<125x128xf32, #tpu.memory_space<vmem>>
    %dma_wait3A_638 = arith.constant 0 : i32
    %dma_wait3A_639 = tpu.memref_slice %arg2[%add3A_551, %dma_wait3A_638] : memref<100000x128xf32, #tpu.memory_space<hbm>> -> memref<125x128xf32, #tpu.memory_space<hbm>>
    tpu.wait_dma2 semaphore(%arg14 : memref<!tpu.dma_semaphore, #tpu.memory_space<semaphore_mem>>) src(%dma_wait3A_639 : memref<125x128xf32, #tpu.memory_space<hbm>>) dst(%dma_wait3A_637 : memref<125x128xf32, #tpu.memory_space<vmem>>)
    %dma_start3A_640 = arith.constant 10 : i32
    %dma_start3A_641 = arith.constant 0 : i32
    %dma_start3A_642 = tpu.memref_slice %arg11[%dma_start3A_641] : memref<128xf32, #tpu.memory_space<vmem>> -> memref<125xf32, #tpu.memory_space<vmem>>
    %dma_start3A_643 = arith.constant 0 : i32
    %dma_start3A_644 = tpu.memref_slice %arg10[%dma_start3A_640, %dma_start3A_643] : memref<25x125xi32, #tpu.memory_space<vmem>> -> memref<1x125xi32, #tpu.memory_space<vmem>>
    %dma_start3A_645 = tpu.memref_squeeze %dma_start3A_644 : memref<1x125xi32, #tpu.memory_space<vmem>> -> memref<125xi32, #tpu.memory_space<vmem>>
    %dma_start3A_646 = arith.constant 0 : i32
    %dma_start3A_647 = tpu.memref_slice %arg13[%dma_start3A_646] : memref<1024xf32, #tpu.memory_space<vmem_shared>> -> memref<1024xf32, #tpu.memory_space<vmem_shared>>
    tpu.enqueue_indirect_dma source(%dma_start3A_642 : memref<125xf32, #tpu.memory_space<vmem>>) target(%dma_start3A_647 : memref<1024xf32, #tpu.memory_space<vmem_shared>>) offsets(%dma_start3A_645 : memref<125xi32, #tpu.memory_space<vmem>>) semaphore(%arg24 : memref<!tpu.dma_semaphore, #tpu.memory_space<semaphore_mem>>) {add = true}
    %dma_start3A_648 = arith.constant 0 : i32
    %dma_start3A_649 = arith.constant 10 : i32
    %dma_start3A_650 = arith.constant 0 : i32
    %dma_start3A_651 = arith.constant 0 : i32
    %dma_start3A_652 = tpu.memref_slice %arg9[%dma_start3A_648, %dma_start3A_650, %dma_start3A_651] : memref<5x125x128xf32, #tpu.memory_space<vmem>> -> memref<1x125x128xf32, #tpu.memory_space<vmem>>
    %dma_start3A_653 = tpu.memref_squeeze %dma_start3A_652 : memref<1x125x128xf32, #tpu.memory_space<vmem>> -> memref<125x128xf32, #tpu.memory_space<vmem>>
    %dma_start3A_654 = arith.constant 0 : i32
    %dma_start3A_655 = tpu.memref_slice %arg10[%dma_start3A_649, %dma_start3A_654] : memref<25x125xi32, #tpu.memory_space<vmem>> -> memref<1x125xi32, #tpu.memory_space<vmem>>
    %dma_start3A_656 = tpu.memref_squeeze %dma_start3A_655 : memref<1x125xi32, #tpu.memory_space<vmem>> -> memref<125xi32, #tpu.memory_space<vmem>>
    %dma_start3A_657 = arith.constant 0 : i32
    %dma_start3A_658 = arith.constant 0 : i32
    %dma_start3A_659 = tpu.memref_slice %arg12[%dma_start3A_657, %dma_start3A_658] : memref<1024x128xf32, #tpu.memory_space<vmem_shared>> -> memref<1024x128xf32, #tpu.memory_space<vmem_shared>>
    tpu.enqueue_indirect_dma source(%dma_start3A_653 : memref<125x128xf32, #tpu.memory_space<vmem>>) target(%dma_start3A_659 : memref<1024x128xf32, #tpu.memory_space<vmem_shared>>) offsets(%dma_start3A_656 : memref<125xi32, #tpu.memory_space<vmem>>) semaphore(%arg19 : memref<!tpu.dma_semaphore, #tpu.memory_space<semaphore_mem>>) {add = true}
    %dma_wait3A_660 = arith.constant 2 : i32
    %dma_wait3A_661 = arith.constant 7 : i32
    %dma_wait3A_662 = arith.constant 0 : i32
    %dma_wait3A_663 = arith.constant 0 : i32
    %dma_wait3A_664 = tpu.memref_slice %arg9[%dma_wait3A_660, %dma_wait3A_662, %dma_wait3A_663] : memref<5x125x128xf32, #tpu.memory_space<vmem>> -> memref<1x125x128xf32, #tpu.memory_space<vmem>>
    %dma_wait3A_665 = tpu.memref_squeeze %dma_wait3A_664 : memref<1x125x128xf32, #tpu.memory_space<vmem>> -> memref<125x128xf32, #tpu.memory_space<vmem>>
    %dma_wait3A_666 = arith.constant 0 : i32
    %dma_wait3A_667 = tpu.memref_slice %arg10[%dma_wait3A_661, %dma_wait3A_666] : memref<25x125xi32, #tpu.memory_space<vmem>> -> memref<1x125xi32, #tpu.memory_space<vmem>>
    %dma_wait3A_668 = tpu.memref_squeeze %dma_wait3A_667 : memref<1x125xi32, #tpu.memory_space<vmem>> -> memref<125xi32, #tpu.memory_space<vmem>>
    %dma_wait3A_669 = arith.constant 0 : i32
    %dma_wait3A_670 = arith.constant 0 : i32
    %dma_wait3A_671 = tpu.memref_slice %arg12[%dma_wait3A_669, %dma_wait3A_670] : memref<1024x128xf32, #tpu.memory_space<vmem_shared>> -> memref<1024x128xf32, #tpu.memory_space<vmem_shared>>
    tpu.wait_indirect_dma semaphore(%arg21 : memref<!tpu.dma_semaphore, #tpu.memory_space<semaphore_mem>>) src(%dma_wait3A_665 : memref<125x128xf32, #tpu.memory_space<vmem>>) dst(%dma_wait3A_671 : memref<1024x128xf32, #tpu.memory_space<vmem_shared>>)
    %mul3A_672 = arith.constant 3125 : i32
    %mul3A_673 = arith.muli %add3A, %mul3A_672 : i32
    %add3A_674 = arith.constant 1500 : i32
    %add3A_675 = arith.addi %mul3A_673, %add3A_674 : i32
    %dma_start3A_676 = arith.constant 2 : i32
    %dma_start3A_677 = arith.constant 0 : i32
    %dma_start3A_678 = arith.constant 0 : i32
    %dma_start3A_679 = tpu.memref_slice %arg9[%dma_start3A_676, %dma_start3A_677, %dma_start3A_678] : memref<5x125x128xf32, #tpu.memory_space<vmem>> -> memref<1x125x128xf32, #tpu.memory_space<vmem>>
    %dma_start3A_680 = tpu.memref_squeeze %dma_start3A_679 : memref<1x125x128xf32, #tpu.memory_space<vmem>> -> memref<125x128xf32, #tpu.memory_space<vmem>>
    %dma_start3A_681 = arith.constant 0 : i32
    %dma_start3A_682 = tpu.memref_slice %arg2[%add3A_675, %dma_start3A_681] : memref<100000x128xf32, #tpu.memory_space<hbm>> -> memref<125x128xf32, #tpu.memory_space<hbm>>
    %dma_start3A_683 = arith.constant 0 : i32
    %dma_start3A_684 = arith.constant 0 : i32
    %dma_start3A_685 = tpu.memref_slice %arg9[%dma_start3A_676, %dma_start3A_683, %dma_start3A_684] : memref<5x125x128xf32, #tpu.memory_space<vmem>> -> memref<1x125x128xf32, #tpu.memory_space<vmem>>
    %dma_start3A_686 = tpu.memref_squeeze %dma_start3A_685 : memref<1x125x128xf32, #tpu.memory_space<vmem>> -> memref<125x128xf32, #tpu.memory_space<vmem>>
    %dma_start3A_687 = arith.constant 0 : i32
    %dma_start3A_688 = tpu.memref_slice %arg2[%add3A_675, %dma_start3A_687] : memref<100000x128xf32, #tpu.memory_space<hbm>> -> memref<125x128xf32, #tpu.memory_space<hbm>>
    tpu.enqueue_dma source(%dma_start3A_688 : memref<125x128xf32, #tpu.memory_space<hbm>>) target(%dma_start3A_686 : memref<125x128xf32, #tpu.memory_space<vmem>>) target_semaphore(%arg16 : memref<!tpu.dma_semaphore, #tpu.memory_space<semaphore_mem>>)
    %dma_wait3A_689 = arith.constant 1 : i32
    %dma_wait3A_690 = arith.constant 0 : i32
    %dma_wait3A_691 = arith.constant 0 : i32
    %dma_wait3A_692 = tpu.memref_slice %arg9[%dma_wait3A_689, %dma_wait3A_690, %dma_wait3A_691] : memref<5x125x128xf32, #tpu.memory_space<vmem>> -> memref<1x125x128xf32, #tpu.memory_space<vmem>>
    %dma_wait3A_693 = tpu.memref_squeeze %dma_wait3A_692 : memref<1x125x128xf32, #tpu.memory_space<vmem>> -> memref<125x128xf32, #tpu.memory_space<vmem>>
    %dma_wait3A_694 = arith.constant 0 : i32
    %dma_wait3A_695 = tpu.memref_slice %arg2[%add3A_613, %dma_wait3A_694] : memref<100000x128xf32, #tpu.memory_space<hbm>> -> memref<125x128xf32, #tpu.memory_space<hbm>>
    %dma_wait3A_696 = arith.constant 0 : i32
    %dma_wait3A_697 = arith.constant 0 : i32
    %dma_wait3A_698 = tpu.memref_slice %arg9[%dma_wait3A_689, %dma_wait3A_696, %dma_wait3A_697] : memref<5x125x128xf32, #tpu.memory_space<vmem>> -> memref<1x125x128xf32, #tpu.memory_space<vmem>>
    %dma_wait3A_699 = tpu.memref_squeeze %dma_wait3A_698 : memref<1x125x128xf32, #tpu.memory_space<vmem>> -> memref<125x128xf32, #tpu.memory_space<vmem>>
    %dma_wait3A_700 = arith.constant 0 : i32
    %dma_wait3A_701 = tpu.memref_slice %arg2[%add3A_613, %dma_wait3A_700] : memref<100000x128xf32, #tpu.memory_space<hbm>> -> memref<125x128xf32, #tpu.memory_space<hbm>>
    tpu.wait_dma2 semaphore(%arg15 : memref<!tpu.dma_semaphore, #tpu.memory_space<semaphore_mem>>) src(%dma_wait3A_701 : memref<125x128xf32, #tpu.memory_space<hbm>>) dst(%dma_wait3A_699 : memref<125x128xf32, #tpu.memory_space<vmem>>)
    %dma_start3A_702 = arith.constant 11 : i32
    %dma_start3A_703 = arith.constant 0 : i32
    %dma_start3A_704 = tpu.memref_slice %arg11[%dma_start3A_703] : memref<128xf32, #tpu.memory_space<vmem>> -> memref<125xf32, #tpu.memory_space<vmem>>
    %dma_start3A_705 = arith.constant 0 : i32
    %dma_start3A_706 = tpu.memref_slice %arg10[%dma_start3A_702, %dma_start3A_705] : memref<25x125xi32, #tpu.memory_space<vmem>> -> memref<1x125xi32, #tpu.memory_space<vmem>>
    %dma_start3A_707 = tpu.memref_squeeze %dma_start3A_706 : memref<1x125xi32, #tpu.memory_space<vmem>> -> memref<125xi32, #tpu.memory_space<vmem>>
    %dma_start3A_708 = arith.constant 0 : i32
    %dma_start3A_709 = tpu.memref_slice %arg13[%dma_start3A_708] : memref<1024xf32, #tpu.memory_space<vmem_shared>> -> memref<1024xf32, #tpu.memory_space<vmem_shared>>
    tpu.enqueue_indirect_dma source(%dma_start3A_704 : memref<125xf32, #tpu.memory_space<vmem>>) target(%dma_start3A_709 : memref<1024xf32, #tpu.memory_space<vmem_shared>>) offsets(%dma_start3A_707 : memref<125xi32, #tpu.memory_space<vmem>>) semaphore(%arg24 : memref<!tpu.dma_semaphore, #tpu.memory_space<semaphore_mem>>) {add = true}
    %dma_start3A_710 = arith.constant 1 : i32
    %dma_start3A_711 = arith.constant 11 : i32
    %dma_start3A_712 = arith.constant 0 : i32
    %dma_start3A_713 = arith.constant 0 : i32
    %dma_start3A_714 = tpu.memref_slice %arg9[%dma_start3A_710, %dma_start3A_712, %dma_start3A_713] : memref<5x125x128xf32, #tpu.memory_space<vmem>> -> memref<1x125x128xf32, #tpu.memory_space<vmem>>
    %dma_start3A_715 = tpu.memref_squeeze %dma_start3A_714 : memref<1x125x128xf32, #tpu.memory_space<vmem>> -> memref<125x128xf32, #tpu.memory_space<vmem>>
    %dma_start3A_716 = arith.constant 0 : i32
    %dma_start3A_717 = tpu.memref_slice %arg10[%dma_start3A_711, %dma_start3A_716] : memref<25x125xi32, #tpu.memory_space<vmem>> -> memref<1x125xi32, #tpu.memory_space<vmem>>
    %dma_start3A_718 = tpu.memref_squeeze %dma_start3A_717 : memref<1x125xi32, #tpu.memory_space<vmem>> -> memref<125xi32, #tpu.memory_space<vmem>>
    %dma_start3A_719 = arith.constant 0 : i32
    %dma_start3A_720 = arith.constant 0 : i32
    %dma_start3A_721 = tpu.memref_slice %arg12[%dma_start3A_719, %dma_start3A_720] : memref<1024x128xf32, #tpu.memory_space<vmem_shared>> -> memref<1024x128xf32, #tpu.memory_space<vmem_shared>>
    tpu.enqueue_indirect_dma source(%dma_start3A_715 : memref<125x128xf32, #tpu.memory_space<vmem>>) target(%dma_start3A_721 : memref<1024x128xf32, #tpu.memory_space<vmem_shared>>) offsets(%dma_start3A_718 : memref<125xi32, #tpu.memory_space<vmem>>) semaphore(%arg20 : memref<!tpu.dma_semaphore, #tpu.memory_space<semaphore_mem>>) {add = true}
    %dma_wait3A_722 = arith.constant 3 : i32
    %dma_wait3A_723 = arith.constant 8 : i32
    %dma_wait3A_724 = arith.constant 0 : i32
    %dma_wait3A_725 = arith.constant 0 : i32
    %dma_wait3A_726 = tpu.memref_slice %arg9[%dma_wait3A_722, %dma_wait3A_724, %dma_wait3A_725] : memref<5x125x128xf32, #tpu.memory_space<vmem>> -> memref<1x125x128xf32, #tpu.memory_space<vmem>>
    %dma_wait3A_727 = tpu.memref_squeeze %dma_wait3A_726 : memref<1x125x128xf32, #tpu.memory_space<vmem>> -> memref<125x128xf32, #tpu.memory_space<vmem>>
    %dma_wait3A_728 = arith.constant 0 : i32
    %dma_wait3A_729 = tpu.memref_slice %arg10[%dma_wait3A_723, %dma_wait3A_728] : memref<25x125xi32, #tpu.memory_space<vmem>> -> memref<1x125xi32, #tpu.memory_space<vmem>>
    %dma_wait3A_730 = tpu.memref_squeeze %dma_wait3A_729 : memref<1x125xi32, #tpu.memory_space<vmem>> -> memref<125xi32, #tpu.memory_space<vmem>>
    %dma_wait3A_731 = arith.constant 0 : i32
    %dma_wait3A_732 = arith.constant 0 : i32
    %dma_wait3A_733 = tpu.memref_slice %arg12[%dma_wait3A_731, %dma_wait3A_732] : memref<1024x128xf32, #tpu.memory_space<vmem_shared>> -> memref<1024x128xf32, #tpu.memory_space<vmem_shared>>
    tpu.wait_indirect_dma semaphore(%arg22 : memref<!tpu.dma_semaphore, #tpu.memory_space<semaphore_mem>>) src(%dma_wait3A_727 : memref<125x128xf32, #tpu.memory_space<vmem>>) dst(%dma_wait3A_733 : memref<1024x128xf32, #tpu.memory_space<vmem_shared>>)
    %mul3A_734 = arith.constant 3125 : i32
    %mul3A_735 = arith.muli %add3A, %mul3A_734 : i32
    %add3A_736 = arith.constant 1625 : i32
    %add3A_737 = arith.addi %mul3A_735, %add3A_736 : i32
    %dma_start3A_738 = arith.constant 3 : i32
    %dma_start3A_739 = arith.constant 0 : i32
    %dma_start3A_740 = arith.constant 0 : i32
    %dma_start3A_741 = tpu.memref_slice %arg9[%dma_start3A_738, %dma_start3A_739, %dma_start3A_740] : memref<5x125x128xf32, #tpu.memory_space<vmem>> -> memref<1x125x128xf32, #tpu.memory_space<vmem>>
    %dma_start3A_742 = tpu.memref_squeeze %dma_start3A_741 : memref<1x125x128xf32, #tpu.memory_space<vmem>> -> memref<125x128xf32, #tpu.memory_space<vmem>>
    %dma_start3A_743 = arith.constant 0 : i32
    %dma_start3A_744 = tpu.memref_slice %arg2[%add3A_737, %dma_start3A_743] : memref<100000x128xf32, #tpu.memory_space<hbm>> -> memref<125x128xf32, #tpu.memory_space<hbm>>
    %dma_start3A_745 = arith.constant 0 : i32
    %dma_start3A_746 = arith.constant 0 : i32
    %dma_start3A_747 = tpu.memref_slice %arg9[%dma_start3A_738, %dma_start3A_745, %dma_start3A_746] : memref<5x125x128xf32, #tpu.memory_space<vmem>> -> memref<1x125x128xf32, #tpu.memory_space<vmem>>
    %dma_start3A_748 = tpu.memref_squeeze %dma_start3A_747 : memref<1x125x128xf32, #tpu.memory_space<vmem>> -> memref<125x128xf32, #tpu.memory_space<vmem>>
    %dma_start3A_749 = arith.constant 0 : i32
    %dma_start3A_750 = tpu.memref_slice %arg2[%add3A_737, %dma_start3A_749] : memref<100000x128xf32, #tpu.memory_space<hbm>> -> memref<125x128xf32, #tpu.memory_space<hbm>>
    tpu.enqueue_dma source(%dma_start3A_750 : memref<125x128xf32, #tpu.memory_space<hbm>>) target(%dma_start3A_748 : memref<125x128xf32, #tpu.memory_space<vmem>>) target_semaphore(%arg17 : memref<!tpu.dma_semaphore, #tpu.memory_space<semaphore_mem>>)
    %dma_wait3A_751 = arith.constant 2 : i32
    %dma_wait3A_752 = arith.constant 0 : i32
    %dma_wait3A_753 = arith.constant 0 : i32
    %dma_wait3A_754 = tpu.memref_slice %arg9[%dma_wait3A_751, %dma_wait3A_752, %dma_wait3A_753] : memref<5x125x128xf32, #tpu.memory_space<vmem>> -> memref<1x125x128xf32, #tpu.memory_space<vmem>>
    %dma_wait3A_755 = tpu.memref_squeeze %dma_wait3A_754 : memref<1x125x128xf32, #tpu.memory_space<vmem>> -> memref<125x128xf32, #tpu.memory_space<vmem>>
    %dma_wait3A_756 = arith.constant 0 : i32
    %dma_wait3A_757 = tpu.memref_slice %arg2[%add3A_675, %dma_wait3A_756] : memref<100000x128xf32, #tpu.memory_space<hbm>> -> memref<125x128xf32, #tpu.memory_space<hbm>>
    %dma_wait3A_758 = arith.constant 0 : i32
    %dma_wait3A_759 = arith.constant 0 : i32
    %dma_wait3A_760 = tpu.memref_slice %arg9[%dma_wait3A_751, %dma_wait3A_758, %dma_wait3A_759] : memref<5x125x128xf32, #tpu.memory_space<vmem>> -> memref<1x125x128xf32, #tpu.memory_space<vmem>>
    %dma_wait3A_761 = tpu.memref_squeeze %dma_wait3A_760 : memref<1x125x128xf32, #tpu.memory_space<vmem>> -> memref<125x128xf32, #tpu.memory_space<vmem>>
    %dma_wait3A_762 = arith.constant 0 : i32
    %dma_wait3A_763 = tpu.memref_slice %arg2[%add3A_675, %dma_wait3A_762] : memref<100000x128xf32, #tpu.memory_space<hbm>> -> memref<125x128xf32, #tpu.memory_space<hbm>>
    tpu.wait_dma2 semaphore(%arg16 : memref<!tpu.dma_semaphore, #tpu.memory_space<semaphore_mem>>) src(%dma_wait3A_763 : memref<125x128xf32, #tpu.memory_space<hbm>>) dst(%dma_wait3A_761 : memref<125x128xf32, #tpu.memory_space<vmem>>)
    %dma_start3A_764 = arith.constant 12 : i32
    %dma_start3A_765 = arith.constant 0 : i32
    %dma_start3A_766 = tpu.memref_slice %arg11[%dma_start3A_765] : memref<128xf32, #tpu.memory_space<vmem>> -> memref<125xf32, #tpu.memory_space<vmem>>
    %dma_start3A_767 = arith.constant 0 : i32
    %dma_start3A_768 = tpu.memref_slice %arg10[%dma_start3A_764, %dma_start3A_767] : memref<25x125xi32, #tpu.memory_space<vmem>> -> memref<1x125xi32, #tpu.memory_space<vmem>>
    %dma_start3A_769 = tpu.memref_squeeze %dma_start3A_768 : memref<1x125xi32, #tpu.memory_space<vmem>> -> memref<125xi32, #tpu.memory_space<vmem>>
    %dma_start3A_770 = arith.constant 0 : i32
    %dma_start3A_771 = tpu.memref_slice %arg13[%dma_start3A_770] : memref<1024xf32, #tpu.memory_space<vmem_shared>> -> memref<1024xf32, #tpu.memory_space<vmem_shared>>
    tpu.enqueue_indirect_dma source(%dma_start3A_766 : memref<125xf32, #tpu.memory_space<vmem>>) target(%dma_start3A_771 : memref<1024xf32, #tpu.memory_space<vmem_shared>>) offsets(%dma_start3A_769 : memref<125xi32, #tpu.memory_space<vmem>>) semaphore(%arg24 : memref<!tpu.dma_semaphore, #tpu.memory_space<semaphore_mem>>) {add = true}
    %dma_start3A_772 = arith.constant 2 : i32
    %dma_start3A_773 = arith.constant 12 : i32
    %dma_start3A_774 = arith.constant 0 : i32
    %dma_start3A_775 = arith.constant 0 : i32
    %dma_start3A_776 = tpu.memref_slice %arg9[%dma_start3A_772, %dma_start3A_774, %dma_start3A_775] : memref<5x125x128xf32, #tpu.memory_space<vmem>> -> memref<1x125x128xf32, #tpu.memory_space<vmem>>
    %dma_start3A_777 = tpu.memref_squeeze %dma_start3A_776 : memref<1x125x128xf32, #tpu.memory_space<vmem>> -> memref<125x128xf32, #tpu.memory_space<vmem>>
    %dma_start3A_778 = arith.constant 0 : i32
    %dma_start3A_779 = tpu.memref_slice %arg10[%dma_start3A_773, %dma_start3A_778] : memref<25x125xi32, #tpu.memory_space<vmem>> -> memref<1x125xi32, #tpu.memory_space<vmem>>
    %dma_start3A_780 = tpu.memref_squeeze %dma_start3A_779 : memref<1x125xi32, #tpu.memory_space<vmem>> -> memref<125xi32, #tpu.memory_space<vmem>>
    %dma_start3A_781 = arith.constant 0 : i32
    %dma_start3A_782 = arith.constant 0 : i32
    %dma_start3A_783 = tpu.memref_slice %arg12[%dma_start3A_781, %dma_start3A_782] : memref<1024x128xf32, #tpu.memory_space<vmem_shared>> -> memref<1024x128xf32, #tpu.memory_space<vmem_shared>>
    tpu.enqueue_indirect_dma source(%dma_start3A_777 : memref<125x128xf32, #tpu.memory_space<vmem>>) target(%dma_start3A_783 : memref<1024x128xf32, #tpu.memory_space<vmem_shared>>) offsets(%dma_start3A_780 : memref<125xi32, #tpu.memory_space<vmem>>) semaphore(%arg21 : memref<!tpu.dma_semaphore, #tpu.memory_space<semaphore_mem>>) {add = true}
    %dma_wait3A_784 = arith.constant 4 : i32
    %dma_wait3A_785 = arith.constant 9 : i32
    %dma_wait3A_786 = arith.constant 0 : i32
    %dma_wait3A_787 = arith.constant 0 : i32
    %dma_wait3A_788 = tpu.memref_slice %arg9[%dma_wait3A_784, %dma_wait3A_786, %dma_wait3A_787] : memref<5x125x128xf32, #tpu.memory_space<vmem>> -> memref<1x125x128xf32, #tpu.memory_space<vmem>>
    %dma_wait3A_789 = tpu.memref_squeeze %dma_wait3A_788 : memref<1x125x128xf32, #tpu.memory_space<vmem>> -> memref<125x128xf32, #tpu.memory_space<vmem>>
    %dma_wait3A_790 = arith.constant 0 : i32
    %dma_wait3A_791 = tpu.memref_slice %arg10[%dma_wait3A_785, %dma_wait3A_790] : memref<25x125xi32, #tpu.memory_space<vmem>> -> memref<1x125xi32, #tpu.memory_space<vmem>>
    %dma_wait3A_792 = tpu.memref_squeeze %dma_wait3A_791 : memref<1x125xi32, #tpu.memory_space<vmem>> -> memref<125xi32, #tpu.memory_space<vmem>>
    %dma_wait3A_793 = arith.constant 0 : i32
    %dma_wait3A_794 = arith.constant 0 : i32
    %dma_wait3A_795 = tpu.memref_slice %arg12[%dma_wait3A_793, %dma_wait3A_794] : memref<1024x128xf32, #tpu.memory_space<vmem_shared>> -> memref<1024x128xf32, #tpu.memory_space<vmem_shared>>
    tpu.wait_indirect_dma semaphore(%arg23 : memref<!tpu.dma_semaphore, #tpu.memory_space<semaphore_mem>>) src(%dma_wait3A_789 : memref<125x128xf32, #tpu.memory_space<vmem>>) dst(%dma_wait3A_795 : memref<1024x128xf32, #tpu.memory_space<vmem_shared>>)
    %mul3A_796 = arith.constant 3125 : i32
    %mul3A_797 = arith.muli %add3A, %mul3A_796 : i32
    %add3A_798 = arith.constant 1750 : i32
    %add3A_799 = arith.addi %mul3A_797, %add3A_798 : i32
    %dma_start3A_800 = arith.constant 4 : i32
    %dma_start3A_801 = arith.constant 0 : i32
    %dma_start3A_802 = arith.constant 0 : i32
    %dma_start3A_803 = tpu.memref_slice %arg9[%dma_start3A_800, %dma_start3A_801, %dma_start3A_802] : memref<5x125x128xf32, #tpu.memory_space<vmem>> -> memref<1x125x128xf32, #tpu.memory_space<vmem>>
    %dma_start3A_804 = tpu.memref_squeeze %dma_start3A_803 : memref<1x125x128xf32, #tpu.memory_space<vmem>> -> memref<125x128xf32, #tpu.memory_space<vmem>>
    %dma_start3A_805 = arith.constant 0 : i32
    %dma_start3A_806 = tpu.memref_slice %arg2[%add3A_799, %dma_start3A_805] : memref<100000x128xf32, #tpu.memory_space<hbm>> -> memref<125x128xf32, #tpu.memory_space<hbm>>
    %dma_start3A_807 = arith.constant 0 : i32
    %dma_start3A_808 = arith.constant 0 : i32
    %dma_start3A_809 = tpu.memref_slice %arg9[%dma_start3A_800, %dma_start3A_807, %dma_start3A_808] : memref<5x125x128xf32, #tpu.memory_space<vmem>> -> memref<1x125x128xf32, #tpu.memory_space<vmem>>
    %dma_start3A_810 = tpu.memref_squeeze %dma_start3A_809 : memref<1x125x128xf32, #tpu.memory_space<vmem>> -> memref<125x128xf32, #tpu.memory_space<vmem>>
    %dma_start3A_811 = arith.constant 0 : i32
    %dma_start3A_812 = tpu.memref_slice %arg2[%add3A_799, %dma_start3A_811] : memref<100000x128xf32, #tpu.memory_space<hbm>> -> memref<125x128xf32, #tpu.memory_space<hbm>>
    tpu.enqueue_dma source(%dma_start3A_812 : memref<125x128xf32, #tpu.memory_space<hbm>>) target(%dma_start3A_810 : memref<125x128xf32, #tpu.memory_space<vmem>>) target_semaphore(%arg18 : memref<!tpu.dma_semaphore, #tpu.memory_space<semaphore_mem>>)
    %dma_wait3A_813 = arith.constant 3 : i32
    %dma_wait3A_814 = arith.constant 0 : i32
    %dma_wait3A_815 = arith.constant 0 : i32
    %dma_wait3A_816 = tpu.memref_slice %arg9[%dma_wait3A_813, %dma_wait3A_814, %dma_wait3A_815] : memref<5x125x128xf32, #tpu.memory_space<vmem>> -> memref<1x125x128xf32, #tpu.memory_space<vmem>>
    %dma_wait3A_817 = tpu.memref_squeeze %dma_wait3A_816 : memref<1x125x128xf32, #tpu.memory_space<vmem>> -> memref<125x128xf32, #tpu.memory_space<vmem>>
    %dma_wait3A_818 = arith.constant 0 : i32
    %dma_wait3A_819 = tpu.memref_slice %arg2[%add3A_737, %dma_wait3A_818] : memref<100000x128xf32, #tpu.memory_space<hbm>> -> memref<125x128xf32, #tpu.memory_space<hbm>>
    %dma_wait3A_820 = arith.constant 0 : i32
    %dma_wait3A_821 = arith.constant 0 : i32
    %dma_wait3A_822 = tpu.memref_slice %arg9[%dma_wait3A_813, %dma_wait3A_820, %dma_wait3A_821] : memref<5x125x128xf32, #tpu.memory_space<vmem>> -> memref<1x125x128xf32, #tpu.memory_space<vmem>>
    %dma_wait3A_823 = tpu.memref_squeeze %dma_wait3A_822 : memref<1x125x128xf32, #tpu.memory_space<vmem>> -> memref<125x128xf32, #tpu.memory_space<vmem>>
    %dma_wait3A_824 = arith.constant 0 : i32
    %dma_wait3A_825 = tpu.memref_slice %arg2[%add3A_737, %dma_wait3A_824] : memref<100000x128xf32, #tpu.memory_space<hbm>> -> memref<125x128xf32, #tpu.memory_space<hbm>>
    tpu.wait_dma2 semaphore(%arg17 : memref<!tpu.dma_semaphore, #tpu.memory_space<semaphore_mem>>) src(%dma_wait3A_825 : memref<125x128xf32, #tpu.memory_space<hbm>>) dst(%dma_wait3A_823 : memref<125x128xf32, #tpu.memory_space<vmem>>)
    %dma_start3A_826 = arith.constant 13 : i32
    %dma_start3A_827 = arith.constant 0 : i32
    %dma_start3A_828 = tpu.memref_slice %arg11[%dma_start3A_827] : memref<128xf32, #tpu.memory_space<vmem>> -> memref<125xf32, #tpu.memory_space<vmem>>
    %dma_start3A_829 = arith.constant 0 : i32
    %dma_start3A_830 = tpu.memref_slice %arg10[%dma_start3A_826, %dma_start3A_829] : memref<25x125xi32, #tpu.memory_space<vmem>> -> memref<1x125xi32, #tpu.memory_space<vmem>>
    %dma_start3A_831 = tpu.memref_squeeze %dma_start3A_830 : memref<1x125xi32, #tpu.memory_space<vmem>> -> memref<125xi32, #tpu.memory_space<vmem>>
    %dma_start3A_832 = arith.constant 0 : i32
    %dma_start3A_833 = tpu.memref_slice %arg13[%dma_start3A_832] : memref<1024xf32, #tpu.memory_space<vmem_shared>> -> memref<1024xf32, #tpu.memory_space<vmem_shared>>
    tpu.enqueue_indirect_dma source(%dma_start3A_828 : memref<125xf32, #tpu.memory_space<vmem>>) target(%dma_start3A_833 : memref<1024xf32, #tpu.memory_space<vmem_shared>>) offsets(%dma_start3A_831 : memref<125xi32, #tpu.memory_space<vmem>>) semaphore(%arg24 : memref<!tpu.dma_semaphore, #tpu.memory_space<semaphore_mem>>) {add = true}
    %dma_start3A_834 = arith.constant 3 : i32
    %dma_start3A_835 = arith.constant 13 : i32
    %dma_start3A_836 = arith.constant 0 : i32
    %dma_start3A_837 = arith.constant 0 : i32
    %dma_start3A_838 = tpu.memref_slice %arg9[%dma_start3A_834, %dma_start3A_836, %dma_start3A_837] : memref<5x125x128xf32, #tpu.memory_space<vmem>> -> memref<1x125x128xf32, #tpu.memory_space<vmem>>
    %dma_start3A_839 = tpu.memref_squeeze %dma_start3A_838 : memref<1x125x128xf32, #tpu.memory_space<vmem>> -> memref<125x128xf32, #tpu.memory_space<vmem>>
    %dma_start3A_840 = arith.constant 0 : i32
    %dma_start3A_841 = tpu.memref_slice %arg10[%dma_start3A_835, %dma_start3A_840] : memref<25x125xi32, #tpu.memory_space<vmem>> -> memref<1x125xi32, #tpu.memory_space<vmem>>
    %dma_start3A_842 = tpu.memref_squeeze %dma_start3A_841 : memref<1x125xi32, #tpu.memory_space<vmem>> -> memref<125xi32, #tpu.memory_space<vmem>>
    %dma_start3A_843 = arith.constant 0 : i32
    %dma_start3A_844 = arith.constant 0 : i32
    %dma_start3A_845 = tpu.memref_slice %arg12[%dma_start3A_843, %dma_start3A_844] : memref<1024x128xf32, #tpu.memory_space<vmem_shared>> -> memref<1024x128xf32, #tpu.memory_space<vmem_shared>>
    tpu.enqueue_indirect_dma source(%dma_start3A_839 : memref<125x128xf32, #tpu.memory_space<vmem>>) target(%dma_start3A_845 : memref<1024x128xf32, #tpu.memory_space<vmem_shared>>) offsets(%dma_start3A_842 : memref<125xi32, #tpu.memory_space<vmem>>) semaphore(%arg22 : memref<!tpu.dma_semaphore, #tpu.memory_space<semaphore_mem>>) {add = true}
    %dma_wait3A_846 = arith.constant 0 : i32
    %dma_wait3A_847 = arith.constant 10 : i32
    %dma_wait3A_848 = arith.constant 0 : i32
    %dma_wait3A_849 = arith.constant 0 : i32
    %dma_wait3A_850 = tpu.memref_slice %arg9[%dma_wait3A_846, %dma_wait3A_848, %dma_wait3A_849] : memref<5x125x128xf32, #tpu.memory_space<vmem>> -> memref<1x125x128xf32, #tpu.memory_space<vmem>>
    %dma_wait3A_851 = tpu.memref_squeeze %dma_wait3A_850 : memref<1x125x128xf32, #tpu.memory_space<vmem>> -> memref<125x128xf32, #tpu.memory_space<vmem>>
    %dma_wait3A_852 = arith.constant 0 : i32
    %dma_wait3A_853 = tpu.memref_slice %arg10[%dma_wait3A_847, %dma_wait3A_852] : memref<25x125xi32, #tpu.memory_space<vmem>> -> memref<1x125xi32, #tpu.memory_space<vmem>>
    %dma_wait3A_854 = tpu.memref_squeeze %dma_wait3A_853 : memref<1x125xi32, #tpu.memory_space<vmem>> -> memref<125xi32, #tpu.memory_space<vmem>>
    %dma_wait3A_855 = arith.constant 0 : i32
    %dma_wait3A_856 = arith.constant 0 : i32
    %dma_wait3A_857 = tpu.memref_slice %arg12[%dma_wait3A_855, %dma_wait3A_856] : memref<1024x128xf32, #tpu.memory_space<vmem_shared>> -> memref<1024x128xf32, #tpu.memory_space<vmem_shared>>
    tpu.wait_indirect_dma semaphore(%arg19 : memref<!tpu.dma_semaphore, #tpu.memory_space<semaphore_mem>>) src(%dma_wait3A_851 : memref<125x128xf32, #tpu.memory_space<vmem>>) dst(%dma_wait3A_857 : memref<1024x128xf32, #tpu.memory_space<vmem_shared>>)
    %mul3A_858 = arith.constant 3125 : i32
    %mul3A_859 = arith.muli %add3A, %mul3A_858 : i32
    %add3A_860 = arith.constant 1875 : i32
    %add3A_861 = arith.addi %mul3A_859, %add3A_860 : i32
    %dma_start3A_862 = arith.constant 0 : i32
    %dma_start3A_863 = arith.constant 0 : i32
    %dma_start3A_864 = arith.constant 0 : i32
    %dma_start3A_865 = tpu.memref_slice %arg9[%dma_start3A_862, %dma_start3A_863, %dma_start3A_864] : memref<5x125x128xf32, #tpu.memory_space<vmem>> -> memref<1x125x128xf32, #tpu.memory_space<vmem>>
    %dma_start3A_866 = tpu.memref_squeeze %dma_start3A_865 : memref<1x125x128xf32, #tpu.memory_space<vmem>> -> memref<125x128xf32, #tpu.memory_space<vmem>>
    %dma_start3A_867 = arith.constant 0 : i32
    %dma_start3A_868 = tpu.memref_slice %arg2[%add3A_861, %dma_start3A_867] : memref<100000x128xf32, #tpu.memory_space<hbm>> -> memref<125x128xf32, #tpu.memory_space<hbm>>
    %dma_start3A_869 = arith.constant 0 : i32
    %dma_start3A_870 = arith.constant 0 : i32
    %dma_start3A_871 = tpu.memref_slice %arg9[%dma_start3A_862, %dma_start3A_869, %dma_start3A_870] : memref<5x125x128xf32, #tpu.memory_space<vmem>> -> memref<1x125x128xf32, #tpu.memory_space<vmem>>
    %dma_start3A_872 = tpu.memref_squeeze %dma_start3A_871 : memref<1x125x128xf32, #tpu.memory_space<vmem>> -> memref<125x128xf32, #tpu.memory_space<vmem>>
    %dma_start3A_873 = arith.constant 0 : i32
    %dma_start3A_874 = tpu.memref_slice %arg2[%add3A_861, %dma_start3A_873] : memref<100000x128xf32, #tpu.memory_space<hbm>> -> memref<125x128xf32, #tpu.memory_space<hbm>>
    tpu.enqueue_dma source(%dma_start3A_874 : memref<125x128xf32, #tpu.memory_space<hbm>>) target(%dma_start3A_872 : memref<125x128xf32, #tpu.memory_space<vmem>>) target_semaphore(%arg14 : memref<!tpu.dma_semaphore, #tpu.memory_space<semaphore_mem>>)
    %dma_wait3A_875 = arith.constant 4 : i32
    %dma_wait3A_876 = arith.constant 0 : i32
    %dma_wait3A_877 = arith.constant 0 : i32
    %dma_wait3A_878 = tpu.memref_slice %arg9[%dma_wait3A_875, %dma_wait3A_876, %dma_wait3A_877] : memref<5x125x128xf32, #tpu.memory_space<vmem>> -> memref<1x125x128xf32, #tpu.memory_space<vmem>>
    %dma_wait3A_879 = tpu.memref_squeeze %dma_wait3A_878 : memref<1x125x128xf32, #tpu.memory_space<vmem>> -> memref<125x128xf32, #tpu.memory_space<vmem>>
    %dma_wait3A_880 = arith.constant 0 : i32
    %dma_wait3A_881 = tpu.memref_slice %arg2[%add3A_799, %dma_wait3A_880] : memref<100000x128xf32, #tpu.memory_space<hbm>> -> memref<125x128xf32, #tpu.memory_space<hbm>>
    %dma_wait3A_882 = arith.constant 0 : i32
    %dma_wait3A_883 = arith.constant 0 : i32
    %dma_wait3A_884 = tpu.memref_slice %arg9[%dma_wait3A_875, %dma_wait3A_882, %dma_wait3A_883] : memref<5x125x128xf32, #tpu.memory_space<vmem>> -> memref<1x125x128xf32, #tpu.memory_space<vmem>>
    %dma_wait3A_885 = tpu.memref_squeeze %dma_wait3A_884 : memref<1x125x128xf32, #tpu.memory_space<vmem>> -> memref<125x128xf32, #tpu.memory_space<vmem>>
    %dma_wait3A_886 = arith.constant 0 : i32
    %dma_wait3A_887 = tpu.memref_slice %arg2[%add3A_799, %dma_wait3A_886] : memref<100000x128xf32, #tpu.memory_space<hbm>> -> memref<125x128xf32, #tpu.memory_space<hbm>>
    tpu.wait_dma2 semaphore(%arg18 : memref<!tpu.dma_semaphore, #tpu.memory_space<semaphore_mem>>) src(%dma_wait3A_887 : memref<125x128xf32, #tpu.memory_space<hbm>>) dst(%dma_wait3A_885 : memref<125x128xf32, #tpu.memory_space<vmem>>)
    %dma_start3A_888 = arith.constant 14 : i32
    %dma_start3A_889 = arith.constant 0 : i32
    %dma_start3A_890 = tpu.memref_slice %arg11[%dma_start3A_889] : memref<128xf32, #tpu.memory_space<vmem>> -> memref<125xf32, #tpu.memory_space<vmem>>
    %dma_start3A_891 = arith.constant 0 : i32
    %dma_start3A_892 = tpu.memref_slice %arg10[%dma_start3A_888, %dma_start3A_891] : memref<25x125xi32, #tpu.memory_space<vmem>> -> memref<1x125xi32, #tpu.memory_space<vmem>>
    %dma_start3A_893 = tpu.memref_squeeze %dma_start3A_892 : memref<1x125xi32, #tpu.memory_space<vmem>> -> memref<125xi32, #tpu.memory_space<vmem>>
    %dma_start3A_894 = arith.constant 0 : i32
    %dma_start3A_895 = tpu.memref_slice %arg13[%dma_start3A_894] : memref<1024xf32, #tpu.memory_space<vmem_shared>> -> memref<1024xf32, #tpu.memory_space<vmem_shared>>
    tpu.enqueue_indirect_dma source(%dma_start3A_890 : memref<125xf32, #tpu.memory_space<vmem>>) target(%dma_start3A_895 : memref<1024xf32, #tpu.memory_space<vmem_shared>>) offsets(%dma_start3A_893 : memref<125xi32, #tpu.memory_space<vmem>>) semaphore(%arg24 : memref<!tpu.dma_semaphore, #tpu.memory_space<semaphore_mem>>) {add = true}
    %dma_start3A_896 = arith.constant 4 : i32
    %dma_start3A_897 = arith.constant 14 : i32
    %dma_start3A_898 = arith.constant 0 : i32
    %dma_start3A_899 = arith.constant 0 : i32
    %dma_start3A_900 = tpu.memref_slice %arg9[%dma_start3A_896, %dma_start3A_898, %dma_start3A_899] : memref<5x125x128xf32, #tpu.memory_space<vmem>> -> memref<1x125x128xf32, #tpu.memory_space<vmem>>
    %dma_start3A_901 = tpu.memref_squeeze %dma_start3A_900 : memref<1x125x128xf32, #tpu.memory_space<vmem>> -> memref<125x128xf32, #tpu.memory_space<vmem>>
    %dma_start3A_902 = arith.constant 0 : i32
    %dma_start3A_903 = tpu.memref_slice %arg10[%dma_start3A_897, %dma_start3A_902] : memref<25x125xi32, #tpu.memory_space<vmem>> -> memref<1x125xi32, #tpu.memory_space<vmem>>
    %dma_start3A_904 = tpu.memref_squeeze %dma_start3A_903 : memref<1x125xi32, #tpu.memory_space<vmem>> -> memref<125xi32, #tpu.memory_space<vmem>>
    %dma_start3A_905 = arith.constant 0 : i32
    %dma_start3A_906 = arith.constant 0 : i32
    %dma_start3A_907 = tpu.memref_slice %arg12[%dma_start3A_905, %dma_start3A_906] : memref<1024x128xf32, #tpu.memory_space<vmem_shared>> -> memref<1024x128xf32, #tpu.memory_space<vmem_shared>>
    tpu.enqueue_indirect_dma source(%dma_start3A_901 : memref<125x128xf32, #tpu.memory_space<vmem>>) target(%dma_start3A_907 : memref<1024x128xf32, #tpu.memory_space<vmem_shared>>) offsets(%dma_start3A_904 : memref<125xi32, #tpu.memory_space<vmem>>) semaphore(%arg23 : memref<!tpu.dma_semaphore, #tpu.memory_space<semaphore_mem>>) {add = true}
    %dma_wait3A_908 = arith.constant 1 : i32
    %dma_wait3A_909 = arith.constant 11 : i32
    %dma_wait3A_910 = arith.constant 0 : i32
    %dma_wait3A_911 = arith.constant 0 : i32
    %dma_wait3A_912 = tpu.memref_slice %arg9[%dma_wait3A_908, %dma_wait3A_910, %dma_wait3A_911] : memref<5x125x128xf32, #tpu.memory_space<vmem>> -> memref<1x125x128xf32, #tpu.memory_space<vmem>>
    %dma_wait3A_913 = tpu.memref_squeeze %dma_wait3A_912 : memref<1x125x128xf32, #tpu.memory_space<vmem>> -> memref<125x128xf32, #tpu.memory_space<vmem>>
    %dma_wait3A_914 = arith.constant 0 : i32
    %dma_wait3A_915 = tpu.memref_slice %arg10[%dma_wait3A_909, %dma_wait3A_914] : memref<25x125xi32, #tpu.memory_space<vmem>> -> memref<1x125xi32, #tpu.memory_space<vmem>>
    %dma_wait3A_916 = tpu.memref_squeeze %dma_wait3A_915 : memref<1x125xi32, #tpu.memory_space<vmem>> -> memref<125xi32, #tpu.memory_space<vmem>>
    %dma_wait3A_917 = arith.constant 0 : i32
    %dma_wait3A_918 = arith.constant 0 : i32
    %dma_wait3A_919 = tpu.memref_slice %arg12[%dma_wait3A_917, %dma_wait3A_918] : memref<1024x128xf32, #tpu.memory_space<vmem_shared>> -> memref<1024x128xf32, #tpu.memory_space<vmem_shared>>
    tpu.wait_indirect_dma semaphore(%arg20 : memref<!tpu.dma_semaphore, #tpu.memory_space<semaphore_mem>>) src(%dma_wait3A_913 : memref<125x128xf32, #tpu.memory_space<vmem>>) dst(%dma_wait3A_919 : memref<1024x128xf32, #tpu.memory_space<vmem_shared>>)
    %mul3A_920 = arith.constant 3125 : i32
    %mul3A_921 = arith.muli %add3A, %mul3A_920 : i32
    %add3A_922 = arith.constant 2000 : i32
    %add3A_923 = arith.addi %mul3A_921, %add3A_922 : i32
    %dma_start3A_924 = arith.constant 1 : i32
    %dma_start3A_925 = arith.constant 0 : i32
    %dma_start3A_926 = arith.constant 0 : i32
    %dma_start3A_927 = tpu.memref_slice %arg9[%dma_start3A_924, %dma_start3A_925, %dma_start3A_926] : memref<5x125x128xf32, #tpu.memory_space<vmem>> -> memref<1x125x128xf32, #tpu.memory_space<vmem>>
    %dma_start3A_928 = tpu.memref_squeeze %dma_start3A_927 : memref<1x125x128xf32, #tpu.memory_space<vmem>> -> memref<125x128xf32, #tpu.memory_space<vmem>>
    %dma_start3A_929 = arith.constant 0 : i32
    %dma_start3A_930 = tpu.memref_slice %arg2[%add3A_923, %dma_start3A_929] : memref<100000x128xf32, #tpu.memory_space<hbm>> -> memref<125x128xf32, #tpu.memory_space<hbm>>
    %dma_start3A_931 = arith.constant 0 : i32
    %dma_start3A_932 = arith.constant 0 : i32
    %dma_start3A_933 = tpu.memref_slice %arg9[%dma_start3A_924, %dma_start3A_931, %dma_start3A_932] : memref<5x125x128xf32, #tpu.memory_space<vmem>> -> memref<1x125x128xf32, #tpu.memory_space<vmem>>
    %dma_start3A_934 = tpu.memref_squeeze %dma_start3A_933 : memref<1x125x128xf32, #tpu.memory_space<vmem>> -> memref<125x128xf32, #tpu.memory_space<vmem>>
    %dma_start3A_935 = arith.constant 0 : i32
    %dma_start3A_936 = tpu.memref_slice %arg2[%add3A_923, %dma_start3A_935] : memref<100000x128xf32, #tpu.memory_space<hbm>> -> memref<125x128xf32, #tpu.memory_space<hbm>>
    tpu.enqueue_dma source(%dma_start3A_936 : memref<125x128xf32, #tpu.memory_space<hbm>>) target(%dma_start3A_934 : memref<125x128xf32, #tpu.memory_space<vmem>>) target_semaphore(%arg15 : memref<!tpu.dma_semaphore, #tpu.memory_space<semaphore_mem>>)
    %dma_wait3A_937 = arith.constant 0 : i32
    %dma_wait3A_938 = arith.constant 0 : i32
    %dma_wait3A_939 = arith.constant 0 : i32
    %dma_wait3A_940 = tpu.memref_slice %arg9[%dma_wait3A_937, %dma_wait3A_938, %dma_wait3A_939] : memref<5x125x128xf32, #tpu.memory_space<vmem>> -> memref<1x125x128xf32, #tpu.memory_space<vmem>>
    %dma_wait3A_941 = tpu.memref_squeeze %dma_wait3A_940 : memref<1x125x128xf32, #tpu.memory_space<vmem>> -> memref<125x128xf32, #tpu.memory_space<vmem>>
    %dma_wait3A_942 = arith.constant 0 : i32
    %dma_wait3A_943 = tpu.memref_slice %arg2[%add3A_861, %dma_wait3A_942] : memref<100000x128xf32, #tpu.memory_space<hbm>> -> memref<125x128xf32, #tpu.memory_space<hbm>>
    %dma_wait3A_944 = arith.constant 0 : i32
    %dma_wait3A_945 = arith.constant 0 : i32
    %dma_wait3A_946 = tpu.memref_slice %arg9[%dma_wait3A_937, %dma_wait3A_944, %dma_wait3A_945] : memref<5x125x128xf32, #tpu.memory_space<vmem>> -> memref<1x125x128xf32, #tpu.memory_space<vmem>>
    %dma_wait3A_947 = tpu.memref_squeeze %dma_wait3A_946 : memref<1x125x128xf32, #tpu.memory_space<vmem>> -> memref<125x128xf32, #tpu.memory_space<vmem>>
    %dma_wait3A_948 = arith.constant 0 : i32
    %dma_wait3A_949 = tpu.memref_slice %arg2[%add3A_861, %dma_wait3A_948] : memref<100000x128xf32, #tpu.memory_space<hbm>> -> memref<125x128xf32, #tpu.memory_space<hbm>>
    tpu.wait_dma2 semaphore(%arg14 : memref<!tpu.dma_semaphore, #tpu.memory_space<semaphore_mem>>) src(%dma_wait3A_949 : memref<125x128xf32, #tpu.memory_space<hbm>>) dst(%dma_wait3A_947 : memref<125x128xf32, #tpu.memory_space<vmem>>)
    %dma_start3A_950 = arith.constant 15 : i32
    %dma_start3A_951 = arith.constant 0 : i32
    %dma_start3A_952 = tpu.memref_slice %arg11[%dma_start3A_951] : memref<128xf32, #tpu.memory_space<vmem>> -> memref<125xf32, #tpu.memory_space<vmem>>
    %dma_start3A_953 = arith.constant 0 : i32
    %dma_start3A_954 = tpu.memref_slice %arg10[%dma_start3A_950, %dma_start3A_953] : memref<25x125xi32, #tpu.memory_space<vmem>> -> memref<1x125xi32, #tpu.memory_space<vmem>>
    %dma_start3A_955 = tpu.memref_squeeze %dma_start3A_954 : memref<1x125xi32, #tpu.memory_space<vmem>> -> memref<125xi32, #tpu.memory_space<vmem>>
    %dma_start3A_956 = arith.constant 0 : i32
    %dma_start3A_957 = tpu.memref_slice %arg13[%dma_start3A_956] : memref<1024xf32, #tpu.memory_space<vmem_shared>> -> memref<1024xf32, #tpu.memory_space<vmem_shared>>
    tpu.enqueue_indirect_dma source(%dma_start3A_952 : memref<125xf32, #tpu.memory_space<vmem>>) target(%dma_start3A_957 : memref<1024xf32, #tpu.memory_space<vmem_shared>>) offsets(%dma_start3A_955 : memref<125xi32, #tpu.memory_space<vmem>>) semaphore(%arg24 : memref<!tpu.dma_semaphore, #tpu.memory_space<semaphore_mem>>) {add = true}
    %dma_start3A_958 = arith.constant 0 : i32
    %dma_start3A_959 = arith.constant 15 : i32
    %dma_start3A_960 = arith.constant 0 : i32
    %dma_start3A_961 = arith.constant 0 : i32
    %dma_start3A_962 = tpu.memref_slice %arg9[%dma_start3A_958, %dma_start3A_960, %dma_start3A_961] : memref<5x125x128xf32, #tpu.memory_space<vmem>> -> memref<1x125x128xf32, #tpu.memory_space<vmem>>
    %dma_start3A_963 = tpu.memref_squeeze %dma_start3A_962 : memref<1x125x128xf32, #tpu.memory_space<vmem>> -> memref<125x128xf32, #tpu.memory_space<vmem>>
    %dma_start3A_964 = arith.constant 0 : i32
    %dma_start3A_965 = tpu.memref_slice %arg10[%dma_start3A_959, %dma_start3A_964] : memref<25x125xi32, #tpu.memory_space<vmem>> -> memref<1x125xi32, #tpu.memory_space<vmem>>
    %dma_start3A_966 = tpu.memref_squeeze %dma_start3A_965 : memref<1x125xi32, #tpu.memory_space<vmem>> -> memref<125xi32, #tpu.memory_space<vmem>>
    %dma_start3A_967 = arith.constant 0 : i32
    %dma_start3A_968 = arith.constant 0 : i32
    %dma_start3A_969 = tpu.memref_slice %arg12[%dma_start3A_967, %dma_start3A_968] : memref<1024x128xf32, #tpu.memory_space<vmem_shared>> -> memref<1024x128xf32, #tpu.memory_space<vmem_shared>>
    tpu.enqueue_indirect_dma source(%dma_start3A_963 : memref<125x128xf32, #tpu.memory_space<vmem>>) target(%dma_start3A_969 : memref<1024x128xf32, #tpu.memory_space<vmem_shared>>) offsets(%dma_start3A_966 : memref<125xi32, #tpu.memory_space<vmem>>) semaphore(%arg19 : memref<!tpu.dma_semaphore, #tpu.memory_space<semaphore_mem>>) {add = true}
    %dma_wait3A_970 = arith.constant 2 : i32
    %dma_wait3A_971 = arith.constant 12 : i32
    %dma_wait3A_972 = arith.constant 0 : i32
    %dma_wait3A_973 = arith.constant 0 : i32
    %dma_wait3A_974 = tpu.memref_slice %arg9[%dma_wait3A_970, %dma_wait3A_972, %dma_wait3A_973] : memref<5x125x128xf32, #tpu.memory_space<vmem>> -> memref<1x125x128xf32, #tpu.memory_space<vmem>>
    %dma_wait3A_975 = tpu.memref_squeeze %dma_wait3A_974 : memref<1x125x128xf32, #tpu.memory_space<vmem>> -> memref<125x128xf32, #tpu.memory_space<vmem>>
    %dma_wait3A_976 = arith.constant 0 : i32
    %dma_wait3A_977 = tpu.memref_slice %arg10[%dma_wait3A_971, %dma_wait3A_976] : memref<25x125xi32, #tpu.memory_space<vmem>> -> memref<1x125xi32, #tpu.memory_space<vmem>>
    %dma_wait3A_978 = tpu.memref_squeeze %dma_wait3A_977 : memref<1x125xi32, #tpu.memory_space<vmem>> -> memref<125xi32, #tpu.memory_space<vmem>>
    %dma_wait3A_979 = arith.constant 0 : i32
    %dma_wait3A_980 = arith.constant 0 : i32
    %dma_wait3A_981 = tpu.memref_slice %arg12[%dma_wait3A_979, %dma_wait3A_980] : memref<1024x128xf32, #tpu.memory_space<vmem_shared>> -> memref<1024x128xf32, #tpu.memory_space<vmem_shared>>
    tpu.wait_indirect_dma semaphore(%arg21 : memref<!tpu.dma_semaphore, #tpu.memory_space<semaphore_mem>>) src(%dma_wait3A_975 : memref<125x128xf32, #tpu.memory_space<vmem>>) dst(%dma_wait3A_981 : memref<1024x128xf32, #tpu.memory_space<vmem_shared>>)
    %mul3A_982 = arith.constant 3125 : i32
    %mul3A_983 = arith.muli %add3A, %mul3A_982 : i32
    %add3A_984 = arith.constant 2125 : i32
    %add3A_985 = arith.addi %mul3A_983, %add3A_984 : i32
    %dma_start3A_986 = arith.constant 2 : i32
    %dma_start3A_987 = arith.constant 0 : i32
    %dma_start3A_988 = arith.constant 0 : i32
    %dma_start3A_989 = tpu.memref_slice %arg9[%dma_start3A_986, %dma_start3A_987, %dma_start3A_988] : memref<5x125x128xf32, #tpu.memory_space<vmem>> -> memref<1x125x128xf32, #tpu.memory_space<vmem>>
    %dma_start3A_990 = tpu.memref_squeeze %dma_start3A_989 : memref<1x125x128xf32, #tpu.memory_space<vmem>> -> memref<125x128xf32, #tpu.memory_space<vmem>>
    %dma_start3A_991 = arith.constant 0 : i32
    %dma_start3A_992 = tpu.memref_slice %arg2[%add3A_985, %dma_start3A_991] : memref<100000x128xf32, #tpu.memory_space<hbm>> -> memref<125x128xf32, #tpu.memory_space<hbm>>
    %dma_start3A_993 = arith.constant 0 : i32
    %dma_start3A_994 = arith.constant 0 : i32
    %dma_start3A_995 = tpu.memref_slice %arg9[%dma_start3A_986, %dma_start3A_993, %dma_start3A_994] : memref<5x125x128xf32, #tpu.memory_space<vmem>> -> memref<1x125x128xf32, #tpu.memory_space<vmem>>
    %dma_start3A_996 = tpu.memref_squeeze %dma_start3A_995 : memref<1x125x128xf32, #tpu.memory_space<vmem>> -> memref<125x128xf32, #tpu.memory_space<vmem>>
    %dma_start3A_997 = arith.constant 0 : i32
    %dma_start3A_998 = tpu.memref_slice %arg2[%add3A_985, %dma_start3A_997] : memref<100000x128xf32, #tpu.memory_space<hbm>> -> memref<125x128xf32, #tpu.memory_space<hbm>>
    tpu.enqueue_dma source(%dma_start3A_998 : memref<125x128xf32, #tpu.memory_space<hbm>>) target(%dma_start3A_996 : memref<125x128xf32, #tpu.memory_space<vmem>>) target_semaphore(%arg16 : memref<!tpu.dma_semaphore, #tpu.memory_space<semaphore_mem>>)
    %dma_wait3A_999 = arith.constant 1 : i32
    %dma_wait3A_1000 = arith.constant 0 : i32
    %dma_wait3A_1001 = arith.constant 0 : i32
    %dma_wait3A_1002 = tpu.memref_slice %arg9[%dma_wait3A_999, %dma_wait3A_1000, %dma_wait3A_1001] : memref<5x125x128xf32, #tpu.memory_space<vmem>> -> memref<1x125x128xf32, #tpu.memory_space<vmem>>
    %dma_wait3A_1003 = tpu.memref_squeeze %dma_wait3A_1002 : memref<1x125x128xf32, #tpu.memory_space<vmem>> -> memref<125x128xf32, #tpu.memory_space<vmem>>
    %dma_wait3A_1004 = arith.constant 0 : i32
    %dma_wait3A_1005 = tpu.memref_slice %arg2[%add3A_923, %dma_wait3A_1004] : memref<100000x128xf32, #tpu.memory_space<hbm>> -> memref<125x128xf32, #tpu.memory_space<hbm>>
    %dma_wait3A_1006 = arith.constant 0 : i32
    %dma_wait3A_1007 = arith.constant 0 : i32
    %dma_wait3A_1008 = tpu.memref_slice %arg9[%dma_wait3A_999, %dma_wait3A_1006, %dma_wait3A_1007] : memref<5x125x128xf32, #tpu.memory_space<vmem>> -> memref<1x125x128xf32, #tpu.memory_space<vmem>>
    %dma_wait3A_1009 = tpu.memref_squeeze %dma_wait3A_1008 : memref<1x125x128xf32, #tpu.memory_space<vmem>> -> memref<125x128xf32, #tpu.memory_space<vmem>>
    %dma_wait3A_1010 = arith.constant 0 : i32
    %dma_wait3A_1011 = tpu.memref_slice %arg2[%add3A_923, %dma_wait3A_1010] : memref<100000x128xf32, #tpu.memory_space<hbm>> -> memref<125x128xf32, #tpu.memory_space<hbm>>
    tpu.wait_dma2 semaphore(%arg15 : memref<!tpu.dma_semaphore, #tpu.memory_space<semaphore_mem>>) src(%dma_wait3A_1011 : memref<125x128xf32, #tpu.memory_space<hbm>>) dst(%dma_wait3A_1009 : memref<125x128xf32, #tpu.memory_space<vmem>>)
    %dma_start3A_1012 = arith.constant 16 : i32
    %dma_start3A_1013 = arith.constant 0 : i32
    %dma_start3A_1014 = tpu.memref_slice %arg11[%dma_start3A_1013] : memref<128xf32, #tpu.memory_space<vmem>> -> memref<125xf32, #tpu.memory_space<vmem>>
    %dma_start3A_1015 = arith.constant 0 : i32
    %dma_start3A_1016 = tpu.memref_slice %arg10[%dma_start3A_1012, %dma_start3A_1015] : memref<25x125xi32, #tpu.memory_space<vmem>> -> memref<1x125xi32, #tpu.memory_space<vmem>>
    %dma_start3A_1017 = tpu.memref_squeeze %dma_start3A_1016 : memref<1x125xi32, #tpu.memory_space<vmem>> -> memref<125xi32, #tpu.memory_space<vmem>>
    %dma_start3A_1018 = arith.constant 0 : i32
    %dma_start3A_1019 = tpu.memref_slice %arg13[%dma_start3A_1018] : memref<1024xf32, #tpu.memory_space<vmem_shared>> -> memref<1024xf32, #tpu.memory_space<vmem_shared>>
    tpu.enqueue_indirect_dma source(%dma_start3A_1014 : memref<125xf32, #tpu.memory_space<vmem>>) target(%dma_start3A_1019 : memref<1024xf32, #tpu.memory_space<vmem_shared>>) offsets(%dma_start3A_1017 : memref<125xi32, #tpu.memory_space<vmem>>) semaphore(%arg24 : memref<!tpu.dma_semaphore, #tpu.memory_space<semaphore_mem>>) {add = true}
    %dma_start3A_1020 = arith.constant 1 : i32
    %dma_start3A_1021 = arith.constant 16 : i32
    %dma_start3A_1022 = arith.constant 0 : i32
    %dma_start3A_1023 = arith.constant 0 : i32
    %dma_start3A_1024 = tpu.memref_slice %arg9[%dma_start3A_1020, %dma_start3A_1022, %dma_start3A_1023] : memref<5x125x128xf32, #tpu.memory_space<vmem>> -> memref<1x125x128xf32, #tpu.memory_space<vmem>>
    %dma_start3A_1025 = tpu.memref_squeeze %dma_start3A_1024 : memref<1x125x128xf32, #tpu.memory_space<vmem>> -> memref<125x128xf32, #tpu.memory_space<vmem>>
    %dma_start3A_1026 = arith.constant 0 : i32
    %dma_start3A_1027 = tpu.memref_slice %arg10[%dma_start3A_1021, %dma_start3A_1026] : memref<25x125xi32, #tpu.memory_space<vmem>> -> memref<1x125xi32, #tpu.memory_space<vmem>>
    %dma_start3A_1028 = tpu.memref_squeeze %dma_start3A_1027 : memref<1x125xi32, #tpu.memory_space<vmem>> -> memref<125xi32, #tpu.memory_space<vmem>>
    %dma_start3A_1029 = arith.constant 0 : i32
    %dma_start3A_1030 = arith.constant 0 : i32
    %dma_start3A_1031 = tpu.memref_slice %arg12[%dma_start3A_1029, %dma_start3A_1030] : memref<1024x128xf32, #tpu.memory_space<vmem_shared>> -> memref<1024x128xf32, #tpu.memory_space<vmem_shared>>
    tpu.enqueue_indirect_dma source(%dma_start3A_1025 : memref<125x128xf32, #tpu.memory_space<vmem>>) target(%dma_start3A_1031 : memref<1024x128xf32, #tpu.memory_space<vmem_shared>>) offsets(%dma_start3A_1028 : memref<125xi32, #tpu.memory_space<vmem>>) semaphore(%arg20 : memref<!tpu.dma_semaphore, #tpu.memory_space<semaphore_mem>>) {add = true}
    %dma_wait3A_1032 = arith.constant 3 : i32
    %dma_wait3A_1033 = arith.constant 13 : i32
    %dma_wait3A_1034 = arith.constant 0 : i32
    %dma_wait3A_1035 = arith.constant 0 : i32
    %dma_wait3A_1036 = tpu.memref_slice %arg9[%dma_wait3A_1032, %dma_wait3A_1034, %dma_wait3A_1035] : memref<5x125x128xf32, #tpu.memory_space<vmem>> -> memref<1x125x128xf32, #tpu.memory_space<vmem>>
    %dma_wait3A_1037 = tpu.memref_squeeze %dma_wait3A_1036 : memref<1x125x128xf32, #tpu.memory_space<vmem>> -> memref<125x128xf32, #tpu.memory_space<vmem>>
    %dma_wait3A_1038 = arith.constant 0 : i32
    %dma_wait3A_1039 = tpu.memref_slice %arg10[%dma_wait3A_1033, %dma_wait3A_1038] : memref<25x125xi32, #tpu.memory_space<vmem>> -> memref<1x125xi32, #tpu.memory_space<vmem>>
    %dma_wait3A_1040 = tpu.memref_squeeze %dma_wait3A_1039 : memref<1x125xi32, #tpu.memory_space<vmem>> -> memref<125xi32, #tpu.memory_space<vmem>>
    %dma_wait3A_1041 = arith.constant 0 : i32
    %dma_wait3A_1042 = arith.constant 0 : i32
    %dma_wait3A_1043 = tpu.memref_slice %arg12[%dma_wait3A_1041, %dma_wait3A_1042] : memref<1024x128xf32, #tpu.memory_space<vmem_shared>> -> memref<1024x128xf32, #tpu.memory_space<vmem_shared>>
    tpu.wait_indirect_dma semaphore(%arg22 : memref<!tpu.dma_semaphore, #tpu.memory_space<semaphore_mem>>) src(%dma_wait3A_1037 : memref<125x128xf32, #tpu.memory_space<vmem>>) dst(%dma_wait3A_1043 : memref<1024x128xf32, #tpu.memory_space<vmem_shared>>)
    %mul3A_1044 = arith.constant 3125 : i32
    %mul3A_1045 = arith.muli %add3A, %mul3A_1044 : i32
    %add3A_1046 = arith.constant 2250 : i32
    %add3A_1047 = arith.addi %mul3A_1045, %add3A_1046 : i32
    %dma_start3A_1048 = arith.constant 3 : i32
    %dma_start3A_1049 = arith.constant 0 : i32
    %dma_start3A_1050 = arith.constant 0 : i32
    %dma_start3A_1051 = tpu.memref_slice %arg9[%dma_start3A_1048, %dma_start3A_1049, %dma_start3A_1050] : memref<5x125x128xf32, #tpu.memory_space<vmem>> -> memref<1x125x128xf32, #tpu.memory_space<vmem>>
    %dma_start3A_1052 = tpu.memref_squeeze %dma_start3A_1051 : memref<1x125x128xf32, #tpu.memory_space<vmem>> -> memref<125x128xf32, #tpu.memory_space<vmem>>
    %dma_start3A_1053 = arith.constant 0 : i32
    %dma_start3A_1054 = tpu.memref_slice %arg2[%add3A_1047, %dma_start3A_1053] : memref<100000x128xf32, #tpu.memory_space<hbm>> -> memref<125x128xf32, #tpu.memory_space<hbm>>
    %dma_start3A_1055 = arith.constant 0 : i32
    %dma_start3A_1056 = arith.constant 0 : i32
    %dma_start3A_1057 = tpu.memref_slice %arg9[%dma_start3A_1048, %dma_start3A_1055, %dma_start3A_1056] : memref<5x125x128xf32, #tpu.memory_space<vmem>> -> memref<1x125x128xf32, #tpu.memory_space<vmem>>
    %dma_start3A_1058 = tpu.memref_squeeze %dma_start3A_1057 : memref<1x125x128xf32, #tpu.memory_space<vmem>> -> memref<125x128xf32, #tpu.memory_space<vmem>>
    %dma_start3A_1059 = arith.constant 0 : i32
    %dma_start3A_1060 = tpu.memref_slice %arg2[%add3A_1047, %dma_start3A_1059] : memref<100000x128xf32, #tpu.memory_space<hbm>> -> memref<125x128xf32, #tpu.memory_space<hbm>>
    tpu.enqueue_dma source(%dma_start3A_1060 : memref<125x128xf32, #tpu.memory_space<hbm>>) target(%dma_start3A_1058 : memref<125x128xf32, #tpu.memory_space<vmem>>) target_semaphore(%arg17 : memref<!tpu.dma_semaphore, #tpu.memory_space<semaphore_mem>>)
    %dma_wait3A_1061 = arith.constant 2 : i32
    %dma_wait3A_1062 = arith.constant 0 : i32
    %dma_wait3A_1063 = arith.constant 0 : i32
    %dma_wait3A_1064 = tpu.memref_slice %arg9[%dma_wait3A_1061, %dma_wait3A_1062, %dma_wait3A_1063] : memref<5x125x128xf32, #tpu.memory_space<vmem>> -> memref<1x125x128xf32, #tpu.memory_space<vmem>>
    %dma_wait3A_1065 = tpu.memref_squeeze %dma_wait3A_1064 : memref<1x125x128xf32, #tpu.memory_space<vmem>> -> memref<125x128xf32, #tpu.memory_space<vmem>>
    %dma_wait3A_1066 = arith.constant 0 : i32
    %dma_wait3A_1067 = tpu.memref_slice %arg2[%add3A_985, %dma_wait3A_1066] : memref<100000x128xf32, #tpu.memory_space<hbm>> -> memref<125x128xf32, #tpu.memory_space<hbm>>
    %dma_wait3A_1068 = arith.constant 0 : i32
    %dma_wait3A_1069 = arith.constant 0 : i32
    %dma_wait3A_1070 = tpu.memref_slice %arg9[%dma_wait3A_1061, %dma_wait3A_1068, %dma_wait3A_1069] : memref<5x125x128xf32, #tpu.memory_space<vmem>> -> memref<1x125x128xf32, #tpu.memory_space<vmem>>
    %dma_wait3A_1071 = tpu.memref_squeeze %dma_wait3A_1070 : memref<1x125x128xf32, #tpu.memory_space<vmem>> -> memref<125x128xf32, #tpu.memory_space<vmem>>
    %dma_wait3A_1072 = arith.constant 0 : i32
    %dma_wait3A_1073 = tpu.memref_slice %arg2[%add3A_985, %dma_wait3A_1072] : memref<100000x128xf32, #tpu.memory_space<hbm>> -> memref<125x128xf32, #tpu.memory_space<hbm>>
    tpu.wait_dma2 semaphore(%arg16 : memref<!tpu.dma_semaphore, #tpu.memory_space<semaphore_mem>>) src(%dma_wait3A_1073 : memref<125x128xf32, #tpu.memory_space<hbm>>) dst(%dma_wait3A_1071 : memref<125x128xf32, #tpu.memory_space<vmem>>)
    %dma_start3A_1074 = arith.constant 17 : i32
    %dma_start3A_1075 = arith.constant 0 : i32
    %dma_start3A_1076 = tpu.memref_slice %arg11[%dma_start3A_1075] : memref<128xf32, #tpu.memory_space<vmem>> -> memref<125xf32, #tpu.memory_space<vmem>>
    %dma_start3A_1077 = arith.constant 0 : i32
    %dma_start3A_1078 = tpu.memref_slice %arg10[%dma_start3A_1074, %dma_start3A_1077] : memref<25x125xi32, #tpu.memory_space<vmem>> -> memref<1x125xi32, #tpu.memory_space<vmem>>
    %dma_start3A_1079 = tpu.memref_squeeze %dma_start3A_1078 : memref<1x125xi32, #tpu.memory_space<vmem>> -> memref<125xi32, #tpu.memory_space<vmem>>
    %dma_start3A_1080 = arith.constant 0 : i32
    %dma_start3A_1081 = tpu.memref_slice %arg13[%dma_start3A_1080] : memref<1024xf32, #tpu.memory_space<vmem_shared>> -> memref<1024xf32, #tpu.memory_space<vmem_shared>>
    tpu.enqueue_indirect_dma source(%dma_start3A_1076 : memref<125xf32, #tpu.memory_space<vmem>>) target(%dma_start3A_1081 : memref<1024xf32, #tpu.memory_space<vmem_shared>>) offsets(%dma_start3A_1079 : memref<125xi32, #tpu.memory_space<vmem>>) semaphore(%arg24 : memref<!tpu.dma_semaphore, #tpu.memory_space<semaphore_mem>>) {add = true}
    %dma_start3A_1082 = arith.constant 2 : i32
    %dma_start3A_1083 = arith.constant 17 : i32
    %dma_start3A_1084 = arith.constant 0 : i32
    %dma_start3A_1085 = arith.constant 0 : i32
    %dma_start3A_1086 = tpu.memref_slice %arg9[%dma_start3A_1082, %dma_start3A_1084, %dma_start3A_1085] : memref<5x125x128xf32, #tpu.memory_space<vmem>> -> memref<1x125x128xf32, #tpu.memory_space<vmem>>
    %dma_start3A_1087 = tpu.memref_squeeze %dma_start3A_1086 : memref<1x125x128xf32, #tpu.memory_space<vmem>> -> memref<125x128xf32, #tpu.memory_space<vmem>>
    %dma_start3A_1088 = arith.constant 0 : i32
    %dma_start3A_1089 = tpu.memref_slice %arg10[%dma_start3A_1083, %dma_start3A_1088] : memref<25x125xi32, #tpu.memory_space<vmem>> -> memref<1x125xi32, #tpu.memory_space<vmem>>
    %dma_start3A_1090 = tpu.memref_squeeze %dma_start3A_1089 : memref<1x125xi32, #tpu.memory_space<vmem>> -> memref<125xi32, #tpu.memory_space<vmem>>
    %dma_start3A_1091 = arith.constant 0 : i32
    %dma_start3A_1092 = arith.constant 0 : i32
    %dma_start3A_1093 = tpu.memref_slice %arg12[%dma_start3A_1091, %dma_start3A_1092] : memref<1024x128xf32, #tpu.memory_space<vmem_shared>> -> memref<1024x128xf32, #tpu.memory_space<vmem_shared>>
    tpu.enqueue_indirect_dma source(%dma_start3A_1087 : memref<125x128xf32, #tpu.memory_space<vmem>>) target(%dma_start3A_1093 : memref<1024x128xf32, #tpu.memory_space<vmem_shared>>) offsets(%dma_start3A_1090 : memref<125xi32, #tpu.memory_space<vmem>>) semaphore(%arg21 : memref<!tpu.dma_semaphore, #tpu.memory_space<semaphore_mem>>) {add = true}
    %dma_wait3A_1094 = arith.constant 4 : i32
    %dma_wait3A_1095 = arith.constant 14 : i32
    %dma_wait3A_1096 = arith.constant 0 : i32
    %dma_wait3A_1097 = arith.constant 0 : i32
    %dma_wait3A_1098 = tpu.memref_slice %arg9[%dma_wait3A_1094, %dma_wait3A_1096, %dma_wait3A_1097] : memref<5x125x128xf32, #tpu.memory_space<vmem>> -> memref<1x125x128xf32, #tpu.memory_space<vmem>>
    %dma_wait3A_1099 = tpu.memref_squeeze %dma_wait3A_1098 : memref<1x125x128xf32, #tpu.memory_space<vmem>> -> memref<125x128xf32, #tpu.memory_space<vmem>>
    %dma_wait3A_1100 = arith.constant 0 : i32
    %dma_wait3A_1101 = tpu.memref_slice %arg10[%dma_wait3A_1095, %dma_wait3A_1100] : memref<25x125xi32, #tpu.memory_space<vmem>> -> memref<1x125xi32, #tpu.memory_space<vmem>>
    %dma_wait3A_1102 = tpu.memref_squeeze %dma_wait3A_1101 : memref<1x125xi32, #tpu.memory_space<vmem>> -> memref<125xi32, #tpu.memory_space<vmem>>
    %dma_wait3A_1103 = arith.constant 0 : i32
    %dma_wait3A_1104 = arith.constant 0 : i32
    %dma_wait3A_1105 = tpu.memref_slice %arg12[%dma_wait3A_1103, %dma_wait3A_1104] : memref<1024x128xf32, #tpu.memory_space<vmem_shared>> -> memref<1024x128xf32, #tpu.memory_space<vmem_shared>>
    tpu.wait_indirect_dma semaphore(%arg23 : memref<!tpu.dma_semaphore, #tpu.memory_space<semaphore_mem>>) src(%dma_wait3A_1099 : memref<125x128xf32, #tpu.memory_space<vmem>>) dst(%dma_wait3A_1105 : memref<1024x128xf32, #tpu.memory_space<vmem_shared>>)
    %mul3A_1106 = arith.constant 3125 : i32
    %mul3A_1107 = arith.muli %add3A, %mul3A_1106 : i32
    %add3A_1108 = arith.constant 2375 : i32
    %add3A_1109 = arith.addi %mul3A_1107, %add3A_1108 : i32
    %dma_start3A_1110 = arith.constant 4 : i32
    %dma_start3A_1111 = arith.constant 0 : i32
    %dma_start3A_1112 = arith.constant 0 : i32
    %dma_start3A_1113 = tpu.memref_slice %arg9[%dma_start3A_1110, %dma_start3A_1111, %dma_start3A_1112] : memref<5x125x128xf32, #tpu.memory_space<vmem>> -> memref<1x125x128xf32, #tpu.memory_space<vmem>>
    %dma_start3A_1114 = tpu.memref_squeeze %dma_start3A_1113 : memref<1x125x128xf32, #tpu.memory_space<vmem>> -> memref<125x128xf32, #tpu.memory_space<vmem>>
    %dma_start3A_1115 = arith.constant 0 : i32
    %dma_start3A_1116 = tpu.memref_slice %arg2[%add3A_1109, %dma_start3A_1115] : memref<100000x128xf32, #tpu.memory_space<hbm>> -> memref<125x128xf32, #tpu.memory_space<hbm>>
    %dma_start3A_1117 = arith.constant 0 : i32
    %dma_start3A_1118 = arith.constant 0 : i32
    %dma_start3A_1119 = tpu.memref_slice %arg9[%dma_start3A_1110, %dma_start3A_1117, %dma_start3A_1118] : memref<5x125x128xf32, #tpu.memory_space<vmem>> -> memref<1x125x128xf32, #tpu.memory_space<vmem>>
    %dma_start3A_1120 = tpu.memref_squeeze %dma_start3A_1119 : memref<1x125x128xf32, #tpu.memory_space<vmem>> -> memref<125x128xf32, #tpu.memory_space<vmem>>
    %dma_start3A_1121 = arith.constant 0 : i32
    %dma_start3A_1122 = tpu.memref_slice %arg2[%add3A_1109, %dma_start3A_1121] : memref<100000x128xf32, #tpu.memory_space<hbm>> -> memref<125x128xf32, #tpu.memory_space<hbm>>
    tpu.enqueue_dma source(%dma_start3A_1122 : memref<125x128xf32, #tpu.memory_space<hbm>>) target(%dma_start3A_1120 : memref<125x128xf32, #tpu.memory_space<vmem>>) target_semaphore(%arg18 : memref<!tpu.dma_semaphore, #tpu.memory_space<semaphore_mem>>)
    %dma_wait3A_1123 = arith.constant 3 : i32
    %dma_wait3A_1124 = arith.constant 0 : i32
    %dma_wait3A_1125 = arith.constant 0 : i32
    %dma_wait3A_1126 = tpu.memref_slice %arg9[%dma_wait3A_1123, %dma_wait3A_1124, %dma_wait3A_1125] : memref<5x125x128xf32, #tpu.memory_space<vmem>> -> memref<1x125x128xf32, #tpu.memory_space<vmem>>
    %dma_wait3A_1127 = tpu.memref_squeeze %dma_wait3A_1126 : memref<1x125x128xf32, #tpu.memory_space<vmem>> -> memref<125x128xf32, #tpu.memory_space<vmem>>
    %dma_wait3A_1128 = arith.constant 0 : i32
    %dma_wait3A_1129 = tpu.memref_slice %arg2[%add3A_1047, %dma_wait3A_1128] : memref<100000x128xf32, #tpu.memory_space<hbm>> -> memref<125x128xf32, #tpu.memory_space<hbm>>
    %dma_wait3A_1130 = arith.constant 0 : i32
    %dma_wait3A_1131 = arith.constant 0 : i32
    %dma_wait3A_1132 = tpu.memref_slice %arg9[%dma_wait3A_1123, %dma_wait3A_1130, %dma_wait3A_1131] : memref<5x125x128xf32, #tpu.memory_space<vmem>> -> memref<1x125x128xf32, #tpu.memory_space<vmem>>
    %dma_wait3A_1133 = tpu.memref_squeeze %dma_wait3A_1132 : memref<1x125x128xf32, #tpu.memory_space<vmem>> -> memref<125x128xf32, #tpu.memory_space<vmem>>
    %dma_wait3A_1134 = arith.constant 0 : i32
    %dma_wait3A_1135 = tpu.memref_slice %arg2[%add3A_1047, %dma_wait3A_1134] : memref<100000x128xf32, #tpu.memory_space<hbm>> -> memref<125x128xf32, #tpu.memory_space<hbm>>
    tpu.wait_dma2 semaphore(%arg17 : memref<!tpu.dma_semaphore, #tpu.memory_space<semaphore_mem>>) src(%dma_wait3A_1135 : memref<125x128xf32, #tpu.memory_space<hbm>>) dst(%dma_wait3A_1133 : memref<125x128xf32, #tpu.memory_space<vmem>>)
    %dma_start3A_1136 = arith.constant 18 : i32
    %dma_start3A_1137 = arith.constant 0 : i32
    %dma_start3A_1138 = tpu.memref_slice %arg11[%dma_start3A_1137] : memref<128xf32, #tpu.memory_space<vmem>> -> memref<125xf32, #tpu.memory_space<vmem>>
    %dma_start3A_1139 = arith.constant 0 : i32
    %dma_start3A_1140 = tpu.memref_slice %arg10[%dma_start3A_1136, %dma_start3A_1139] : memref<25x125xi32, #tpu.memory_space<vmem>> -> memref<1x125xi32, #tpu.memory_space<vmem>>
    %dma_start3A_1141 = tpu.memref_squeeze %dma_start3A_1140 : memref<1x125xi32, #tpu.memory_space<vmem>> -> memref<125xi32, #tpu.memory_space<vmem>>
    %dma_start3A_1142 = arith.constant 0 : i32
    %dma_start3A_1143 = tpu.memref_slice %arg13[%dma_start3A_1142] : memref<1024xf32, #tpu.memory_space<vmem_shared>> -> memref<1024xf32, #tpu.memory_space<vmem_shared>>
    tpu.enqueue_indirect_dma source(%dma_start3A_1138 : memref<125xf32, #tpu.memory_space<vmem>>) target(%dma_start3A_1143 : memref<1024xf32, #tpu.memory_space<vmem_shared>>) offsets(%dma_start3A_1141 : memref<125xi32, #tpu.memory_space<vmem>>) semaphore(%arg24 : memref<!tpu.dma_semaphore, #tpu.memory_space<semaphore_mem>>) {add = true}
    %dma_start3A_1144 = arith.constant 3 : i32
    %dma_start3A_1145 = arith.constant 18 : i32
    %dma_start3A_1146 = arith.constant 0 : i32
    %dma_start3A_1147 = arith.constant 0 : i32
    %dma_start3A_1148 = tpu.memref_slice %arg9[%dma_start3A_1144, %dma_start3A_1146, %dma_start3A_1147] : memref<5x125x128xf32, #tpu.memory_space<vmem>> -> memref<1x125x128xf32, #tpu.memory_space<vmem>>
    %dma_start3A_1149 = tpu.memref_squeeze %dma_start3A_1148 : memref<1x125x128xf32, #tpu.memory_space<vmem>> -> memref<125x128xf32, #tpu.memory_space<vmem>>
    %dma_start3A_1150 = arith.constant 0 : i32
    %dma_start3A_1151 = tpu.memref_slice %arg10[%dma_start3A_1145, %dma_start3A_1150] : memref<25x125xi32, #tpu.memory_space<vmem>> -> memref<1x125xi32, #tpu.memory_space<vmem>>
    %dma_start3A_1152 = tpu.memref_squeeze %dma_start3A_1151 : memref<1x125xi32, #tpu.memory_space<vmem>> -> memref<125xi32, #tpu.memory_space<vmem>>
    %dma_start3A_1153 = arith.constant 0 : i32
    %dma_start3A_1154 = arith.constant 0 : i32
    %dma_start3A_1155 = tpu.memref_slice %arg12[%dma_start3A_1153, %dma_start3A_1154] : memref<1024x128xf32, #tpu.memory_space<vmem_shared>> -> memref<1024x128xf32, #tpu.memory_space<vmem_shared>>
    tpu.enqueue_indirect_dma source(%dma_start3A_1149 : memref<125x128xf32, #tpu.memory_space<vmem>>) target(%dma_start3A_1155 : memref<1024x128xf32, #tpu.memory_space<vmem_shared>>) offsets(%dma_start3A_1152 : memref<125xi32, #tpu.memory_space<vmem>>) semaphore(%arg22 : memref<!tpu.dma_semaphore, #tpu.memory_space<semaphore_mem>>) {add = true}
    %dma_wait3A_1156 = arith.constant 0 : i32
    %dma_wait3A_1157 = arith.constant 15 : i32
    %dma_wait3A_1158 = arith.constant 0 : i32
    %dma_wait3A_1159 = arith.constant 0 : i32
    %dma_wait3A_1160 = tpu.memref_slice %arg9[%dma_wait3A_1156, %dma_wait3A_1158, %dma_wait3A_1159] : memref<5x125x128xf32, #tpu.memory_space<vmem>> -> memref<1x125x128xf32, #tpu.memory_space<vmem>>
    %dma_wait3A_1161 = tpu.memref_squeeze %dma_wait3A_1160 : memref<1x125x128xf32, #tpu.memory_space<vmem>> -> memref<125x128xf32, #tpu.memory_space<vmem>>
    %dma_wait3A_1162 = arith.constant 0 : i32
    %dma_wait3A_1163 = tpu.memref_slice %arg10[%dma_wait3A_1157, %dma_wait3A_1162] : memref<25x125xi32, #tpu.memory_space<vmem>> -> memref<1x125xi32, #tpu.memory_space<vmem>>
    %dma_wait3A_1164 = tpu.memref_squeeze %dma_wait3A_1163 : memref<1x125xi32, #tpu.memory_space<vmem>> -> memref<125xi32, #tpu.memory_space<vmem>>
    %dma_wait3A_1165 = arith.constant 0 : i32
    %dma_wait3A_1166 = arith.constant 0 : i32
    %dma_wait3A_1167 = tpu.memref_slice %arg12[%dma_wait3A_1165, %dma_wait3A_1166] : memref<1024x128xf32, #tpu.memory_space<vmem_shared>> -> memref<1024x128xf32, #tpu.memory_space<vmem_shared>>
    tpu.wait_indirect_dma semaphore(%arg19 : memref<!tpu.dma_semaphore, #tpu.memory_space<semaphore_mem>>) src(%dma_wait3A_1161 : memref<125x128xf32, #tpu.memory_space<vmem>>) dst(%dma_wait3A_1167 : memref<1024x128xf32, #tpu.memory_space<vmem_shared>>)
    %mul3A_1168 = arith.constant 3125 : i32
    %mul3A_1169 = arith.muli %add3A, %mul3A_1168 : i32
    %add3A_1170 = arith.constant 2500 : i32
    %add3A_1171 = arith.addi %mul3A_1169, %add3A_1170 : i32
    %dma_start3A_1172 = arith.constant 0 : i32
    %dma_start3A_1173 = arith.constant 0 : i32
    %dma_start3A_1174 = arith.constant 0 : i32
    %dma_start3A_1175 = tpu.memref_slice %arg9[%dma_start3A_1172, %dma_start3A_1173, %dma_start3A_1174] : memref<5x125x128xf32, #tpu.memory_space<vmem>> -> memref<1x125x128xf32, #tpu.memory_space<vmem>>
    %dma_start3A_1176 = tpu.memref_squeeze %dma_start3A_1175 : memref<1x125x128xf32, #tpu.memory_space<vmem>> -> memref<125x128xf32, #tpu.memory_space<vmem>>
    %dma_start3A_1177 = arith.constant 0 : i32
    %dma_start3A_1178 = tpu.memref_slice %arg2[%add3A_1171, %dma_start3A_1177] : memref<100000x128xf32, #tpu.memory_space<hbm>> -> memref<125x128xf32, #tpu.memory_space<hbm>>
    %dma_start3A_1179 = arith.constant 0 : i32
    %dma_start3A_1180 = arith.constant 0 : i32
    %dma_start3A_1181 = tpu.memref_slice %arg9[%dma_start3A_1172, %dma_start3A_1179, %dma_start3A_1180] : memref<5x125x128xf32, #tpu.memory_space<vmem>> -> memref<1x125x128xf32, #tpu.memory_space<vmem>>
    %dma_start3A_1182 = tpu.memref_squeeze %dma_start3A_1181 : memref<1x125x128xf32, #tpu.memory_space<vmem>> -> memref<125x128xf32, #tpu.memory_space<vmem>>
    %dma_start3A_1183 = arith.constant 0 : i32
    %dma_start3A_1184 = tpu.memref_slice %arg2[%add3A_1171, %dma_start3A_1183] : memref<100000x128xf32, #tpu.memory_space<hbm>> -> memref<125x128xf32, #tpu.memory_space<hbm>>
    tpu.enqueue_dma source(%dma_start3A_1184 : memref<125x128xf32, #tpu.memory_space<hbm>>) target(%dma_start3A_1182 : memref<125x128xf32, #tpu.memory_space<vmem>>) target_semaphore(%arg14 : memref<!tpu.dma_semaphore, #tpu.memory_space<semaphore_mem>>)
    %dma_wait3A_1185 = arith.constant 4 : i32
    %dma_wait3A_1186 = arith.constant 0 : i32
    %dma_wait3A_1187 = arith.constant 0 : i32
    %dma_wait3A_1188 = tpu.memref_slice %arg9[%dma_wait3A_1185, %dma_wait3A_1186, %dma_wait3A_1187] : memref<5x125x128xf32, #tpu.memory_space<vmem>> -> memref<1x125x128xf32, #tpu.memory_space<vmem>>
    %dma_wait3A_1189 = tpu.memref_squeeze %dma_wait3A_1188 : memref<1x125x128xf32, #tpu.memory_space<vmem>> -> memref<125x128xf32, #tpu.memory_space<vmem>>
    %dma_wait3A_1190 = arith.constant 0 : i32
    %dma_wait3A_1191 = tpu.memref_slice %arg2[%add3A_1109, %dma_wait3A_1190] : memref<100000x128xf32, #tpu.memory_space<hbm>> -> memref<125x128xf32, #tpu.memory_space<hbm>>
    %dma_wait3A_1192 = arith.constant 0 : i32
    %dma_wait3A_1193 = arith.constant 0 : i32
    %dma_wait3A_1194 = tpu.memref_slice %arg9[%dma_wait3A_1185, %dma_wait3A_1192, %dma_wait3A_1193] : memref<5x125x128xf32, #tpu.memory_space<vmem>> -> memref<1x125x128xf32, #tpu.memory_space<vmem>>
    %dma_wait3A_1195 = tpu.memref_squeeze %dma_wait3A_1194 : memref<1x125x128xf32, #tpu.memory_space<vmem>> -> memref<125x128xf32, #tpu.memory_space<vmem>>
    %dma_wait3A_1196 = arith.constant 0 : i32
    %dma_wait3A_1197 = tpu.memref_slice %arg2[%add3A_1109, %dma_wait3A_1196] : memref<100000x128xf32, #tpu.memory_space<hbm>> -> memref<125x128xf32, #tpu.memory_space<hbm>>
    tpu.wait_dma2 semaphore(%arg18 : memref<!tpu.dma_semaphore, #tpu.memory_space<semaphore_mem>>) src(%dma_wait3A_1197 : memref<125x128xf32, #tpu.memory_space<hbm>>) dst(%dma_wait3A_1195 : memref<125x128xf32, #tpu.memory_space<vmem>>)
    %dma_start3A_1198 = arith.constant 19 : i32
    %dma_start3A_1199 = arith.constant 0 : i32
    %dma_start3A_1200 = tpu.memref_slice %arg11[%dma_start3A_1199] : memref<128xf32, #tpu.memory_space<vmem>> -> memref<125xf32, #tpu.memory_space<vmem>>
    %dma_start3A_1201 = arith.constant 0 : i32
    %dma_start3A_1202 = tpu.memref_slice %arg10[%dma_start3A_1198, %dma_start3A_1201] : memref<25x125xi32, #tpu.memory_space<vmem>> -> memref<1x125xi32, #tpu.memory_space<vmem>>
    %dma_start3A_1203 = tpu.memref_squeeze %dma_start3A_1202 : memref<1x125xi32, #tpu.memory_space<vmem>> -> memref<125xi32, #tpu.memory_space<vmem>>
    %dma_start3A_1204 = arith.constant 0 : i32
    %dma_start3A_1205 = tpu.memref_slice %arg13[%dma_start3A_1204] : memref<1024xf32, #tpu.memory_space<vmem_shared>> -> memref<1024xf32, #tpu.memory_space<vmem_shared>>
    tpu.enqueue_indirect_dma source(%dma_start3A_1200 : memref<125xf32, #tpu.memory_space<vmem>>) target(%dma_start3A_1205 : memref<1024xf32, #tpu.memory_space<vmem_shared>>) offsets(%dma_start3A_1203 : memref<125xi32, #tpu.memory_space<vmem>>) semaphore(%arg24 : memref<!tpu.dma_semaphore, #tpu.memory_space<semaphore_mem>>) {add = true}
    %dma_start3A_1206 = arith.constant 4 : i32
    %dma_start3A_1207 = arith.constant 19 : i32
    %dma_start3A_1208 = arith.constant 0 : i32
    %dma_start3A_1209 = arith.constant 0 : i32
    %dma_start3A_1210 = tpu.memref_slice %arg9[%dma_start3A_1206, %dma_start3A_1208, %dma_start3A_1209] : memref<5x125x128xf32, #tpu.memory_space<vmem>> -> memref<1x125x128xf32, #tpu.memory_space<vmem>>
    %dma_start3A_1211 = tpu.memref_squeeze %dma_start3A_1210 : memref<1x125x128xf32, #tpu.memory_space<vmem>> -> memref<125x128xf32, #tpu.memory_space<vmem>>
    %dma_start3A_1212 = arith.constant 0 : i32
    %dma_start3A_1213 = tpu.memref_slice %arg10[%dma_start3A_1207, %dma_start3A_1212] : memref<25x125xi32, #tpu.memory_space<vmem>> -> memref<1x125xi32, #tpu.memory_space<vmem>>
    %dma_start3A_1214 = tpu.memref_squeeze %dma_start3A_1213 : memref<1x125xi32, #tpu.memory_space<vmem>> -> memref<125xi32, #tpu.memory_space<vmem>>
    %dma_start3A_1215 = arith.constant 0 : i32
    %dma_start3A_1216 = arith.constant 0 : i32
    %dma_start3A_1217 = tpu.memref_slice %arg12[%dma_start3A_1215, %dma_start3A_1216] : memref<1024x128xf32, #tpu.memory_space<vmem_shared>> -> memref<1024x128xf32, #tpu.memory_space<vmem_shared>>
    tpu.enqueue_indirect_dma source(%dma_start3A_1211 : memref<125x128xf32, #tpu.memory_space<vmem>>) target(%dma_start3A_1217 : memref<1024x128xf32, #tpu.memory_space<vmem_shared>>) offsets(%dma_start3A_1214 : memref<125xi32, #tpu.memory_space<vmem>>) semaphore(%arg23 : memref<!tpu.dma_semaphore, #tpu.memory_space<semaphore_mem>>) {add = true}
    %dma_wait3A_1218 = arith.constant 1 : i32
    %dma_wait3A_1219 = arith.constant 16 : i32
    %dma_wait3A_1220 = arith.constant 0 : i32
    %dma_wait3A_1221 = arith.constant 0 : i32
    %dma_wait3A_1222 = tpu.memref_slice %arg9[%dma_wait3A_1218, %dma_wait3A_1220, %dma_wait3A_1221] : memref<5x125x128xf32, #tpu.memory_space<vmem>> -> memref<1x125x128xf32, #tpu.memory_space<vmem>>
    %dma_wait3A_1223 = tpu.memref_squeeze %dma_wait3A_1222 : memref<1x125x128xf32, #tpu.memory_space<vmem>> -> memref<125x128xf32, #tpu.memory_space<vmem>>
    %dma_wait3A_1224 = arith.constant 0 : i32
    %dma_wait3A_1225 = tpu.memref_slice %arg10[%dma_wait3A_1219, %dma_wait3A_1224] : memref<25x125xi32, #tpu.memory_space<vmem>> -> memref<1x125xi32, #tpu.memory_space<vmem>>
    %dma_wait3A_1226 = tpu.memref_squeeze %dma_wait3A_1225 : memref<1x125xi32, #tpu.memory_space<vmem>> -> memref<125xi32, #tpu.memory_space<vmem>>
    %dma_wait3A_1227 = arith.constant 0 : i32
    %dma_wait3A_1228 = arith.constant 0 : i32
    %dma_wait3A_1229 = tpu.memref_slice %arg12[%dma_wait3A_1227, %dma_wait3A_1228] : memref<1024x128xf32, #tpu.memory_space<vmem_shared>> -> memref<1024x128xf32, #tpu.memory_space<vmem_shared>>
    tpu.wait_indirect_dma semaphore(%arg20 : memref<!tpu.dma_semaphore, #tpu.memory_space<semaphore_mem>>) src(%dma_wait3A_1223 : memref<125x128xf32, #tpu.memory_space<vmem>>) dst(%dma_wait3A_1229 : memref<1024x128xf32, #tpu.memory_space<vmem_shared>>)
    %mul3A_1230 = arith.constant 3125 : i32
    %mul3A_1231 = arith.muli %add3A, %mul3A_1230 : i32
    %add3A_1232 = arith.constant 2625 : i32
    %add3A_1233 = arith.addi %mul3A_1231, %add3A_1232 : i32
    %dma_start3A_1234 = arith.constant 1 : i32
    %dma_start3A_1235 = arith.constant 0 : i32
    %dma_start3A_1236 = arith.constant 0 : i32
    %dma_start3A_1237 = tpu.memref_slice %arg9[%dma_start3A_1234, %dma_start3A_1235, %dma_start3A_1236] : memref<5x125x128xf32, #tpu.memory_space<vmem>> -> memref<1x125x128xf32, #tpu.memory_space<vmem>>
    %dma_start3A_1238 = tpu.memref_squeeze %dma_start3A_1237 : memref<1x125x128xf32, #tpu.memory_space<vmem>> -> memref<125x128xf32, #tpu.memory_space<vmem>>
    %dma_start3A_1239 = arith.constant 0 : i32
    %dma_start3A_1240 = tpu.memref_slice %arg2[%add3A_1233, %dma_start3A_1239] : memref<100000x128xf32, #tpu.memory_space<hbm>> -> memref<125x128xf32, #tpu.memory_space<hbm>>
    %dma_start3A_1241 = arith.constant 0 : i32
    %dma_start3A_1242 = arith.constant 0 : i32
    %dma_start3A_1243 = tpu.memref_slice %arg9[%dma_start3A_1234, %dma_start3A_1241, %dma_start3A_1242] : memref<5x125x128xf32, #tpu.memory_space<vmem>> -> memref<1x125x128xf32, #tpu.memory_space<vmem>>
    %dma_start3A_1244 = tpu.memref_squeeze %dma_start3A_1243 : memref<1x125x128xf32, #tpu.memory_space<vmem>> -> memref<125x128xf32, #tpu.memory_space<vmem>>
    %dma_start3A_1245 = arith.constant 0 : i32
    %dma_start3A_1246 = tpu.memref_slice %arg2[%add3A_1233, %dma_start3A_1245] : memref<100000x128xf32, #tpu.memory_space<hbm>> -> memref<125x128xf32, #tpu.memory_space<hbm>>
    tpu.enqueue_dma source(%dma_start3A_1246 : memref<125x128xf32, #tpu.memory_space<hbm>>) target(%dma_start3A_1244 : memref<125x128xf32, #tpu.memory_space<vmem>>) target_semaphore(%arg15 : memref<!tpu.dma_semaphore, #tpu.memory_space<semaphore_mem>>)
    %dma_wait3A_1247 = arith.constant 0 : i32
    %dma_wait3A_1248 = arith.constant 0 : i32
    %dma_wait3A_1249 = arith.constant 0 : i32
    %dma_wait3A_1250 = tpu.memref_slice %arg9[%dma_wait3A_1247, %dma_wait3A_1248, %dma_wait3A_1249] : memref<5x125x128xf32, #tpu.memory_space<vmem>> -> memref<1x125x128xf32, #tpu.memory_space<vmem>>
    %dma_wait3A_1251 = tpu.memref_squeeze %dma_wait3A_1250 : memref<1x125x128xf32, #tpu.memory_space<vmem>> -> memref<125x128xf32, #tpu.memory_space<vmem>>
    %dma_wait3A_1252 = arith.constant 0 : i32
    %dma_wait3A_1253 = tpu.memref_slice %arg2[%add3A_1171, %dma_wait3A_1252] : memref<100000x128xf32, #tpu.memory_space<hbm>> -> memref<125x128xf32, #tpu.memory_space<hbm>>
    %dma_wait3A_1254 = arith.constant 0 : i32
    %dma_wait3A_1255 = arith.constant 0 : i32
    %dma_wait3A_1256 = tpu.memref_slice %arg9[%dma_wait3A_1247, %dma_wait3A_1254, %dma_wait3A_1255] : memref<5x125x128xf32, #tpu.memory_space<vmem>> -> memref<1x125x128xf32, #tpu.memory_space<vmem>>
    %dma_wait3A_1257 = tpu.memref_squeeze %dma_wait3A_1256 : memref<1x125x128xf32, #tpu.memory_space<vmem>> -> memref<125x128xf32, #tpu.memory_space<vmem>>
    %dma_wait3A_1258 = arith.constant 0 : i32
    %dma_wait3A_1259 = tpu.memref_slice %arg2[%add3A_1171, %dma_wait3A_1258] : memref<100000x128xf32, #tpu.memory_space<hbm>> -> memref<125x128xf32, #tpu.memory_space<hbm>>
    tpu.wait_dma2 semaphore(%arg14 : memref<!tpu.dma_semaphore, #tpu.memory_space<semaphore_mem>>) src(%dma_wait3A_1259 : memref<125x128xf32, #tpu.memory_space<hbm>>) dst(%dma_wait3A_1257 : memref<125x128xf32, #tpu.memory_space<vmem>>)
    %dma_start3A_1260 = arith.constant 20 : i32
    %dma_start3A_1261 = arith.constant 0 : i32
    %dma_start3A_1262 = tpu.memref_slice %arg11[%dma_start3A_1261] : memref<128xf32, #tpu.memory_space<vmem>> -> memref<125xf32, #tpu.memory_space<vmem>>
    %dma_start3A_1263 = arith.constant 0 : i32
    %dma_start3A_1264 = tpu.memref_slice %arg10[%dma_start3A_1260, %dma_start3A_1263] : memref<25x125xi32, #tpu.memory_space<vmem>> -> memref<1x125xi32, #tpu.memory_space<vmem>>
    %dma_start3A_1265 = tpu.memref_squeeze %dma_start3A_1264 : memref<1x125xi32, #tpu.memory_space<vmem>> -> memref<125xi32, #tpu.memory_space<vmem>>
    %dma_start3A_1266 = arith.constant 0 : i32
    %dma_start3A_1267 = tpu.memref_slice %arg13[%dma_start3A_1266] : memref<1024xf32, #tpu.memory_space<vmem_shared>> -> memref<1024xf32, #tpu.memory_space<vmem_shared>>
    tpu.enqueue_indirect_dma source(%dma_start3A_1262 : memref<125xf32, #tpu.memory_space<vmem>>) target(%dma_start3A_1267 : memref<1024xf32, #tpu.memory_space<vmem_shared>>) offsets(%dma_start3A_1265 : memref<125xi32, #tpu.memory_space<vmem>>) semaphore(%arg24 : memref<!tpu.dma_semaphore, #tpu.memory_space<semaphore_mem>>) {add = true}
    %dma_start3A_1268 = arith.constant 0 : i32
    %dma_start3A_1269 = arith.constant 20 : i32
    %dma_start3A_1270 = arith.constant 0 : i32
    %dma_start3A_1271 = arith.constant 0 : i32
    %dma_start3A_1272 = tpu.memref_slice %arg9[%dma_start3A_1268, %dma_start3A_1270, %dma_start3A_1271] : memref<5x125x128xf32, #tpu.memory_space<vmem>> -> memref<1x125x128xf32, #tpu.memory_space<vmem>>
    %dma_start3A_1273 = tpu.memref_squeeze %dma_start3A_1272 : memref<1x125x128xf32, #tpu.memory_space<vmem>> -> memref<125x128xf32, #tpu.memory_space<vmem>>
    %dma_start3A_1274 = arith.constant 0 : i32
    %dma_start3A_1275 = tpu.memref_slice %arg10[%dma_start3A_1269, %dma_start3A_1274] : memref<25x125xi32, #tpu.memory_space<vmem>> -> memref<1x125xi32, #tpu.memory_space<vmem>>
    %dma_start3A_1276 = tpu.memref_squeeze %dma_start3A_1275 : memref<1x125xi32, #tpu.memory_space<vmem>> -> memref<125xi32, #tpu.memory_space<vmem>>
    %dma_start3A_1277 = arith.constant 0 : i32
    %dma_start3A_1278 = arith.constant 0 : i32
    %dma_start3A_1279 = tpu.memref_slice %arg12[%dma_start3A_1277, %dma_start3A_1278] : memref<1024x128xf32, #tpu.memory_space<vmem_shared>> -> memref<1024x128xf32, #tpu.memory_space<vmem_shared>>
    tpu.enqueue_indirect_dma source(%dma_start3A_1273 : memref<125x128xf32, #tpu.memory_space<vmem>>) target(%dma_start3A_1279 : memref<1024x128xf32, #tpu.memory_space<vmem_shared>>) offsets(%dma_start3A_1276 : memref<125xi32, #tpu.memory_space<vmem>>) semaphore(%arg19 : memref<!tpu.dma_semaphore, #tpu.memory_space<semaphore_mem>>) {add = true}
    %dma_wait3A_1280 = arith.constant 2 : i32
    %dma_wait3A_1281 = arith.constant 17 : i32
    %dma_wait3A_1282 = arith.constant 0 : i32
    %dma_wait3A_1283 = arith.constant 0 : i32
    %dma_wait3A_1284 = tpu.memref_slice %arg9[%dma_wait3A_1280, %dma_wait3A_1282, %dma_wait3A_1283] : memref<5x125x128xf32, #tpu.memory_space<vmem>> -> memref<1x125x128xf32, #tpu.memory_space<vmem>>
    %dma_wait3A_1285 = tpu.memref_squeeze %dma_wait3A_1284 : memref<1x125x128xf32, #tpu.memory_space<vmem>> -> memref<125x128xf32, #tpu.memory_space<vmem>>
    %dma_wait3A_1286 = arith.constant 0 : i32
    %dma_wait3A_1287 = tpu.memref_slice %arg10[%dma_wait3A_1281, %dma_wait3A_1286] : memref<25x125xi32, #tpu.memory_space<vmem>> -> memref<1x125xi32, #tpu.memory_space<vmem>>
    %dma_wait3A_1288 = tpu.memref_squeeze %dma_wait3A_1287 : memref<1x125xi32, #tpu.memory_space<vmem>> -> memref<125xi32, #tpu.memory_space<vmem>>
    %dma_wait3A_1289 = arith.constant 0 : i32
    %dma_wait3A_1290 = arith.constant 0 : i32
    %dma_wait3A_1291 = tpu.memref_slice %arg12[%dma_wait3A_1289, %dma_wait3A_1290] : memref<1024x128xf32, #tpu.memory_space<vmem_shared>> -> memref<1024x128xf32, #tpu.memory_space<vmem_shared>>
    tpu.wait_indirect_dma semaphore(%arg21 : memref<!tpu.dma_semaphore, #tpu.memory_space<semaphore_mem>>) src(%dma_wait3A_1285 : memref<125x128xf32, #tpu.memory_space<vmem>>) dst(%dma_wait3A_1291 : memref<1024x128xf32, #tpu.memory_space<vmem_shared>>)
    %mul3A_1292 = arith.constant 3125 : i32
    %mul3A_1293 = arith.muli %add3A, %mul3A_1292 : i32
    %add3A_1294 = arith.constant 2750 : i32
    %add3A_1295 = arith.addi %mul3A_1293, %add3A_1294 : i32
    %dma_start3A_1296 = arith.constant 2 : i32
    %dma_start3A_1297 = arith.constant 0 : i32
    %dma_start3A_1298 = arith.constant 0 : i32
    %dma_start3A_1299 = tpu.memref_slice %arg9[%dma_start3A_1296, %dma_start3A_1297, %dma_start3A_1298] : memref<5x125x128xf32, #tpu.memory_space<vmem>> -> memref<1x125x128xf32, #tpu.memory_space<vmem>>
    %dma_start3A_1300 = tpu.memref_squeeze %dma_start3A_1299 : memref<1x125x128xf32, #tpu.memory_space<vmem>> -> memref<125x128xf32, #tpu.memory_space<vmem>>
    %dma_start3A_1301 = arith.constant 0 : i32
    %dma_start3A_1302 = tpu.memref_slice %arg2[%add3A_1295, %dma_start3A_1301] : memref<100000x128xf32, #tpu.memory_space<hbm>> -> memref<125x128xf32, #tpu.memory_space<hbm>>
    %dma_start3A_1303 = arith.constant 0 : i32
    %dma_start3A_1304 = arith.constant 0 : i32
    %dma_start3A_1305 = tpu.memref_slice %arg9[%dma_start3A_1296, %dma_start3A_1303, %dma_start3A_1304] : memref<5x125x128xf32, #tpu.memory_space<vmem>> -> memref<1x125x128xf32, #tpu.memory_space<vmem>>
    %dma_start3A_1306 = tpu.memref_squeeze %dma_start3A_1305 : memref<1x125x128xf32, #tpu.memory_space<vmem>> -> memref<125x128xf32, #tpu.memory_space<vmem>>
    %dma_start3A_1307 = arith.constant 0 : i32
    %dma_start3A_1308 = tpu.memref_slice %arg2[%add3A_1295, %dma_start3A_1307] : memref<100000x128xf32, #tpu.memory_space<hbm>> -> memref<125x128xf32, #tpu.memory_space<hbm>>
    tpu.enqueue_dma source(%dma_start3A_1308 : memref<125x128xf32, #tpu.memory_space<hbm>>) target(%dma_start3A_1306 : memref<125x128xf32, #tpu.memory_space<vmem>>) target_semaphore(%arg16 : memref<!tpu.dma_semaphore, #tpu.memory_space<semaphore_mem>>)
    %dma_wait3A_1309 = arith.constant 1 : i32
    %dma_wait3A_1310 = arith.constant 0 : i32
    %dma_wait3A_1311 = arith.constant 0 : i32
    %dma_wait3A_1312 = tpu.memref_slice %arg9[%dma_wait3A_1309, %dma_wait3A_1310, %dma_wait3A_1311] : memref<5x125x128xf32, #tpu.memory_space<vmem>> -> memref<1x125x128xf32, #tpu.memory_space<vmem>>
    %dma_wait3A_1313 = tpu.memref_squeeze %dma_wait3A_1312 : memref<1x125x128xf32, #tpu.memory_space<vmem>> -> memref<125x128xf32, #tpu.memory_space<vmem>>
    %dma_wait3A_1314 = arith.constant 0 : i32
    %dma_wait3A_1315 = tpu.memref_slice %arg2[%add3A_1233, %dma_wait3A_1314] : memref<100000x128xf32, #tpu.memory_space<hbm>> -> memref<125x128xf32, #tpu.memory_space<hbm>>
    %dma_wait3A_1316 = arith.constant 0 : i32
    %dma_wait3A_1317 = arith.constant 0 : i32
    %dma_wait3A_1318 = tpu.memref_slice %arg9[%dma_wait3A_1309, %dma_wait3A_1316, %dma_wait3A_1317] : memref<5x125x128xf32, #tpu.memory_space<vmem>> -> memref<1x125x128xf32, #tpu.memory_space<vmem>>
    %dma_wait3A_1319 = tpu.memref_squeeze %dma_wait3A_1318 : memref<1x125x128xf32, #tpu.memory_space<vmem>> -> memref<125x128xf32, #tpu.memory_space<vmem>>
    %dma_wait3A_1320 = arith.constant 0 : i32
    %dma_wait3A_1321 = tpu.memref_slice %arg2[%add3A_1233, %dma_wait3A_1320] : memref<100000x128xf32, #tpu.memory_space<hbm>> -> memref<125x128xf32, #tpu.memory_space<hbm>>
    tpu.wait_dma2 semaphore(%arg15 : memref<!tpu.dma_semaphore, #tpu.memory_space<semaphore_mem>>) src(%dma_wait3A_1321 : memref<125x128xf32, #tpu.memory_space<hbm>>) dst(%dma_wait3A_1319 : memref<125x128xf32, #tpu.memory_space<vmem>>)
    %dma_start3A_1322 = arith.constant 21 : i32
    %dma_start3A_1323 = arith.constant 0 : i32
    %dma_start3A_1324 = tpu.memref_slice %arg11[%dma_start3A_1323] : memref<128xf32, #tpu.memory_space<vmem>> -> memref<125xf32, #tpu.memory_space<vmem>>
    %dma_start3A_1325 = arith.constant 0 : i32
    %dma_start3A_1326 = tpu.memref_slice %arg10[%dma_start3A_1322, %dma_start3A_1325] : memref<25x125xi32, #tpu.memory_space<vmem>> -> memref<1x125xi32, #tpu.memory_space<vmem>>
    %dma_start3A_1327 = tpu.memref_squeeze %dma_start3A_1326 : memref<1x125xi32, #tpu.memory_space<vmem>> -> memref<125xi32, #tpu.memory_space<vmem>>
    %dma_start3A_1328 = arith.constant 0 : i32
    %dma_start3A_1329 = tpu.memref_slice %arg13[%dma_start3A_1328] : memref<1024xf32, #tpu.memory_space<vmem_shared>> -> memref<1024xf32, #tpu.memory_space<vmem_shared>>
    tpu.enqueue_indirect_dma source(%dma_start3A_1324 : memref<125xf32, #tpu.memory_space<vmem>>) target(%dma_start3A_1329 : memref<1024xf32, #tpu.memory_space<vmem_shared>>) offsets(%dma_start3A_1327 : memref<125xi32, #tpu.memory_space<vmem>>) semaphore(%arg24 : memref<!tpu.dma_semaphore, #tpu.memory_space<semaphore_mem>>) {add = true}
    %dma_start3A_1330 = arith.constant 1 : i32
    %dma_start3A_1331 = arith.constant 21 : i32
    %dma_start3A_1332 = arith.constant 0 : i32
    %dma_start3A_1333 = arith.constant 0 : i32
    %dma_start3A_1334 = tpu.memref_slice %arg9[%dma_start3A_1330, %dma_start3A_1332, %dma_start3A_1333] : memref<5x125x128xf32, #tpu.memory_space<vmem>> -> memref<1x125x128xf32, #tpu.memory_space<vmem>>
    %dma_start3A_1335 = tpu.memref_squeeze %dma_start3A_1334 : memref<1x125x128xf32, #tpu.memory_space<vmem>> -> memref<125x128xf32, #tpu.memory_space<vmem>>
    %dma_start3A_1336 = arith.constant 0 : i32
    %dma_start3A_1337 = tpu.memref_slice %arg10[%dma_start3A_1331, %dma_start3A_1336] : memref<25x125xi32, #tpu.memory_space<vmem>> -> memref<1x125xi32, #tpu.memory_space<vmem>>
    %dma_start3A_1338 = tpu.memref_squeeze %dma_start3A_1337 : memref<1x125xi32, #tpu.memory_space<vmem>> -> memref<125xi32, #tpu.memory_space<vmem>>
    %dma_start3A_1339 = arith.constant 0 : i32
    %dma_start3A_1340 = arith.constant 0 : i32
    %dma_start3A_1341 = tpu.memref_slice %arg12[%dma_start3A_1339, %dma_start3A_1340] : memref<1024x128xf32, #tpu.memory_space<vmem_shared>> -> memref<1024x128xf32, #tpu.memory_space<vmem_shared>>
    tpu.enqueue_indirect_dma source(%dma_start3A_1335 : memref<125x128xf32, #tpu.memory_space<vmem>>) target(%dma_start3A_1341 : memref<1024x128xf32, #tpu.memory_space<vmem_shared>>) offsets(%dma_start3A_1338 : memref<125xi32, #tpu.memory_space<vmem>>) semaphore(%arg20 : memref<!tpu.dma_semaphore, #tpu.memory_space<semaphore_mem>>) {add = true}
    %dma_wait3A_1342 = arith.constant 3 : i32
    %dma_wait3A_1343 = arith.constant 18 : i32
    %dma_wait3A_1344 = arith.constant 0 : i32
    %dma_wait3A_1345 = arith.constant 0 : i32
    %dma_wait3A_1346 = tpu.memref_slice %arg9[%dma_wait3A_1342, %dma_wait3A_1344, %dma_wait3A_1345] : memref<5x125x128xf32, #tpu.memory_space<vmem>> -> memref<1x125x128xf32, #tpu.memory_space<vmem>>
    %dma_wait3A_1347 = tpu.memref_squeeze %dma_wait3A_1346 : memref<1x125x128xf32, #tpu.memory_space<vmem>> -> memref<125x128xf32, #tpu.memory_space<vmem>>
    %dma_wait3A_1348 = arith.constant 0 : i32
    %dma_wait3A_1349 = tpu.memref_slice %arg10[%dma_wait3A_1343, %dma_wait3A_1348] : memref<25x125xi32, #tpu.memory_space<vmem>> -> memref<1x125xi32, #tpu.memory_space<vmem>>
    %dma_wait3A_1350 = tpu.memref_squeeze %dma_wait3A_1349 : memref<1x125xi32, #tpu.memory_space<vmem>> -> memref<125xi32, #tpu.memory_space<vmem>>
    %dma_wait3A_1351 = arith.constant 0 : i32
    %dma_wait3A_1352 = arith.constant 0 : i32
    %dma_wait3A_1353 = tpu.memref_slice %arg12[%dma_wait3A_1351, %dma_wait3A_1352] : memref<1024x128xf32, #tpu.memory_space<vmem_shared>> -> memref<1024x128xf32, #tpu.memory_space<vmem_shared>>
    tpu.wait_indirect_dma semaphore(%arg22 : memref<!tpu.dma_semaphore, #tpu.memory_space<semaphore_mem>>) src(%dma_wait3A_1347 : memref<125x128xf32, #tpu.memory_space<vmem>>) dst(%dma_wait3A_1353 : memref<1024x128xf32, #tpu.memory_space<vmem_shared>>)
    %mul3A_1354 = arith.constant 3125 : i32
    %mul3A_1355 = arith.muli %add3A, %mul3A_1354 : i32
    %add3A_1356 = arith.constant 2875 : i32
    %add3A_1357 = arith.addi %mul3A_1355, %add3A_1356 : i32
    %dma_start3A_1358 = arith.constant 3 : i32
    %dma_start3A_1359 = arith.constant 0 : i32
    %dma_start3A_1360 = arith.constant 0 : i32
    %dma_start3A_1361 = tpu.memref_slice %arg9[%dma_start3A_1358, %dma_start3A_1359, %dma_start3A_1360] : memref<5x125x128xf32, #tpu.memory_space<vmem>> -> memref<1x125x128xf32, #tpu.memory_space<vmem>>
    %dma_start3A_1362 = tpu.memref_squeeze %dma_start3A_1361 : memref<1x125x128xf32, #tpu.memory_space<vmem>> -> memref<125x128xf32, #tpu.memory_space<vmem>>
    %dma_start3A_1363 = arith.constant 0 : i32
    %dma_start3A_1364 = tpu.memref_slice %arg2[%add3A_1357, %dma_start3A_1363] : memref<100000x128xf32, #tpu.memory_space<hbm>> -> memref<125x128xf32, #tpu.memory_space<hbm>>
    %dma_start3A_1365 = arith.constant 0 : i32
    %dma_start3A_1366 = arith.constant 0 : i32
    %dma_start3A_1367 = tpu.memref_slice %arg9[%dma_start3A_1358, %dma_start3A_1365, %dma_start3A_1366] : memref<5x125x128xf32, #tpu.memory_space<vmem>> -> memref<1x125x128xf32, #tpu.memory_space<vmem>>
    %dma_start3A_1368 = tpu.memref_squeeze %dma_start3A_1367 : memref<1x125x128xf32, #tpu.memory_space<vmem>> -> memref<125x128xf32, #tpu.memory_space<vmem>>
    %dma_start3A_1369 = arith.constant 0 : i32
    %dma_start3A_1370 = tpu.memref_slice %arg2[%add3A_1357, %dma_start3A_1369] : memref<100000x128xf32, #tpu.memory_space<hbm>> -> memref<125x128xf32, #tpu.memory_space<hbm>>
    tpu.enqueue_dma source(%dma_start3A_1370 : memref<125x128xf32, #tpu.memory_space<hbm>>) target(%dma_start3A_1368 : memref<125x128xf32, #tpu.memory_space<vmem>>) target_semaphore(%arg17 : memref<!tpu.dma_semaphore, #tpu.memory_space<semaphore_mem>>)
    %dma_wait3A_1371 = arith.constant 2 : i32
    %dma_wait3A_1372 = arith.constant 0 : i32
    %dma_wait3A_1373 = arith.constant 0 : i32
    %dma_wait3A_1374 = tpu.memref_slice %arg9[%dma_wait3A_1371, %dma_wait3A_1372, %dma_wait3A_1373] : memref<5x125x128xf32, #tpu.memory_space<vmem>> -> memref<1x125x128xf32, #tpu.memory_space<vmem>>
    %dma_wait3A_1375 = tpu.memref_squeeze %dma_wait3A_1374 : memref<1x125x128xf32, #tpu.memory_space<vmem>> -> memref<125x128xf32, #tpu.memory_space<vmem>>
    %dma_wait3A_1376 = arith.constant 0 : i32
    %dma_wait3A_1377 = tpu.memref_slice %arg2[%add3A_1295, %dma_wait3A_1376] : memref<100000x128xf32, #tpu.memory_space<hbm>> -> memref<125x128xf32, #tpu.memory_space<hbm>>
    %dma_wait3A_1378 = arith.constant 0 : i32
    %dma_wait3A_1379 = arith.constant 0 : i32
    %dma_wait3A_1380 = tpu.memref_slice %arg9[%dma_wait3A_1371, %dma_wait3A_1378, %dma_wait3A_1379] : memref<5x125x128xf32, #tpu.memory_space<vmem>> -> memref<1x125x128xf32, #tpu.memory_space<vmem>>
    %dma_wait3A_1381 = tpu.memref_squeeze %dma_wait3A_1380 : memref<1x125x128xf32, #tpu.memory_space<vmem>> -> memref<125x128xf32, #tpu.memory_space<vmem>>
    %dma_wait3A_1382 = arith.constant 0 : i32
    %dma_wait3A_1383 = tpu.memref_slice %arg2[%add3A_1295, %dma_wait3A_1382] : memref<100000x128xf32, #tpu.memory_space<hbm>> -> memref<125x128xf32, #tpu.memory_space<hbm>>
    tpu.wait_dma2 semaphore(%arg16 : memref<!tpu.dma_semaphore, #tpu.memory_space<semaphore_mem>>) src(%dma_wait3A_1383 : memref<125x128xf32, #tpu.memory_space<hbm>>) dst(%dma_wait3A_1381 : memref<125x128xf32, #tpu.memory_space<vmem>>)
    %dma_start3A_1384 = arith.constant 22 : i32
    %dma_start3A_1385 = arith.constant 0 : i32
    %dma_start3A_1386 = tpu.memref_slice %arg11[%dma_start3A_1385] : memref<128xf32, #tpu.memory_space<vmem>> -> memref<125xf32, #tpu.memory_space<vmem>>
    %dma_start3A_1387 = arith.constant 0 : i32
    %dma_start3A_1388 = tpu.memref_slice %arg10[%dma_start3A_1384, %dma_start3A_1387] : memref<25x125xi32, #tpu.memory_space<vmem>> -> memref<1x125xi32, #tpu.memory_space<vmem>>
    %dma_start3A_1389 = tpu.memref_squeeze %dma_start3A_1388 : memref<1x125xi32, #tpu.memory_space<vmem>> -> memref<125xi32, #tpu.memory_space<vmem>>
    %dma_start3A_1390 = arith.constant 0 : i32
    %dma_start3A_1391 = tpu.memref_slice %arg13[%dma_start3A_1390] : memref<1024xf32, #tpu.memory_space<vmem_shared>> -> memref<1024xf32, #tpu.memory_space<vmem_shared>>
    tpu.enqueue_indirect_dma source(%dma_start3A_1386 : memref<125xf32, #tpu.memory_space<vmem>>) target(%dma_start3A_1391 : memref<1024xf32, #tpu.memory_space<vmem_shared>>) offsets(%dma_start3A_1389 : memref<125xi32, #tpu.memory_space<vmem>>) semaphore(%arg24 : memref<!tpu.dma_semaphore, #tpu.memory_space<semaphore_mem>>) {add = true}
    %dma_start3A_1392 = arith.constant 2 : i32
    %dma_start3A_1393 = arith.constant 22 : i32
    %dma_start3A_1394 = arith.constant 0 : i32
    %dma_start3A_1395 = arith.constant 0 : i32
    %dma_start3A_1396 = tpu.memref_slice %arg9[%dma_start3A_1392, %dma_start3A_1394, %dma_start3A_1395] : memref<5x125x128xf32, #tpu.memory_space<vmem>> -> memref<1x125x128xf32, #tpu.memory_space<vmem>>
    %dma_start3A_1397 = tpu.memref_squeeze %dma_start3A_1396 : memref<1x125x128xf32, #tpu.memory_space<vmem>> -> memref<125x128xf32, #tpu.memory_space<vmem>>
    %dma_start3A_1398 = arith.constant 0 : i32
    %dma_start3A_1399 = tpu.memref_slice %arg10[%dma_start3A_1393, %dma_start3A_1398] : memref<25x125xi32, #tpu.memory_space<vmem>> -> memref<1x125xi32, #tpu.memory_space<vmem>>
    %dma_start3A_1400 = tpu.memref_squeeze %dma_start3A_1399 : memref<1x125xi32, #tpu.memory_space<vmem>> -> memref<125xi32, #tpu.memory_space<vmem>>
    %dma_start3A_1401 = arith.constant 0 : i32
    %dma_start3A_1402 = arith.constant 0 : i32
    %dma_start3A_1403 = tpu.memref_slice %arg12[%dma_start3A_1401, %dma_start3A_1402] : memref<1024x128xf32, #tpu.memory_space<vmem_shared>> -> memref<1024x128xf32, #tpu.memory_space<vmem_shared>>
    tpu.enqueue_indirect_dma source(%dma_start3A_1397 : memref<125x128xf32, #tpu.memory_space<vmem>>) target(%dma_start3A_1403 : memref<1024x128xf32, #tpu.memory_space<vmem_shared>>) offsets(%dma_start3A_1400 : memref<125xi32, #tpu.memory_space<vmem>>) semaphore(%arg21 : memref<!tpu.dma_semaphore, #tpu.memory_space<semaphore_mem>>) {add = true}
    %dma_wait3A_1404 = arith.constant 4 : i32
    %dma_wait3A_1405 = arith.constant 19 : i32
    %dma_wait3A_1406 = arith.constant 0 : i32
    %dma_wait3A_1407 = arith.constant 0 : i32
    %dma_wait3A_1408 = tpu.memref_slice %arg9[%dma_wait3A_1404, %dma_wait3A_1406, %dma_wait3A_1407] : memref<5x125x128xf32, #tpu.memory_space<vmem>> -> memref<1x125x128xf32, #tpu.memory_space<vmem>>
    %dma_wait3A_1409 = tpu.memref_squeeze %dma_wait3A_1408 : memref<1x125x128xf32, #tpu.memory_space<vmem>> -> memref<125x128xf32, #tpu.memory_space<vmem>>
    %dma_wait3A_1410 = arith.constant 0 : i32
    %dma_wait3A_1411 = tpu.memref_slice %arg10[%dma_wait3A_1405, %dma_wait3A_1410] : memref<25x125xi32, #tpu.memory_space<vmem>> -> memref<1x125xi32, #tpu.memory_space<vmem>>
    %dma_wait3A_1412 = tpu.memref_squeeze %dma_wait3A_1411 : memref<1x125xi32, #tpu.memory_space<vmem>> -> memref<125xi32, #tpu.memory_space<vmem>>
    %dma_wait3A_1413 = arith.constant 0 : i32
    %dma_wait3A_1414 = arith.constant 0 : i32
    %dma_wait3A_1415 = tpu.memref_slice %arg12[%dma_wait3A_1413, %dma_wait3A_1414] : memref<1024x128xf32, #tpu.memory_space<vmem_shared>> -> memref<1024x128xf32, #tpu.memory_space<vmem_shared>>
    tpu.wait_indirect_dma semaphore(%arg23 : memref<!tpu.dma_semaphore, #tpu.memory_space<semaphore_mem>>) src(%dma_wait3A_1409 : memref<125x128xf32, #tpu.memory_space<vmem>>) dst(%dma_wait3A_1415 : memref<1024x128xf32, #tpu.memory_space<vmem_shared>>)
    %mul3A_1416 = arith.constant 3125 : i32
    %mul3A_1417 = arith.muli %add3A, %mul3A_1416 : i32
    %add3A_1418 = arith.constant 3000 : i32
    %add3A_1419 = arith.addi %mul3A_1417, %add3A_1418 : i32
    %dma_start3A_1420 = arith.constant 4 : i32
    %dma_start3A_1421 = arith.constant 0 : i32
    %dma_start3A_1422 = arith.constant 0 : i32
    %dma_start3A_1423 = tpu.memref_slice %arg9[%dma_start3A_1420, %dma_start3A_1421, %dma_start3A_1422] : memref<5x125x128xf32, #tpu.memory_space<vmem>> -> memref<1x125x128xf32, #tpu.memory_space<vmem>>
    %dma_start3A_1424 = tpu.memref_squeeze %dma_start3A_1423 : memref<1x125x128xf32, #tpu.memory_space<vmem>> -> memref<125x128xf32, #tpu.memory_space<vmem>>
    %dma_start3A_1425 = arith.constant 0 : i32
    %dma_start3A_1426 = tpu.memref_slice %arg2[%add3A_1419, %dma_start3A_1425] : memref<100000x128xf32, #tpu.memory_space<hbm>> -> memref<125x128xf32, #tpu.memory_space<hbm>>
    %dma_start3A_1427 = arith.constant 0 : i32
    %dma_start3A_1428 = arith.constant 0 : i32
    %dma_start3A_1429 = tpu.memref_slice %arg9[%dma_start3A_1420, %dma_start3A_1427, %dma_start3A_1428] : memref<5x125x128xf32, #tpu.memory_space<vmem>> -> memref<1x125x128xf32, #tpu.memory_space<vmem>>
    %dma_start3A_1430 = tpu.memref_squeeze %dma_start3A_1429 : memref<1x125x128xf32, #tpu.memory_space<vmem>> -> memref<125x128xf32, #tpu.memory_space<vmem>>
    %dma_start3A_1431 = arith.constant 0 : i32
    %dma_start3A_1432 = tpu.memref_slice %arg2[%add3A_1419, %dma_start3A_1431] : memref<100000x128xf32, #tpu.memory_space<hbm>> -> memref<125x128xf32, #tpu.memory_space<hbm>>
    tpu.enqueue_dma source(%dma_start3A_1432 : memref<125x128xf32, #tpu.memory_space<hbm>>) target(%dma_start3A_1430 : memref<125x128xf32, #tpu.memory_space<vmem>>) target_semaphore(%arg18 : memref<!tpu.dma_semaphore, #tpu.memory_space<semaphore_mem>>)
    %dma_wait3A_1433 = arith.constant 3 : i32
    %dma_wait3A_1434 = arith.constant 0 : i32
    %dma_wait3A_1435 = arith.constant 0 : i32
    %dma_wait3A_1436 = tpu.memref_slice %arg9[%dma_wait3A_1433, %dma_wait3A_1434, %dma_wait3A_1435] : memref<5x125x128xf32, #tpu.memory_space<vmem>> -> memref<1x125x128xf32, #tpu.memory_space<vmem>>
    %dma_wait3A_1437 = tpu.memref_squeeze %dma_wait3A_1436 : memref<1x125x128xf32, #tpu.memory_space<vmem>> -> memref<125x128xf32, #tpu.memory_space<vmem>>
    %dma_wait3A_1438 = arith.constant 0 : i32
    %dma_wait3A_1439 = tpu.memref_slice %arg2[%add3A_1357, %dma_wait3A_1438] : memref<100000x128xf32, #tpu.memory_space<hbm>> -> memref<125x128xf32, #tpu.memory_space<hbm>>
    %dma_wait3A_1440 = arith.constant 0 : i32
    %dma_wait3A_1441 = arith.constant 0 : i32
    %dma_wait3A_1442 = tpu.memref_slice %arg9[%dma_wait3A_1433, %dma_wait3A_1440, %dma_wait3A_1441] : memref<5x125x128xf32, #tpu.memory_space<vmem>> -> memref<1x125x128xf32, #tpu.memory_space<vmem>>
    %dma_wait3A_1443 = tpu.memref_squeeze %dma_wait3A_1442 : memref<1x125x128xf32, #tpu.memory_space<vmem>> -> memref<125x128xf32, #tpu.memory_space<vmem>>
    %dma_wait3A_1444 = arith.constant 0 : i32
    %dma_wait3A_1445 = tpu.memref_slice %arg2[%add3A_1357, %dma_wait3A_1444] : memref<100000x128xf32, #tpu.memory_space<hbm>> -> memref<125x128xf32, #tpu.memory_space<hbm>>
    tpu.wait_dma2 semaphore(%arg17 : memref<!tpu.dma_semaphore, #tpu.memory_space<semaphore_mem>>) src(%dma_wait3A_1445 : memref<125x128xf32, #tpu.memory_space<hbm>>) dst(%dma_wait3A_1443 : memref<125x128xf32, #tpu.memory_space<vmem>>)
    %dma_start3A_1446 = arith.constant 23 : i32
    %dma_start3A_1447 = arith.constant 0 : i32
    %dma_start3A_1448 = tpu.memref_slice %arg11[%dma_start3A_1447] : memref<128xf32, #tpu.memory_space<vmem>> -> memref<125xf32, #tpu.memory_space<vmem>>
    %dma_start3A_1449 = arith.constant 0 : i32
    %dma_start3A_1450 = tpu.memref_slice %arg10[%dma_start3A_1446, %dma_start3A_1449] : memref<25x125xi32, #tpu.memory_space<vmem>> -> memref<1x125xi32, #tpu.memory_space<vmem>>
    %dma_start3A_1451 = tpu.memref_squeeze %dma_start3A_1450 : memref<1x125xi32, #tpu.memory_space<vmem>> -> memref<125xi32, #tpu.memory_space<vmem>>
    %dma_start3A_1452 = arith.constant 0 : i32
    %dma_start3A_1453 = tpu.memref_slice %arg13[%dma_start3A_1452] : memref<1024xf32, #tpu.memory_space<vmem_shared>> -> memref<1024xf32, #tpu.memory_space<vmem_shared>>
    tpu.enqueue_indirect_dma source(%dma_start3A_1448 : memref<125xf32, #tpu.memory_space<vmem>>) target(%dma_start3A_1453 : memref<1024xf32, #tpu.memory_space<vmem_shared>>) offsets(%dma_start3A_1451 : memref<125xi32, #tpu.memory_space<vmem>>) semaphore(%arg24 : memref<!tpu.dma_semaphore, #tpu.memory_space<semaphore_mem>>) {add = true}
    %dma_start3A_1454 = arith.constant 3 : i32
    %dma_start3A_1455 = arith.constant 23 : i32
    %dma_start3A_1456 = arith.constant 0 : i32
    %dma_start3A_1457 = arith.constant 0 : i32
    %dma_start3A_1458 = tpu.memref_slice %arg9[%dma_start3A_1454, %dma_start3A_1456, %dma_start3A_1457] : memref<5x125x128xf32, #tpu.memory_space<vmem>> -> memref<1x125x128xf32, #tpu.memory_space<vmem>>
    %dma_start3A_1459 = tpu.memref_squeeze %dma_start3A_1458 : memref<1x125x128xf32, #tpu.memory_space<vmem>> -> memref<125x128xf32, #tpu.memory_space<vmem>>
    %dma_start3A_1460 = arith.constant 0 : i32
    %dma_start3A_1461 = tpu.memref_slice %arg10[%dma_start3A_1455, %dma_start3A_1460] : memref<25x125xi32, #tpu.memory_space<vmem>> -> memref<1x125xi32, #tpu.memory_space<vmem>>
    %dma_start3A_1462 = tpu.memref_squeeze %dma_start3A_1461 : memref<1x125xi32, #tpu.memory_space<vmem>> -> memref<125xi32, #tpu.memory_space<vmem>>
    %dma_start3A_1463 = arith.constant 0 : i32
    %dma_start3A_1464 = arith.constant 0 : i32
    %dma_start3A_1465 = tpu.memref_slice %arg12[%dma_start3A_1463, %dma_start3A_1464] : memref<1024x128xf32, #tpu.memory_space<vmem_shared>> -> memref<1024x128xf32, #tpu.memory_space<vmem_shared>>
    tpu.enqueue_indirect_dma source(%dma_start3A_1459 : memref<125x128xf32, #tpu.memory_space<vmem>>) target(%dma_start3A_1465 : memref<1024x128xf32, #tpu.memory_space<vmem_shared>>) offsets(%dma_start3A_1462 : memref<125xi32, #tpu.memory_space<vmem>>) semaphore(%arg22 : memref<!tpu.dma_semaphore, #tpu.memory_space<semaphore_mem>>) {add = true}
    %dma_wait3A_1466 = arith.constant 4 : i32
    %dma_wait3A_1467 = arith.constant 0 : i32
    %dma_wait3A_1468 = arith.constant 0 : i32
    %dma_wait3A_1469 = tpu.memref_slice %arg9[%dma_wait3A_1466, %dma_wait3A_1467, %dma_wait3A_1468] : memref<5x125x128xf32, #tpu.memory_space<vmem>> -> memref<1x125x128xf32, #tpu.memory_space<vmem>>
    %dma_wait3A_1470 = tpu.memref_squeeze %dma_wait3A_1469 : memref<1x125x128xf32, #tpu.memory_space<vmem>> -> memref<125x128xf32, #tpu.memory_space<vmem>>
    %dma_wait3A_1471 = arith.constant 0 : i32
    %dma_wait3A_1472 = tpu.memref_slice %arg2[%add3A_1419, %dma_wait3A_1471] : memref<100000x128xf32, #tpu.memory_space<hbm>> -> memref<125x128xf32, #tpu.memory_space<hbm>>
    %dma_wait3A_1473 = arith.constant 0 : i32
    %dma_wait3A_1474 = arith.constant 0 : i32
    %dma_wait3A_1475 = tpu.memref_slice %arg9[%dma_wait3A_1466, %dma_wait3A_1473, %dma_wait3A_1474] : memref<5x125x128xf32, #tpu.memory_space<vmem>> -> memref<1x125x128xf32, #tpu.memory_space<vmem>>
    %dma_wait3A_1476 = tpu.memref_squeeze %dma_wait3A_1475 : memref<1x125x128xf32, #tpu.memory_space<vmem>> -> memref<125x128xf32, #tpu.memory_space<vmem>>
    %dma_wait3A_1477 = arith.constant 0 : i32
    %dma_wait3A_1478 = tpu.memref_slice %arg2[%add3A_1419, %dma_wait3A_1477] : memref<100000x128xf32, #tpu.memory_space<hbm>> -> memref<125x128xf32, #tpu.memory_space<hbm>>
    tpu.wait_dma2 semaphore(%arg18 : memref<!tpu.dma_semaphore, #tpu.memory_space<semaphore_mem>>) src(%dma_wait3A_1478 : memref<125x128xf32, #tpu.memory_space<hbm>>) dst(%dma_wait3A_1476 : memref<125x128xf32, #tpu.memory_space<vmem>>)
    %dma_start3A_1479 = arith.constant 24 : i32
    %dma_start3A_1480 = arith.constant 0 : i32
    %dma_start3A_1481 = tpu.memref_slice %arg11[%dma_start3A_1480] : memref<128xf32, #tpu.memory_space<vmem>> -> memref<125xf32, #tpu.memory_space<vmem>>
    %dma_start3A_1482 = arith.constant 0 : i32
    %dma_start3A_1483 = tpu.memref_slice %arg10[%dma_start3A_1479, %dma_start3A_1482] : memref<25x125xi32, #tpu.memory_space<vmem>> -> memref<1x125xi32, #tpu.memory_space<vmem>>
    %dma_start3A_1484 = tpu.memref_squeeze %dma_start3A_1483 : memref<1x125xi32, #tpu.memory_space<vmem>> -> memref<125xi32, #tpu.memory_space<vmem>>
    %dma_start3A_1485 = arith.constant 0 : i32
    %dma_start3A_1486 = tpu.memref_slice %arg13[%dma_start3A_1485] : memref<1024xf32, #tpu.memory_space<vmem_shared>> -> memref<1024xf32, #tpu.memory_space<vmem_shared>>
    tpu.enqueue_indirect_dma source(%dma_start3A_1481 : memref<125xf32, #tpu.memory_space<vmem>>) target(%dma_start3A_1486 : memref<1024xf32, #tpu.memory_space<vmem_shared>>) offsets(%dma_start3A_1484 : memref<125xi32, #tpu.memory_space<vmem>>) semaphore(%arg24 : memref<!tpu.dma_semaphore, #tpu.memory_space<semaphore_mem>>) {add = true}
    %dma_start3A_1487 = arith.constant 4 : i32
    %dma_start3A_1488 = arith.constant 24 : i32
    %dma_start3A_1489 = arith.constant 0 : i32
    %dma_start3A_1490 = arith.constant 0 : i32
    %dma_start3A_1491 = tpu.memref_slice %arg9[%dma_start3A_1487, %dma_start3A_1489, %dma_start3A_1490] : memref<5x125x128xf32, #tpu.memory_space<vmem>> -> memref<1x125x128xf32, #tpu.memory_space<vmem>>
    %dma_start3A_1492 = tpu.memref_squeeze %dma_start3A_1491 : memref<1x125x128xf32, #tpu.memory_space<vmem>> -> memref<125x128xf32, #tpu.memory_space<vmem>>
    %dma_start3A_1493 = arith.constant 0 : i32
    %dma_start3A_1494 = tpu.memref_slice %arg10[%dma_start3A_1488, %dma_start3A_1493] : memref<25x125xi32, #tpu.memory_space<vmem>> -> memref<1x125xi32, #tpu.memory_space<vmem>>
    %dma_start3A_1495 = tpu.memref_squeeze %dma_start3A_1494 : memref<1x125xi32, #tpu.memory_space<vmem>> -> memref<125xi32, #tpu.memory_space<vmem>>
    %dma_start3A_1496 = arith.constant 0 : i32
    %dma_start3A_1497 = arith.constant 0 : i32
    %dma_start3A_1498 = tpu.memref_slice %arg12[%dma_start3A_1496, %dma_start3A_1497] : memref<1024x128xf32, #tpu.memory_space<vmem_shared>> -> memref<1024x128xf32, #tpu.memory_space<vmem_shared>>
    tpu.enqueue_indirect_dma source(%dma_start3A_1492 : memref<125x128xf32, #tpu.memory_space<vmem>>) target(%dma_start3A_1498 : memref<1024x128xf32, #tpu.memory_space<vmem_shared>>) offsets(%dma_start3A_1495 : memref<125xi32, #tpu.memory_space<vmem>>) semaphore(%arg23 : memref<!tpu.dma_semaphore, #tpu.memory_space<semaphore_mem>>) {add = true}
    %dma_wait3A_1499 = arith.constant 0 : i32
    %dma_wait3A_1500 = arith.constant 20 : i32
    %dma_wait3A_1501 = arith.constant 0 : i32
    %dma_wait3A_1502 = arith.constant 0 : i32
    %dma_wait3A_1503 = tpu.memref_slice %arg9[%dma_wait3A_1499, %dma_wait3A_1501, %dma_wait3A_1502] : memref<5x125x128xf32, #tpu.memory_space<vmem>> -> memref<1x125x128xf32, #tpu.memory_space<vmem>>
    %dma_wait3A_1504 = tpu.memref_squeeze %dma_wait3A_1503 : memref<1x125x128xf32, #tpu.memory_space<vmem>> -> memref<125x128xf32, #tpu.memory_space<vmem>>
    %dma_wait3A_1505 = arith.constant 0 : i32
    %dma_wait3A_1506 = tpu.memref_slice %arg10[%dma_wait3A_1500, %dma_wait3A_1505] : memref<25x125xi32, #tpu.memory_space<vmem>> -> memref<1x125xi32, #tpu.memory_space<vmem>>
    %dma_wait3A_1507 = tpu.memref_squeeze %dma_wait3A_1506 : memref<1x125xi32, #tpu.memory_space<vmem>> -> memref<125xi32, #tpu.memory_space<vmem>>
    %dma_wait3A_1508 = arith.constant 0 : i32
    %dma_wait3A_1509 = arith.constant 0 : i32
    %dma_wait3A_1510 = tpu.memref_slice %arg12[%dma_wait3A_1508, %dma_wait3A_1509] : memref<1024x128xf32, #tpu.memory_space<vmem_shared>> -> memref<1024x128xf32, #tpu.memory_space<vmem_shared>>
    tpu.wait_indirect_dma semaphore(%arg19 : memref<!tpu.dma_semaphore, #tpu.memory_space<semaphore_mem>>) src(%dma_wait3A_1504 : memref<125x128xf32, #tpu.memory_space<vmem>>) dst(%dma_wait3A_1510 : memref<1024x128xf32, #tpu.memory_space<vmem_shared>>)
    %dma_wait3A_1511 = arith.constant 1 : i32
    %dma_wait3A_1512 = arith.constant 21 : i32
    %dma_wait3A_1513 = arith.constant 0 : i32
    %dma_wait3A_1514 = arith.constant 0 : i32
    %dma_wait3A_1515 = tpu.memref_slice %arg9[%dma_wait3A_1511, %dma_wait3A_1513, %dma_wait3A_1514] : memref<5x125x128xf32, #tpu.memory_space<vmem>> -> memref<1x125x128xf32, #tpu.memory_space<vmem>>
    %dma_wait3A_1516 = tpu.memref_squeeze %dma_wait3A_1515 : memref<1x125x128xf32, #tpu.memory_space<vmem>> -> memref<125x128xf32, #tpu.memory_space<vmem>>
    %dma_wait3A_1517 = arith.constant 0 : i32
    %dma_wait3A_1518 = tpu.memref_slice %arg10[%dma_wait3A_1512, %dma_wait3A_1517] : memref<25x125xi32, #tpu.memory_space<vmem>> -> memref<1x125xi32, #tpu.memory_space<vmem>>
    %dma_wait3A_1519 = tpu.memref_squeeze %dma_wait3A_1518 : memref<1x125xi32, #tpu.memory_space<vmem>> -> memref<125xi32, #tpu.memory_space<vmem>>
    %dma_wait3A_1520 = arith.constant 0 : i32
    %dma_wait3A_1521 = arith.constant 0 : i32
    %dma_wait3A_1522 = tpu.memref_slice %arg12[%dma_wait3A_1520, %dma_wait3A_1521] : memref<1024x128xf32, #tpu.memory_space<vmem_shared>> -> memref<1024x128xf32, #tpu.memory_space<vmem_shared>>
    tpu.wait_indirect_dma semaphore(%arg20 : memref<!tpu.dma_semaphore, #tpu.memory_space<semaphore_mem>>) src(%dma_wait3A_1516 : memref<125x128xf32, #tpu.memory_space<vmem>>) dst(%dma_wait3A_1522 : memref<1024x128xf32, #tpu.memory_space<vmem_shared>>)
    %dma_wait3A_1523 = arith.constant 2 : i32
    %dma_wait3A_1524 = arith.constant 22 : i32
    %dma_wait3A_1525 = arith.constant 0 : i32
    %dma_wait3A_1526 = arith.constant 0 : i32
    %dma_wait3A_1527 = tpu.memref_slice %arg9[%dma_wait3A_1523, %dma_wait3A_1525, %dma_wait3A_1526] : memref<5x125x128xf32, #tpu.memory_space<vmem>> -> memref<1x125x128xf32, #tpu.memory_space<vmem>>
    %dma_wait3A_1528 = tpu.memref_squeeze %dma_wait3A_1527 : memref<1x125x128xf32, #tpu.memory_space<vmem>> -> memref<125x128xf32, #tpu.memory_space<vmem>>
    %dma_wait3A_1529 = arith.constant 0 : i32
    %dma_wait3A_1530 = tpu.memref_slice %arg10[%dma_wait3A_1524, %dma_wait3A_1529] : memref<25x125xi32, #tpu.memory_space<vmem>> -> memref<1x125xi32, #tpu.memory_space<vmem>>
    %dma_wait3A_1531 = tpu.memref_squeeze %dma_wait3A_1530 : memref<1x125xi32, #tpu.memory_space<vmem>> -> memref<125xi32, #tpu.memory_space<vmem>>
    %dma_wait3A_1532 = arith.constant 0 : i32
    %dma_wait3A_1533 = arith.constant 0 : i32
    %dma_wait3A_1534 = tpu.memref_slice %arg12[%dma_wait3A_1532, %dma_wait3A_1533] : memref<1024x128xf32, #tpu.memory_space<vmem_shared>> -> memref<1024x128xf32, #tpu.memory_space<vmem_shared>>
    tpu.wait_indirect_dma semaphore(%arg21 : memref<!tpu.dma_semaphore, #tpu.memory_space<semaphore_mem>>) src(%dma_wait3A_1528 : memref<125x128xf32, #tpu.memory_space<vmem>>) dst(%dma_wait3A_1534 : memref<1024x128xf32, #tpu.memory_space<vmem_shared>>)
    %dma_wait3A_1535 = arith.constant 3 : i32
    %dma_wait3A_1536 = arith.constant 23 : i32
    %dma_wait3A_1537 = arith.constant 0 : i32
    %dma_wait3A_1538 = arith.constant 0 : i32
    %dma_wait3A_1539 = tpu.memref_slice %arg9[%dma_wait3A_1535, %dma_wait3A_1537, %dma_wait3A_1538] : memref<5x125x128xf32, #tpu.memory_space<vmem>> -> memref<1x125x128xf32, #tpu.memory_space<vmem>>
    %dma_wait3A_1540 = tpu.memref_squeeze %dma_wait3A_1539 : memref<1x125x128xf32, #tpu.memory_space<vmem>> -> memref<125x128xf32, #tpu.memory_space<vmem>>
    %dma_wait3A_1541 = arith.constant 0 : i32
    %dma_wait3A_1542 = tpu.memref_slice %arg10[%dma_wait3A_1536, %dma_wait3A_1541] : memref<25x125xi32, #tpu.memory_space<vmem>> -> memref<1x125xi32, #tpu.memory_space<vmem>>
    %dma_wait3A_1543 = tpu.memref_squeeze %dma_wait3A_1542 : memref<1x125xi32, #tpu.memory_space<vmem>> -> memref<125xi32, #tpu.memory_space<vmem>>
    %dma_wait3A_1544 = arith.constant 0 : i32
    %dma_wait3A_1545 = arith.constant 0 : i32
    %dma_wait3A_1546 = tpu.memref_slice %arg12[%dma_wait3A_1544, %dma_wait3A_1545] : memref<1024x128xf32, #tpu.memory_space<vmem_shared>> -> memref<1024x128xf32, #tpu.memory_space<vmem_shared>>
    tpu.wait_indirect_dma semaphore(%arg22 : memref<!tpu.dma_semaphore, #tpu.memory_space<semaphore_mem>>) src(%dma_wait3A_1540 : memref<125x128xf32, #tpu.memory_space<vmem>>) dst(%dma_wait3A_1546 : memref<1024x128xf32, #tpu.memory_space<vmem_shared>>)
    %dma_wait3A_1547 = arith.constant 4 : i32
    %dma_wait3A_1548 = arith.constant 24 : i32
    %dma_wait3A_1549 = arith.constant 0 : i32
    %dma_wait3A_1550 = arith.constant 0 : i32
    %dma_wait3A_1551 = tpu.memref_slice %arg9[%dma_wait3A_1547, %dma_wait3A_1549, %dma_wait3A_1550] : memref<5x125x128xf32, #tpu.memory_space<vmem>> -> memref<1x125x128xf32, #tpu.memory_space<vmem>>
    %dma_wait3A_1552 = tpu.memref_squeeze %dma_wait3A_1551 : memref<1x125x128xf32, #tpu.memory_space<vmem>> -> memref<125x128xf32, #tpu.memory_space<vmem>>
    %dma_wait3A_1553 = arith.constant 0 : i32
    %dma_wait3A_1554 = tpu.memref_slice %arg10[%dma_wait3A_1548, %dma_wait3A_1553] : memref<25x125xi32, #tpu.memory_space<vmem>> -> memref<1x125xi32, #tpu.memory_space<vmem>>
    %dma_wait3A_1555 = tpu.memref_squeeze %dma_wait3A_1554 : memref<1x125xi32, #tpu.memory_space<vmem>> -> memref<125xi32, #tpu.memory_space<vmem>>
    %dma_wait3A_1556 = arith.constant 0 : i32
    %dma_wait3A_1557 = arith.constant 0 : i32
    %dma_wait3A_1558 = tpu.memref_slice %arg12[%dma_wait3A_1556, %dma_wait3A_1557] : memref<1024x128xf32, #tpu.memory_space<vmem_shared>> -> memref<1024x128xf32, #tpu.memory_space<vmem_shared>>
    tpu.wait_indirect_dma semaphore(%arg23 : memref<!tpu.dma_semaphore, #tpu.memory_space<semaphore_mem>>) src(%dma_wait3A_1552 : memref<125x128xf32, #tpu.memory_space<vmem>>) dst(%dma_wait3A_1558 : memref<1024x128xf32, #tpu.memory_space<vmem_shared>>)
    %dma_wait3A_1559 = arith.constant 0 : i32
    %dma_wait3A_1560 = arith.constant 0 : i32
    %dma_wait3A_1561 = tpu.memref_slice %arg11[%dma_wait3A_1560] : memref<128xf32, #tpu.memory_space<vmem>> -> memref<125xf32, #tpu.memory_space<vmem>>
    %dma_wait3A_1562 = arith.constant 0 : i32
    %dma_wait3A_1563 = tpu.memref_slice %arg10[%dma_wait3A_1559, %dma_wait3A_1562] : memref<25x125xi32, #tpu.memory_space<vmem>> -> memref<1x125xi32, #tpu.memory_space<vmem>>
    %dma_wait3A_1564 = tpu.memref_squeeze %dma_wait3A_1563 : memref<1x125xi32, #tpu.memory_space<vmem>> -> memref<125xi32, #tpu.memory_space<vmem>>
    %dma_wait3A_1565 = arith.constant 0 : i32
    %dma_wait3A_1566 = tpu.memref_slice %arg13[%dma_wait3A_1565] : memref<1024xf32, #tpu.memory_space<vmem_shared>> -> memref<1024xf32, #tpu.memory_space<vmem_shared>>
    tpu.wait_indirect_dma semaphore(%arg24 : memref<!tpu.dma_semaphore, #tpu.memory_space<semaphore_mem>>) src(%dma_wait3A_1561 : memref<125xf32, #tpu.memory_space<vmem>>) dst(%dma_wait3A_1566 : memref<1024xf32, #tpu.memory_space<vmem_shared>>)
    %dma_wait3A_1567 = arith.constant 1 : i32
    %dma_wait3A_1568 = arith.constant 0 : i32
    %dma_wait3A_1569 = tpu.memref_slice %arg11[%dma_wait3A_1568] : memref<128xf32, #tpu.memory_space<vmem>> -> memref<125xf32, #tpu.memory_space<vmem>>
    %dma_wait3A_1570 = arith.constant 0 : i32
    %dma_wait3A_1571 = tpu.memref_slice %arg10[%dma_wait3A_1567, %dma_wait3A_1570] : memref<25x125xi32, #tpu.memory_space<vmem>> -> memref<1x125xi32, #tpu.memory_space<vmem>>
    %dma_wait3A_1572 = tpu.memref_squeeze %dma_wait3A_1571 : memref<1x125xi32, #tpu.memory_space<vmem>> -> memref<125xi32, #tpu.memory_space<vmem>>
    %dma_wait3A_1573 = arith.constant 0 : i32
    %dma_wait3A_1574 = tpu.memref_slice %arg13[%dma_wait3A_1573] : memref<1024xf32, #tpu.memory_space<vmem_shared>> -> memref<1024xf32, #tpu.memory_space<vmem_shared>>
    tpu.wait_indirect_dma semaphore(%arg24 : memref<!tpu.dma_semaphore, #tpu.memory_space<semaphore_mem>>) src(%dma_wait3A_1569 : memref<125xf32, #tpu.memory_space<vmem>>) dst(%dma_wait3A_1574 : memref<1024xf32, #tpu.memory_space<vmem_shared>>)
    %dma_wait3A_1575 = arith.constant 2 : i32
    %dma_wait3A_1576 = arith.constant 0 : i32
    %dma_wait3A_1577 = tpu.memref_slice %arg11[%dma_wait3A_1576] : memref<128xf32, #tpu.memory_space<vmem>> -> memref<125xf32, #tpu.memory_space<vmem>>
    %dma_wait3A_1578 = arith.constant 0 : i32
    %dma_wait3A_1579 = tpu.memref_slice %arg10[%dma_wait3A_1575, %dma_wait3A_1578] : memref<25x125xi32, #tpu.memory_space<vmem>> -> memref<1x125xi32, #tpu.memory_space<vmem>>
    %dma_wait3A_1580 = tpu.memref_squeeze %dma_wait3A_1579 : memref<1x125xi32, #tpu.memory_space<vmem>> -> memref<125xi32, #tpu.memory_space<vmem>>
    %dma_wait3A_1581 = arith.constant 0 : i32
    %dma_wait3A_1582 = tpu.memref_slice %arg13[%dma_wait3A_1581] : memref<1024xf32, #tpu.memory_space<vmem_shared>> -> memref<1024xf32, #tpu.memory_space<vmem_shared>>
    tpu.wait_indirect_dma semaphore(%arg24 : memref<!tpu.dma_semaphore, #tpu.memory_space<semaphore_mem>>) src(%dma_wait3A_1577 : memref<125xf32, #tpu.memory_space<vmem>>) dst(%dma_wait3A_1582 : memref<1024xf32, #tpu.memory_space<vmem_shared>>)
    %dma_wait3A_1583 = arith.constant 3 : i32
    %dma_wait3A_1584 = arith.constant 0 : i32
    %dma_wait3A_1585 = tpu.memref_slice %arg11[%dma_wait3A_1584] : memref<128xf32, #tpu.memory_space<vmem>> -> memref<125xf32, #tpu.memory_space<vmem>>
    %dma_wait3A_1586 = arith.constant 0 : i32
    %dma_wait3A_1587 = tpu.memref_slice %arg10[%dma_wait3A_1583, %dma_wait3A_1586] : memref<25x125xi32, #tpu.memory_space<vmem>> -> memref<1x125xi32, #tpu.memory_space<vmem>>
    %dma_wait3A_1588 = tpu.memref_squeeze %dma_wait3A_1587 : memref<1x125xi32, #tpu.memory_space<vmem>> -> memref<125xi32, #tpu.memory_space<vmem>>
    %dma_wait3A_1589 = arith.constant 0 : i32
    %dma_wait3A_1590 = tpu.memref_slice %arg13[%dma_wait3A_1589] : memref<1024xf32, #tpu.memory_space<vmem_shared>> -> memref<1024xf32, #tpu.memory_space<vmem_shared>>
    tpu.wait_indirect_dma semaphore(%arg24 : memref<!tpu.dma_semaphore, #tpu.memory_space<semaphore_mem>>) src(%dma_wait3A_1585 : memref<125xf32, #tpu.memory_space<vmem>>) dst(%dma_wait3A_1590 : memref<1024xf32, #tpu.memory_space<vmem_shared>>)
    %dma_wait3A_1591 = arith.constant 4 : i32
    %dma_wait3A_1592 = arith.constant 0 : i32
    %dma_wait3A_1593 = tpu.memref_slice %arg11[%dma_wait3A_1592] : memref<128xf32, #tpu.memory_space<vmem>> -> memref<125xf32, #tpu.memory_space<vmem>>
    %dma_wait3A_1594 = arith.constant 0 : i32
    %dma_wait3A_1595 = tpu.memref_slice %arg10[%dma_wait3A_1591, %dma_wait3A_1594] : memref<25x125xi32, #tpu.memory_space<vmem>> -> memref<1x125xi32, #tpu.memory_space<vmem>>
    %dma_wait3A_1596 = tpu.memref_squeeze %dma_wait3A_1595 : memref<1x125xi32, #tpu.memory_space<vmem>> -> memref<125xi32, #tpu.memory_space<vmem>>
    %dma_wait3A_1597 = arith.constant 0 : i32
    %dma_wait3A_1598 = tpu.memref_slice %arg13[%dma_wait3A_1597] : memref<1024xf32, #tpu.memory_space<vmem_shared>> -> memref<1024xf32, #tpu.memory_space<vmem_shared>>
    tpu.wait_indirect_dma semaphore(%arg24 : memref<!tpu.dma_semaphore, #tpu.memory_space<semaphore_mem>>) src(%dma_wait3A_1593 : memref<125xf32, #tpu.memory_space<vmem>>) dst(%dma_wait3A_1598 : memref<1024xf32, #tpu.memory_space<vmem_shared>>)
    %dma_wait3A_1599 = arith.constant 5 : i32
    %dma_wait3A_1600 = arith.constant 0 : i32
    %dma_wait3A_1601 = tpu.memref_slice %arg11[%dma_wait3A_1600] : memref<128xf32, #tpu.memory_space<vmem>> -> memref<125xf32, #tpu.memory_space<vmem>>
    %dma_wait3A_1602 = arith.constant 0 : i32
    %dma_wait3A_1603 = tpu.memref_slice %arg10[%dma_wait3A_1599, %dma_wait3A_1602] : memref<25x125xi32, #tpu.memory_space<vmem>> -> memref<1x125xi32, #tpu.memory_space<vmem>>
    %dma_wait3A_1604 = tpu.memref_squeeze %dma_wait3A_1603 : memref<1x125xi32, #tpu.memory_space<vmem>> -> memref<125xi32, #tpu.memory_space<vmem>>
    %dma_wait3A_1605 = arith.constant 0 : i32
    %dma_wait3A_1606 = tpu.memref_slice %arg13[%dma_wait3A_1605] : memref<1024xf32, #tpu.memory_space<vmem_shared>> -> memref<1024xf32, #tpu.memory_space<vmem_shared>>
    tpu.wait_indirect_dma semaphore(%arg24 : memref<!tpu.dma_semaphore, #tpu.memory_space<semaphore_mem>>) src(%dma_wait3A_1601 : memref<125xf32, #tpu.memory_space<vmem>>) dst(%dma_wait3A_1606 : memref<1024xf32, #tpu.memory_space<vmem_shared>>)
    %dma_wait3A_1607 = arith.constant 6 : i32
    %dma_wait3A_1608 = arith.constant 0 : i32
    %dma_wait3A_1609 = tpu.memref_slice %arg11[%dma_wait3A_1608] : memref<128xf32, #tpu.memory_space<vmem>> -> memref<125xf32, #tpu.memory_space<vmem>>
    %dma_wait3A_1610 = arith.constant 0 : i32
    %dma_wait3A_1611 = tpu.memref_slice %arg10[%dma_wait3A_1607, %dma_wait3A_1610] : memref<25x125xi32, #tpu.memory_space<vmem>> -> memref<1x125xi32, #tpu.memory_space<vmem>>
    %dma_wait3A_1612 = tpu.memref_squeeze %dma_wait3A_1611 : memref<1x125xi32, #tpu.memory_space<vmem>> -> memref<125xi32, #tpu.memory_space<vmem>>
    %dma_wait3A_1613 = arith.constant 0 : i32
    %dma_wait3A_1614 = tpu.memref_slice %arg13[%dma_wait3A_1613] : memref<1024xf32, #tpu.memory_space<vmem_shared>> -> memref<1024xf32, #tpu.memory_space<vmem_shared>>
    tpu.wait_indirect_dma semaphore(%arg24 : memref<!tpu.dma_semaphore, #tpu.memory_space<semaphore_mem>>) src(%dma_wait3A_1609 : memref<125xf32, #tpu.memory_space<vmem>>) dst(%dma_wait3A_1614 : memref<1024xf32, #tpu.memory_space<vmem_shared>>)
    %dma_wait3A_1615 = arith.constant 7 : i32
    %dma_wait3A_1616 = arith.constant 0 : i32
    %dma_wait3A_1617 = tpu.memref_slice %arg11[%dma_wait3A_1616] : memref<128xf32, #tpu.memory_space<vmem>> -> memref<125xf32, #tpu.memory_space<vmem>>
    %dma_wait3A_1618 = arith.constant 0 : i32
    %dma_wait3A_1619 = tpu.memref_slice %arg10[%dma_wait3A_1615, %dma_wait3A_1618] : memref<25x125xi32, #tpu.memory_space<vmem>> -> memref<1x125xi32, #tpu.memory_space<vmem>>
    %dma_wait3A_1620 = tpu.memref_squeeze %dma_wait3A_1619 : memref<1x125xi32, #tpu.memory_space<vmem>> -> memref<125xi32, #tpu.memory_space<vmem>>
    %dma_wait3A_1621 = arith.constant 0 : i32
    %dma_wait3A_1622 = tpu.memref_slice %arg13[%dma_wait3A_1621] : memref<1024xf32, #tpu.memory_space<vmem_shared>> -> memref<1024xf32, #tpu.memory_space<vmem_shared>>
    tpu.wait_indirect_dma semaphore(%arg24 : memref<!tpu.dma_semaphore, #tpu.memory_space<semaphore_mem>>) src(%dma_wait3A_1617 : memref<125xf32, #tpu.memory_space<vmem>>) dst(%dma_wait3A_1622 : memref<1024xf32, #tpu.memory_space<vmem_shared>>)
    %dma_wait3A_1623 = arith.constant 8 : i32
    %dma_wait3A_1624 = arith.constant 0 : i32
    %dma_wait3A_1625 = tpu.memref_slice %arg11[%dma_wait3A_1624] : memref<128xf32, #tpu.memory_space<vmem>> -> memref<125xf32, #tpu.memory_space<vmem>>
    %dma_wait3A_1626 = arith.constant 0 : i32
    %dma_wait3A_1627 = tpu.memref_slice %arg10[%dma_wait3A_1623, %dma_wait3A_1626] : memref<25x125xi32, #tpu.memory_space<vmem>> -> memref<1x125xi32, #tpu.memory_space<vmem>>
    %dma_wait3A_1628 = tpu.memref_squeeze %dma_wait3A_1627 : memref<1x125xi32, #tpu.memory_space<vmem>> -> memref<125xi32, #tpu.memory_space<vmem>>
    %dma_wait3A_1629 = arith.constant 0 : i32
    %dma_wait3A_1630 = tpu.memref_slice %arg13[%dma_wait3A_1629] : memref<1024xf32, #tpu.memory_space<vmem_shared>> -> memref<1024xf32, #tpu.memory_space<vmem_shared>>
    tpu.wait_indirect_dma semaphore(%arg24 : memref<!tpu.dma_semaphore, #tpu.memory_space<semaphore_mem>>) src(%dma_wait3A_1625 : memref<125xf32, #tpu.memory_space<vmem>>) dst(%dma_wait3A_1630 : memref<1024xf32, #tpu.memory_space<vmem_shared>>)
    %dma_wait3A_1631 = arith.constant 9 : i32
    %dma_wait3A_1632 = arith.constant 0 : i32
    %dma_wait3A_1633 = tpu.memref_slice %arg11[%dma_wait3A_1632] : memref<128xf32, #tpu.memory_space<vmem>> -> memref<125xf32, #tpu.memory_space<vmem>>
    %dma_wait3A_1634 = arith.constant 0 : i32
    %dma_wait3A_1635 = tpu.memref_slice %arg10[%dma_wait3A_1631, %dma_wait3A_1634] : memref<25x125xi32, #tpu.memory_space<vmem>> -> memref<1x125xi32, #tpu.memory_space<vmem>>
    %dma_wait3A_1636 = tpu.memref_squeeze %dma_wait3A_1635 : memref<1x125xi32, #tpu.memory_space<vmem>> -> memref<125xi32, #tpu.memory_space<vmem>>
    %dma_wait3A_1637 = arith.constant 0 : i32
    %dma_wait3A_1638 = tpu.memref_slice %arg13[%dma_wait3A_1637] : memref<1024xf32, #tpu.memory_space<vmem_shared>> -> memref<1024xf32, #tpu.memory_space<vmem_shared>>
    tpu.wait_indirect_dma semaphore(%arg24 : memref<!tpu.dma_semaphore, #tpu.memory_space<semaphore_mem>>) src(%dma_wait3A_1633 : memref<125xf32, #tpu.memory_space<vmem>>) dst(%dma_wait3A_1638 : memref<1024xf32, #tpu.memory_space<vmem_shared>>)
    %dma_wait3A_1639 = arith.constant 10 : i32
    %dma_wait3A_1640 = arith.constant 0 : i32
    %dma_wait3A_1641 = tpu.memref_slice %arg11[%dma_wait3A_1640] : memref<128xf32, #tpu.memory_space<vmem>> -> memref<125xf32, #tpu.memory_space<vmem>>
    %dma_wait3A_1642 = arith.constant 0 : i32
    %dma_wait3A_1643 = tpu.memref_slice %arg10[%dma_wait3A_1639, %dma_wait3A_1642] : memref<25x125xi32, #tpu.memory_space<vmem>> -> memref<1x125xi32, #tpu.memory_space<vmem>>
    %dma_wait3A_1644 = tpu.memref_squeeze %dma_wait3A_1643 : memref<1x125xi32, #tpu.memory_space<vmem>> -> memref<125xi32, #tpu.memory_space<vmem>>
    %dma_wait3A_1645 = arith.constant 0 : i32
    %dma_wait3A_1646 = tpu.memref_slice %arg13[%dma_wait3A_1645] : memref<1024xf32, #tpu.memory_space<vmem_shared>> -> memref<1024xf32, #tpu.memory_space<vmem_shared>>
    tpu.wait_indirect_dma semaphore(%arg24 : memref<!tpu.dma_semaphore, #tpu.memory_space<semaphore_mem>>) src(%dma_wait3A_1641 : memref<125xf32, #tpu.memory_space<vmem>>) dst(%dma_wait3A_1646 : memref<1024xf32, #tpu.memory_space<vmem_shared>>)
    %dma_wait3A_1647 = arith.constant 11 : i32
    %dma_wait3A_1648 = arith.constant 0 : i32
    %dma_wait3A_1649 = tpu.memref_slice %arg11[%dma_wait3A_1648] : memref<128xf32, #tpu.memory_space<vmem>> -> memref<125xf32, #tpu.memory_space<vmem>>
    %dma_wait3A_1650 = arith.constant 0 : i32
    %dma_wait3A_1651 = tpu.memref_slice %arg10[%dma_wait3A_1647, %dma_wait3A_1650] : memref<25x125xi32, #tpu.memory_space<vmem>> -> memref<1x125xi32, #tpu.memory_space<vmem>>
    %dma_wait3A_1652 = tpu.memref_squeeze %dma_wait3A_1651 : memref<1x125xi32, #tpu.memory_space<vmem>> -> memref<125xi32, #tpu.memory_space<vmem>>
    %dma_wait3A_1653 = arith.constant 0 : i32
    %dma_wait3A_1654 = tpu.memref_slice %arg13[%dma_wait3A_1653] : memref<1024xf32, #tpu.memory_space<vmem_shared>> -> memref<1024xf32, #tpu.memory_space<vmem_shared>>
    tpu.wait_indirect_dma semaphore(%arg24 : memref<!tpu.dma_semaphore, #tpu.memory_space<semaphore_mem>>) src(%dma_wait3A_1649 : memref<125xf32, #tpu.memory_space<vmem>>) dst(%dma_wait3A_1654 : memref<1024xf32, #tpu.memory_space<vmem_shared>>)
    %dma_wait3A_1655 = arith.constant 12 : i32
    %dma_wait3A_1656 = arith.constant 0 : i32
    %dma_wait3A_1657 = tpu.memref_slice %arg11[%dma_wait3A_1656] : memref<128xf32, #tpu.memory_space<vmem>> -> memref<125xf32, #tpu.memory_space<vmem>>
    %dma_wait3A_1658 = arith.constant 0 : i32
    %dma_wait3A_1659 = tpu.memref_slice %arg10[%dma_wait3A_1655, %dma_wait3A_1658] : memref<25x125xi32, #tpu.memory_space<vmem>> -> memref<1x125xi32, #tpu.memory_space<vmem>>
    %dma_wait3A_1660 = tpu.memref_squeeze %dma_wait3A_1659 : memref<1x125xi32, #tpu.memory_space<vmem>> -> memref<125xi32, #tpu.memory_space<vmem>>
    %dma_wait3A_1661 = arith.constant 0 : i32
    %dma_wait3A_1662 = tpu.memref_slice %arg13[%dma_wait3A_1661] : memref<1024xf32, #tpu.memory_space<vmem_shared>> -> memref<1024xf32, #tpu.memory_space<vmem_shared>>
    tpu.wait_indirect_dma semaphore(%arg24 : memref<!tpu.dma_semaphore, #tpu.memory_space<semaphore_mem>>) src(%dma_wait3A_1657 : memref<125xf32, #tpu.memory_space<vmem>>) dst(%dma_wait3A_1662 : memref<1024xf32, #tpu.memory_space<vmem_shared>>)
    %dma_wait3A_1663 = arith.constant 13 : i32
    %dma_wait3A_1664 = arith.constant 0 : i32
    %dma_wait3A_1665 = tpu.memref_slice %arg11[%dma_wait3A_1664] : memref<128xf32, #tpu.memory_space<vmem>> -> memref<125xf32, #tpu.memory_space<vmem>>
    %dma_wait3A_1666 = arith.constant 0 : i32
    %dma_wait3A_1667 = tpu.memref_slice %arg10[%dma_wait3A_1663, %dma_wait3A_1666] : memref<25x125xi32, #tpu.memory_space<vmem>> -> memref<1x125xi32, #tpu.memory_space<vmem>>
    %dma_wait3A_1668 = tpu.memref_squeeze %dma_wait3A_1667 : memref<1x125xi32, #tpu.memory_space<vmem>> -> memref<125xi32, #tpu.memory_space<vmem>>
    %dma_wait3A_1669 = arith.constant 0 : i32
    %dma_wait3A_1670 = tpu.memref_slice %arg13[%dma_wait3A_1669] : memref<1024xf32, #tpu.memory_space<vmem_shared>> -> memref<1024xf32, #tpu.memory_space<vmem_shared>>
    tpu.wait_indirect_dma semaphore(%arg24 : memref<!tpu.dma_semaphore, #tpu.memory_space<semaphore_mem>>) src(%dma_wait3A_1665 : memref<125xf32, #tpu.memory_space<vmem>>) dst(%dma_wait3A_1670 : memref<1024xf32, #tpu.memory_space<vmem_shared>>)
    %dma_wait3A_1671 = arith.constant 14 : i32
    %dma_wait3A_1672 = arith.constant 0 : i32
    %dma_wait3A_1673 = tpu.memref_slice %arg11[%dma_wait3A_1672] : memref<128xf32, #tpu.memory_space<vmem>> -> memref<125xf32, #tpu.memory_space<vmem>>
    %dma_wait3A_1674 = arith.constant 0 : i32
    %dma_wait3A_1675 = tpu.memref_slice %arg10[%dma_wait3A_1671, %dma_wait3A_1674] : memref<25x125xi32, #tpu.memory_space<vmem>> -> memref<1x125xi32, #tpu.memory_space<vmem>>
    %dma_wait3A_1676 = tpu.memref_squeeze %dma_wait3A_1675 : memref<1x125xi32, #tpu.memory_space<vmem>> -> memref<125xi32, #tpu.memory_space<vmem>>
    %dma_wait3A_1677 = arith.constant 0 : i32
    %dma_wait3A_1678 = tpu.memref_slice %arg13[%dma_wait3A_1677] : memref<1024xf32, #tpu.memory_space<vmem_shared>> -> memref<1024xf32, #tpu.memory_space<vmem_shared>>
    tpu.wait_indirect_dma semaphore(%arg24 : memref<!tpu.dma_semaphore, #tpu.memory_space<semaphore_mem>>) src(%dma_wait3A_1673 : memref<125xf32, #tpu.memory_space<vmem>>) dst(%dma_wait3A_1678 : memref<1024xf32, #tpu.memory_space<vmem_shared>>)
    %dma_wait3A_1679 = arith.constant 15 : i32
    %dma_wait3A_1680 = arith.constant 0 : i32
    %dma_wait3A_1681 = tpu.memref_slice %arg11[%dma_wait3A_1680] : memref<128xf32, #tpu.memory_space<vmem>> -> memref<125xf32, #tpu.memory_space<vmem>>
    %dma_wait3A_1682 = arith.constant 0 : i32
    %dma_wait3A_1683 = tpu.memref_slice %arg10[%dma_wait3A_1679, %dma_wait3A_1682] : memref<25x125xi32, #tpu.memory_space<vmem>> -> memref<1x125xi32, #tpu.memory_space<vmem>>
    %dma_wait3A_1684 = tpu.memref_squeeze %dma_wait3A_1683 : memref<1x125xi32, #tpu.memory_space<vmem>> -> memref<125xi32, #tpu.memory_space<vmem>>
    %dma_wait3A_1685 = arith.constant 0 : i32
    %dma_wait3A_1686 = tpu.memref_slice %arg13[%dma_wait3A_1685] : memref<1024xf32, #tpu.memory_space<vmem_shared>> -> memref<1024xf32, #tpu.memory_space<vmem_shared>>
    tpu.wait_indirect_dma semaphore(%arg24 : memref<!tpu.dma_semaphore, #tpu.memory_space<semaphore_mem>>) src(%dma_wait3A_1681 : memref<125xf32, #tpu.memory_space<vmem>>) dst(%dma_wait3A_1686 : memref<1024xf32, #tpu.memory_space<vmem_shared>>)
    %dma_wait3A_1687 = arith.constant 16 : i32
    %dma_wait3A_1688 = arith.constant 0 : i32
    %dma_wait3A_1689 = tpu.memref_slice %arg11[%dma_wait3A_1688] : memref<128xf32, #tpu.memory_space<vmem>> -> memref<125xf32, #tpu.memory_space<vmem>>
    %dma_wait3A_1690 = arith.constant 0 : i32
    %dma_wait3A_1691 = tpu.memref_slice %arg10[%dma_wait3A_1687, %dma_wait3A_1690] : memref<25x125xi32, #tpu.memory_space<vmem>> -> memref<1x125xi32, #tpu.memory_space<vmem>>
    %dma_wait3A_1692 = tpu.memref_squeeze %dma_wait3A_1691 : memref<1x125xi32, #tpu.memory_space<vmem>> -> memref<125xi32, #tpu.memory_space<vmem>>
    %dma_wait3A_1693 = arith.constant 0 : i32
    %dma_wait3A_1694 = tpu.memref_slice %arg13[%dma_wait3A_1693] : memref<1024xf32, #tpu.memory_space<vmem_shared>> -> memref<1024xf32, #tpu.memory_space<vmem_shared>>
    tpu.wait_indirect_dma semaphore(%arg24 : memref<!tpu.dma_semaphore, #tpu.memory_space<semaphore_mem>>) src(%dma_wait3A_1689 : memref<125xf32, #tpu.memory_space<vmem>>) dst(%dma_wait3A_1694 : memref<1024xf32, #tpu.memory_space<vmem_shared>>)
    %dma_wait3A_1695 = arith.constant 17 : i32
    %dma_wait3A_1696 = arith.constant 0 : i32
    %dma_wait3A_1697 = tpu.memref_slice %arg11[%dma_wait3A_1696] : memref<128xf32, #tpu.memory_space<vmem>> -> memref<125xf32, #tpu.memory_space<vmem>>
    %dma_wait3A_1698 = arith.constant 0 : i32
    %dma_wait3A_1699 = tpu.memref_slice %arg10[%dma_wait3A_1695, %dma_wait3A_1698] : memref<25x125xi32, #tpu.memory_space<vmem>> -> memref<1x125xi32, #tpu.memory_space<vmem>>
    %dma_wait3A_1700 = tpu.memref_squeeze %dma_wait3A_1699 : memref<1x125xi32, #tpu.memory_space<vmem>> -> memref<125xi32, #tpu.memory_space<vmem>>
    %dma_wait3A_1701 = arith.constant 0 : i32
    %dma_wait3A_1702 = tpu.memref_slice %arg13[%dma_wait3A_1701] : memref<1024xf32, #tpu.memory_space<vmem_shared>> -> memref<1024xf32, #tpu.memory_space<vmem_shared>>
    tpu.wait_indirect_dma semaphore(%arg24 : memref<!tpu.dma_semaphore, #tpu.memory_space<semaphore_mem>>) src(%dma_wait3A_1697 : memref<125xf32, #tpu.memory_space<vmem>>) dst(%dma_wait3A_1702 : memref<1024xf32, #tpu.memory_space<vmem_shared>>)
    %dma_wait3A_1703 = arith.constant 18 : i32
    %dma_wait3A_1704 = arith.constant 0 : i32
    %dma_wait3A_1705 = tpu.memref_slice %arg11[%dma_wait3A_1704] : memref<128xf32, #tpu.memory_space<vmem>> -> memref<125xf32, #tpu.memory_space<vmem>>
    %dma_wait3A_1706 = arith.constant 0 : i32
    %dma_wait3A_1707 = tpu.memref_slice %arg10[%dma_wait3A_1703, %dma_wait3A_1706] : memref<25x125xi32, #tpu.memory_space<vmem>> -> memref<1x125xi32, #tpu.memory_space<vmem>>
    %dma_wait3A_1708 = tpu.memref_squeeze %dma_wait3A_1707 : memref<1x125xi32, #tpu.memory_space<vmem>> -> memref<125xi32, #tpu.memory_space<vmem>>
    %dma_wait3A_1709 = arith.constant 0 : i32
    %dma_wait3A_1710 = tpu.memref_slice %arg13[%dma_wait3A_1709] : memref<1024xf32, #tpu.memory_space<vmem_shared>> -> memref<1024xf32, #tpu.memory_space<vmem_shared>>
    tpu.wait_indirect_dma semaphore(%arg24 : memref<!tpu.dma_semaphore, #tpu.memory_space<semaphore_mem>>) src(%dma_wait3A_1705 : memref<125xf32, #tpu.memory_space<vmem>>) dst(%dma_wait3A_1710 : memref<1024xf32, #tpu.memory_space<vmem_shared>>)
    %dma_wait3A_1711 = arith.constant 19 : i32
    %dma_wait3A_1712 = arith.constant 0 : i32
    %dma_wait3A_1713 = tpu.memref_slice %arg11[%dma_wait3A_1712] : memref<128xf32, #tpu.memory_space<vmem>> -> memref<125xf32, #tpu.memory_space<vmem>>
    %dma_wait3A_1714 = arith.constant 0 : i32
    %dma_wait3A_1715 = tpu.memref_slice %arg10[%dma_wait3A_1711, %dma_wait3A_1714] : memref<25x125xi32, #tpu.memory_space<vmem>> -> memref<1x125xi32, #tpu.memory_space<vmem>>
    %dma_wait3A_1716 = tpu.memref_squeeze %dma_wait3A_1715 : memref<1x125xi32, #tpu.memory_space<vmem>> -> memref<125xi32, #tpu.memory_space<vmem>>
    %dma_wait3A_1717 = arith.constant 0 : i32
    %dma_wait3A_1718 = tpu.memref_slice %arg13[%dma_wait3A_1717] : memref<1024xf32, #tpu.memory_space<vmem_shared>> -> memref<1024xf32, #tpu.memory_space<vmem_shared>>
    tpu.wait_indirect_dma semaphore(%arg24 : memref<!tpu.dma_semaphore, #tpu.memory_space<semaphore_mem>>) src(%dma_wait3A_1713 : memref<125xf32, #tpu.memory_space<vmem>>) dst(%dma_wait3A_1718 : memref<1024xf32, #tpu.memory_space<vmem_shared>>)
    %dma_wait3A_1719 = arith.constant 20 : i32
    %dma_wait3A_1720 = arith.constant 0 : i32
    %dma_wait3A_1721 = tpu.memref_slice %arg11[%dma_wait3A_1720] : memref<128xf32, #tpu.memory_space<vmem>> -> memref<125xf32, #tpu.memory_space<vmem>>
    %dma_wait3A_1722 = arith.constant 0 : i32
    %dma_wait3A_1723 = tpu.memref_slice %arg10[%dma_wait3A_1719, %dma_wait3A_1722] : memref<25x125xi32, #tpu.memory_space<vmem>> -> memref<1x125xi32, #tpu.memory_space<vmem>>
    %dma_wait3A_1724 = tpu.memref_squeeze %dma_wait3A_1723 : memref<1x125xi32, #tpu.memory_space<vmem>> -> memref<125xi32, #tpu.memory_space<vmem>>
    %dma_wait3A_1725 = arith.constant 0 : i32
    %dma_wait3A_1726 = tpu.memref_slice %arg13[%dma_wait3A_1725] : memref<1024xf32, #tpu.memory_space<vmem_shared>> -> memref<1024xf32, #tpu.memory_space<vmem_shared>>
    tpu.wait_indirect_dma semaphore(%arg24 : memref<!tpu.dma_semaphore, #tpu.memory_space<semaphore_mem>>) src(%dma_wait3A_1721 : memref<125xf32, #tpu.memory_space<vmem>>) dst(%dma_wait3A_1726 : memref<1024xf32, #tpu.memory_space<vmem_shared>>)
    %dma_wait3A_1727 = arith.constant 21 : i32
    %dma_wait3A_1728 = arith.constant 0 : i32
    %dma_wait3A_1729 = tpu.memref_slice %arg11[%dma_wait3A_1728] : memref<128xf32, #tpu.memory_space<vmem>> -> memref<125xf32, #tpu.memory_space<vmem>>
    %dma_wait3A_1730 = arith.constant 0 : i32
    %dma_wait3A_1731 = tpu.memref_slice %arg10[%dma_wait3A_1727, %dma_wait3A_1730] : memref<25x125xi32, #tpu.memory_space<vmem>> -> memref<1x125xi32, #tpu.memory_space<vmem>>
    %dma_wait3A_1732 = tpu.memref_squeeze %dma_wait3A_1731 : memref<1x125xi32, #tpu.memory_space<vmem>> -> memref<125xi32, #tpu.memory_space<vmem>>
    %dma_wait3A_1733 = arith.constant 0 : i32
    %dma_wait3A_1734 = tpu.memref_slice %arg13[%dma_wait3A_1733] : memref<1024xf32, #tpu.memory_space<vmem_shared>> -> memref<1024xf32, #tpu.memory_space<vmem_shared>>
    tpu.wait_indirect_dma semaphore(%arg24 : memref<!tpu.dma_semaphore, #tpu.memory_space<semaphore_mem>>) src(%dma_wait3A_1729 : memref<125xf32, #tpu.memory_space<vmem>>) dst(%dma_wait3A_1734 : memref<1024xf32, #tpu.memory_space<vmem_shared>>)
    %dma_wait3A_1735 = arith.constant 22 : i32
    %dma_wait3A_1736 = arith.constant 0 : i32
    %dma_wait3A_1737 = tpu.memref_slice %arg11[%dma_wait3A_1736] : memref<128xf32, #tpu.memory_space<vmem>> -> memref<125xf32, #tpu.memory_space<vmem>>
    %dma_wait3A_1738 = arith.constant 0 : i32
    %dma_wait3A_1739 = tpu.memref_slice %arg10[%dma_wait3A_1735, %dma_wait3A_1738] : memref<25x125xi32, #tpu.memory_space<vmem>> -> memref<1x125xi32, #tpu.memory_space<vmem>>
    %dma_wait3A_1740 = tpu.memref_squeeze %dma_wait3A_1739 : memref<1x125xi32, #tpu.memory_space<vmem>> -> memref<125xi32, #tpu.memory_space<vmem>>
    %dma_wait3A_1741 = arith.constant 0 : i32
    %dma_wait3A_1742 = tpu.memref_slice %arg13[%dma_wait3A_1741] : memref<1024xf32, #tpu.memory_space<vmem_shared>> -> memref<1024xf32, #tpu.memory_space<vmem_shared>>
    tpu.wait_indirect_dma semaphore(%arg24 : memref<!tpu.dma_semaphore, #tpu.memory_space<semaphore_mem>>) src(%dma_wait3A_1737 : memref<125xf32, #tpu.memory_space<vmem>>) dst(%dma_wait3A_1742 : memref<1024xf32, #tpu.memory_space<vmem_shared>>)
    %dma_wait3A_1743 = arith.constant 23 : i32
    %dma_wait3A_1744 = arith.constant 0 : i32
    %dma_wait3A_1745 = tpu.memref_slice %arg11[%dma_wait3A_1744] : memref<128xf32, #tpu.memory_space<vmem>> -> memref<125xf32, #tpu.memory_space<vmem>>
    %dma_wait3A_1746 = arith.constant 0 : i32
    %dma_wait3A_1747 = tpu.memref_slice %arg10[%dma_wait3A_1743, %dma_wait3A_1746] : memref<25x125xi32, #tpu.memory_space<vmem>> -> memref<1x125xi32, #tpu.memory_space<vmem>>
    %dma_wait3A_1748 = tpu.memref_squeeze %dma_wait3A_1747 : memref<1x125xi32, #tpu.memory_space<vmem>> -> memref<125xi32, #tpu.memory_space<vmem>>
    %dma_wait3A_1749 = arith.constant 0 : i32
    %dma_wait3A_1750 = tpu.memref_slice %arg13[%dma_wait3A_1749] : memref<1024xf32, #tpu.memory_space<vmem_shared>> -> memref<1024xf32, #tpu.memory_space<vmem_shared>>
    tpu.wait_indirect_dma semaphore(%arg24 : memref<!tpu.dma_semaphore, #tpu.memory_space<semaphore_mem>>) src(%dma_wait3A_1745 : memref<125xf32, #tpu.memory_space<vmem>>) dst(%dma_wait3A_1750 : memref<1024xf32, #tpu.memory_space<vmem_shared>>)
    %dma_wait3A_1751 = arith.constant 24 : i32
    %dma_wait3A_1752 = arith.constant 0 : i32
    %dma_wait3A_1753 = tpu.memref_slice %arg11[%dma_wait3A_1752] : memref<128xf32, #tpu.memory_space<vmem>> -> memref<125xf32, #tpu.memory_space<vmem>>
    %dma_wait3A_1754 = arith.constant 0 : i32
    %dma_wait3A_1755 = tpu.memref_slice %arg10[%dma_wait3A_1751, %dma_wait3A_1754] : memref<25x125xi32, #tpu.memory_space<vmem>> -> memref<1x125xi32, #tpu.memory_space<vmem>>
    %dma_wait3A_1756 = tpu.memref_squeeze %dma_wait3A_1755 : memref<1x125xi32, #tpu.memory_space<vmem>> -> memref<125xi32, #tpu.memory_space<vmem>>
    %dma_wait3A_1757 = arith.constant 0 : i32
    %dma_wait3A_1758 = tpu.memref_slice %arg13[%dma_wait3A_1757] : memref<1024xf32, #tpu.memory_space<vmem_shared>> -> memref<1024xf32, #tpu.memory_space<vmem_shared>>
    tpu.wait_indirect_dma semaphore(%arg24 : memref<!tpu.dma_semaphore, #tpu.memory_space<semaphore_mem>>) src(%dma_wait3A_1753 : memref<125xf32, #tpu.memory_space<vmem>>) dst(%dma_wait3A_1758 : memref<1024xf32, #tpu.memory_space<vmem_shared>>)
    %barrier3A_1759 = arith.constant 0 : index
    tpu.barrier barrier_id(%barrier3A_1759)
    %mul3A_1760 = arith.constant 64 : i32
    %mul3A_1761 = arith.muli %arg1, %mul3A_1760 : i32
    %mul3A_1762 = arith.constant 64 : i32
    %mul3A_1763 = arith.muli %arg1, %mul3A_1762 : i32
    "tpu.region"() ({
      %run_scoped3A = tpu.sem_alloc : memref<!tpu.dma_semaphore, #tpu.memory_space<semaphore_mem>>
      %dma_start3A_1768 = arith.constant 0 : i32
      %dma_start3A_1769 = tpu.memref_slice %arg7[%arg0, %mul3A_1763, %dma_start3A_1768] : memref<2x1024x128xf32, #tpu.memory_space<hbm>> -> memref<1x64x128xf32, #tpu.memory_space<hbm>>
      %dma_start3A_1770 = tpu.memref_squeeze %dma_start3A_1769 : memref<1x64x128xf32, #tpu.memory_space<hbm>> -> memref<64x128xf32, #tpu.memory_space<hbm>>
      %dma_start3A_1771 = arith.constant 0 : i32
      %dma_start3A_1772 = tpu.memref_slice %arg12[%mul3A_1761, %dma_start3A_1771] : memref<1024x128xf32, #tpu.memory_space<vmem_shared>> -> memref<64x128xf32, #tpu.memory_space<vmem_shared>>
      tpu.enqueue_dma source(%dma_start3A_1772 : memref<64x128xf32, #tpu.memory_space<vmem_shared>>) target(%dma_start3A_1770 : memref<64x128xf32, #tpu.memory_space<hbm>>) target_semaphore(%run_scoped3A : memref<!tpu.dma_semaphore, #tpu.memory_space<semaphore_mem>>)
      %dma_wait3A_1773 = arith.constant 0 : i32
      %dma_wait3A_1774 = tpu.memref_slice %arg7[%arg0, %mul3A_1763, %dma_wait3A_1773] : memref<2x1024x128xf32, #tpu.memory_space<hbm>> -> memref<1x64x128xf32, #tpu.memory_space<hbm>>
      %dma_wait3A_1775 = tpu.memref_squeeze %dma_wait3A_1774 : memref<1x64x128xf32, #tpu.memory_space<hbm>> -> memref<64x128xf32, #tpu.memory_space<hbm>>
      %dma_wait3A_1776 = arith.constant 0 : i32
      %dma_wait3A_1777 = tpu.memref_slice %arg12[%mul3A_1761, %dma_wait3A_1776] : memref<1024x128xf32, #tpu.memory_space<vmem_shared>> -> memref<64x128xf32, #tpu.memory_space<vmem_shared>>
      tpu.wait_dma2 semaphore(%run_scoped3A : memref<!tpu.dma_semaphore, #tpu.memory_space<semaphore_mem>>) src(%dma_wait3A_1777 : memref<64x128xf32, #tpu.memory_space<vmem_shared>>) dst(%dma_wait3A_1775 : memref<64x128xf32, #tpu.memory_space<hbm>>)
      tpu.yield
    }) : () -> ()
    %mul3A_1764 = arith.constant 64 : i32
    %mul3A_1765 = arith.muli %arg1, %mul3A_1764 : i32
    %mul3A_1766 = arith.constant 64 : i32
    %mul3A_1767 = arith.muli %arg1, %mul3A_1766 : i32
    "tpu.region"() ({
      %run_scoped3A = tpu.sem_alloc : memref<!tpu.dma_semaphore, #tpu.memory_space<semaphore_mem>>
      %dma_start3A_1768 = tpu.memref_slice %arg8[%arg0, %mul3A_1767] : memref<2x1024xf32, #tpu.memory_space<hbm>> -> memref<1x64xf32, #tpu.memory_space<hbm>>
      %dma_start3A_1769 = tpu.memref_squeeze %dma_start3A_1768 : memref<1x64xf32, #tpu.memory_space<hbm>> -> memref<64xf32, #tpu.memory_space<hbm>>
      %dma_start3A_1770 = tpu.memref_slice %arg13[%mul3A_1765] : memref<1024xf32, #tpu.memory_space<vmem_shared>> -> memref<64xf32, #tpu.memory_space<vmem_shared>>
      tpu.enqueue_dma source(%dma_start3A_1770 : memref<64xf32, #tpu.memory_space<vmem_shared>>) target(%dma_start3A_1769 : memref<64xf32, #tpu.memory_space<hbm>>) target_semaphore(%run_scoped3A : memref<!tpu.dma_semaphore, #tpu.memory_space<semaphore_mem>>)
      %dma_wait3A_1771 = tpu.memref_slice %arg8[%arg0, %mul3A_1767] : memref<2x1024xf32, #tpu.memory_space<hbm>> -> memref<1x64xf32, #tpu.memory_space<hbm>>
      %dma_wait3A_1772 = tpu.memref_squeeze %dma_wait3A_1771 : memref<1x64xf32, #tpu.memory_space<hbm>> -> memref<64xf32, #tpu.memory_space<hbm>>
      %dma_wait3A_1773 = tpu.memref_slice %arg13[%mul3A_1765] : memref<1024xf32, #tpu.memory_space<vmem_shared>> -> memref<64xf32, #tpu.memory_space<vmem_shared>>
      tpu.wait_dma2 semaphore(%run_scoped3A : memref<!tpu.dma_semaphore, #tpu.memory_space<semaphore_mem>>) src(%dma_wait3A_1773 : memref<64xf32, #tpu.memory_space<vmem_shared>>) dst(%dma_wait3A_1772 : memref<64xf32, #tpu.memory_space<hbm>>)
      tpu.yield
    }) : () -> ()
    return
  }
}

module attributes {stable_mosaic.version = 14 : i64} {
  func.func @_fin_body(%arg0: memref<1x1xf32, #tpu.memory_space<smem>>, %arg1: memref<2x1024x128xf32, #tpu.memory_space<vmem>>, %arg2: memref<2x1024xf32, #tpu.memory_space<vmem>>, %arg3: memref<1000x128xf32, #tpu.memory_space<vmem>>) attributes {dimension_semantics = [], scalar_prefetch = 0 : i64, scratch_operands = 0 : i64, tpu.core_type = #tpu.core_type<tc>} {
    %get3A = arith.constant 0 : index
    %get3A_0 = arith.constant 0 : index
    %get3A_1 = arith.constant 0 : index
    %get3A_2 = vector.load %arg1[%get3A, %get3A_0, %get3A_1] : memref<2x1024x128xf32, #tpu.memory_space<vmem>>, vector<1x1024x128xf32>
    %get3A_3 = vector.shape_cast %get3A_2 : vector<1x1024x128xf32> to vector<1024x128xf32>
    %get3A_4 = arith.constant 1 : index
    %get3A_5 = arith.constant 0 : index
    %get3A_6 = arith.constant 0 : index
    %get3A_7 = vector.load %arg1[%get3A_4, %get3A_5, %get3A_6] : memref<2x1024x128xf32, #tpu.memory_space<vmem>>, vector<1x1024x128xf32>
    %get3A_8 = vector.shape_cast %get3A_7 : vector<1x1024x128xf32> to vector<1024x128xf32>
    %add3A = arith.addf %get3A_3, %get3A_8 : vector<1024x128xf32>
    %get3A_9 = arith.constant 0 : index
    %get3A_10 = arith.constant 0 : index
    %get3A_11 = vector.load %arg2[%get3A_9, %get3A_10] : memref<2x1024xf32, #tpu.memory_space<vmem>>, vector<1x1024xf32>
    %get3A_12 = vector.shape_cast %get3A_11 : vector<1x1024xf32> to vector<1024xf32>
    %get3A_13 = arith.constant 1 : index
    %get3A_14 = arith.constant 0 : index
    %get3A_15 = vector.load %arg2[%get3A_13, %get3A_14] : memref<2x1024xf32, #tpu.memory_space<vmem>>, vector<1x1024xf32>
    %get3A_16 = vector.shape_cast %get3A_15 : vector<1x1024xf32> to vector<1024xf32>
    %add3A_17 = arith.addf %get3A_12, %get3A_16 : vector<1024xf32>
    %max3A = arith.constant 1.000000e+00 : f32
    %max3A_18 = vector.broadcast %max3A : f32 to vector<1024xf32>
    %max3A_19 = arith.maximumf %add3A_17, %max3A_18 : vector<1024xf32>
    %reshape3A = vector.shape_cast %max3A_19 : vector<1024xf32> to vector<1024x1xf32>
    %slice3A = vector.extract_strided_slice %add3A {offsets = [0, 0], sizes = [1000, 128], strides = [1, 1]} : vector<1024x128xf32> to vector<1000x128xf32>
    %get3A_20 = arith.constant 0 : index
    %get3A_21 = arith.constant 0 : index
    %get3A_22 = memref.load %arg0[%get3A_20, %get3A_21] : memref<1x1xf32, #tpu.memory_space<smem>>
    %slice3A_23 = vector.extract_strided_slice %reshape3A {offsets = [0, 0], sizes = [1000, 1], strides = [1, 1]} : vector<1024x1xf32> to vector<1000x1xf32>
    %div3A = vector.broadcast %get3A_22 : f32 to vector<1000x1xf32>
    %div3A_24 = arith.divf %div3A, %slice3A_23 : vector<1000x1xf32>
    %mul3A = vector.broadcast %div3A_24 : vector<1000x1xf32> to vector<1000x128xf32>
    %mul3A_25 = arith.mulf %slice3A, %mul3A : vector<1000x128xf32>
    %swap3A = arith.constant 0 : index
    %swap3A_26 = arith.constant 0 : index
    %swap3A_27 = vector.load %arg3[%swap3A, %swap3A_26] : memref<1000x128xf32, #tpu.memory_space<vmem>>, vector<1000x128xf32>
    tpu.vector_store %arg3[%swap3A, %swap3A_26], %mul3A_25 {strides = array<i32>} : memref<1000x128xf32, #tpu.memory_space<vmem>>, vector<1000x128xf32>,
    return
  }
}

</mosaic_0001>

<sc_bundles>
// kernel: kernel.4.cloned.1.call-start
scs
__scs_entry_jumppad:
0x0: {  	(pc) =	sbr.rel $0x88, $3  }
0x1: {  	(tag) =	ssettag $0x0;
	lr =	simm.s32 $0x1  }
0x2: {  	[smem:$0x3F9E] =	sst lr;
	_ =	strace $0xD0000000  }
0x3: {  	_ = 	snop  }
0x4: {  	_ = 	snop  }
0x5: {  	_ = 	snop  }
0x6: {  	_ = 	snop  }
0x7: {  	_ = 	snop  }
__scs_overlays_trampoline_lowered:
0x8: {  	[smem:$0x3FAD] =	sst s0  }
0x9: {  	[smem:$0x3FAE] =	sst s1  }
0xa: {  	[smem:$0x3FAF] =	sst s2  }
0xb: {  	[smem:$0x3FB0] =	sst s3  }
0xc: {  	[smem:$0x3FB1] =	sst s4  }
0xd: {  	[smem:$0x3FB2] =	sst s5  }
0xe: {  	[smem:$0x3FB3] =	sst s6  }
0xf: {  	[smem:$0x3FB4] =	sst s7  }
0x10: {  	[smem:$0x3FB5] =	sst s8  }
0x11: {  	[smem:$0x3FB6] =	sst s9;
	s0 =	simm.s32 @!p0 $0x0  }
0x12: {  	s1 =	sld [smem:$0x3F9C];
	s0 =	simm.s32 @p0 $0x1  }
0x13: {  	[smem:$0x3FB7] =	sst s0;
	s0 =	simm.s32 @!p1 $0x0  }
0x14: {  	s2 =	sld [smem:$0x3F9B];
	s0 =	simm.s32 @p1 $0x1  }
0x15: {  	[smem:$0x3FB8] =	sst s0;
	s0 =	simm.s32 @!p2 $0x0  }
0x16: {  	s3 =	sld [smem:$0x3FDB];
	s0 =	simm.s32 @p2 $0x1  }
0x17: {  	s4 =	simm.s32 $0x1BF5;
	[smem:$0x3FBA] =	sst s0  }
0x18: {  	s0 =	sld [smem:$0x3F9D];
	_ =	swait.ge [sflag:s4], $0x0  }
0x19: {  	s7 =	sld [smem:$0x3F9E]  }
0x1a: {  	s8 =	sadd.s32 $0xFFFFE003, lr  }
0x1b: {  	s9 =	sadd.s32 $0xFFFFFEF7, lr;
	s5 =	simm.s32 $0xFFFFFFFF;
	p2 =	slt.u32 s8, $0xFFFFF086  }
0x1c: {  	p1 =	slt.u32 s9, $0xF7A;
	s5 =	simm.s32 @!p2 $0x0  }
0x1d: {  	s5 =	simm.s32 @p1 $0x1;
	p0 =	seq.s32 s7, s2  }
0x1e: {  	s7 =	smul.u32 @!p0 $0xF7A, s2;
	p2 =	seq.s32 @!p0 s5, $0x0  }
0x1f: {  	s9 =	smul.u32 $0xF7A, s1;
	s8 =	simm.s32 @!p0 $0x1BF5;
	p2 =	por !p2, p0  }
0x20: {  	[sflag:s8] =	ssyncset.s32 @!p0 $0xFFFFF086;
	s6 =	sadd.s32 @!p0 s3, s7;
	s7 =	simm.s32 @!p0 $0x108  }
0x21: {  	s3 =	sadd.s32 s3, s9;
	s6 =	sadd.s32 @!p0 $0x88, s6;
	s7 =	simm.s32 @p2 $0x1082  }
0x22: {  	[simem:s7], [sflag:s8] =	dma.local @!p0 [hbm:s6], $0xF7A  }
0x23: {  	s9 =	sor.u32 $0xD0000000, s2;
	s6 =	simm.s32 $0x108;
	_ =	swait.ge @!p0 [sflag:s8], $0x0  }
0x24: {  	s3 =	sadd.s32 $0x88, s3;
	s6 =	simm.s32 @!p1 $0x1082;
	[sflag:s4] =	ssyncset.s32 $0xFFFFF086  }
0x25: {  	[simem:s6], [sflag:s4] =	dma.local [hbm:s3], $0xF7A  }
0x26: {  	[smem:$0x3F9E] =	sst s1;
	(tag) =	ssettag s2;
	_ =	strace s9  }
0x27: {  	s1 =	sld [smem:$0x3FAE]  }
0x28: {  	s2 =	sld [smem:$0x3FAF]  }
0x29: {  	s4 =	sld [smem:$0x3FB1]  }
0x2a: {  	p0 =	seq.s32 s5, $0x0;
	s5 =	sld [smem:$0x3FB2]  }
0x2b: {  	s6 =	sld [smem:$0x3FB3]  }
0x2c: {  	s7 =	sld [smem:$0x3FB4]  }
0x2d: {  	s3 =	simm.s32 $0x108;
	s8 =	sld [smem:$0x3FB5]  }
0x2e: {  	s3 =	simm.s32 @!p0 $0x1082;
	s9 =	sld [smem:$0x3FB6]  }
0x2f: {  	lr =	sadd.s32 s0, s3;
	s0 =	sld [smem:$0x3FAD]  }
0x30: {  	s3 =	sld [smem:$0x3FB0]  }
0x31: {  	[smem:$0x3FB9] =	sst s10  }
0x32: {  	s10 =	sld [smem:$0x3FB7];
	_ =	sdelay $0x3  }
0x33: {  	p0 =	seq.s32 s10, $0x1;
	s10 =	sld [smem:$0x3FB9];
	_ =	sdelay $0x3  }
0x34: {  	[smem:$0x3FB9] =	sst s10  }
0x35: {  	s10 =	sld [smem:$0x3FB8];
	_ =	sdelay $0x3  }
0x36: {  	p1 =	seq.s32 s10, $0x1;
	s10 =	sld [smem:$0x3FB9];
	_ =	sdelay $0x3  }
0x37: {  	[smem:$0x3FB9] =	sst s10  }
0x38: {  	s10 =	sld [smem:$0x3FBA]  }
0x39: {  	_ = 	snop;
	(pc) =	sbr.ind lr, $3  }
0x3a: {  	_ = 	snop  }
0x3b: {  	_ = 	snop  }
0x3c: {  	p2 =	seq.s32 s10, $0x1;
	s10 =	sld [smem:$0x3FB9]  }
0x3d: {  	_ =	shalt  }
0x3e: {  	_ =	shalt  }
0x3f: {  	_ =	shalt  }
0x40: {  	_ =	shalt  }
0x41: {  	_ =	shalt  }
0x42: {  	_ =	shalt  }
0x43: {  	_ =	shalt  }
0x44: {  	_ =	shalt  }
0x45: {  	_ =	shalt  }
0x46: {  	_ =	shalt  }
0x47: {  	_ =	shalt  }
0x48: {  	_ =	shalt  }
0x49: {  	_ =	shalt  }
0x4a: {  	_ =	shalt  }
0x4b: {  	_ =	shalt  }
0x4c: {  	_ =	shalt  }
0x4d: {  	_ =	shalt  }
0x4e: {  	_ =	shalt  }
0x4f: {  	_ =	shalt  }
0x50: {  	_ =	shalt  }
0x51: {  	_ =	shalt  }
0x52: {  	_ =	shalt  }
0x53: {  	_ =	shalt  }
0x54: {  	_ =	shalt  }
0x55: {  	_ =	shalt  }
0x56: {  	_ =	shalt  }
0x57: {  	_ =	shalt  }
0x58: {  	_ =	shalt  }
0x59: {  	_ =	shalt  }
0x5a: {  	_ =	shalt  }
0x5b: {  	_ =	shalt  }
0x5c: {  	_ =	shalt  }
0x5d: {  	_ =	shalt  }
0x5e: {  	_ =	shalt  }
0x5f: {  	_ =	shalt  }
0x60: {  	_ =	shalt  }
0x61: {  	_ =	shalt  }
0x62: {  	_ =	shalt  }
0x63: {  	_ =	shalt  }
0x64: {  	_ =	shalt  }
0x65: {  	_ =	shalt  }
0x66: {  	_ =	shalt  }
0x67: {  	_ =	shalt  }
0x68: {  	_ =	shalt  }
0x69: {  	_ =	shalt  }
0x6a: {  	_ =	shalt  }
0x6b: {  	_ =	shalt  }
0x6c: {  	_ =	shalt  }
0x6d: {  	_ =	shalt  }
0x6e: {  	_ =	shalt  }
0x6f: {  	_ =	shalt  }
0x70: {  	_ =	shalt  }
0x71: {  	_ =	shalt  }
0x72: {  	_ =	shalt  }
0x73: {  	_ =	shalt  }
0x74: {  	_ =	shalt  }
0x75: {  	_ =	shalt  }
0x76: {  	_ =	shalt  }
0x77: {  	_ =	shalt  }
0x78: {  	_ =	shalt  }
0x79: {  	_ =	shalt  }
0x7a: {  	_ =	shalt  }
0x7b: {  	_ =	shalt  }
0x7c: {  	_ =	shalt  }
0x7d: {  	_ =	shalt  }
0x7e: {  	_ =	shalt  }
0x7f: {  	_ =	shalt  }
0x80: {  	_ =	shalt  }
0x81: {  	_ =	shalt  }
0x82: {  	_ =	shalt  }
0x83: {  	_ =	shalt  }
0x84: {  	_ =	shalt  }
0x85: {  	_ =	shalt  }
0x86: {  	_ =	shalt  }
0x87: {  	_ =	shalt  }
.Lfunc_end0:
.L_simem_size_0:
called_computation_lowered:
.L_overlay_start_0:
0x88: {  	s2 =	sld [smem:$0x3FD9]  }
0x89: {  	s3 =	sld [smem:$0x3FFE];
	_ =	sdelay $0x1  }
0x8a: {  	s1 =	srdreg.scid  }
0x8b: {  	s0 =	sand.u32 $0x1, s1  }
0x8c: {  	s17 =	sshll.u32 s0, $0xA;
	s2 =	sadd.s32 s3, s2  }
0x8d: {  	s2 =	sadd.s32 s2, s17  }
0x8e: {  	[smem:$0x3FC5] =	sst s2  }
0x8f: {  	_ = 	snop  }
0x90: {  	s2 =	sld [smem:$0x3FC9]  }
0x91: {  	s18 =	sld [smem:$0x3FD0];
	(tm) =	ssettm $0x1  }
0x92: {  	s4 =	sld [smem:$0x3FFB];
	_ =	sdelay $0x3  }
0x93: {  	_ =	strace s4  }
0x94: {  	s4 =	sld [smem:$0x3FFC];
	_ =	sdelay $0x3  }
0x95: {  	_ =	strace s4  }
0x96: {  	s4 =	sld [smem:$0x3FFD];
	_ =	sdelay $0x3  }
0x97: {  	_ =	strace s4  }
0x98: {  	_ =	strace $0x8FFFFFFF  }
0x99: {  	s19 =	sld [smem:$0x3FDB];
	_ =	sdelay $0x1  }
0x9a: {  	s5 =	simm.s32 $_scs_section_size  }
0x9b: {  	s6 =	simm.s32 $_size__tile_overlayer_lowered;
	s7 =	simm.s32 $_tile_overlayer_lowered  }
0x9c: {  	s22 =	simm.s32 $0x1BFF;
	s21 =	sshll.u32 s7, $0x1;
	s4 =	sadd.s32 s5, s19  }
0x9d: {  	s8 =	simm.s32 $0x0;
	s20 =	sshll.u32 s6, $0x1;
	s6 =	sadd.s32 s21, s4  }
0x9e: {  	[timem:s8], [sflag:s22] =	dma.local [hbm:s6], s20  }
0x9f: {  	_ =	swait.ge [sflag:s22], s20  }
0xa0: {  	s5 =	ssub.s32 $0x0, s20;
	[sflag:s22] =	ssyncset.done $0x0  }
0xa1: {  	[sflag:s22] =	ssyncadd.s32 s5;
	_ =	sdelay $0x1  }
0xa2: {  	s23 =	simm.s32 $0x1B8B  }
0xa3: {  	_ =	swait.ge [sflag:s23], $0x1  }
0xa4: {  	[sflag:s23] =	ssyncset.done $0x0  }
0xa5: {  	s25 =	simm.s32 $0x1B8E;
	s24 =	sld [smem:$0x3FFE];
	[sflag:s23] =	ssyncadd.s32 $0xFFFFFFFF  }
0xa6: {  	s26 =	simm.s32 $execute0_lowered;
	[smem:$0x3FD2] =	sst s25  }
0xa7: {  	s6 =	sshll.u32 s26, $0x1;
	_ =	strace $0x80000046;
	[dreg:$0x1] =	wrdreg $0xFFFFFFFF  }
0xa8: {  	s28 =	simm.s32 $_size_execute0_lowered;
	s4 =	sadd.s32 s4, s6;
	[dreg:$0x0] =	wrdreg $0x0  }
0xa9: {  	s6 =	sshll.u32 s28, $0x1;
	[dreg:$0x2] =	wrdreg s4  }
0xaa: {  	[dreg:$0x3] =	wrdreg s6  }
0xab: {  	[dreg:$0x4] =	wrdreg $0xC0  }
0xac: {  	_ =	task [dreg:s8], $0x5FFFF  }
0xad: {  	[dreg:$0x1] =	wrdreg $0xFFFFFFFF  }
0xae: {  	[dreg:$0x0] =	wrdreg $0x60  }
0xaf: {  	[dreg:$0x2] =	wrdreg s2  }
0xb0: {  	[dreg:$0x3] =	wrdreg s18  }
0xb1: {  	[dreg:$0x4] =	wrdreg s24  }
0xb2: {  	[dreg:$0x5] =	wrdreg $0x145800  }
0xb3: {  	[dreg:$0x6] =	wrdreg $0x165800  }
0xb4: {  	[dreg:$0x7] =	wrdreg $0x9  }
0xb5: {  	_ =	task.clear_ibuf [dreg:s8], $0x8FFFF;
	_ =	strace $0x90000046  }
0xb6: {  	s29 =	simm.s32 $0x9;
	_ =	strace $0x80000048  }
0xb7: {  	_ =	swait.ge [sflag:s29], $0x1  }
0xb8: {  	[sflag:s29] =	ssyncadd.s32 $0xFFFFFFFF  }
0xb9: {  	_ =	strace $0x90000048  }
0xba: {  	_ =	sfence  }
0xbb: {  	s30 =	sld [smem:$0x0];
	_ =	sdelay $0x2  }
0xbc: {  	s31 =	sshll.u32 s1, $0xD;
	s1 =	sshrl.u32 s1, $0x2  }
0xbd: {  	s3 =	sand.u32 $0x4000, s31;
	s1 =	sadd.s32 s1, s30  }
0xbe: {  	s0 =	sor.u32 s3, s0;
	s1 =	sshll.u32 s1, $0x11  }
0xbf: {  	s0 =	sor.u32 s1, s0  }
0xc0: {  	s0 =	sadd.s32 $0x8F2B, s0  }
0xc1: {  	[sflag:s0] =	ssyncadd.remote.s32 $0x1  }
0xc2: {  	_ =	sfence.sel $0xFFFF  }
0xc3: {  	[dreg:$0x0] =	wrdreg $0xFFFFFFFF;
	(pc) =	sbr.abs _section_cstart, $3  }
0xc4: {  	[dreg:$0x1] =	wrdreg $0xFFFFFFFF  }
0xc5: {  	_ =	task.clear_ibuf [dreg:s8], $0x2FFFF;
	_ =	strace $0x9FFFFFFF  }
0xc6: {  	(tm) =	ssettm $0x7FFFFFFF  }
0xc7: {  	_ =	shalt  }
tec
execute0_lowered:
.L_overlay_start_1:
0x0: {  	(tag) =	ssettag $0x1  }
0x1: {  	s2 =	rddreg [dreg:$0x0]  }
0x2: {  	s3 =	rddreg [dreg:$0x1]  }
0x3: {  	s0 =	rddreg [dreg:$0x2]  }
0x4: {  	s4 =	rddreg [dreg:$0x3]  }
0x5: {  	s5 =	rddreg [dreg:$0x4]  }
0x6: {  	s31 =	rddreg [dreg:$0x5];
	s8 =	simm.s32 $0x0;
	s1 =	srdreg.scid  }
0x7: {  	s12 =	stileid.u32;
	[smem:$0x7FF] =	sst s8;
	s1 =	sand.u32 $0x1, s1  }
0x8: {  	s6 =	sshll.u32 s12, $0xA;
	s9 =	sshll.u32 s12, $0x3;
	s7 =	sshll.u32 s1, $0x4  }
0x9: {  	s10 =	sadd.s32 $0x4C00, s0;
	_ =	strace $0x80000047;
	s7 =	sor.u32 s12, s7  }
0xa: {  	s6 =	sadd.s32 s6, s0;
	s9 =	sadd.s32 s9, s0;
	s11 =	smul.u32 $0x190, s7  }
0xb: {  	[dreg:$0x6] =	wrdreg s10;
	s6 =	sadd.s32 $0xA00, s6;
	s26 =	smul.u32 $0x61A80, s7  }
0xc: {  	s9 =	sadd.s32 $0x4A00, s9;
	[dreg:$0x7] =	wrdreg s6;
	s7 =	smul.u32 $0xC350, s7  }
0xd: {  	[dreg:$0x8] =	wrdreg s9;
	s3 =	sadd.s32 s3, s11;
	s11 =	sshrl.u32 s26, $0x3  }
0xe: {  	s13 =	sadd.s32 s2, s7;
	[dreg:$0x9] =	wrdreg s3;
	s2 =	sadd.s32 s2, s11  }
0xf: {  	[dreg:$0xa] =	wrdreg s13;
	s14 =	sadd.s32 $0x7D0, s2  }
0x10: {  	s15 =	sadd.s32 $0xFA0, s2;
	[dreg:$0xb] =	wrdreg s14  }
0x11: {  	s16 =	sadd.s32 $0x1770, s2;
	[dreg:$0xc] =	wrdreg s15  }
0x12: {  	s17 =	sadd.s32 $0x1F40, s2;
	[dreg:$0xd] =	wrdreg s16  }
0x13: {  	s18 =	sadd.s32 $0x2710, s2;
	[dreg:$0xe] =	wrdreg s17  }
0x14: {  	s19 =	sadd.s32 $0x2EE0, s2;
	[dreg:$0xf] =	wrdreg s18  }
0x15: {  	s29 =	simm.s32 $0x13880;
	s20 =	sadd.s32 $0x36B0, s2;
	[dreg:$0x10] =	wrdreg s19  }
0x16: {  	p0 =	por $0x0, $0x0;
	s21 =	sadd.s32 $0x3E80, s2;
	[dreg:$0x11] =	wrdreg s20  }
0x17: {  	s30 =	simm.s32 $0x14280;
	s22 =	sadd.s32 $0x4650, s2;
	[dreg:$0x12] =	wrdreg s21  }
0x18: {  	s28 =	simm.s32 $0x14380;
	s23 =	sadd.s32 $0x4E20, s2;
	[dreg:$0x13] =	wrdreg s22  }
0x19: {  	s25 =	sshll.u32 s1, $0x11;
	s24 =	sadd.s32 $0x55F0, s2;
	[dreg:$0x14] =	wrdreg s23  }
0x1a: {  	s6 =	sshll.u32 s12, $0xD;
	s26 =	sadd.s32 $0x5DC0, s2;
	[dreg:$0x15] =	wrdreg s24  }
0x1b: {  	s7 =	sor.u32 s6, s25;
	s9 =	sadd.s32 $0x6590, s2;
	[dreg:$0x16] =	wrdreg s26  }
0x1c: {  	s6 =	sadd.s32 s6, s4;
	s10 =	sadd.s32 $0x6D60, s2;
	[dreg:$0x17] =	wrdreg s9  }
0x1d: {  	s7 =	sshrl.u32 s7, $0x3;
	s11 =	sadd.s32 $0x7530, s2;
	[dreg:$0x18] =	wrdreg s10  }
0x1e: {  	s13 =	sshll.u32 s12, $0x6;
	[dreg:$0x19] =	wrdreg s11;
	s14 =	sadd.s32 $0x7D00, s2  }
0x1f: {  	s3 =	simm.s32 $0xC;
	s16 =	sadd.s32 $0x84D0, s2;
	[dreg:$0x1a] =	wrdreg s14  }
0x20: {  	s12 =	simm.s32 $0xFA00;
	s17 =	sadd.s32 $0x8CA0, s2;
	[dreg:$0x1b] =	wrdreg s16  }
0x21: {  	s7 =	sadd.s32 s7, s0;
	s18 =	sadd.s32 $0x9470, s2;
	[dreg:$0x1c] =	wrdreg s17  }
0x22: {  	s15 =	sshll.u32 s1, $0xA;
	s19 =	sadd.s32 $0x9C40, s2;
	[dreg:$0x1d] =	wrdreg s18  }
0x23: {  	s1 =	ssub.s32 $0x2, s1;
	s20 =	sadd.s32 $0xA410, s2;
	[dreg:$0x1e] =	wrdreg s19  }
0x24: {  	s22 =	sadd.s32 $0xABE0, s2;
	s23 =	sadd.s32 $0xB3B0, s2;
	[dreg:$0x1f] =	wrdreg s20  }
0x25: {  	s24 =	sadd.s32 $0xBB80, s2;
	s2 =	sor.u32 $0x1C0C, s13;
	[smem:$0x7F9] =	sst s22  }
0x26: {  	s25 =	sadd.s32 $0x5000, s7;
	s9 =	sadd.s32 s13, s5;
	[smem:$0x7FA] =	sst s23  }
0x27: {  	s7 =	sshrl.u32 s6, $0x3;
	s11 =	simm.s32 $0x7D;
	[smem:$0x7FB] =	sst s24  }
0x28: {  	s10 =	sor.u32 s13, s15;
	s21 =	sshrl.u32 s1, $0x1;
	[smem:$0x7FC] =	sst s25  }
0x29: {  	s6 =	sshrl.u32 s9, $0x3;
	s23 =	simm.s32 $0x3E80;
	s25 =	simm.s32 $0x1  }
0x2a: {  	s24 =	simm.s32 $0x2;
	s16 =	simm.s32 $0xBB80;
	s1 =	ssub.s32 s1, s21  }
0x2b: {  	s22 =	simm.s32 $0x3;
	s20 =	simm.s32 $0x4;
	s26 =	smax.u32 s1, $0x1  }
0x2c: {  	s13 =	simm.s32 $0x6;
	s19 =	simm.s32 $0x5;
	p1 =	sne.s32 s26, $0x1  }
.Ltmp0:
0x2d: {  	s18 =	simm.s32 $0x7;
	s10 =	sshrl.u32 s10, $0x3;
	(pc) =	sbr.rel @!p1 .LBB2_5-.Ltmp0, $4  }
0x2e: {  	s17 =	simm.s32 $0x8;
	s15 =	simm.s32 $0x9;
	s0 =	sadd.s32 s10, s0  }
0x2f: {  	s14 =	simm.s32 $0xA;
	s9 =	simm.s32 $0xB;
	s0 =	sadd.s32 $0x4E00, s0  }
0x30: {  	s21 =	simm.s32 $0x7D00;
	s10 =	simm.s32 $0x14500;
	[smem:$0x7FD] =	sst s0  }
0x31: {  	s1 =	simm.s32 $0x14480;
	s26 =	sadd.s32 $0xFFFFFFFF, s26;
	s0 =	rddreg [dreg:$0x7]  }
0x32: {  	[spmem:s7], [sflag:s2] =	dma.local [hbm:s0], $0x400  }
0x33: {  	_ =	swait.ge [sflag:s3], $0x400  }
0x34: {  	[sflag:s3] =	ssyncset.done $0x0  }
0x35: {  	s0 =	rddreg [dreg:$0x8];
	[sflag:s3] =	ssyncadd.s32 $0xFFFFFC00  }
0x36: {  	[spmem:s6], [sflag:s2] =	dma.local [hbm:s0], $0x8  }
0x37: {  	_ =	swait.ge [sflag:s3], $0x8  }
0x38: {  	[sflag:s3] =	ssyncset.done $0x0  }
0x39: {  	s0 =	rddreg [dreg:$0x9];
	[sflag:s3] =	ssyncadd.s32 $0xFFFFFFF8  }
0x3a: {  	[tilespmem:s29], [sflag:$0xC] =	stream.linear.gather [hbm4b:s0+s8], $0xC80, $0x38;
	[tilespmem:$0x165C0] =	vst v63  }
0x3b: {  	_ =	swait.ge [sflag:s3], $0xC80  }
0x3c: {  	[sflag:s3] =	ssyncset.done $0x0  }
0x3d: {  	s0 =	rddreg [dreg:$0x6];
	[sflag:s3] =	ssyncadd.s32 $0xFFFFF380  }
0x3e: {  	[tilespmem:s10], [sflag:$0xC] =	stream.linear.gather [hbm4b:s0+s8], $0x80, $0x38;
	[tilespmem:$0x165C0] =	vst v63  }
0x3f: {  	_ =	swait.ge [sflag:s3], $0x80  }
0x40: {  	[sflag:s3] =	ssyncset.done $0x0  }
0x41: {  	[sflag:s3] =	ssyncadd.s32 $0xFFFFFF80  }
0x42: {  	[bflag:$0x0] =	sbarrier.arrive $0xFFFF  }
0x43: {  	s0 =	rddreg [dreg:$0xa]  }
0x44: {  	[tilespmem:s8], [sflag:$0x1] =	stream.linear.gather [hbm4b:s0+s8], $0x3E80, $0x38;
	[tilespmem:$0x165C0] =	vst v63  }
0x45: {  	s31 =	rddreg [dreg:$0xb]  }
0x46: {  	[tilespmem:s23], [sflag:$0x2] =	stream.linear.gather [hbm4b:s31+s8], $0x3E80, $0x38;
	[tilespmem:$0x165C0] =	vst v63  }
0x47: {  	_ =	swait.ge [sflag:s25], $0x3E80  }
0x48: {  	[sflag:s25] =	ssyncset.done $0x0  }
0x49: {  	[sflag:s25] =	ssyncadd.s32 $0xFFFFC180  }
0x4a: {  	[spmem:s5] =	stream.indirect.scatter.add.f32 [tilespmem:s10], [sflag:$0xB], $0x1, s29, s11, $0xb8;
	[tilespmem:$0x165C0] =	vst v63  }
0x4b: {  	_ = 	snop  }
0x4c: {  	[spmem:s4] =	stream.indirect.scatter.add.f32 [tilespmem:s8], [sflag:$0x6], $0x80, s29, s11, $0xb8;
	[tilespmem:$0x165C0] =	vst v63  }
0x4d: {  	s0 =	rddreg [dreg:$0xc]  }
0x4e: {  	[tilespmem:s21], [sflag:$0x3] =	stream.linear.gather [hbm4b:s0+s8], $0x3E80, $0x38;
	[tilespmem:$0x165C0] =	vst v63  }
0x4f: {  	_ =	swait.ge [sflag:s24], $0x3E80  }
0x50: {  	[sflag:s24] =	ssyncset.done $0x0  }
0x51: {  	s31 =	simm.s32 $0x13900;
	[sflag:s24] =	ssyncadd.s32 $0xFFFFC180  }
0x52: {  	[spmem:s5] =	stream.indirect.scatter.add.f32 [tilespmem:s10], [sflag:$0xB], $0x1, s31, s11, $0xb8;
	[tilespmem:$0x165C0] =	vst v63  }
0x53: {  	_ = 	snop  }
0x54: {  	[spmem:s4] =	stream.indirect.scatter.add.f32 [tilespmem:s23], [sflag:$0x7], $0x80, s31, s11, $0xb8;
	[tilespmem:$0x165C0] =	vst v63  }
0x55: {  	s0 =	rddreg [dreg:$0xd]  }
0x56: {  	[tilespmem:s16], [sflag:$0x4] =	stream.linear.gather [hbm4b:s0+s8], $0x3E80, $0x38;
	[tilespmem:$0x165C0] =	vst v63  }
0x57: {  	_ =	swait.ge [sflag:s22], $0x3E80  }
0x58: {  	[sflag:s22] =	ssyncset.done $0x0  }
0x59: {  	s31 =	smov.u32 s26;
	s26 =	simm.s32 $0x13980;
	[sflag:s22] =	ssyncadd.s32 $0xFFFFC180  }
0x5a: {  	[spmem:s5] =	stream.indirect.scatter.add.f32 [tilespmem:s10], [sflag:$0xB], $0x1, s26, s11, $0xb8;
	[tilespmem:$0x165C0] =	vst v63  }
0x5b: {  	_ = 	snop  }
0x5c: {  	[spmem:s4] =	stream.indirect.scatter.add.f32 [tilespmem:s21], [sflag:$0x8], $0x80, s26, s11, $0xb8;
	[tilespmem:$0x165C0] =	vst v63  }
0x5d: {  	s0 =	rddreg [dreg:$0xe]  }
0x5e: {  	[tilespmem:s12], [sflag:$0x5] =	stream.linear.gather [hbm4b:s0+s8], $0x3E80, $0x38;
	[tilespmem:$0x165C0] =	vst v63  }
0x5f: {  	_ =	swait.ge [sflag:s20], $0x3E80  }
0x60: {  	[sflag:s20] =	ssyncset.done $0x0  }
0x61: {  	s26 =	simm.s32 $0x13A00;
	[sflag:s20] =	ssyncadd.s32 $0xFFFFC180  }
0x62: {  	[spmem:s5] =	stream.indirect.scatter.add.f32 [tilespmem:s10], [sflag:$0xB], $0x1, s26, s11, $0xb8;
	[tilespmem:$0x165C0] =	vst v63  }
0x63: {  	_ = 	snop  }
0x64: {  	[spmem:s4] =	stream.indirect.scatter.add.f32 [tilespmem:s16], [sflag:$0x9], $0x80, s26, s11, $0xb8;
	[tilespmem:$0x165C0] =	vst v63  }
0x65: {  	_ =	swait.ge [sflag:s13], $0x3E80  }
0x66: {  	[sflag:s13] =	ssyncset.done $0x0  }
0x67: {  	s26 =	rddreg [dreg:$0xf];
	[sflag:s13] =	ssyncadd.s32 $0xFFFFC180  }
0x68: {  	[tilespmem:s8], [sflag:$0x1] =	stream.linear.gather [hbm4b:s26+s8], $0x3E80, $0x38;
	[tilespmem:$0x165C0] =	vst v63  }
0x69: {  	_ =	swait.ge [sflag:s19], $0x3E80  }
0x6a: {  	[sflag:s19] =	ssyncset.done $0x0  }
0x6b: {  	s26 =	simm.s32 $0x13A80;
	[sflag:s19] =	ssyncadd.s32 $0xFFFFC180  }
0x6c: {  	[spmem:s5] =	stream.indirect.scatter.add.f32 [tilespmem:s10], [sflag:$0xB], $0x1, s26, s11, $0xb8;
	[tilespmem:$0x165C0] =	vst v63  }
0x6d: {  	_ = 	snop  }
0x6e: {  	[spmem:s4] =	stream.indirect.scatter.add.f32 [tilespmem:s12], [sflag:$0xA], $0x80, s26, s11, $0xb8;
	[tilespmem:$0x165C0] =	vst v63  }
0x6f: {  	_ =	swait.ge [sflag:s18], $0x3E80  }
0x70: {  	[sflag:s18] =	ssyncset.done $0x0  }
0x71: {  	s26 =	rddreg [dreg:$0x10];
	[sflag:s18] =	ssyncadd.s32 $0xFFFFC180  }
0x72: {  	[tilespmem:s23], [sflag:$0x2] =	stream.linear.gather [hbm4b:s26+s8], $0x3E80, $0x38;
	[tilespmem:$0x165C0] =	vst v63  }
0x73: {  	_ =	swait.ge [sflag:s25], $0x3E80  }
0x74: {  	[sflag:s25] =	ssyncset.done $0x0  }
0x75: {  	s26 =	simm.s32 $0x13B00;
	[sflag:s25] =	ssyncadd.s32 $0xFFFFC180  }
0x76: {  	[spmem:s5] =	stream.indirect.scatter.add.f32 [tilespmem:s10], [sflag:$0xB], $0x1, s26, s11, $0xb8;
	[tilespmem:$0x165C0] =	vst v63  }
0x77: {  	_ = 	snop  }
0x78: {  	[spmem:s4] =	stream.indirect.scatter.add.f32 [tilespmem:s8], [sflag:$0x6], $0x80, s26, s11, $0xb8;
	[tilespmem:$0x165C0] =	vst v63  }
0x79: {  	_ =	swait.ge [sflag:s17], $0x3E80  }
0x7a: {  	[sflag:s17] =	ssyncset.done $0x0  }
0x7b: {  	s26 =	rddreg [dreg:$0x11];
	[sflag:s17] =	ssyncadd.s32 $0xFFFFC180  }
0x7c: {  	[tilespmem:s21], [sflag:$0x3] =	stream.linear.gather [hbm4b:s26+s8], $0x3E80, $0x38;
	[tilespmem:$0x165C0] =	vst v63  }
0x7d: {  	_ =	swait.ge [sflag:s24], $0x3E80  }
0x7e: {  	[sflag:s24] =	ssyncset.done $0x0  }
0x7f: {  	s26 =	simm.s32 $0x13B80;
	[sflag:s24] =	ssyncadd.s32 $0xFFFFC180  }
0x80: {  	[spmem:s5] =	stream.indirect.scatter.add.f32 [tilespmem:s10], [sflag:$0xB], $0x1, s26, s11, $0xb8;
	[tilespmem:$0x165C0] =	vst v63  }
0x81: {  	_ = 	snop  }
0x82: {  	[spmem:s4] =	stream.indirect.scatter.add.f32 [tilespmem:s23], [sflag:$0x7], $0x80, s26, s11, $0xb8;
	[tilespmem:$0x165C0] =	vst v63  }
0x83: {  	_ =	swait.ge [sflag:s15], $0x3E80  }
0x84: {  	[sflag:s15] =	ssyncset.done $0x0  }
0x85: {  	s26 =	rddreg [dreg:$0x12];
	[sflag:s15] =	ssyncadd.s32 $0xFFFFC180  }
0x86: {  	[tilespmem:s16], [sflag:$0x4] =	stream.linear.gather [hbm4b:s26+s8], $0x3E80, $0x38;
	[tilespmem:$0x165C0] =	vst v63  }
0x87: {  	_ =	swait.ge [sflag:s22], $0x3E80  }
0x88: {  	[sflag:s22] =	ssyncset.done $0x0  }
0x89: {  	s26 =	simm.s32 $0x13C00;
	[sflag:s22] =	ssyncadd.s32 $0xFFFFC180  }
0x8a: {  	[spmem:s5] =	stream.indirect.scatter.add.f32 [tilespmem:s10], [sflag:$0xB], $0x1, s26, s11, $0xb8;
	[tilespmem:$0x165C0] =	vst v63  }
0x8b: {  	_ = 	snop  }
0x8c: {  	[spmem:s4] =	stream.indirect.scatter.add.f32 [tilespmem:s21], [sflag:$0x8], $0x80, s26, s11, $0xb8;
	[tilespmem:$0x165C0] =	vst v63  }
0x8d: {  	_ =	swait.ge [sflag:s14], $0x3E80  }
0x8e: {  	[sflag:s14] =	ssyncset.done $0x0  }
0x8f: {  	s26 =	rddreg [dreg:$0x13];
	[sflag:s14] =	ssyncadd.s32 $0xFFFFC180  }
0x90: {  	[tilespmem:s12], [sflag:$0x5] =	stream.linear.gather [hbm4b:s26+s8], $0x3E80, $0x38;
	[tilespmem:$0x165C0] =	vst v63  }
0x91: {  	_ =	swait.ge [sflag:s20], $0x3E80  }
0x92: {  	[sflag:s20] =	ssyncset.done $0x0  }
0x93: {  	s26 =	simm.s32 $0x13C80;
	[sflag:s20] =	ssyncadd.s32 $0xFFFFC180  }
0x94: {  	[spmem:s5] =	stream.indirect.scatter.add.f32 [tilespmem:s10], [sflag:$0xB], $0x1, s26, s11, $0xb8;
	[tilespmem:$0x165C0] =	vst v63  }
0x95: {  	_ = 	snop  }
0x96: {  	[spmem:s4] =	stream.indirect.scatter.add.f32 [tilespmem:s16], [sflag:$0x9], $0x80, s26, s11, $0xb8;
	[tilespmem:$0x165C0] =	vst v63  }
0x97: {  	_ =	swait.ge [sflag:s13], $0x3E80  }
0x98: {  	[sflag:s13] =	ssyncset.done $0x0  }
0x99: {  	s26 =	rddreg [dreg:$0x14];
	[sflag:s13] =	ssyncadd.s32 $0xFFFFC180  }
0x9a: {  	[tilespmem:s8], [sflag:$0x1] =	stream.linear.gather [hbm4b:s26+s8], $0x3E80, $0x38;
	[tilespmem:$0x165C0] =	vst v63  }
0x9b: {  	_ =	swait.ge [sflag:s19], $0x3E80  }
0x9c: {  	[sflag:s19] =	ssyncset.done $0x0  }
0x9d: {  	s26 =	simm.s32 $0x13D00;
	[sflag:s19] =	ssyncadd.s32 $0xFFFFC180  }
0x9e: {  	[spmem:s5] =	stream.indirect.scatter.add.f32 [tilespmem:s10], [sflag:$0xB], $0x1, s26, s11, $0xb8;
	[tilespmem:$0x165C0] =	vst v63  }
0x9f: {  	_ = 	snop  }
0xa0: {  	[spmem:s4] =	stream.indirect.scatter.add.f32 [tilespmem:s12], [sflag:$0xA], $0x80, s26, s11, $0xb8;
	[tilespmem:$0x165C0] =	vst v63  }
0xa1: {  	_ =	swait.ge [sflag:s18], $0x3E80  }
0xa2: {  	[sflag:s18] =	ssyncset.done $0x0  }
0xa3: {  	s26 =	rddreg [dreg:$0x15];
	[sflag:s18] =	ssyncadd.s32 $0xFFFFC180  }
0xa4: {  	[tilespmem:s23], [sflag:$0x2] =	stream.linear.gather [hbm4b:s26+s8], $0x3E80, $0x38;
	[tilespmem:$0x165C0] =	vst v63  }
0xa5: {  	_ =	swait.ge [sflag:s25], $0x3E80  }
0xa6: {  	[sflag:s25] =	ssyncset.done $0x0  }
0xa7: {  	s26 =	simm.s32 $0x13D80;
	[sflag:s25] =	ssyncadd.s32 $0xFFFFC180  }
0xa8: {  	[spmem:s5] =	stream.indirect.scatter.add.f32 [tilespmem:s10], [sflag:$0xB], $0x1, s26, s11, $0xb8;
	[tilespmem:$0x165C0] =	vst v63  }
0xa9: {  	_ = 	snop  }
0xaa: {  	[spmem:s4] =	stream.indirect.scatter.add.f32 [tilespmem:s8], [sflag:$0x6], $0x80, s26, s11, $0xb8;
	[tilespmem:$0x165C0] =	vst v63  }
0xab: {  	_ =	swait.ge [sflag:s17], $0x3E80  }
0xac: {  	[sflag:s17] =	ssyncset.done $0x0  }
0xad: {  	s26 =	rddreg [dreg:$0x16];
	[sflag:s17] =	ssyncadd.s32 $0xFFFFC180  }
0xae: {  	[tilespmem:s21], [sflag:$0x3] =	stream.linear.gather [hbm4b:s26+s8], $0x3E80, $0x38;
	[tilespmem:$0x165C0] =	vst v63  }
0xaf: {  	_ =	swait.ge [sflag:s24], $0x3E80  }
0xb0: {  	[sflag:s24] =	ssyncset.done $0x0  }
0xb1: {  	s26 =	simm.s32 $0x13E00;
	[sflag:s24] =	ssyncadd.s32 $0xFFFFC180  }
0xb2: {  	[spmem:s5] =	stream.indirect.scatter.add.f32 [tilespmem:s10], [sflag:$0xB], $0x1, s26, s11, $0xb8;
	[tilespmem:$0x165C0] =	vst v63  }
0xb3: {  	_ = 	snop  }
0xb4: {  	[spmem:s4] =	stream.indirect.scatter.add.f32 [tilespmem:s23], [sflag:$0x7], $0x80, s26, s11, $0xb8;
	[tilespmem:$0x165C0] =	vst v63  }
0xb5: {  	_ =	swait.ge [sflag:s15], $0x3E80  }
0xb6: {  	[sflag:s15] =	ssyncset.done $0x0  }
0xb7: {  	s26 =	rddreg [dreg:$0x17];
	[sflag:s15] =	ssyncadd.s32 $0xFFFFC180  }
0xb8: {  	[tilespmem:s16], [sflag:$0x4] =	stream.linear.gather [hbm4b:s26+s8], $0x3E80, $0x38;
	[tilespmem:$0x165C0] =	vst v63  }
0xb9: {  	_ =	swait.ge [sflag:s22], $0x3E80  }
0xba: {  	[sflag:s22] =	ssyncset.done $0x0  }
0xbb: {  	s26 =	simm.s32 $0x13E80;
	[sflag:s22] =	ssyncadd.s32 $0xFFFFC180  }
0xbc: {  	[spmem:s5] =	stream.indirect.scatter.add.f32 [tilespmem:s10], [sflag:$0xB], $0x1, s26, s11, $0xb8;
	[tilespmem:$0x165C0] =	vst v63  }
0xbd: {  	_ = 	snop  }
0xbe: {  	[spmem:s4] =	stream.indirect.scatter.add.f32 [tilespmem:s21], [sflag:$0x8], $0x80, s26, s11, $0xb8;
	[tilespmem:$0x165C0] =	vst v63  }
0xbf: {  	_ =	swait.ge [sflag:s14], $0x3E80  }
0xc0: {  	[sflag:s14] =	ssyncset.done $0x0  }
0xc1: {  	s26 =	rddreg [dreg:$0x18];
	[sflag:s14] =	ssyncadd.s32 $0xFFFFC180  }
0xc2: {  	[tilespmem:s12], [sflag:$0x5] =	stream.linear.gather [hbm4b:s26+s8], $0x3E80, $0x38;
	[tilespmem:$0x165C0] =	vst v63  }
0xc3: {  	_ =	swait.ge [sflag:s20], $0x3E80  }
0xc4: {  	[sflag:s20] =	ssyncset.done $0x0  }
0xc5: {  	s26 =	simm.s32 $0x13F00;
	[sflag:s20] =	ssyncadd.s32 $0xFFFFC180  }
0xc6: {  	[spmem:s5] =	stream.indirect.scatter.add.f32 [tilespmem:s10], [sflag:$0xB], $0x1, s26, s11, $0xb8;
	[tilespmem:$0x165C0] =	vst v63  }
0xc7: {  	_ = 	snop  }
0xc8: {  	[spmem:s4] =	stream.indirect.scatter.add.f32 [tilespmem:s16], [sflag:$0x9], $0x80, s26, s11, $0xb8;
	[tilespmem:$0x165C0] =	vst v63  }
0xc9: {  	_ =	swait.ge [sflag:s13], $0x3E80  }
0xca: {  	[sflag:s13] =	ssyncset.done $0x0  }
0xcb: {  	s26 =	rddreg [dreg:$0x19];
	[sflag:s13] =	ssyncadd.s32 $0xFFFFC180  }
0xcc: {  	[tilespmem:s8], [sflag:$0x1] =	stream.linear.gather [hbm4b:s26+s8], $0x3E80, $0x38;
	[tilespmem:$0x165C0] =	vst v63  }
0xcd: {  	_ =	swait.ge [sflag:s19], $0x3E80  }
0xce: {  	[sflag:s19] =	ssyncset.done $0x0  }
0xcf: {  	s26 =	simm.s32 $0x13F80;
	[sflag:s19] =	ssyncadd.s32 $0xFFFFC180  }
0xd0: {  	[spmem:s5] =	stream.indirect.scatter.add.f32 [tilespmem:s10], [sflag:$0xB], $0x1, s26, s11, $0xb8;
	[tilespmem:$0x165C0] =	vst v63  }
0xd1: {  	_ = 	snop  }
0xd2: {  	[spmem:s4] =	stream.indirect.scatter.add.f32 [tilespmem:s12], [sflag:$0xA], $0x80, s26, s11, $0xb8;
	[tilespmem:$0x165C0] =	vst v63  }
0xd3: {  	_ =	swait.ge [sflag:s18], $0x3E80  }
0xd4: {  	[sflag:s18] =	ssyncset.done $0x0  }
0xd5: {  	s26 =	rddreg [dreg:$0x1a];
	[sflag:s18] =	ssyncadd.s32 $0xFFFFC180  }
0xd6: {  	[tilespmem:s23], [sflag:$0x2] =	stream.linear.gather [hbm4b:s26+s8], $0x3E80, $0x38;
	[tilespmem:$0x165C0] =	vst v63  }
0xd7: {  	_ =	swait.ge [sflag:s25], $0x3E80  }
0xd8: {  	[sflag:s25] =	ssyncset.done $0x0  }
0xd9: {  	s26 =	simm.s32 $0x14000;
	[sflag:s25] =	ssyncadd.s32 $0xFFFFC180  }
0xda: {  	[spmem:s5] =	stream.indirect.scatter.add.f32 [tilespmem:s10], [sflag:$0xB], $0x1, s26, s11, $0xb8;
	[tilespmem:$0x165C0] =	vst v63  }
0xdb: {  	_ = 	snop  }
0xdc: {  	[spmem:s4] =	stream.indirect.scatter.add.f32 [tilespmem:s8], [sflag:$0x6], $0x80, s26, s11, $0xb8;
	[tilespmem:$0x165C0] =	vst v63  }
0xdd: {  	_ =	swait.ge [sflag:s17], $0x3E80  }
0xde: {  	[sflag:s17] =	ssyncset.done $0x0  }
0xdf: {  	s26 =	rddreg [dreg:$0x1b];
	[sflag:s17] =	ssyncadd.s32 $0xFFFFC180  }
0xe0: {  	[tilespmem:s21], [sflag:$0x3] =	stream.linear.gather [hbm4b:s26+s8], $0x3E80, $0x38;
	[tilespmem:$0x165C0] =	vst v63  }
0xe1: {  	_ =	swait.ge [sflag:s24], $0x3E80  }
0xe2: {  	[sflag:s24] =	ssyncset.done $0x0  }
0xe3: {  	s26 =	simm.s32 $0x14080;
	[sflag:s24] =	ssyncadd.s32 $0xFFFFC180  }
0xe4: {  	[spmem:s5] =	stream.indirect.scatter.add.f32 [tilespmem:s10], [sflag:$0xB], $0x1, s26, s11, $0xb8;
	[tilespmem:$0x165C0] =	vst v63  }
0xe5: {  	_ = 	snop  }
0xe6: {  	[spmem:s4] =	stream.indirect.scatter.add.f32 [tilespmem:s23], [sflag:$0x7], $0x80, s26, s11, $0xb8;
	[tilespmem:$0x165C0] =	vst v63  }
0xe7: {  	_ =	swait.ge [sflag:s15], $0x3E80  }
0xe8: {  	[sflag:s15] =	ssyncset.done $0x0  }
0xe9: {  	s26 =	rddreg [dreg:$0x1c];
	[sflag:s15] =	ssyncadd.s32 $0xFFFFC180  }
0xea: {  	[tilespmem:s16], [sflag:$0x4] =	stream.linear.gather [hbm4b:s26+s8], $0x3E80, $0x38;
	[tilespmem:$0x165C0] =	vst v63  }
0xeb: {  	_ =	swait.ge [sflag:s22], $0x3E80  }
0xec: {  	[sflag:s22] =	ssyncset.done $0x0  }
0xed: {  	s26 =	simm.s32 $0x14100;
	[sflag:s22] =	ssyncadd.s32 $0xFFFFC180  }
0xee: {  	[spmem:s5] =	stream.indirect.scatter.add.f32 [tilespmem:s10], [sflag:$0xB], $0x1, s26, s11, $0xb8;
	[tilespmem:$0x165C0] =	vst v63  }
0xef: {  	_ = 	snop  }
0xf0: {  	[spmem:s4] =	stream.indirect.scatter.add.f32 [tilespmem:s21], [sflag:$0x8], $0x80, s26, s11, $0xb8;
	[tilespmem:$0x165C0] =	vst v63  }
0xf1: {  	_ =	swait.ge [sflag:s14], $0x3E80  }
0xf2: {  	[sflag:s14] =	ssyncset.done $0x0  }
0xf3: {  	s26 =	rddreg [dreg:$0x1d];
	[sflag:s14] =	ssyncadd.s32 $0xFFFFC180  }
0xf4: {  	[tilespmem:s12], [sflag:$0x5] =	stream.linear.gather [hbm4b:s26+s8], $0x3E80, $0x38;
	[tilespmem:$0x165C0] =	vst v63  }
0xf5: {  	_ =	swait.ge [sflag:s20], $0x3E80  }
0xf6: {  	[sflag:s20] =	ssyncset.done $0x0  }
0xf7: {  	s26 =	simm.s32 $0x14180;
	[sflag:s20] =	ssyncadd.s32 $0xFFFFC180  }
0xf8: {  	[spmem:s5] =	stream.indirect.scatter.add.f32 [tilespmem:s10], [sflag:$0xB], $0x1, s26, s11, $0xb8;
	[tilespmem:$0x165C0] =	vst v63  }
0xf9: {  	_ = 	snop  }
0xfa: {  	[spmem:s4] =	stream.indirect.scatter.add.f32 [tilespmem:s16], [sflag:$0x9], $0x80, s26, s11, $0xb8;
	[tilespmem:$0x165C0] =	vst v63  }
0xfb: {  	_ =	swait.ge [sflag:s13], $0x3E80  }
0xfc: {  	[sflag:s13] =	ssyncset.done $0x0  }
0xfd: {  	s26 =	rddreg [dreg:$0x1e];
	[sflag:s13] =	ssyncadd.s32 $0xFFFFC180  }
0xfe: {  	[tilespmem:s8], [sflag:$0x1] =	stream.linear.gather [hbm4b:s26+s8], $0x3E80, $0x38;
	[tilespmem:$0x165C0] =	vst v63  }
0xff: {  	_ =	swait.ge [sflag:s19], $0x3E80  }
0x100: {  	[sflag:s19] =	ssyncset.done $0x0  }
0x101: {  	s26 =	simm.s32 $0x14200;
	[sflag:s19] =	ssyncadd.s32 $0xFFFFC180  }
0x102: {  	[spmem:s5] =	stream.indirect.scatter.add.f32 [tilespmem:s10], [sflag:$0xB], $0x1, s26, s11, $0xb8;
	[tilespmem:$0x165C0] =	vst v63  }
0x103: {  	_ = 	snop  }
0x104: {  	[spmem:s4] =	stream.indirect.scatter.add.f32 [tilespmem:s12], [sflag:$0xA], $0x80, s26, s11, $0xb8;
	[tilespmem:$0x165C0] =	vst v63  }
0x105: {  	_ =	swait.ge [sflag:s18], $0x3E80  }
0x106: {  	[sflag:s18] =	ssyncset.done $0x0  }
0x107: {  	s26 =	rddreg [dreg:$0x1f];
	[sflag:s18] =	ssyncadd.s32 $0xFFFFC180  }
0x108: {  	[tilespmem:s23], [sflag:$0x2] =	stream.linear.gather [hbm4b:s26+s8], $0x3E80, $0x38;
	[tilespmem:$0x165C0] =	vst v63  }
0x109: {  	_ =	swait.ge [sflag:s25], $0x3E80  }
0x10a: {  	[sflag:s25] =	ssyncset.done $0x0  }
0x10b: {  	[sflag:s25] =	ssyncadd.s32 $0xFFFFC180  }
0x10c: {  	[spmem:s5] =	stream.indirect.scatter.add.f32 [tilespmem:s10], [sflag:$0xB], $0x1, s30, s11, $0xb8;
	[tilespmem:$0x165C0] =	vst v63  }
0x10d: {  	_ = 	snop  }
0x10e: {  	[spmem:s4] =	stream.indirect.scatter.add.f32 [tilespmem:s8], [sflag:$0x6], $0x80, s30, s11, $0xb8;
	[tilespmem:$0x165C0] =	vst v63  }
0x10f: {  	_ =	swait.ge [sflag:s17], $0x3E80  }
0x110: {  	s26 =	sld [smem:$0x7F9]  }
0x111: {  	[sflag:s17] =	ssyncset.done $0x0  }
0x112: {  	[sflag:s17] =	ssyncadd.s32 $0xFFFFC180  }
0x113: {  	[tilespmem:s21], [sflag:$0x3] =	stream.linear.gather [hbm4b:s26+s8], $0x3E80, $0x38;
	[tilespmem:$0x165C0] =	vst v63  }
0x114: {  	_ =	swait.ge [sflag:s24], $0x3E80  }
0x115: {  	[sflag:s24] =	ssyncset.done $0x0  }
0x116: {  	s26 =	simm.s32 $0x14300;
	[sflag:s24] =	ssyncadd.s32 $0xFFFFC180  }
0x117: {  	[spmem:s5] =	stream.indirect.scatter.add.f32 [tilespmem:s10], [sflag:$0xB], $0x1, s26, s11, $0xb8;
	[tilespmem:$0x165C0] =	vst v63  }
0x118: {  	_ = 	snop  }
0x119: {  	[spmem:s4] =	stream.indirect.scatter.add.f32 [tilespmem:s23], [sflag:$0x7], $0x80, s26, s11, $0xb8;
	[tilespmem:$0x165C0] =	vst v63  }
0x11a: {  	_ =	swait.ge [sflag:s15], $0x3E80  }
0x11b: {  	s26 =	sld [smem:$0x7FA]  }
0x11c: {  	[sflag:s15] =	ssyncset.done $0x0  }
0x11d: {  	[sflag:s15] =	ssyncadd.s32 $0xFFFFC180  }
0x11e: {  	[tilespmem:s16], [sflag:$0x4] =	stream.linear.gather [hbm4b:s26+s8], $0x3E80, $0x38;
	[tilespmem:$0x165C0] =	vst v63  }
0x11f: {  	_ =	swait.ge [sflag:s22], $0x3E80  }
0x120: {  	[sflag:s22] =	ssyncset.done $0x0  }
0x121: {  	[sflag:s22] =	ssyncadd.s32 $0xFFFFC180  }
0x122: {  	[spmem:s5] =	stream.indirect.scatter.add.f32 [tilespmem:s10], [sflag:$0xB], $0x1, s28, s11, $0xb8;
	[tilespmem:$0x165C0] =	vst v63  }
0x123: {  	_ = 	snop  }
0x124: {  	[spmem:s4] =	stream.indirect.scatter.add.f32 [tilespmem:s21], [sflag:$0x8], $0x80, s28, s11, $0xb8;
	[tilespmem:$0x165C0] =	vst v63  }
0x125: {  	_ =	swait.ge [sflag:s14], $0x3E80  }
0x126: {  	s26 =	sld [smem:$0x7FB]  }
0x127: {  	[sflag:s14] =	ssyncset.done $0x0  }
0x128: {  	[sflag:s14] =	ssyncadd.s32 $0xFFFFC180  }
0x129: {  	[tilespmem:s12], [sflag:$0x5] =	stream.linear.gather [hbm4b:s26+s8], $0x3E80, $0x38;
	[tilespmem:$0x165C0] =	vst v63  }
0x12a: {  	_ =	swait.ge [sflag:s20], $0x3E80  }
0x12b: {  	[sflag:s20] =	ssyncset.done $0x0  }
0x12c: {  	s26 =	simm.s32 $0x14400;
	[sflag:s20] =	ssyncadd.s32 $0xFFFFC180  }
0x12d: {  	[spmem:s5] =	stream.indirect.scatter.add.f32 [tilespmem:s10], [sflag:$0xB], $0x1, s26, s11, $0xb8;
	[tilespmem:$0x165C0] =	vst v63  }
0x12e: {  	_ = 	snop  }
0x12f: {  	[spmem:s4] =	stream.indirect.scatter.add.f32 [tilespmem:s16], [sflag:$0x9], $0x80, s26, s11, $0xb8;
	[tilespmem:$0x165C0] =	vst v63  }
0x130: {  	_ =	swait.ge [sflag:s19], $0x3E80  }
0x131: {  	[sflag:s19] =	ssyncset.done $0x0  }
0x132: {  	[sflag:s19] =	ssyncadd.s32 $0xFFFFC180  }
0x133: {  	[spmem:s5] =	stream.indirect.scatter.add.f32 [tilespmem:s10], [sflag:$0xB], $0x1, s1, s11, $0xb8;
	[tilespmem:$0x165C0] =	vst v63  }
0x134: {  	_ = 	snop  }
0x135: {  	[spmem:s4] =	stream.indirect.scatter.add.f32 [tilespmem:s12], [sflag:$0xA], $0x80, s1, s11, $0xb8;
	[tilespmem:$0x165C0] =	vst v63  }
0x136: {  	_ =	swait.ge [sflag:s13], $0x3E80  }
0x137: {  	[sflag:s13] =	ssyncset.done $0x0  }
0x138: {  	[sflag:s13] =	ssyncadd.s32 $0xFFFFC180  }
0x139: {  	_ =	swait.ge [sflag:s18], $0x3E80  }
0x13a: {  	[sflag:s18] =	ssyncset.done $0x0  }
0x13b: {  	[sflag:s18] =	ssyncadd.s32 $0xFFFFC180  }
0x13c: {  	_ =	swait.ge [sflag:s17], $0x3E80  }
0x13d: {  	[sflag:s17] =	ssyncset.done $0x0  }
0x13e: {  	[sflag:s17] =	ssyncadd.s32 $0xFFFFC180  }
0x13f: {  	_ =	swait.ge [sflag:s15], $0x3E80  }
0x140: {  	[sflag:s15] =	ssyncset.done $0x0  }
0x141: {  	[sflag:s15] =	ssyncadd.s32 $0xFFFFC180  }
0x142: {  	_ =	swait.ge [sflag:s14], $0x3E80  }
0x143: {  	[sflag:s14] =	ssyncset.done $0x0  }
0x144: {  	[sflag:s14] =	ssyncadd.s32 $0xFFFFC180  }
0x145: {  	_ =	swait.ge [sflag:s9], $0x7D  }
0x146: {  	[sflag:s9] =	ssyncset.done $0x0  }
0x147: {  	[sflag:s9] =	ssyncadd.s32 $0xFFFFFF83  }
0x148: {  	_ =	swait.ge [sflag:s9], $0x7D  }
0x149: {  	[sflag:s9] =	ssyncset.done $0x0  }
0x14a: {  	[sflag:s9] =	ssyncadd.s32 $0xFFFFFF83  }
0x14b: {  	_ =	swait.ge [sflag:s9], $0x7D  }
0x14c: {  	[sflag:s9] =	ssyncset.done $0x0  }
0x14d: {  	[sflag:s9] =	ssyncadd.s32 $0xFFFFFF83  }
0x14e: {  	_ =	swait.ge [sflag:s9], $0x7D  }
0x14f: {  	[sflag:s9] =	ssyncset.done $0x0  }
0x150: {  	[sflag:s9] =	ssyncadd.s32 $0xFFFFFF83  }
0x151: {  	_ =	swait.ge [sflag:s9], $0x7D  }
0x152: {  	[sflag:s9] =	ssyncset.done $0x0  }
0x153: {  	[sflag:s9] =	ssyncadd.s32 $0xFFFFFF83  }
0x154: {  	_ =	swait.ge [sflag:s9], $0x7D  }
0x155: {  	[sflag:s9] =	ssyncset.done $0x0  }
0x156: {  	[sflag:s9] =	ssyncadd.s32 $0xFFFFFF83  }
0x157: {  	_ =	swait.ge [sflag:s9], $0x7D  }
0x158: {  	[sflag:s9] =	ssyncset.done $0x0  }
0x159: {  	[sflag:s9] =	ssyncadd.s32 $0xFFFFFF83  }
0x15a: {  	_ =	swait.ge [sflag:s9], $0x7D  }
0x15b: {  	[sflag:s9] =	ssyncset.done $0x0  }
0x15c: {  	[sflag:s9] =	ssyncadd.s32 $0xFFFFFF83  }
0x15d: {  	_ =	swait.ge [sflag:s9], $0x7D  }
0x15e: {  	[sflag:s9] =	ssyncset.done $0x0  }
0x15f: {  	[sflag:s9] =	ssyncadd.s32 $0xFFFFFF83  }
0x160: {  	_ =	swait.ge [sflag:s9], $0x7D  }
0x161: {  	[sflag:s9] =	ssyncset.done $0x0  }
0x162: {  	[sflag:s9] =	ssyncadd.s32 $0xFFFFFF83  }
0x163: {  	_ =	swait.ge [sflag:s9], $0x7D  }
0x164: {  	[sflag:s9] =	ssyncset.done $0x0  }
0x165: {  	[sflag:s9] =	ssyncadd.s32 $0xFFFFFF83  }
0x166: {  	_ =	swait.ge [sflag:s9], $0x7D  }
0x167: {  	[sflag:s9] =	ssyncset.done $0x0  }
0x168: {  	[sflag:s9] =	ssyncadd.s32 $0xFFFFFF83  }
0x169: {  	_ =	swait.ge [sflag:s9], $0x7D  }
0x16a: {  	[sflag:s9] =	ssyncset.done $0x0  }
0x16b: {  	[sflag:s9] =	ssyncadd.s32 $0xFFFFFF83  }
0x16c: {  	_ =	swait.ge [sflag:s9], $0x7D  }
0x16d: {  	[sflag:s9] =	ssyncset.done $0x0  }
0x16e: {  	[sflag:s9] =	ssyncadd.s32 $0xFFFFFF83  }
0x16f: {  	_ =	swait.ge [sflag:s9], $0x7D  }
0x170: {  	[sflag:s9] =	ssyncset.done $0x0  }
0x171: {  	[sflag:s9] =	ssyncadd.s32 $0xFFFFFF83  }
0x172: {  	_ =	swait.ge [sflag:s9], $0x7D  }
0x173: {  	[sflag:s9] =	ssyncset.done $0x0  }
0x174: {  	[sflag:s9] =	ssyncadd.s32 $0xFFFFFF83  }
0x175: {  	_ =	swait.ge [sflag:s9], $0x7D  }
0x176: {  	[sflag:s9] =	ssyncset.done $0x0  }
0x177: {  	[sflag:s9] =	ssyncadd.s32 $0xFFFFFF83  }
0x178: {  	_ =	swait.ge [sflag:s9], $0x7D  }
0x179: {  	[sflag:s9] =	ssyncset.done $0x0  }
0x17a: {  	[sflag:s9] =	ssyncadd.s32 $0xFFFFFF83  }
0x17b: {  	_ =	swait.ge [sflag:s9], $0x7D  }
0x17c: {  	[sflag:s9] =	ssyncset.done $0x0  }
0x17d: {  	[sflag:s9] =	ssyncadd.s32 $0xFFFFFF83  }
0x17e: {  	_ =	swait.ge [sflag:s9], $0x7D  }
0x17f: {  	[sflag:s9] =	ssyncset.done $0x0  }
0x180: {  	[sflag:s9] =	ssyncadd.s32 $0xFFFFFF83  }
0x181: {  	_ =	swait.ge [sflag:s9], $0x7D  }
0x182: {  	[sflag:s9] =	ssyncset.done $0x0  }
0x183: {  	[sflag:s9] =	ssyncadd.s32 $0xFFFFFF83  }
0x184: {  	_ =	swait.ge [sflag:s9], $0x7D  }
0x185: {  	[sflag:s9] =	ssyncset.done $0x0  }
0x186: {  	[sflag:s9] =	ssyncadd.s32 $0xFFFFFF83  }
0x187: {  	_ =	swait.ge [sflag:s9], $0x7D  }
0x188: {  	[sflag:s9] =	ssyncset.done $0x0  }
0x189: {  	[sflag:s9] =	ssyncadd.s32 $0xFFFFFF83  }
0x18a: {  	_ =	swait.ge [sflag:s9], $0x7D  }
0x18b: {  	[sflag:s9] =	ssyncset.done $0x0  }
0x18c: {  	[sflag:s9] =	ssyncadd.s32 $0xFFFFFF83  }
0x18d: {  	_ =	swait.ge [sflag:s9], $0x7D  }
0x18e: {  	[sflag:s9] =	ssyncset.done $0x0  }
0x18f: {  	[sflag:s9] =	ssyncadd.s32 $0xFFFFFF83  }
0x190: {  	[bflag:$0x0] =	sbarrier.arrive $0xFFFF  }
0x191: {  	s1 =	sld [smem:$0x7FC];
	_ =	sdelay $0x2  }
0x192: {  	[hbm:s1], [sflag:s2] =	dma.local [spmem:s7], $0x400  }
0x193: {  	_ =	swait.ge [sflag:s3], $0x400  }
0x194: {  	p1 =	sne.s32 s31, $0x1;
	s26 =	sld [smem:$0x7FD]  }
.Ltmp1:
0x195: {  	[sflag:s3] =	ssyncset.done $0x0;
	(pc) =	sbr.rel @!p1 .LBB2_2-.Ltmp1, $4  }
0x196: {  	[sflag:s3] =	ssyncadd.s32 $0xFFFFFC00  }
0x197: {  	[hbm:s26], [sflag:s2] =	dma.local [spmem:s6], $0x8  }
0x198: {  	p0 =	por $0x1, $0x1;
	_ =	swait.ge [sflag:s3], $0x8  }
0x199: {  	s31 =	sadd.s32 $0xFFFFFFFF, s31;
	s0 =	rddreg [dreg:$0x7];
	[sflag:s3] =	ssyncset.done $0x0  }
.LBB2_3:
0x19a: {  	[sflag:s3] =	ssyncadd.s32 $0xFFFFFFF8  }
0x19b: {  	[spmem:s7], [sflag:s2] =	dma.local [hbm:s0], $0x400  }
0x19c: {  	_ =	swait.ge [sflag:s3], $0x400  }
0x19d: {  	[sflag:s3] =	ssyncset.done $0x0  }
0x19e: {  	s1 =	rddreg [dreg:$0x8];
	[sflag:s3] =	ssyncadd.s32 $0xFFFFFC00  }
0x19f: {  	[spmem:s6], [sflag:s2] =	dma.local [hbm:s1], $0x8  }
0x1a0: {  	_ =	swait.ge [sflag:s3], $0x8  }
0x1a1: {  	[sflag:s3] =	ssyncset.done $0x0  }
0x1a2: {  	s26 =	rddreg [dreg:$0x9];
	[sflag:s3] =	ssyncadd.s32 $0xFFFFFFF8  }
0x1a3: {  	[tilespmem:s29], [sflag:$0xC] =	stream.linear.gather [hbm4b:s26+s8], $0xC80, $0x38;
	[tilespmem:$0x165C0] =	vst v63  }
0x1a4: {  	_ =	swait.ge [sflag:s3], $0xC80  }
0x1a5: {  	[sflag:s3] =	ssyncset.done $0x0  }
0x1a6: {  	s1 =	rddreg [dreg:$0x6];
	[sflag:s3] =	ssyncadd.s32 $0xFFFFF380  }
0x1a7: {  	[tilespmem:s10], [sflag:$0xC] =	stream.linear.gather [hbm4b:s1+s8], $0x80, $0x38;
	[tilespmem:$0x165C0] =	vst v63  }
0x1a8: {  	_ =	swait.ge [sflag:s3], $0x80  }
0x1a9: {  	[sflag:s3] =	ssyncset.done $0x0  }
0x1aa: {  	[sflag:s3] =	ssyncadd.s32 $0xFFFFFF80  }
0x1ab: {  	[bflag:$0x0] =	sbarrier.arrive $0xFFFF  }
0x1ac: {  	s26 =	rddreg [dreg:$0xa]  }
0x1ad: {  	[tilespmem:s8], [sflag:$0x1] =	stream.linear.gather [hbm4b:s26+s8], $0x3E80, $0x38;
	[tilespmem:$0x165C0] =	vst v63  }
0x1ae: {  	s1 =	rddreg [dreg:$0xb]  }
0x1af: {  	[tilespmem:s23], [sflag:$0x2] =	stream.linear.gather [hbm4b:s1+s8], $0x3E80, $0x38;
	[tilespmem:$0x165C0] =	vst v63  }
0x1b0: {  	_ =	swait.ge [sflag:s25], $0x3E80  }
0x1b1: {  	[sflag:s25] =	ssyncset.done $0x0  }
0x1b2: {  	[sflag:s25] =	ssyncadd.s32 $0xFFFFC180  }
0x1b3: {  	[spmem:s5] =	stream.indirect.scatter.add.f32 [tilespmem:s10], [sflag:$0xB], $0x1, s29, s11, $0xb8;
	[tilespmem:$0x165C0] =	vst v63  }
0x1b4: {  	_ = 	snop  }
0x1b5: {  	[spmem:s4] =	stream.indirect.scatter.add.f32 [tilespmem:s8], [sflag:$0x6], $0x80, s29, s11, $0xb8;
	[tilespmem:$0x165C0] =	vst v63  }
0x1b6: {  	s26 =	rddreg [dreg:$0xc]  }
0x1b7: {  	[tilespmem:s21], [sflag:$0x3] =	stream.linear.gather [hbm4b:s26+s8], $0x3E80, $0x38;
	[tilespmem:$0x165C0] =	vst v63  }
0x1b8: {  	_ =	swait.ge [sflag:s24], $0x3E80  }
0x1b9: {  	[sflag:s24] =	ssyncset.done $0x0  }
0x1ba: {  	s26 =	simm.s32 $0x13900;
	[sflag:s24] =	ssyncadd.s32 $0xFFFFC180  }
0x1bb: {  	[spmem:s5] =	stream.indirect.scatter.add.f32 [tilespmem:s10], [sflag:$0xB], $0x1, s26, s11, $0xb8;
	[tilespmem:$0x165C0] =	vst v63  }
0x1bc: {  	_ = 	snop  }
0x1bd: {  	[spmem:s4] =	stream.indirect.scatter.add.f32 [tilespmem:s23], [sflag:$0x7], $0x80, s26, s11, $0xb8;
	[tilespmem:$0x165C0] =	vst v63  }
0x1be: {  	s0 =	rddreg [dreg:$0xd]  }
0x1bf: {  	[tilespmem:s16], [sflag:$0x4] =	stream.linear.gather [hbm4b:s0+s8], $0x3E80, $0x38;
	[tilespmem:$0x165C0] =	vst v63  }
0x1c0: {  	_ =	swait.ge [sflag:s22], $0x3E80  }
0x1c1: {  	[sflag:s22] =	ssyncset.done $0x0  }
0x1c2: {  	s26 =	simm.s32 $0x13980;
	[sflag:s22] =	ssyncadd.s32 $0xFFFFC180  }
0x1c3: {  	[spmem:s5] =	stream.indirect.scatter.add.f32 [tilespmem:s10], [sflag:$0xB], $0x1, s26, s11, $0xb8;
	[tilespmem:$0x165C0] =	vst v63  }
0x1c4: {  	_ = 	snop  }
0x1c5: {  	[spmem:s4] =	stream.indirect.scatter.add.f32 [tilespmem:s21], [sflag:$0x8], $0x80, s26, s11, $0xb8;
	[tilespmem:$0x165C0] =	vst v63  }
0x1c6: {  	s0 =	rddreg [dreg:$0xe]  }
0x1c7: {  	[tilespmem:s12], [sflag:$0x5] =	stream.linear.gather [hbm4b:s0+s8], $0x3E80, $0x38;
	[tilespmem:$0x165C0] =	vst v63  }
0x1c8: {  	_ =	swait.ge [sflag:s20], $0x3E80  }
0x1c9: {  	[sflag:s20] =	ssyncset.done $0x0  }
0x1ca: {  	s26 =	simm.s32 $0x13A00;
	[sflag:s20] =	ssyncadd.s32 $0xFFFFC180  }
0x1cb: {  	[spmem:s5] =	stream.indirect.scatter.add.f32 [tilespmem:s10], [sflag:$0xB], $0x1, s26, s11, $0xb8;
	[tilespmem:$0x165C0] =	vst v63  }
0x1cc: {  	_ = 	snop  }
0x1cd: {  	[spmem:s4] =	stream.indirect.scatter.add.f32 [tilespmem:s16], [sflag:$0x9], $0x80, s26, s11, $0xb8;
	[tilespmem:$0x165C0] =	vst v63  }
0x1ce: {  	_ =	swait.ge [sflag:s13], $0x3E80  }
0x1cf: {  	[sflag:s13] =	ssyncset.done $0x0  }
0x1d0: {  	s26 =	rddreg [dreg:$0xf];
	[sflag:s13] =	ssyncadd.s32 $0xFFFFC180  }
0x1d1: {  	[tilespmem:s8], [sflag:$0x1] =	stream.linear.gather [hbm4b:s26+s8], $0x3E80, $0x38;
	[tilespmem:$0x165C0] =	vst v63  }
0x1d2: {  	_ =	swait.ge [sflag:s19], $0x3E80  }
0x1d3: {  	[sflag:s19] =	ssyncset.done $0x0  }
0x1d4: {  	s26 =	simm.s32 $0x13A80;
	[sflag:s19] =	ssyncadd.s32 $0xFFFFC180  }
0x1d5: {  	[spmem:s5] =	stream.indirect.scatter.add.f32 [tilespmem:s10], [sflag:$0xB], $0x1, s26, s11, $0xb8;
	[tilespmem:$0x165C0] =	vst v63  }
0x1d6: {  	_ = 	snop  }
0x1d7: {  	[spmem:s4] =	stream.indirect.scatter.add.f32 [tilespmem:s12], [sflag:$0xA], $0x80, s26, s11, $0xb8;
	[tilespmem:$0x165C0] =	vst v63  }
0x1d8: {  	_ =	swait.ge [sflag:s18], $0x3E80  }
0x1d9: {  	[sflag:s18] =	ssyncset.done $0x0  }
0x1da: {  	s26 =	rddreg [dreg:$0x10];
	[sflag:s18] =	ssyncadd.s32 $0xFFFFC180  }
0x1db: {  	[tilespmem:s23], [sflag:$0x2] =	stream.linear.gather [hbm4b:s26+s8], $0x3E80, $0x38;
	[tilespmem:$0x165C0] =	vst v63  }
0x1dc: {  	_ =	swait.ge [sflag:s25], $0x3E80  }
0x1dd: {  	[sflag:s25] =	ssyncset.done $0x0  }
0x1de: {  	s26 =	simm.s32 $0x13B00;
	[sflag:s25] =	ssyncadd.s32 $0xFFFFC180  }
0x1df: {  	[spmem:s5] =	stream.indirect.scatter.add.f32 [tilespmem:s10], [sflag:$0xB], $0x1, s26, s11, $0xb8;
	[tilespmem:$0x165C0] =	vst v63  }
0x1e0: {  	_ = 	snop  }
0x1e1: {  	[spmem:s4] =	stream.indirect.scatter.add.f32 [tilespmem:s8], [sflag:$0x6], $0x80, s26, s11, $0xb8;
	[tilespmem:$0x165C0] =	vst v63  }
0x1e2: {  	_ =	swait.ge [sflag:s17], $0x3E80  }
0x1e3: {  	[sflag:s17] =	ssyncset.done $0x0  }
0x1e4: {  	s26 =	rddreg [dreg:$0x11];
	[sflag:s17] =	ssyncadd.s32 $0xFFFFC180  }
0x1e5: {  	[tilespmem:s21], [sflag:$0x3] =	stream.linear.gather [hbm4b:s26+s8], $0x3E80, $0x38;
	[tilespmem:$0x165C0] =	vst v63  }
0x1e6: {  	_ =	swait.ge [sflag:s24], $0x3E80  }
0x1e7: {  	[sflag:s24] =	ssyncset.done $0x0  }
0x1e8: {  	s26 =	simm.s32 $0x13B80;
	[sflag:s24] =	ssyncadd.s32 $0xFFFFC180  }
0x1e9: {  	[spmem:s5] =	stream.indirect.scatter.add.f32 [tilespmem:s10], [sflag:$0xB], $0x1, s26, s11, $0xb8;
	[tilespmem:$0x165C0] =	vst v63  }
0x1ea: {  	_ = 	snop  }
0x1eb: {  	[spmem:s4] =	stream.indirect.scatter.add.f32 [tilespmem:s23], [sflag:$0x7], $0x80, s26, s11, $0xb8;
	[tilespmem:$0x165C0] =	vst v63  }
0x1ec: {  	_ =	swait.ge [sflag:s15], $0x3E80  }
0x1ed: {  	[sflag:s15] =	ssyncset.done $0x0  }
0x1ee: {  	s26 =	rddreg [dreg:$0x12];
	[sflag:s15] =	ssyncadd.s32 $0xFFFFC180  }
0x1ef: {  	[tilespmem:s16], [sflag:$0x4] =	stream.linear.gather [hbm4b:s26+s8], $0x3E80, $0x38;
	[tilespmem:$0x165C0] =	vst v63  }
0x1f0: {  	_ =	swait.ge [sflag:s22], $0x3E80  }
0x1f1: {  	[sflag:s22] =	ssyncset.done $0x0  }
0x1f2: {  	s26 =	simm.s32 $0x13C00;
	[sflag:s22] =	ssyncadd.s32 $0xFFFFC180  }
0x1f3: {  	[spmem:s5] =	stream.indirect.scatter.add.f32 [tilespmem:s10], [sflag:$0xB], $0x1, s26, s11, $0xb8;
	[tilespmem:$0x165C0] =	vst v63  }
0x1f4: {  	_ = 	snop  }
0x1f5: {  	[spmem:s4] =	stream.indirect.scatter.add.f32 [tilespmem:s21], [sflag:$0x8], $0x80, s26, s11, $0xb8;
	[tilespmem:$0x165C0] =	vst v63  }
0x1f6: {  	_ =	swait.ge [sflag:s14], $0x3E80  }
0x1f7: {  	[sflag:s14] =	ssyncset.done $0x0  }
0x1f8: {  	s26 =	rddreg [dreg:$0x13];
	[sflag:s14] =	ssyncadd.s32 $0xFFFFC180  }
0x1f9: {  	[tilespmem:s12], [sflag:$0x5] =	stream.linear.gather [hbm4b:s26+s8], $0x3E80, $0x38;
	[tilespmem:$0x165C0] =	vst v63  }
0x1fa: {  	_ =	swait.ge [sflag:s20], $0x3E80  }
0x1fb: {  	[sflag:s20] =	ssyncset.done $0x0  }
0x1fc: {  	s26 =	simm.s32 $0x13C80;
	[sflag:s20] =	ssyncadd.s32 $0xFFFFC180  }
0x1fd: {  	[spmem:s5] =	stream.indirect.scatter.add.f32 [tilespmem:s10], [sflag:$0xB], $0x1, s26, s11, $0xb8;
	[tilespmem:$0x165C0] =	vst v63  }
0x1fe: {  	_ = 	snop  }
0x1ff: {  	[spmem:s4] =	stream.indirect.scatter.add.f32 [tilespmem:s16], [sflag:$0x9], $0x80, s26, s11, $0xb8;
	[tilespmem:$0x165C0] =	vst v63  }
0x200: {  	_ =	swait.ge [sflag:s13], $0x3E80  }
0x201: {  	[sflag:s13] =	ssyncset.done $0x0  }
0x202: {  	s26 =	rddreg [dreg:$0x14];
	[sflag:s13] =	ssyncadd.s32 $0xFFFFC180  }
0x203: {  	[tilespmem:s8], [sflag:$0x1] =	stream.linear.gather [hbm4b:s26+s8], $0x3E80, $0x38;
	[tilespmem:$0x165C0] =	vst v63  }
0x204: {  	_ =	swait.ge [sflag:s19], $0x3E80  }
0x205: {  	[sflag:s19] =	ssyncset.done $0x0  }
0x206: {  	s26 =	simm.s32 $0x13D00;
	[sflag:s19] =	ssyncadd.s32 $0xFFFFC180  }
0x207: {  	[spmem:s5] =	stream.indirect.scatter.add.f32 [tilespmem:s10], [sflag:$0xB], $0x1, s26, s11, $0xb8;
	[tilespmem:$0x165C0] =	vst v63  }
0x208: {  	_ = 	snop  }
0x209: {  	[spmem:s4] =	stream.indirect.scatter.add.f32 [tilespmem:s12], [sflag:$0xA], $0x80, s26, s11, $0xb8;
	[tilespmem:$0x165C0] =	vst v63  }
0x20a: {  	_ =	swait.ge [sflag:s18], $0x3E80  }
0x20b: {  	[sflag:s18] =	ssyncset.done $0x0  }
0x20c: {  	s26 =	rddreg [dreg:$0x15];
	[sflag:s18] =	ssyncadd.s32 $0xFFFFC180  }
0x20d: {  	[tilespmem:s23], [sflag:$0x2] =	stream.linear.gather [hbm4b:s26+s8], $0x3E80, $0x38;
	[tilespmem:$0x165C0] =	vst v63  }
0x20e: {  	_ =	swait.ge [sflag:s25], $0x3E80  }
0x20f: {  	[sflag:s25] =	ssyncset.done $0x0  }
0x210: {  	s26 =	simm.s32 $0x13D80;
	[sflag:s25] =	ssyncadd.s32 $0xFFFFC180  }
0x211: {  	[spmem:s5] =	stream.indirect.scatter.add.f32 [tilespmem:s10], [sflag:$0xB], $0x1, s26, s11, $0xb8;
	[tilespmem:$0x165C0] =	vst v63  }
0x212: {  	_ = 	snop  }
0x213: {  	[spmem:s4] =	stream.indirect.scatter.add.f32 [tilespmem:s8], [sflag:$0x6], $0x80, s26, s11, $0xb8;
	[tilespmem:$0x165C0] =	vst v63  }
0x214: {  	_ =	swait.ge [sflag:s17], $0x3E80  }
0x215: {  	[sflag:s17] =	ssyncset.done $0x0  }
0x216: {  	s26 =	rddreg [dreg:$0x16];
	[sflag:s17] =	ssyncadd.s32 $0xFFFFC180  }
0x217: {  	[tilespmem:s21], [sflag:$0x3] =	stream.linear.gather [hbm4b:s26+s8], $0x3E80, $0x38;
	[tilespmem:$0x165C0] =	vst v63  }
0x218: {  	_ =	swait.ge [sflag:s24], $0x3E80  }
0x219: {  	[sflag:s24] =	ssyncset.done $0x0  }
0x21a: {  	s26 =	simm.s32 $0x13E00;
	[sflag:s24] =	ssyncadd.s32 $0xFFFFC180  }
0x21b: {  	[spmem:s5] =	stream.indirect.scatter.add.f32 [tilespmem:s10], [sflag:$0xB], $0x1, s26, s11, $0xb8;
	[tilespmem:$0x165C0] =	vst v63  }
0x21c: {  	_ = 	snop  }
0x21d: {  	[spmem:s4] =	stream.indirect.scatter.add.f32 [tilespmem:s23], [sflag:$0x7], $0x80, s26, s11, $0xb8;
	[tilespmem:$0x165C0] =	vst v63  }
0x21e: {  	_ =	swait.ge [sflag:s15], $0x3E80  }
0x21f: {  	[sflag:s15] =	ssyncset.done $0x0  }
0x220: {  	s26 =	rddreg [dreg:$0x17];
	[sflag:s15] =	ssyncadd.s32 $0xFFFFC180  }
0x221: {  	[tilespmem:s16], [sflag:$0x4] =	stream.linear.gather [hbm4b:s26+s8], $0x3E80, $0x38;
	[tilespmem:$0x165C0] =	vst v63  }
0x222: {  	_ =	swait.ge [sflag:s22], $0x3E80  }
0x223: {  	[sflag:s22] =	ssyncset.done $0x0  }
0x224: {  	s26 =	simm.s32 $0x13E80;
	[sflag:s22] =	ssyncadd.s32 $0xFFFFC180  }
0x225: {  	[spmem:s5] =	stream.indirect.scatter.add.f32 [tilespmem:s10], [sflag:$0xB], $0x1, s26, s11, $0xb8;
	[tilespmem:$0x165C0] =	vst v63  }
0x226: {  	_ = 	snop  }
0x227: {  	[spmem:s4] =	stream.indirect.scatter.add.f32 [tilespmem:s21], [sflag:$0x8], $0x80, s26, s11, $0xb8;
	[tilespmem:$0x165C0] =	vst v63  }
0x228: {  	_ =	swait.ge [sflag:s14], $0x3E80  }
0x229: {  	[sflag:s14] =	ssyncset.done $0x0  }
0x22a: {  	s26 =	rddreg [dreg:$0x18];
	[sflag:s14] =	ssyncadd.s32 $0xFFFFC180  }
0x22b: {  	[tilespmem:s12], [sflag:$0x5] =	stream.linear.gather [hbm4b:s26+s8], $0x3E80, $0x38;
	[tilespmem:$0x165C0] =	vst v63  }
0x22c: {  	_ =	swait.ge [sflag:s20], $0x3E80  }
0x22d: {  	[sflag:s20] =	ssyncset.done $0x0  }
0x22e: {  	s26 =	simm.s32 $0x13F00;
	[sflag:s20] =	ssyncadd.s32 $0xFFFFC180  }
0x22f: {  	[spmem:s5] =	stream.indirect.scatter.add.f32 [tilespmem:s10], [sflag:$0xB], $0x1, s26, s11, $0xb8;
	[tilespmem:$0x165C0] =	vst v63  }
0x230: {  	_ = 	snop  }
0x231: {  	[spmem:s4] =	stream.indirect.scatter.add.f32 [tilespmem:s16], [sflag:$0x9], $0x80, s26, s11, $0xb8;
	[tilespmem:$0x165C0] =	vst v63  }
0x232: {  	_ =	swait.ge [sflag:s13], $0x3E80  }
0x233: {  	[sflag:s13] =	ssyncset.done $0x0  }
0x234: {  	s26 =	rddreg [dreg:$0x19];
	[sflag:s13] =	ssyncadd.s32 $0xFFFFC180  }
0x235: {  	[tilespmem:s8], [sflag:$0x1] =	stream.linear.gather [hbm4b:s26+s8], $0x3E80, $0x38;
	[tilespmem:$0x165C0] =	vst v63  }
0x236: {  	_ =	swait.ge [sflag:s19], $0x3E80  }
0x237: {  	[sflag:s19] =	ssyncset.done $0x0  }
0x238: {  	s26 =	simm.s32 $0x13F80;
	[sflag:s19] =	ssyncadd.s32 $0xFFFFC180  }
0x239: {  	[spmem:s5] =	stream.indirect.scatter.add.f32 [tilespmem:s10], [sflag:$0xB], $0x1, s26, s11, $0xb8;
	[tilespmem:$0x165C0] =	vst v63  }
0x23a: {  	_ = 	snop  }
0x23b: {  	[spmem:s4] =	stream.indirect.scatter.add.f32 [tilespmem:s12], [sflag:$0xA], $0x80, s26, s11, $0xb8;
	[tilespmem:$0x165C0] =	vst v63  }
0x23c: {  	_ =	swait.ge [sflag:s18], $0x3E80  }
0x23d: {  	[sflag:s18] =	ssyncset.done $0x0  }
0x23e: {  	s26 =	rddreg [dreg:$0x1a];
	[sflag:s18] =	ssyncadd.s32 $0xFFFFC180  }
0x23f: {  	[tilespmem:s23], [sflag:$0x2] =	stream.linear.gather [hbm4b:s26+s8], $0x3E80, $0x38;
	[tilespmem:$0x165C0] =	vst v63  }
0x240: {  	_ =	swait.ge [sflag:s25], $0x3E80  }
0x241: {  	[sflag:s25] =	ssyncset.done $0x0  }
0x242: {  	s26 =	simm.s32 $0x14000;
	[sflag:s25] =	ssyncadd.s32 $0xFFFFC180  }
0x243: {  	[spmem:s5] =	stream.indirect.scatter.add.f32 [tilespmem:s10], [sflag:$0xB], $0x1, s26, s11, $0xb8;
	[tilespmem:$0x165C0] =	vst v63  }
0x244: {  	_ = 	snop  }
0x245: {  	[spmem:s4] =	stream.indirect.scatter.add.f32 [tilespmem:s8], [sflag:$0x6], $0x80, s26, s11, $0xb8;
	[tilespmem:$0x165C0] =	vst v63  }
0x246: {  	_ =	swait.ge [sflag:s17], $0x3E80  }
0x247: {  	[sflag:s17] =	ssyncset.done $0x0  }
0x248: {  	s26 =	rddreg [dreg:$0x1b];
	[sflag:s17] =	ssyncadd.s32 $0xFFFFC180  }
0x249: {  	[tilespmem:s21], [sflag:$0x3] =	stream.linear.gather [hbm4b:s26+s8], $0x3E80, $0x38;
	[tilespmem:$0x165C0] =	vst v63  }
0x24a: {  	_ =	swait.ge [sflag:s24], $0x3E80  }
0x24b: {  	[sflag:s24] =	ssyncset.done $0x0  }
0x24c: {  	s26 =	simm.s32 $0x14080;
	[sflag:s24] =	ssyncadd.s32 $0xFFFFC180  }
0x24d: {  	[spmem:s5] =	stream.indirect.scatter.add.f32 [tilespmem:s10], [sflag:$0xB], $0x1, s26, s11, $0xb8;
	[tilespmem:$0x165C0] =	vst v63  }
0x24e: {  	_ = 	snop  }
0x24f: {  	[spmem:s4] =	stream.indirect.scatter.add.f32 [tilespmem:s23], [sflag:$0x7], $0x80, s26, s11, $0xb8;
	[tilespmem:$0x165C0] =	vst v63  }
0x250: {  	_ =	swait.ge [sflag:s15], $0x3E80  }
0x251: {  	[sflag:s15] =	ssyncset.done $0x0  }
0x252: {  	s26 =	rddreg [dreg:$0x1c];
	[sflag:s15] =	ssyncadd.s32 $0xFFFFC180  }
0x253: {  	[tilespmem:s16], [sflag:$0x4] =	stream.linear.gather [hbm4b:s26+s8], $0x3E80, $0x38;
	[tilespmem:$0x165C0] =	vst v63  }
0x254: {  	_ =	swait.ge [sflag:s22], $0x3E80  }
0x255: {  	[sflag:s22] =	ssyncset.done $0x0  }
0x256: {  	s26 =	simm.s32 $0x14100;
	[sflag:s22] =	ssyncadd.s32 $0xFFFFC180  }
0x257: {  	[spmem:s5] =	stream.indirect.scatter.add.f32 [tilespmem:s10], [sflag:$0xB], $0x1, s26, s11, $0xb8;
	[tilespmem:$0x165C0] =	vst v63  }
0x258: {  	_ = 	snop  }
0x259: {  	[spmem:s4] =	stream.indirect.scatter.add.f32 [tilespmem:s21], [sflag:$0x8], $0x80, s26, s11, $0xb8;
	[tilespmem:$0x165C0] =	vst v63  }
0x25a: {  	_ =	swait.ge [sflag:s14], $0x3E80  }
0x25b: {  	[sflag:s14] =	ssyncset.done $0x0  }
0x25c: {  	s26 =	rddreg [dreg:$0x1d];
	[sflag:s14] =	ssyncadd.s32 $0xFFFFC180  }
0x25d: {  	[tilespmem:s12], [sflag:$0x5] =	stream.linear.gather [hbm4b:s26+s8], $0x3E80, $0x38;
	[tilespmem:$0x165C0] =	vst v63  }
0x25e: {  	_ =	swait.ge [sflag:s20], $0x3E80  }
0x25f: {  	[sflag:s20] =	ssyncset.done $0x0  }
0x260: {  	s26 =	simm.s32 $0x14180;
	[sflag:s20] =	ssyncadd.s32 $0xFFFFC180  }
0x261: {  	[spmem:s5] =	stream.indirect.scatter.add.f32 [tilespmem:s10], [sflag:$0xB], $0x1, s26, s11, $0xb8;
	[tilespmem:$0x165C0] =	vst v63  }
0x262: {  	_ = 	snop  }
0x263: {  	[spmem:s4] =	stream.indirect.scatter.add.f32 [tilespmem:s16], [sflag:$0x9], $0x80, s26, s11, $0xb8;
	[tilespmem:$0x165C0] =	vst v63  }
0x264: {  	_ =	swait.ge [sflag:s13], $0x3E80  }
0x265: {  	[sflag:s13] =	ssyncset.done $0x0  }
0x266: {  	s26 =	rddreg [dreg:$0x1e];
	[sflag:s13] =	ssyncadd.s32 $0xFFFFC180  }
0x267: {  	[tilespmem:s8], [sflag:$0x1] =	stream.linear.gather [hbm4b:s26+s8], $0x3E80, $0x38;
	[tilespmem:$0x165C0] =	vst v63  }
0x268: {  	_ =	swait.ge [sflag:s19], $0x3E80  }
0x269: {  	[sflag:s19] =	ssyncset.done $0x0  }
0x26a: {  	s26 =	simm.s32 $0x14200;
	[sflag:s19] =	ssyncadd.s32 $0xFFFFC180  }
0x26b: {  	[spmem:s5] =	stream.indirect.scatter.add.f32 [tilespmem:s10], [sflag:$0xB], $0x1, s26, s11, $0xb8;
	[tilespmem:$0x165C0] =	vst v63  }
0x26c: {  	_ = 	snop  }
0x26d: {  	[spmem:s4] =	stream.indirect.scatter.add.f32 [tilespmem:s12], [sflag:$0xA], $0x80, s26, s11, $0xb8;
	[tilespmem:$0x165C0] =	vst v63  }
0x26e: {  	_ =	swait.ge [sflag:s18], $0x3E80  }
0x26f: {  	[sflag:s18] =	ssyncset.done $0x0  }
0x270: {  	s26 =	rddreg [dreg:$0x1f];
	[sflag:s18] =	ssyncadd.s32 $0xFFFFC180  }
0x271: {  	[tilespmem:s23], [sflag:$0x2] =	stream.linear.gather [hbm4b:s26+s8], $0x3E80, $0x38;
	[tilespmem:$0x165C0] =	vst v63  }
0x272: {  	_ =	swait.ge [sflag:s25], $0x3E80  }
0x273: {  	[sflag:s25] =	ssyncset.done $0x0  }
0x274: {  	[sflag:s25] =	ssyncadd.s32 $0xFFFFC180  }
0x275: {  	[spmem:s5] =	stream.indirect.scatter.add.f32 [tilespmem:s10], [sflag:$0xB], $0x1, s30, s11, $0xb8;
	[tilespmem:$0x165C0] =	vst v63  }
0x276: {  	_ = 	snop  }
0x277: {  	[spmem:s4] =	stream.indirect.scatter.add.f32 [tilespmem:s8], [sflag:$0x6], $0x80, s30, s11, $0xb8;
	[tilespmem:$0x165C0] =	vst v63  }
0x278: {  	_ =	swait.ge [sflag:s17], $0x3E80  }
0x279: {  	s26 =	sld [smem:$0x7F9]  }
0x27a: {  	[sflag:s17] =	ssyncset.done $0x0  }
0x27b: {  	[sflag:s17] =	ssyncadd.s32 $0xFFFFC180  }
0x27c: {  	[tilespmem:s21], [sflag:$0x3] =	stream.linear.gather [hbm4b:s26+s8], $0x3E80, $0x38;
	[tilespmem:$0x165C0] =	vst v63  }
0x27d: {  	_ =	swait.ge [sflag:s24], $0x3E80  }
0x27e: {  	[sflag:s24] =	ssyncset.done $0x0  }
0x27f: {  	s26 =	simm.s32 $0x14300;
	[sflag:s24] =	ssyncadd.s32 $0xFFFFC180  }
0x280: {  	[spmem:s5] =	stream.indirect.scatter.add.f32 [tilespmem:s10], [sflag:$0xB], $0x1, s26, s11, $0xb8;
	[tilespmem:$0x165C0] =	vst v63  }
0x281: {  	_ = 	snop  }
0x282: {  	[spmem:s4] =	stream.indirect.scatter.add.f32 [tilespmem:s23], [sflag:$0x7], $0x80, s26, s11, $0xb8;
	[tilespmem:$0x165C0] =	vst v63  }
0x283: {  	_ =	swait.ge [sflag:s15], $0x3E80  }
0x284: {  	s26 =	sld [smem:$0x7FA]  }
0x285: {  	[sflag:s15] =	ssyncset.done $0x0  }
0x286: {  	[sflag:s15] =	ssyncadd.s32 $0xFFFFC180  }
0x287: {  	[tilespmem:s16], [sflag:$0x4] =	stream.linear.gather [hbm4b:s26+s8], $0x3E80, $0x38;
	[tilespmem:$0x165C0] =	vst v63  }
0x288: {  	_ =	swait.ge [sflag:s22], $0x3E80  }
0x289: {  	[sflag:s22] =	ssyncset.done $0x0  }
0x28a: {  	[sflag:s22] =	ssyncadd.s32 $0xFFFFC180  }
0x28b: {  	[spmem:s5] =	stream.indirect.scatter.add.f32 [tilespmem:s10], [sflag:$0xB], $0x1, s28, s11, $0xb8;
	[tilespmem:$0x165C0] =	vst v63  }
0x28c: {  	_ = 	snop  }
0x28d: {  	[spmem:s4] =	stream.indirect.scatter.add.f32 [tilespmem:s21], [sflag:$0x8], $0x80, s28, s11, $0xb8;
	[tilespmem:$0x165C0] =	vst v63  }
0x28e: {  	_ =	swait.ge [sflag:s14], $0x3E80  }
0x28f: {  	s26 =	sld [smem:$0x7FB]  }
0x290: {  	[sflag:s14] =	ssyncset.done $0x0  }
0x291: {  	[sflag:s14] =	ssyncadd.s32 $0xFFFFC180  }
0x292: {  	[tilespmem:s12], [sflag:$0x5] =	stream.linear.gather [hbm4b:s26+s8], $0x3E80, $0x38;
	[tilespmem:$0x165C0] =	vst v63  }
0x293: {  	_ =	swait.ge [sflag:s20], $0x3E80  }
0x294: {  	[sflag:s20] =	ssyncset.done $0x0  }
0x295: {  	s26 =	simm.s32 $0x14400;
	[sflag:s20] =	ssyncadd.s32 $0xFFFFC180  }
0x296: {  	[spmem:s5] =	stream.indirect.scatter.add.f32 [tilespmem:s10], [sflag:$0xB], $0x1, s26, s11, $0xb8;
	[tilespmem:$0x165C0] =	vst v63  }
0x297: {  	_ = 	snop  }
0x298: {  	[spmem:s4] =	stream.indirect.scatter.add.f32 [tilespmem:s16], [sflag:$0x9], $0x80, s26, s11, $0xb8;
	[tilespmem:$0x165C0] =	vst v63  }
0x299: {  	_ =	swait.ge [sflag:s19], $0x3E80  }
0x29a: {  	[sflag:s19] =	ssyncset.done $0x0  }
0x29b: {  	s1 =	simm.s32 $0x14480;
	[sflag:s19] =	ssyncadd.s32 $0xFFFFC180  }
0x29c: {  	[spmem:s5] =	stream.indirect.scatter.add.f32 [tilespmem:s10], [sflag:$0xB], $0x1, s1, s11, $0xb8;
	[tilespmem:$0x165C0] =	vst v63  }
0x29d: {  	_ = 	snop  }
0x29e: {  	[spmem:s4] =	stream.indirect.scatter.add.f32 [tilespmem:s12], [sflag:$0xA], $0x80, s1, s11, $0xb8;
	[tilespmem:$0x165C0] =	vst v63  }
0x29f: {  	_ =	swait.ge [sflag:s13], $0x3E80  }
0x2a0: {  	[sflag:s13] =	ssyncset.done $0x0  }
0x2a1: {  	[sflag:s13] =	ssyncadd.s32 $0xFFFFC180  }
0x2a2: {  	_ =	swait.ge [sflag:s18], $0x3E80  }
0x2a3: {  	[sflag:s18] =	ssyncset.done $0x0  }
0x2a4: {  	[sflag:s18] =	ssyncadd.s32 $0xFFFFC180  }
0x2a5: {  	_ =	swait.ge [sflag:s17], $0x3E80  }
0x2a6: {  	[sflag:s17] =	ssyncset.done $0x0  }
0x2a7: {  	[sflag:s17] =	ssyncadd.s32 $0xFFFFC180  }
0x2a8: {  	_ =	swait.ge [sflag:s15], $0x3E80  }
0x2a9: {  	[sflag:s15] =	ssyncset.done $0x0  }
0x2aa: {  	[sflag:s15] =	ssyncadd.s32 $0xFFFFC180  }
0x2ab: {  	_ =	swait.ge [sflag:s14], $0x3E80  }
0x2ac: {  	[sflag:s14] =	ssyncset.done $0x0  }
0x2ad: {  	[sflag:s14] =	ssyncadd.s32 $0xFFFFC180  }
0x2ae: {  	_ =	swait.ge [sflag:s9], $0x7D  }
0x2af: {  	[sflag:s9] =	ssyncset.done $0x0  }
0x2b0: {  	[sflag:s9] =	ssyncadd.s32 $0xFFFFFF83  }
0x2b1: {  	_ =	swait.ge [sflag:s9], $0x7D  }
0x2b2: {  	[sflag:s9] =	ssyncset.done $0x0  }
0x2b3: {  	[sflag:s9] =	ssyncadd.s32 $0xFFFFFF83  }
0x2b4: {  	_ =	swait.ge [sflag:s9], $0x7D  }
0x2b5: {  	[sflag:s9] =	ssyncset.done $0x0  }
0x2b6: {  	[sflag:s9] =	ssyncadd.s32 $0xFFFFFF83  }
0x2b7: {  	_ =	swait.ge [sflag:s9], $0x7D  }
0x2b8: {  	[sflag:s9] =	ssyncset.done $0x0  }
0x2b9: {  	[sflag:s9] =	ssyncadd.s32 $0xFFFFFF83  }
0x2ba: {  	_ =	swait.ge [sflag:s9], $0x7D  }
0x2bb: {  	[sflag:s9] =	ssyncset.done $0x0  }
0x2bc: {  	[sflag:s9] =	ssyncadd.s32 $0xFFFFFF83  }
0x2bd: {  	_ =	swait.ge [sflag:s9], $0x7D  }
0x2be: {  	[sflag:s9] =	ssyncset.done $0x0  }
0x2bf: {  	[sflag:s9] =	ssyncadd.s32 $0xFFFFFF83  }
0x2c0: {  	_ =	swait.ge [sflag:s9], $0x7D  }
0x2c1: {  	[sflag:s9] =	ssyncset.done $0x0  }
0x2c2: {  	[sflag:s9] =	ssyncadd.s32 $0xFFFFFF83  }
0x2c3: {  	_ =	swait.ge [sflag:s9], $0x7D  }
0x2c4: {  	[sflag:s9] =	ssyncset.done $0x0  }
0x2c5: {  	[sflag:s9] =	ssyncadd.s32 $0xFFFFFF83  }
0x2c6: {  	_ =	swait.ge [sflag:s9], $0x7D  }
0x2c7: {  	[sflag:s9] =	ssyncset.done $0x0  }
0x2c8: {  	[sflag:s9] =	ssyncadd.s32 $0xFFFFFF83  }
0x2c9: {  	_ =	swait.ge [sflag:s9], $0x7D  }
0x2ca: {  	[sflag:s9] =	ssyncset.done $0x0  }
0x2cb: {  	[sflag:s9] =	ssyncadd.s32 $0xFFFFFF83  }
0x2cc: {  	_ =	swait.ge [sflag:s9], $0x7D  }
0x2cd: {  	[sflag:s9] =	ssyncset.done $0x0  }
0x2ce: {  	[sflag:s9] =	ssyncadd.s32 $0xFFFFFF83  }
0x2cf: {  	_ =	swait.ge [sflag:s9], $0x7D  }
0x2d0: {  	[sflag:s9] =	ssyncset.done $0x0  }
0x2d1: {  	[sflag:s9] =	ssyncadd.s32 $0xFFFFFF83  }
0x2d2: {  	_ =	swait.ge [sflag:s9], $0x7D  }
0x2d3: {  	[sflag:s9] =	ssyncset.done $0x0  }
0x2d4: {  	[sflag:s9] =	ssyncadd.s32 $0xFFFFFF83  }
0x2d5: {  	_ =	swait.ge [sflag:s9], $0x7D  }
0x2d6: {  	[sflag:s9] =	ssyncset.done $0x0  }
0x2d7: {  	[sflag:s9] =	ssyncadd.s32 $0xFFFFFF83  }
0x2d8: {  	_ =	swait.ge [sflag:s9], $0x7D  }
0x2d9: {  	[sflag:s9] =	ssyncset.done $0x0  }
0x2da: {  	[sflag:s9] =	ssyncadd.s32 $0xFFFFFF83  }
0x2db: {  	_ =	swait.ge [sflag:s9], $0x7D  }
0x2dc: {  	[sflag:s9] =	ssyncset.done $0x0  }
0x2dd: {  	[sflag:s9] =	ssyncadd.s32 $0xFFFFFF83  }
0x2de: {  	_ =	swait.ge [sflag:s9], $0x7D  }
0x2df: {  	[sflag:s9] =	ssyncset.done $0x0  }
0x2e0: {  	[sflag:s9] =	ssyncadd.s32 $0xFFFFFF83  }
0x2e1: {  	_ =	swait.ge [sflag:s9], $0x7D  }
0x2e2: {  	[sflag:s9] =	ssyncset.done $0x0  }
0x2e3: {  	[sflag:s9] =	ssyncadd.s32 $0xFFFFFF83  }
0x2e4: {  	_ =	swait.ge [sflag:s9], $0x7D  }
0x2e5: {  	[sflag:s9] =	ssyncset.done $0x0  }
0x2e6: {  	[sflag:s9] =	ssyncadd.s32 $0xFFFFFF83  }
0x2e7: {  	_ =	swait.ge [sflag:s9], $0x7D  }
0x2e8: {  	[sflag:s9] =	ssyncset.done $0x0  }
0x2e9: {  	[sflag:s9] =	ssyncadd.s32 $0xFFFFFF83  }
0x2ea: {  	_ =	swait.ge [sflag:s9], $0x7D  }
0x2eb: {  	[sflag:s9] =	ssyncset.done $0x0  }
0x2ec: {  	[sflag:s9] =	ssyncadd.s32 $0xFFFFFF83  }
0x2ed: {  	_ =	swait.ge [sflag:s9], $0x7D  }
0x2ee: {  	[sflag:s9] =	ssyncset.done $0x0  }
0x2ef: {  	[sflag:s9] =	ssyncadd.s32 $0xFFFFFF83  }
0x2f0: {  	_ =	swait.ge [sflag:s9], $0x7D  }
0x2f1: {  	[sflag:s9] =	ssyncset.done $0x0  }
0x2f2: {  	[sflag:s9] =	ssyncadd.s32 $0xFFFFFF83  }
0x2f3: {  	_ =	swait.ge [sflag:s9], $0x7D  }
0x2f4: {  	[sflag:s9] =	ssyncset.done $0x0  }
0x2f5: {  	[sflag:s9] =	ssyncadd.s32 $0xFFFFFF83  }
0x2f6: {  	_ =	swait.ge [sflag:s9], $0x7D  }
0x2f7: {  	[sflag:s9] =	ssyncset.done $0x0  }
0x2f8: {  	[sflag:s9] =	ssyncadd.s32 $0xFFFFFF83  }
0x2f9: {  	[bflag:$0x0] =	sbarrier.arrive $0xFFFF  }
0x2fa: {  	s1 =	sld [smem:$0x7FC];
	_ =	sdelay $0x2  }
0x2fb: {  	[hbm:s1], [sflag:s2] =	dma.local [spmem:s7], $0x400  }
0x2fc: {  	_ =	swait.ge [sflag:s3], $0x400  }
0x2fd: {  	p1 =	sne.s32 s31, $0x1;
	s26 =	sld [smem:$0x7FD]  }
.Ltmp2:
0x2fe: {  	[sflag:s3] =	ssyncset.done $0x0;
	(pc) =	sbr.rel @p1 .LBB2_3-.Ltmp2, $4  }
0x2ff: {  	[sflag:s3] =	ssyncadd.s32 $0xFFFFFC00  }
0x300: {  	[hbm:s26], [sflag:s2] =	dma.local [spmem:s6], $0x8  }
0x301: {  	_ =	swait.ge [sflag:s3], $0x8  }
0x302: {  	s31 =	sadd.s32 $0xFFFFFFFF, s31;
	s0 =	rddreg [dreg:$0x7];
	[sflag:s3] =	ssyncset.done $0x0  }
0x303: {  	s31 =	rddreg [dreg:$0x5]  }
.LBB2_5:
0x304: {  	[sflag:s3] =	ssyncadd.s32 @p0 $0xFFFFFFF8  }
0x305: {  	[spmem:s7], [sflag:s2] =	dma.local [hbm:s0], $0x400  }
0x306: {  	_ =	swait.ge [sflag:s3], $0x400  }
0x307: {  	[sflag:s3] =	ssyncset.done $0x0  }
0x308: {  	s28 =	rddreg [dreg:$0x8];
	[sflag:s3] =	ssyncadd.s32 $0xFFFFFC00  }
0x309: {  	[spmem:s6], [sflag:s2] =	dma.local [hbm:s28], $0x8  }
0x30a: {  	_ =	swait.ge [sflag:s3], $0x8  }
0x30b: {  	[sflag:s3] =	ssyncset.done $0x0  }
0x30c: {  	s30 =	rddreg [dreg:$0x9];
	[sflag:s3] =	ssyncadd.s32 $0xFFFFFFF8  }
0x30d: {  	[tilespmem:s29], [sflag:$0xC] =	stream.linear.gather [hbm4b:s30+s8], $0xC80, $0x38;
	[tilespmem:$0x165C0] =	vst v63  }
0x30e: {  	_ =	swait.ge [sflag:s3], $0xC80  }
0x30f: {  	[sflag:s3] =	ssyncset.done $0x0  }
0x310: {  	s1 =	rddreg [dreg:$0x6];
	[sflag:s3] =	ssyncadd.s32 $0xFFFFF380  }
0x311: {  	[tilespmem:s10], [sflag:$0xC] =	stream.linear.gather [hbm4b:s1+s8], $0x80, $0x38;
	[tilespmem:$0x165C0] =	vst v63  }
0x312: {  	_ =	swait.ge [sflag:s3], $0x80  }
0x313: {  	[sflag:s3] =	ssyncset.done $0x0  }
0x314: {  	[sflag:s3] =	ssyncadd.s32 $0xFFFFFF80  }
0x315: {  	[bflag:$0x0] =	sbarrier.arrive $0xFFFF  }
0x316: {  	s26 =	rddreg [dreg:$0xa]  }
0x317: {  	[tilespmem:s8], [sflag:$0x1] =	stream.linear.gather [hbm4b:s26+s8], $0x3E80, $0x38;
	[tilespmem:$0x165C0] =	vst v63  }
0x318: {  	s1 =	rddreg [dreg:$0xb]  }
0x319: {  	[tilespmem:s23], [sflag:$0x2] =	stream.linear.gather [hbm4b:s1+s8], $0x3E80, $0x38;
	[tilespmem:$0x165C0] =	vst v63  }
0x31a: {  	_ =	swait.ge [sflag:s25], $0x3E80  }
0x31b: {  	[sflag:s25] =	ssyncset.done $0x0  }
0x31c: {  	[sflag:s25] =	ssyncadd.s32 $0xFFFFC180  }
0x31d: {  	[spmem:s5] =	stream.indirect.scatter.add.f32 [tilespmem:s10], [sflag:$0xB], $0x1, s29, s11, $0xb8;
	[tilespmem:$0x165C0] =	vst v63  }
0x31e: {  	_ = 	snop  }
0x31f: {  	[spmem:s4] =	stream.indirect.scatter.add.f32 [tilespmem:s8], [sflag:$0x6], $0x80, s29, s11, $0xb8;
	[tilespmem:$0x165C0] =	vst v63  }
0x320: {  	s28 =	rddreg [dreg:$0xc]  }
0x321: {  	[tilespmem:s21], [sflag:$0x3] =	stream.linear.gather [hbm4b:s28+s8], $0x3E80, $0x38;
	[tilespmem:$0x165C0] =	vst v63  }
0x322: {  	_ =	swait.ge [sflag:s24], $0x3E80  }
0x323: {  	[sflag:s24] =	ssyncset.done $0x0  }
0x324: {  	s29 =	simm.s32 $0x13900;
	[sflag:s24] =	ssyncadd.s32 $0xFFFFC180  }
0x325: {  	[spmem:s5] =	stream.indirect.scatter.add.f32 [tilespmem:s10], [sflag:$0xB], $0x1, s29, s11, $0xb8;
	[tilespmem:$0x165C0] =	vst v63  }
0x326: {  	_ = 	snop  }
0x327: {  	[spmem:s4] =	stream.indirect.scatter.add.f32 [tilespmem:s23], [sflag:$0x7], $0x80, s29, s11, $0xb8;
	[tilespmem:$0x165C0] =	vst v63  }
0x328: {  	s30 =	rddreg [dreg:$0xd]  }
0x329: {  	[tilespmem:s16], [sflag:$0x4] =	stream.linear.gather [hbm4b:s30+s8], $0x3E80, $0x38;
	[tilespmem:$0x165C0] =	vst v63  }
0x32a: {  	_ =	swait.ge [sflag:s22], $0x3E80  }
0x32b: {  	[sflag:s22] =	ssyncset.done $0x0  }
0x32c: {  	s26 =	simm.s32 $0x13980;
	[sflag:s22] =	ssyncadd.s32 $0xFFFFC180  }
0x32d: {  	[spmem:s5] =	stream.indirect.scatter.add.f32 [tilespmem:s10], [sflag:$0xB], $0x1, s26, s11, $0xb8;
	[tilespmem:$0x165C0] =	vst v63  }
0x32e: {  	_ = 	snop  }
0x32f: {  	[spmem:s4] =	stream.indirect.scatter.add.f32 [tilespmem:s21], [sflag:$0x8], $0x80, s26, s11, $0xb8;
	[tilespmem:$0x165C0] =	vst v63  }
0x330: {  	s28 =	rddreg [dreg:$0xe]  }
0x331: {  	[tilespmem:s12], [sflag:$0x5] =	stream.linear.gather [hbm4b:s28+s8], $0x3E80, $0x38;
	[tilespmem:$0x165C0] =	vst v63  }
0x332: {  	_ =	swait.ge [sflag:s20], $0x3E80  }
0x333: {  	[sflag:s20] =	ssyncset.done $0x0  }
0x334: {  	s29 =	simm.s32 $0x13A00;
	[sflag:s20] =	ssyncadd.s32 $0xFFFFC180  }
0x335: {  	[spmem:s5] =	stream.indirect.scatter.add.f32 [tilespmem:s10], [sflag:$0xB], $0x1, s29, s11, $0xb8;
	[tilespmem:$0x165C0] =	vst v63  }
0x336: {  	_ = 	snop  }
0x337: {  	[spmem:s4] =	stream.indirect.scatter.add.f32 [tilespmem:s16], [sflag:$0x9], $0x80, s29, s11, $0xb8;
	[tilespmem:$0x165C0] =	vst v63  }
0x338: {  	_ =	swait.ge [sflag:s13], $0x3E80  }
0x339: {  	[sflag:s13] =	ssyncset.done $0x0  }
0x33a: {  	s30 =	rddreg [dreg:$0xf];
	[sflag:s13] =	ssyncadd.s32 $0xFFFFC180  }
0x33b: {  	[tilespmem:s8], [sflag:$0x1] =	stream.linear.gather [hbm4b:s30+s8], $0x3E80, $0x38;
	[tilespmem:$0x165C0] =	vst v63  }
0x33c: {  	_ =	swait.ge [sflag:s19], $0x3E80  }
0x33d: {  	[sflag:s19] =	ssyncset.done $0x0  }
0x33e: {  	s1 =	simm.s32 $0x13A80;
	[sflag:s19] =	ssyncadd.s32 $0xFFFFC180  }
0x33f: {  	[spmem:s5] =	stream.indirect.scatter.add.f32 [tilespmem:s10], [sflag:$0xB], $0x1, s1, s11, $0xb8;
	[tilespmem:$0x165C0] =	vst v63  }
0x340: {  	_ = 	snop  }
0x341: {  	[spmem:s4] =	stream.indirect.scatter.add.f32 [tilespmem:s12], [sflag:$0xA], $0x80, s1, s11, $0xb8;
	[tilespmem:$0x165C0] =	vst v63  }
0x342: {  	_ =	swait.ge [sflag:s18], $0x3E80  }
0x343: {  	[sflag:s18] =	ssyncset.done $0x0  }
0x344: {  	s26 =	rddreg [dreg:$0x10];
	[sflag:s18] =	ssyncadd.s32 $0xFFFFC180  }
0x345: {  	[tilespmem:s23], [sflag:$0x2] =	stream.linear.gather [hbm4b:s26+s8], $0x3E80, $0x38;
	[tilespmem:$0x165C0] =	vst v63  }
0x346: {  	_ =	swait.ge [sflag:s25], $0x3E80  }
0x347: {  	[sflag:s25] =	ssyncset.done $0x0  }
0x348: {  	s28 =	simm.s32 $0x13B00;
	[sflag:s25] =	ssyncadd.s32 $0xFFFFC180  }
0x349: {  	[spmem:s5] =	stream.indirect.scatter.add.f32 [tilespmem:s10], [sflag:$0xB], $0x1, s28, s11, $0xb8;
	[tilespmem:$0x165C0] =	vst v63  }
0x34a: {  	_ = 	snop  }
0x34b: {  	[spmem:s4] =	stream.indirect.scatter.add.f32 [tilespmem:s8], [sflag:$0x6], $0x80, s28, s11, $0xb8;
	[tilespmem:$0x165C0] =	vst v63  }
0x34c: {  	_ =	swait.ge [sflag:s17], $0x3E80  }
0x34d: {  	[sflag:s17] =	ssyncset.done $0x0  }
0x34e: {  	s29 =	rddreg [dreg:$0x11];
	[sflag:s17] =	ssyncadd.s32 $0xFFFFC180  }
0x34f: {  	[tilespmem:s21], [sflag:$0x3] =	stream.linear.gather [hbm4b:s29+s8], $0x3E80, $0x38;
	[tilespmem:$0x165C0] =	vst v63  }
0x350: {  	_ =	swait.ge [sflag:s24], $0x3E80  }
0x351: {  	[sflag:s24] =	ssyncset.done $0x0  }
0x352: {  	s30 =	simm.s32 $0x13B80;
	[sflag:s24] =	ssyncadd.s32 $0xFFFFC180  }
0x353: {  	[spmem:s5] =	stream.indirect.scatter.add.f32 [tilespmem:s10], [sflag:$0xB], $0x1, s30, s11, $0xb8;
	[tilespmem:$0x165C0] =	vst v63  }
0x354: {  	_ = 	snop  }
0x355: {  	[spmem:s4] =	stream.indirect.scatter.add.f32 [tilespmem:s23], [sflag:$0x7], $0x80, s30, s11, $0xb8;
	[tilespmem:$0x165C0] =	vst v63  }
0x356: {  	_ =	swait.ge [sflag:s15], $0x3E80  }
0x357: {  	[sflag:s15] =	ssyncset.done $0x0  }
0x358: {  	s1 =	rddreg [dreg:$0x12];
	[sflag:s15] =	ssyncadd.s32 $0xFFFFC180  }
0x359: {  	[tilespmem:s16], [sflag:$0x4] =	stream.linear.gather [hbm4b:s1+s8], $0x3E80, $0x38;
	[tilespmem:$0x165C0] =	vst v63  }
0x35a: {  	_ =	swait.ge [sflag:s22], $0x3E80  }
0x35b: {  	[sflag:s22] =	ssyncset.done $0x0  }
0x35c: {  	s26 =	simm.s32 $0x13C00;
	[sflag:s22] =	ssyncadd.s32 $0xFFFFC180  }
0x35d: {  	[spmem:s5] =	stream.indirect.scatter.add.f32 [tilespmem:s10], [sflag:$0xB], $0x1, s26, s11, $0xb8;
	[tilespmem:$0x165C0] =	vst v63  }
0x35e: {  	_ = 	snop  }
0x35f: {  	[spmem:s4] =	stream.indirect.scatter.add.f32 [tilespmem:s21], [sflag:$0x8], $0x80, s26, s11, $0xb8;
	[tilespmem:$0x165C0] =	vst v63  }
0x360: {  	_ =	swait.ge [sflag:s14], $0x3E80  }
0x361: {  	[sflag:s14] =	ssyncset.done $0x0  }
0x362: {  	s28 =	rddreg [dreg:$0x13];
	[sflag:s14] =	ssyncadd.s32 $0xFFFFC180  }
0x363: {  	[tilespmem:s12], [sflag:$0x5] =	stream.linear.gather [hbm4b:s28+s8], $0x3E80, $0x38;
	[tilespmem:$0x165C0] =	vst v63  }
0x364: {  	_ =	swait.ge [sflag:s20], $0x3E80  }
0x365: {  	[sflag:s20] =	ssyncset.done $0x0  }
0x366: {  	s29 =	simm.s32 $0x13C80;
	[sflag:s20] =	ssyncadd.s32 $0xFFFFC180  }
0x367: {  	[spmem:s5] =	stream.indirect.scatter.add.f32 [tilespmem:s10], [sflag:$0xB], $0x1, s29, s11, $0xb8;
	[tilespmem:$0x165C0] =	vst v63  }
0x368: {  	_ = 	snop  }
0x369: {  	[spmem:s4] =	stream.indirect.scatter.add.f32 [tilespmem:s16], [sflag:$0x9], $0x80, s29, s11, $0xb8;
	[tilespmem:$0x165C0] =	vst v63  }
0x36a: {  	_ =	swait.ge [sflag:s13], $0x3E80  }
0x36b: {  	[sflag:s13] =	ssyncset.done $0x0  }
0x36c: {  	s30 =	rddreg [dreg:$0x14];
	[sflag:s13] =	ssyncadd.s32 $0xFFFFC180  }
0x36d: {  	[tilespmem:s8], [sflag:$0x1] =	stream.linear.gather [hbm4b:s30+s8], $0x3E80, $0x38;
	[tilespmem:$0x165C0] =	vst v63  }
0x36e: {  	_ =	swait.ge [sflag:s19], $0x3E80  }
0x36f: {  	[sflag:s19] =	ssyncset.done $0x0  }
0x370: {  	s1 =	simm.s32 $0x13D00;
	[sflag:s19] =	ssyncadd.s32 $0xFFFFC180  }
0x371: {  	[spmem:s5] =	stream.indirect.scatter.add.f32 [tilespmem:s10], [sflag:$0xB], $0x1, s1, s11, $0xb8;
	[tilespmem:$0x165C0] =	vst v63  }
0x372: {  	_ = 	snop  }
0x373: {  	[spmem:s4] =	stream.indirect.scatter.add.f32 [tilespmem:s12], [sflag:$0xA], $0x80, s1, s11, $0xb8;
	[tilespmem:$0x165C0] =	vst v63  }
0x374: {  	_ =	swait.ge [sflag:s18], $0x3E80  }
0x375: {  	[sflag:s18] =	ssyncset.done $0x0  }
0x376: {  	s26 =	rddreg [dreg:$0x15];
	[sflag:s18] =	ssyncadd.s32 $0xFFFFC180  }
0x377: {  	[tilespmem:s23], [sflag:$0x2] =	stream.linear.gather [hbm4b:s26+s8], $0x3E80, $0x38;
	[tilespmem:$0x165C0] =	vst v63  }
0x378: {  	_ =	swait.ge [sflag:s25], $0x3E80  }
0x379: {  	[sflag:s25] =	ssyncset.done $0x0  }
0x37a: {  	s28 =	simm.s32 $0x13D80;
	[sflag:s25] =	ssyncadd.s32 $0xFFFFC180  }
0x37b: {  	[spmem:s5] =	stream.indirect.scatter.add.f32 [tilespmem:s10], [sflag:$0xB], $0x1, s28, s11, $0xb8;
	[tilespmem:$0x165C0] =	vst v63  }
0x37c: {  	_ = 	snop  }
0x37d: {  	[spmem:s4] =	stream.indirect.scatter.add.f32 [tilespmem:s8], [sflag:$0x6], $0x80, s28, s11, $0xb8;
	[tilespmem:$0x165C0] =	vst v63  }
0x37e: {  	_ =	swait.ge [sflag:s17], $0x3E80  }
0x37f: {  	[sflag:s17] =	ssyncset.done $0x0  }
0x380: {  	s29 =	rddreg [dreg:$0x16];
	[sflag:s17] =	ssyncadd.s32 $0xFFFFC180  }
0x381: {  	[tilespmem:s21], [sflag:$0x3] =	stream.linear.gather [hbm4b:s29+s8], $0x3E80, $0x38;
	[tilespmem:$0x165C0] =	vst v63  }
0x382: {  	_ =	swait.ge [sflag:s24], $0x3E80  }
0x383: {  	[sflag:s24] =	ssyncset.done $0x0  }
0x384: {  	s30 =	simm.s32 $0x13E00;
	[sflag:s24] =	ssyncadd.s32 $0xFFFFC180  }
0x385: {  	[spmem:s5] =	stream.indirect.scatter.add.f32 [tilespmem:s10], [sflag:$0xB], $0x1, s30, s11, $0xb8;
	[tilespmem:$0x165C0] =	vst v63  }
0x386: {  	_ = 	snop  }
0x387: {  	[spmem:s4] =	stream.indirect.scatter.add.f32 [tilespmem:s23], [sflag:$0x7], $0x80, s30, s11, $0xb8;
	[tilespmem:$0x165C0] =	vst v63  }
0x388: {  	_ =	swait.ge [sflag:s15], $0x3E80  }
0x389: {  	[sflag:s15] =	ssyncset.done $0x0  }
0x38a: {  	s1 =	rddreg [dreg:$0x17];
	[sflag:s15] =	ssyncadd.s32 $0xFFFFC180  }
0x38b: {  	[tilespmem:s16], [sflag:$0x4] =	stream.linear.gather [hbm4b:s1+s8], $0x3E80, $0x38;
	[tilespmem:$0x165C0] =	vst v63  }
0x38c: {  	_ =	swait.ge [sflag:s22], $0x3E80  }
0x38d: {  	[sflag:s22] =	ssyncset.done $0x0  }
0x38e: {  	s26 =	simm.s32 $0x13E80;
	[sflag:s22] =	ssyncadd.s32 $0xFFFFC180  }
0x38f: {  	[spmem:s5] =	stream.indirect.scatter.add.f32 [tilespmem:s10], [sflag:$0xB], $0x1, s26, s11, $0xb8;
	[tilespmem:$0x165C0] =	vst v63  }
0x390: {  	_ = 	snop  }
0x391: {  	[spmem:s4] =	stream.indirect.scatter.add.f32 [tilespmem:s21], [sflag:$0x8], $0x80, s26, s11, $0xb8;
	[tilespmem:$0x165C0] =	vst v63  }
0x392: {  	_ =	swait.ge [sflag:s14], $0x3E80  }
0x393: {  	[sflag:s14] =	ssyncset.done $0x0  }
0x394: {  	s28 =	rddreg [dreg:$0x18];
	[sflag:s14] =	ssyncadd.s32 $0xFFFFC180  }
0x395: {  	[tilespmem:s12], [sflag:$0x5] =	stream.linear.gather [hbm4b:s28+s8], $0x3E80, $0x38;
	[tilespmem:$0x165C0] =	vst v63  }
0x396: {  	_ =	swait.ge [sflag:s20], $0x3E80  }
0x397: {  	[sflag:s20] =	ssyncset.done $0x0  }
0x398: {  	s29 =	simm.s32 $0x13F00;
	[sflag:s20] =	ssyncadd.s32 $0xFFFFC180  }
0x399: {  	[spmem:s5] =	stream.indirect.scatter.add.f32 [tilespmem:s10], [sflag:$0xB], $0x1, s29, s11, $0xb8;
	[tilespmem:$0x165C0] =	vst v63  }
0x39a: {  	_ = 	snop  }
0x39b: {  	[spmem:s4] =	stream.indirect.scatter.add.f32 [tilespmem:s16], [sflag:$0x9], $0x80, s29, s11, $0xb8;
	[tilespmem:$0x165C0] =	vst v63  }
0x39c: {  	_ =	swait.ge [sflag:s13], $0x3E80  }
0x39d: {  	[sflag:s13] =	ssyncset.done $0x0  }
0x39e: {  	s30 =	rddreg [dreg:$0x19];
	[sflag:s13] =	ssyncadd.s32 $0xFFFFC180  }
0x39f: {  	[tilespmem:s8], [sflag:$0x1] =	stream.linear.gather [hbm4b:s30+s8], $0x3E80, $0x38;
	[tilespmem:$0x165C0] =	vst v63  }
0x3a0: {  	_ =	swait.ge [sflag:s19], $0x3E80  }
0x3a1: {  	[sflag:s19] =	ssyncset.done $0x0  }
0x3a2: {  	s1 =	simm.s32 $0x13F80;
	[sflag:s19] =	ssyncadd.s32 $0xFFFFC180  }
0x3a3: {  	[spmem:s5] =	stream.indirect.scatter.add.f32 [tilespmem:s10], [sflag:$0xB], $0x1, s1, s11, $0xb8;
	[tilespmem:$0x165C0] =	vst v63  }
0x3a4: {  	_ = 	snop  }
0x3a5: {  	[spmem:s4] =	stream.indirect.scatter.add.f32 [tilespmem:s12], [sflag:$0xA], $0x80, s1, s11, $0xb8;
	[tilespmem:$0x165C0] =	vst v63  }
0x3a6: {  	_ =	swait.ge [sflag:s18], $0x3E80  }
0x3a7: {  	[sflag:s18] =	ssyncset.done $0x0  }
0x3a8: {  	s26 =	rddreg [dreg:$0x1a];
	[sflag:s18] =	ssyncadd.s32 $0xFFFFC180  }
0x3a9: {  	[tilespmem:s23], [sflag:$0x2] =	stream.linear.gather [hbm4b:s26+s8], $0x3E80, $0x38;
	[tilespmem:$0x165C0] =	vst v63  }
0x3aa: {  	_ =	swait.ge [sflag:s25], $0x3E80  }
0x3ab: {  	[sflag:s25] =	ssyncset.done $0x0  }
0x3ac: {  	s28 =	simm.s32 $0x14000;
	[sflag:s25] =	ssyncadd.s32 $0xFFFFC180  }
0x3ad: {  	[spmem:s5] =	stream.indirect.scatter.add.f32 [tilespmem:s10], [sflag:$0xB], $0x1, s28, s11, $0xb8;
	[tilespmem:$0x165C0] =	vst v63  }
0x3ae: {  	_ = 	snop  }
0x3af: {  	[spmem:s4] =	stream.indirect.scatter.add.f32 [tilespmem:s8], [sflag:$0x6], $0x80, s28, s11, $0xb8;
	[tilespmem:$0x165C0] =	vst v63  }
0x3b0: {  	_ =	swait.ge [sflag:s17], $0x3E80  }
0x3b1: {  	[sflag:s17] =	ssyncset.done $0x0  }
0x3b2: {  	s29 =	rddreg [dreg:$0x1b];
	[sflag:s17] =	ssyncadd.s32 $0xFFFFC180  }
0x3b3: {  	[tilespmem:s21], [sflag:$0x3] =	stream.linear.gather [hbm4b:s29+s8], $0x3E80, $0x38;
	[tilespmem:$0x165C0] =	vst v63  }
0x3b4: {  	_ =	swait.ge [sflag:s24], $0x3E80  }
0x3b5: {  	[sflag:s24] =	ssyncset.done $0x0  }
0x3b6: {  	s30 =	simm.s32 $0x14080;
	[sflag:s24] =	ssyncadd.s32 $0xFFFFC180  }
0x3b7: {  	[spmem:s5] =	stream.indirect.scatter.add.f32 [tilespmem:s10], [sflag:$0xB], $0x1, s30, s11, $0xb8;
	[tilespmem:$0x165C0] =	vst v63  }
0x3b8: {  	_ = 	snop  }
0x3b9: {  	[spmem:s4] =	stream.indirect.scatter.add.f32 [tilespmem:s23], [sflag:$0x7], $0x80, s30, s11, $0xb8;
	[tilespmem:$0x165C0] =	vst v63  }
0x3ba: {  	_ =	swait.ge [sflag:s15], $0x3E80  }
0x3bb: {  	[sflag:s15] =	ssyncset.done $0x0  }
0x3bc: {  	s1 =	rddreg [dreg:$0x1c];
	[sflag:s15] =	ssyncadd.s32 $0xFFFFC180  }
0x3bd: {  	[tilespmem:s16], [sflag:$0x4] =	stream.linear.gather [hbm4b:s1+s8], $0x3E80, $0x38;
	[tilespmem:$0x165C0] =	vst v63  }
0x3be: {  	_ =	swait.ge [sflag:s22], $0x3E80  }
0x3bf: {  	[sflag:s22] =	ssyncset.done $0x0  }
0x3c0: {  	s26 =	simm.s32 $0x14100;
	[sflag:s22] =	ssyncadd.s32 $0xFFFFC180  }
0x3c1: {  	[spmem:s5] =	stream.indirect.scatter.add.f32 [tilespmem:s10], [sflag:$0xB], $0x1, s26, s11, $0xb8;
	[tilespmem:$0x165C0] =	vst v63  }
0x3c2: {  	_ = 	snop  }
0x3c3: {  	[spmem:s4] =	stream.indirect.scatter.add.f32 [tilespmem:s21], [sflag:$0x8], $0x80, s26, s11, $0xb8;
	[tilespmem:$0x165C0] =	vst v63  }
0x3c4: {  	_ =	swait.ge [sflag:s14], $0x3E80  }
0x3c5: {  	[sflag:s14] =	ssyncset.done $0x0  }
0x3c6: {  	s28 =	rddreg [dreg:$0x1d];
	[sflag:s14] =	ssyncadd.s32 $0xFFFFC180  }
0x3c7: {  	[tilespmem:s12], [sflag:$0x5] =	stream.linear.gather [hbm4b:s28+s8], $0x3E80, $0x38;
	[tilespmem:$0x165C0] =	vst v63  }
0x3c8: {  	_ =	swait.ge [sflag:s20], $0x3E80  }
0x3c9: {  	[sflag:s20] =	ssyncset.done $0x0  }
0x3ca: {  	s29 =	simm.s32 $0x14180;
	[sflag:s20] =	ssyncadd.s32 $0xFFFFC180  }
0x3cb: {  	[spmem:s5] =	stream.indirect.scatter.add.f32 [tilespmem:s10], [sflag:$0xB], $0x1, s29, s11, $0xb8;
	[tilespmem:$0x165C0] =	vst v63  }
0x3cc: {  	_ = 	snop  }
0x3cd: {  	[spmem:s4] =	stream.indirect.scatter.add.f32 [tilespmem:s16], [sflag:$0x9], $0x80, s29, s11, $0xb8;
	[tilespmem:$0x165C0] =	vst v63  }
0x3ce: {  	_ =	swait.ge [sflag:s13], $0x3E80  }
0x3cf: {  	[sflag:s13] =	ssyncset.done $0x0  }
0x3d0: {  	s30 =	rddreg [dreg:$0x1e];
	[sflag:s13] =	ssyncadd.s32 $0xFFFFC180  }
0x3d1: {  	[tilespmem:s8], [sflag:$0x1] =	stream.linear.gather [hbm4b:s30+s8], $0x3E80, $0x38;
	[tilespmem:$0x165C0] =	vst v63  }
0x3d2: {  	_ =	swait.ge [sflag:s19], $0x3E80  }
0x3d3: {  	[sflag:s19] =	ssyncset.done $0x0  }
0x3d4: {  	s1 =	simm.s32 $0x14200;
	[sflag:s19] =	ssyncadd.s32 $0xFFFFC180  }
0x3d5: {  	[spmem:s5] =	stream.indirect.scatter.add.f32 [tilespmem:s10], [sflag:$0xB], $0x1, s1, s11, $0xb8;
	[tilespmem:$0x165C0] =	vst v63  }
0x3d6: {  	_ = 	snop  }
0x3d7: {  	[spmem:s4] =	stream.indirect.scatter.add.f32 [tilespmem:s12], [sflag:$0xA], $0x80, s1, s11, $0xb8;
	[tilespmem:$0x165C0] =	vst v63  }
0x3d8: {  	_ =	swait.ge [sflag:s18], $0x3E80  }
0x3d9: {  	[sflag:s18] =	ssyncset.done $0x0  }
0x3da: {  	s26 =	rddreg [dreg:$0x1f];
	[sflag:s18] =	ssyncadd.s32 $0xFFFFC180  }
0x3db: {  	[tilespmem:s23], [sflag:$0x2] =	stream.linear.gather [hbm4b:s26+s8], $0x3E80, $0x38;
	[tilespmem:$0x165C0] =	vst v63  }
0x3dc: {  	_ =	swait.ge [sflag:s25], $0x3E80  }
0x3dd: {  	[sflag:s25] =	ssyncset.done $0x0  }
0x3de: {  	s28 =	simm.s32 $0x14280;
	[sflag:s25] =	ssyncadd.s32 $0xFFFFC180  }
0x3df: {  	[spmem:s5] =	stream.indirect.scatter.add.f32 [tilespmem:s10], [sflag:$0xB], $0x1, s28, s11, $0xb8;
	[tilespmem:$0x165C0] =	vst v63  }
0x3e0: {  	_ = 	snop  }
0x3e1: {  	[spmem:s4] =	stream.indirect.scatter.add.f32 [tilespmem:s8], [sflag:$0x6], $0x80, s28, s11, $0xb8;
	[tilespmem:$0x165C0] =	vst v63  }
0x3e2: {  	_ =	swait.ge [sflag:s17], $0x3E80  }
0x3e3: {  	s29 =	sld [smem:$0x7F9]  }
0x3e4: {  	[sflag:s17] =	ssyncset.done $0x0  }
0x3e5: {  	[sflag:s17] =	ssyncadd.s32 $0xFFFFC180  }
0x3e6: {  	[tilespmem:s21], [sflag:$0x3] =	stream.linear.gather [hbm4b:s29+s8], $0x3E80, $0x38;
	[tilespmem:$0x165C0] =	vst v63  }
0x3e7: {  	_ =	swait.ge [sflag:s24], $0x3E80  }
0x3e8: {  	[sflag:s24] =	ssyncset.done $0x0  }
0x3e9: {  	s30 =	simm.s32 $0x14300;
	[sflag:s24] =	ssyncadd.s32 $0xFFFFC180  }
0x3ea: {  	[spmem:s5] =	stream.indirect.scatter.add.f32 [tilespmem:s10], [sflag:$0xB], $0x1, s30, s11, $0xb8;
	[tilespmem:$0x165C0] =	vst v63  }
0x3eb: {  	_ = 	snop  }
0x3ec: {  	[spmem:s4] =	stream.indirect.scatter.add.f32 [tilespmem:s23], [sflag:$0x7], $0x80, s30, s11, $0xb8;
	[tilespmem:$0x165C0] =	vst v63  }
0x3ed: {  	_ =	swait.ge [sflag:s15], $0x3E80  }
0x3ee: {  	s1 =	sld [smem:$0x7FA]  }
0x3ef: {  	[sflag:s15] =	ssyncset.done $0x0  }
0x3f0: {  	[sflag:s15] =	ssyncadd.s32 $0xFFFFC180  }
0x3f1: {  	[tilespmem:s16], [sflag:$0x4] =	stream.linear.gather [hbm4b:s1+s8], $0x3E80, $0x38;
	[tilespmem:$0x165C0] =	vst v63  }
0x3f2: {  	_ =	swait.ge [sflag:s22], $0x3E80  }
0x3f3: {  	[sflag:s22] =	ssyncset.done $0x0  }
0x3f4: {  	s23 =	simm.s32 $0x14380;
	[sflag:s22] =	ssyncadd.s32 $0xFFFFC180  }
0x3f5: {  	[spmem:s5] =	stream.indirect.scatter.add.f32 [tilespmem:s10], [sflag:$0xB], $0x1, s23, s11, $0xb8;
	[tilespmem:$0x165C0] =	vst v63  }
0x3f6: {  	_ = 	snop  }
0x3f7: {  	[spmem:s4] =	stream.indirect.scatter.add.f32 [tilespmem:s21], [sflag:$0x8], $0x80, s23, s11, $0xb8;
	[tilespmem:$0x165C0] =	vst v63  }
0x3f8: {  	_ =	swait.ge [sflag:s14], $0x3E80  }
0x3f9: {  	s24 =	sld [smem:$0x7FB]  }
0x3fa: {  	[sflag:s14] =	ssyncset.done $0x0  }
0x3fb: {  	[sflag:s14] =	ssyncadd.s32 $0xFFFFC180  }
0x3fc: {  	[tilespmem:s12], [sflag:$0x5] =	stream.linear.gather [hbm4b:s24+s8], $0x3E80, $0x38;
	[tilespmem:$0x165C0] =	vst v63  }
0x3fd: {  	_ =	swait.ge [sflag:s20], $0x3E80  }
0x3fe: {  	[sflag:s20] =	ssyncset.done $0x0  }
0x3ff: {  	s25 =	simm.s32 $0x14400;
	[sflag:s20] =	ssyncadd.s32 $0xFFFFC180  }
0x400: {  	[spmem:s5] =	stream.indirect.scatter.add.f32 [tilespmem:s10], [sflag:$0xB], $0x1, s25, s11, $0xb8;
	[tilespmem:$0x165C0] =	vst v63  }
0x401: {  	_ = 	snop  }
0x402: {  	[spmem:s4] =	stream.indirect.scatter.add.f32 [tilespmem:s16], [sflag:$0x9], $0x80, s25, s11, $0xb8;
	[tilespmem:$0x165C0] =	vst v63  }
0x403: {  	_ =	swait.ge [sflag:s19], $0x3E80  }
0x404: {  	[sflag:s19] =	ssyncset.done $0x0  }
0x405: {  	s26 =	simm.s32 $0x14480;
	[sflag:s19] =	ssyncadd.s32 $0xFFFFC180  }
0x406: {  	[spmem:s5] =	stream.indirect.scatter.add.f32 [tilespmem:s10], [sflag:$0xB], $0x1, s26, s11, $0xb8;
	[tilespmem:$0x165C0] =	vst v63  }
0x407: {  	_ = 	snop  }
0x408: {  	[spmem:s4] =	stream.indirect.scatter.add.f32 [tilespmem:s12], [sflag:$0xA], $0x80, s26, s11, $0xb8;
	[tilespmem:$0x165C0] =	vst v63  }
0x409: {  	_ =	swait.ge [sflag:s13], $0x3E80  }
0x40a: {  	[sflag:s13] =	ssyncset.done $0x0  }
0x40b: {  	[sflag:s13] =	ssyncadd.s32 $0xFFFFC180  }
0x40c: {  	_ =	swait.ge [sflag:s18], $0x3E80  }
0x40d: {  	[sflag:s18] =	ssyncset.done $0x0  }
0x40e: {  	[sflag:s18] =	ssyncadd.s32 $0xFFFFC180  }
0x40f: {  	_ =	swait.ge [sflag:s17], $0x3E80  }
0x410: {  	[sflag:s17] =	ssyncset.done $0x0  }
0x411: {  	[sflag:s17] =	ssyncadd.s32 $0xFFFFC180  }
0x412: {  	_ =	swait.ge [sflag:s15], $0x3E80  }
0x413: {  	[sflag:s15] =	ssyncset.done $0x0  }
0x414: {  	[sflag:s15] =	ssyncadd.s32 $0xFFFFC180  }
0x415: {  	_ =	swait.ge [sflag:s14], $0x3E80  }
0x416: {  	[sflag:s14] =	ssyncset.done $0x0  }
0x417: {  	[sflag:s14] =	ssyncadd.s32 $0xFFFFC180  }
0x418: {  	_ =	swait.ge [sflag:s9], $0x7D  }
0x419: {  	[sflag:s9] =	ssyncset.done $0x0  }
0x41a: {  	[sflag:s9] =	ssyncadd.s32 $0xFFFFFF83  }
0x41b: {  	_ =	swait.ge [sflag:s9], $0x7D  }
0x41c: {  	[sflag:s9] =	ssyncset.done $0x0  }
0x41d: {  	[sflag:s9] =	ssyncadd.s32 $0xFFFFFF83  }
0x41e: {  	_ =	swait.ge [sflag:s9], $0x7D  }
0x41f: {  	[sflag:s9] =	ssyncset.done $0x0  }
0x420: {  	[sflag:s9] =	ssyncadd.s32 $0xFFFFFF83  }
0x421: {  	_ =	swait.ge [sflag:s9], $0x7D  }
0x422: {  	[sflag:s9] =	ssyncset.done $0x0  }
0x423: {  	[sflag:s9] =	ssyncadd.s32 $0xFFFFFF83  }
0x424: {  	_ =	swait.ge [sflag:s9], $0x7D  }
0x425: {  	[sflag:s9] =	ssyncset.done $0x0  }
0x426: {  	[sflag:s9] =	ssyncadd.s32 $0xFFFFFF83  }
0x427: {  	_ =	swait.ge [sflag:s9], $0x7D  }
0x428: {  	[sflag:s9] =	ssyncset.done $0x0  }
0x429: {  	[sflag:s9] =	ssyncadd.s32 $0xFFFFFF83  }
0x42a: {  	_ =	swait.ge [sflag:s9], $0x7D  }
0x42b: {  	[sflag:s9] =	ssyncset.done $0x0  }
0x42c: {  	[sflag:s9] =	ssyncadd.s32 $0xFFFFFF83  }
0x42d: {  	_ =	swait.ge [sflag:s9], $0x7D  }
0x42e: {  	[sflag:s9] =	ssyncset.done $0x0  }
0x42f: {  	[sflag:s9] =	ssyncadd.s32 $0xFFFFFF83  }
0x430: {  	_ =	swait.ge [sflag:s9], $0x7D  }
0x431: {  	[sflag:s9] =	ssyncset.done $0x0  }
0x432: {  	[sflag:s9] =	ssyncadd.s32 $0xFFFFFF83  }
0x433: {  	_ =	swait.ge [sflag:s9], $0x7D  }
0x434: {  	[sflag:s9] =	ssyncset.done $0x0  }
0x435: {  	[sflag:s9] =	ssyncadd.s32 $0xFFFFFF83  }
0x436: {  	_ =	swait.ge [sflag:s9], $0x7D  }
0x437: {  	[sflag:s9] =	ssyncset.done $0x0  }
0x438: {  	[sflag:s9] =	ssyncadd.s32 $0xFFFFFF83  }
0x439: {  	_ =	swait.ge [sflag:s9], $0x7D  }
0x43a: {  	[sflag:s9] =	ssyncset.done $0x0  }
0x43b: {  	[sflag:s9] =	ssyncadd.s32 $0xFFFFFF83  }
0x43c: {  	_ =	swait.ge [sflag:s9], $0x7D  }
0x43d: {  	[sflag:s9] =	ssyncset.done $0x0  }
0x43e: {  	[sflag:s9] =	ssyncadd.s32 $0xFFFFFF83  }
0x43f: {  	_ =	swait.ge [sflag:s9], $0x7D  }
0x440: {  	[sflag:s9] =	ssyncset.done $0x0  }
0x441: {  	[sflag:s9] =	ssyncadd.s32 $0xFFFFFF83  }
0x442: {  	_ =	swait.ge [sflag:s9], $0x7D  }
0x443: {  	[sflag:s9] =	ssyncset.done $0x0  }
0x444: {  	[sflag:s9] =	ssyncadd.s32 $0xFFFFFF83  }
0x445: {  	_ =	swait.ge [sflag:s9], $0x7D  }
0x446: {  	[sflag:s9] =	ssyncset.done $0x0  }
0x447: {  	[sflag:s9] =	ssyncadd.s32 $0xFFFFFF83  }
0x448: {  	_ =	swait.ge [sflag:s9], $0x7D  }
0x449: {  	[sflag:s9] =	ssyncset.done $0x0  }
0x44a: {  	[sflag:s9] =	ssyncadd.s32 $0xFFFFFF83  }
0x44b: {  	_ =	swait.ge [sflag:s9], $0x7D  }
0x44c: {  	[sflag:s9] =	ssyncset.done $0x0  }
0x44d: {  	[sflag:s9] =	ssyncadd.s32 $0xFFFFFF83  }
0x44e: {  	_ =	swait.ge [sflag:s9], $0x7D  }
0x44f: {  	[sflag:s9] =	ssyncset.done $0x0  }
0x450: {  	[sflag:s9] =	ssyncadd.s32 $0xFFFFFF83  }
0x451: {  	_ =	swait.ge [sflag:s9], $0x7D  }
0x452: {  	[sflag:s9] =	ssyncset.done $0x0  }
0x453: {  	[sflag:s9] =	ssyncadd.s32 $0xFFFFFF83  }
0x454: {  	_ =	swait.ge [sflag:s9], $0x7D  }
0x455: {  	[sflag:s9] =	ssyncset.done $0x0  }
0x456: {  	[sflag:s9] =	ssyncadd.s32 $0xFFFFFF83  }
0x457: {  	_ =	swait.ge [sflag:s9], $0x7D  }
0x458: {  	[sflag:s9] =	ssyncset.done $0x0  }
0x459: {  	[sflag:s9] =	ssyncadd.s32 $0xFFFFFF83  }
0x45a: {  	_ =	swait.ge [sflag:s9], $0x7D  }
0x45b: {  	[sflag:s9] =	ssyncset.done $0x0  }
0x45c: {  	[sflag:s9] =	ssyncadd.s32 $0xFFFFFF83  }
0x45d: {  	_ =	swait.ge [sflag:s9], $0x7D  }
0x45e: {  	[sflag:s9] =	ssyncset.done $0x0  }
0x45f: {  	[sflag:s9] =	ssyncadd.s32 $0xFFFFFF83  }
0x460: {  	_ =	swait.ge [sflag:s9], $0x7D  }
0x461: {  	[sflag:s9] =	ssyncset.done $0x0  }
0x462: {  	[sflag:s9] =	ssyncadd.s32 $0xFFFFFF83  }
0x463: {  	[bflag:$0x0] =	sbarrier.arrive $0xFFFF  }
0x464: {  	s28 =	sld [smem:$0x7FC];
	_ =	sdelay $0x2  }
0x465: {  	[hbm:s28], [sflag:s2] =	dma.local [spmem:s7], $0x400  }
0x466: {  	_ =	swait.ge [sflag:s3], $0x400  }
0x467: {  	s29 =	sld [smem:$0x7FD]  }
0x468: {  	[sflag:s3] =	ssyncset.done $0x0  }
0x469: {  	[sflag:s3] =	ssyncadd.s32 $0xFFFFFC00  }
0x46a: {  	[hbm:s29], [sflag:s2] =	dma.local [spmem:s6], $0x8  }
0x46b: {  	_ =	swait.ge [sflag:s3], $0x8  }
0x46c: {  	[sflag:s3] =	ssyncset.done $0x0  }
0x46d: {  	[sflag:s3] =	ssyncadd.s32 $0xFFFFFFF8  }
0x46e: {  	_ =	sfence.sel $0x180000  }
0x46f: {  	s30 =	stileid.u32;
	[bflag:$0x0] =	sbarrier.arrive $0xFFFF  }
0x470: {  	p0 =	sne.s32 s30, $0x0;
	_ =	strace $0x90000047  }
0x471: {  	s0 =	sadd.s32 @!p0 $0x100000, s31;
	[bflag:$0x2] =	sbarrier.arrive $0xFFFF  }
0x472: {  	[sflag:s0] =	ssyncadd.tile.s32 @!p0 $0x1;
	_ =	shalt  }
.LBB2_2:
.Ltmp3:
0x473: {  	(pc) =	sbr.rel .LBB2_5-.Ltmp3, $2  }
0x474: {  	_ =	sdelay $0x2  }
0x475: {  	s31 =	rddreg [dreg:$0x5]  }
.Lfunc_end2:
_tile_overlayer_lowered:
.L_overlay_start_2:
0x476: {  	(tag) =	ssettag $0x2  }
0x477: {  	s0 =	rddreg [dreg:$0x0];
	s2 =	stileid.u32  }
0x478: {  	s1 =	rddreg [dreg:$0x1];
	p0 =	sne.s32 s2, $0x0  }
0x479: {  	s3 =	rddreg [dreg:$0x2];
	[bflag:$0x3] =	sbarrier.arrive $0xFFFF;
	s2 =	simm.s32 @!p0 $0x1C0C  }
0x47a: {  	[timem:s3], [sflag:s2] =	dma.local @!p0 [hbm:s0], s1  }
0x47b: {  	s0 =	simm.s32 @!p0 $0xC  }
0x47c: {  	_ =	swait.ge @!p0 [sflag:s0], s1  }
0x47d: {  	s1 =	ssub.s32 @!p0 $0x0, s1;
	[sflag:s0] =	ssyncset.done @!p0 $0x0  }
0x47e: {  	[sflag:s0] =	ssyncadd.s32 @!p0 s1  }
0x47f: {  	[bflag:$0x3] =	sbarrier.arrive $0xFFFF  }
0x480: {  	_ =	shalt  }

</sc_bundles>
